<compile_context>
chip_gen: v7x
topology: tpu7x:2x2x1
jax: 0.10.2.dev20260603
libtpu: 0.0.44.dev20260713+nightly
codegen_flags: <defaults>
</compile_context>

<pallas_src>
import functools

import jax
import jax.numpy as jnp
from jax import lax
from jax.experimental import pallas as pl
from jax.experimental.pallas import tpu as pltpu
from jax.experimental.pallas import tpu_sc as plsc

EMBED_DIM = 64
BATCH = 4096
HIST = 50
TOTAL = BATCH * HIST

NUM_CORES = 2
NUM_SUBCORES = 16
NUM_WORKERS = NUM_CORES * NUM_SUBCORES
PER_WORKER = TOTAL // NUM_WORKERS
BROWS_PER_WORKER = PER_WORKER // HIST
BR = 8
CHUNK = BR * HIST
NUM_CHUNKS = BROWS_PER_WORKER // BR


@functools.partial(
    pl.kernel,
    mesh=plsc.VectorSubcoreMesh(core_axis_name="c", subcore_axis_name="s"),
    compiler_params=pltpu.CompilerParams(use_tc_tiling_on_sc=True),
    out_type=jax.ShapeDtypeStruct((BATCH, HIST, EMBED_DIM), jnp.float32),
    scratch_types=[
        pltpu.VMEM((PER_WORKER,), jnp.int32),
        pltpu.VMEM((BR, HIST, EMBED_DIM), jnp.float32),
        pltpu.VMEM((BR, HIST, EMBED_DIM), jnp.float32),
        pltpu.SemaphoreType.DMA,
        pltpu.SemaphoreType.DMA,
        pltpu.SemaphoreType.DMA,
        pltpu.SemaphoreType.DMA,
    ],
)
def _embed_lookup(words_hbm, table_hbm, out_hbm, idx_v, rows0, rows1,
                  g0, g1, o0, o1):
    wid = lax.axis_index("s") * NUM_CORES + lax.axis_index("c")
    base = wid * PER_WORKER
    brow_base = wid * BROWS_PER_WORKER
    bufs = (rows0, rows1)
    gsems = (g0, g1)
    osems = (o0, o1)
    pltpu.sync_copy(words_hbm.at[pl.ds(base, PER_WORKER)], idx_v)

    def fire_chunk(c, b):
        buf, sem = bufs[b], gsems[b]

        def blk_body(blk, _):
            i0 = blk * 16
            v = idx_v[pl.ds(c * CHUNK + i0, 16)]
            for t in range(16):
                i = i0 + t
                pltpu.async_copy(
                    table_hbm.at[pl.ds(v[t], 1)],
                    buf.at[i // HIST].at[pl.ds(i % HIST, 1)],
                    sem,
                )
            return 0

        lax.fori_loop(0, CHUNK // 16, blk_body, 0)

    def drain_chunk(b):
        pltpu.make_async_copy(
            out_hbm.at[pl.ds(0, BR)], bufs[b], gsems[b]
        ).wait()

    def put_start(c, b):
        pltpu.async_copy(
            bufs[b], out_hbm.at[pl.ds(brow_base + c * BR, BR)], osems[b]
        )

    def put_wait(c, b):
        pltpu.make_async_copy(
            bufs[b], out_hbm.at[pl.ds(brow_base + c * BR, BR)], osems[b]
        ).wait()

    fire_chunk(0, 0)
    fire_chunk(1, 1)

    def pair_body(j, _):
        c0 = 2 * j
        drain_chunk(0)
        put_start(c0, 0)
        put_wait(c0, 0)
        fire_chunk(c0 + 2, 0)
        drain_chunk(1)
        put_start(c0 + 1, 1)
        put_wait(c0 + 1, 1)
        fire_chunk(c0 + 3, 1)
        return 0

    lax.fori_loop(0, NUM_CHUNKS // 2 - 1, pair_body, 0)

    c0 = NUM_CHUNKS - 2
    drain_chunk(0)
    put_start(c0, 0)
    drain_chunk(1)
    put_start(c0 + 1, 1)
    put_wait(c0, 0)
    put_wait(c0 + 1, 1)


def kernel(words, table):
    flat = words.reshape(TOTAL)
    return _embed_lookup(flat, table)

# --- scband reference (transcript-rebuilt; emitter-appended) ---
"""Pipeline reference for scband-embeddings-with-dropout-31774168055822 (READ-ONLY COPY).

The authoritative reference and input builder live on the scoring server;
editing this copy changes nothing except your own understanding.
"""

import jax, jax.numpy as jnp
import numpy as np

VOCAB = 1000000
EMBED_DIM = 64
BATCH = 4096
HIST = 50
PADDING_IDX = 0

def setup_inputs(seed: int = 0) -> dict:
    key = jax.random.key(seed)
    k1, k2 = jax.random.split(key)
    words = jax.random.randint(k1, (BATCH, HIST), 0, VOCAB, dtype=jnp.int32)
    table = jax.random.normal(k2, (VOCAB, EMBED_DIM), dtype=jnp.float32) * 0.02
    return {"words": words, "table": table}

def reference(words, table):
    # Eval-mode forward of EmbeddingsWithDropout: embedding dropout is inactive
    # (self.training is False), so this is a plain F.embedding lookup.
    # padding_idx only affects gradients, not the forward values.
    return jnp.take(table, words, axis=0)

if __name__ == "__main__":
    import jax
    _d = setup_inputs()
    print(jax.jit(kernel)(*tuple(_d.values())))

</pallas_src>

<mosaic_0001>
#map = affine_map<(d0, d1) -> (0)>
#map1 = affine_map<(d0, d1) -> (0, 0)>
#map2 = affine_map<(d0, d1) -> (0, 0, 0)>
module attributes {stable_mosaic.version = 14 : i64} {
  func.func @_embed_lookup(%arg0: i32, %arg1: i32, %arg2: memref<204800xi32, #tpu.memory_space<hbm>>, %arg3: memref<1000000x64xf32, #tpu.memory_space<hbm>>, %arg4: memref<4096x50x64xf32, #tpu.memory_space<hbm>>, %arg5: memref<6400xi32, #tpu.memory_space<vmem>>, %arg6: memref<8x50x64xf32, #tpu.memory_space<vmem>>, %arg7: memref<8x50x64xf32, #tpu.memory_space<vmem>>, %arg8: memref<!tpu.dma_semaphore, #tpu.memory_space<semaphore_mem>>, %arg9: memref<!tpu.dma_semaphore, #tpu.memory_space<semaphore_mem>>, %arg10: memref<!tpu.dma_semaphore, #tpu.memory_space<semaphore_mem>>, %arg11: memref<!tpu.dma_semaphore, #tpu.memory_space<semaphore_mem>>) attributes {dimension_semantics = [#tpu.dimension_semantics<core_parallel>, #tpu.dimension_semantics<subcore_parallel>], iteration_bounds = array<i64: 2, 16>, scalar_prefetch = 0 : i64, scratch_operands = 7 : i64, tpu.core_type = #tpu.core_type<sc_vector_subcore>, window_params = [{transform_indices = #map}, {transform_indices = #map1}, {transform_indices = #map2}]} {
    %mul3A = arith.constant 2 : i32
    %mul3A_0 = arith.muli %arg1, %mul3A : i32
    %add3A = arith.addi %mul3A_0, %arg0 : i32
    %mul3A_1 = arith.constant 6400 : i32
    %mul3A_2 = arith.muli %add3A, %mul3A_1 : i32
    %mul3A_3 = arith.constant 128 : i32
    %mul3A_4 = arith.muli %add3A, %mul3A_3 : i32
    "tpu.region"() ({
      %run_scoped3A = tpu.sem_alloc : memref<!tpu.dma_semaphore, #tpu.memory_space<semaphore_mem>>
      %dma_start3A_71 = tpu.memref_slice %arg2[%mul3A_2] : memref<204800xi32, #tpu.memory_space<hbm>> -> memref<6400xi32, #tpu.memory_space<hbm>>
      %dma_start3A_72 = tpu.memref_slice %arg2[%mul3A_2] : memref<204800xi32, #tpu.memory_space<hbm>> -> memref<6400xi32, #tpu.memory_space<hbm>>
      tpu.enqueue_dma source(%dma_start3A_72 : memref<6400xi32, #tpu.memory_space<hbm>>) target(%arg5 : memref<6400xi32, #tpu.memory_space<vmem>>) target_semaphore(%run_scoped3A : memref<!tpu.dma_semaphore, #tpu.memory_space<semaphore_mem>>)
      %dma_wait3A_73 = tpu.memref_slice %arg2[%mul3A_2] : memref<204800xi32, #tpu.memory_space<hbm>> -> memref<6400xi32, #tpu.memory_space<hbm>>
      %dma_wait3A_74 = tpu.memref_slice %arg2[%mul3A_2] : memref<204800xi32, #tpu.memory_space<hbm>> -> memref<6400xi32, #tpu.memory_space<hbm>>
      tpu.wait_dma2 semaphore(%run_scoped3A : memref<!tpu.dma_semaphore, #tpu.memory_space<semaphore_mem>>) src(%dma_wait3A_74 : memref<6400xi32, #tpu.memory_space<hbm>>) dst(%arg5 : memref<6400xi32, #tpu.memory_space<vmem>>)
      tpu.yield
    }) : () -> ()
    %scan3A = arith.constant 0 : i32
    %scan3A_5 = arith.constant 0 : i32
    %scan3A_6 = arith.constant 25 : i32
    %scan3A_7 = arith.addi %scan3A_5, %scan3A_6 : i32
    %scan3A_8 = arith.constant 1 : i32
    %scan3A_9 = scf.for %scan3A_71 = %scan3A_5 to %scan3A_7 step %scan3A_8 iter_args(%scan3A_72 = %scan3A) -> (i32)  : i32 {
      %mul3A_73 = arith.constant 16 : i32
      %mul3A_74 = arith.muli %scan3A_71, %mul3A_73 : i32
      %add3A_75 = arith.constant 0 : i32
      %add3A_76 = arith.addi %add3A_75, %mul3A_74 : i32
      %get3A = arith.index_cast %add3A_76 : i32 to index
      %get3A_77 = tpu.vector_load %arg5[%get3A] {strides = array<i32>} : memref<6400xi32, #tpu.memory_space<vmem>>, vector<16xi32>,
      %get3A_78 = vector.shape_cast %get3A_77 : vector<16xi32> to vector<16xi32>
      %add3A_79 = arith.constant 0 : i32
      %add3A_80 = arith.addi %mul3A_74, %add3A_79 : i32
      %slice3A = vector.extract_strided_slice %get3A_78 {offsets = [0], sizes = [1], strides = [1]} : vector<16xi32> to vector<1xi32>
      %squeeze3A = vector.extract %slice3A[0] : i32 from vector<1xi32>
      %jit3A = arith.constant 50 : i32
      %div3A = arith.divsi %add3A_80, %jit3A : i32
      %sign3A = arith.constant 0 : i32
      %sign3A_81 = arith.cmpi sgt, %add3A_80, %sign3A : i32
      %sign3A_82 = arith.extui %sign3A_81 : i1 to i32
      %sign3A_83 = arith.constant 0 : i32
      %sign3A_84 = arith.cmpi slt, %add3A_80, %sign3A_83 : i32
      %sign3A_85 = arith.extui %sign3A_84 : i1 to i32
      %sign3A_86 = arith.subi %sign3A_82, %sign3A_85 : i32
      %sign3A_87 = arith.constant 0 : i32
      %sign3A_88 = arith.cmpi sgt, %jit3A, %sign3A_87 : i32
      %sign3A_89 = arith.extui %sign3A_88 : i1 to i32
      %sign3A_90 = arith.constant 0 : i32
      %sign3A_91 = arith.cmpi slt, %jit3A, %sign3A_90 : i32
      %sign3A_92 = arith.extui %sign3A_91 : i1 to i32
      %sign3A_93 = arith.subi %sign3A_89, %sign3A_92 : i32
      %ne3A = arith.cmpi ne, %sign3A_86, %sign3A_93 : i32
      %rem3A = arith.remsi %add3A_80, %jit3A : i32
      %ne3A_94 = arith.constant 0 : i32
      %ne3A_95 = arith.cmpi ne, %rem3A, %ne3A_94 : i32
      %and3A = arith.andi %ne3A, %ne3A_95 : i1
      %sub3A = arith.constant 1 : i32
      %sub3A_96 = arith.subi %div3A, %sub3A : i32
      %select_n3A = arith.select %and3A, %sub3A_96, %div3A : i32
      %jit3A_97 = arith.constant 50 : i32
      %eq3A = arith.constant 0 : i32
      %eq3A_98 = arith.cmpi eq, %jit3A_97, %eq3A : i32
      %jit3A_99 = arith.constant 1 : i32
      %select_n3A_100 = arith.select %eq3A_98, %jit3A_99, %jit3A_97 : i32
      %rem3A_101 = arith.remsi %add3A_80, %select_n3A_100 : i32
      %ne3A_102 = arith.constant 0 : i32
      %ne3A_103 = arith.cmpi ne, %rem3A_101, %ne3A_102 : i32
      %lt3A = arith.constant 0 : i32
      %lt3A_104 = arith.cmpi slt, %rem3A_101, %lt3A : i32
      %lt3A_105 = arith.constant 0 : i32
      %lt3A_106 = arith.cmpi slt, %select_n3A_100, %lt3A_105 : i32
      %ne3A_107 = arith.xori %lt3A_104, %lt3A_106 : i1
      %and3A_108 = arith.andi %ne3A_107, %ne3A_103 : i1
      %add3A_109 = arith.addi %rem3A_101, %select_n3A_100 : i32
      %select_n3A_110 = arith.select %and3A_108, %add3A_109, %rem3A_101 : i32
      %dma_start3A_111 = arith.constant 0 : i32
      %dma_start3A_112 = arith.constant 0 : i32
      %dma_start3A_113 = tpu.memref_slice %arg6[%select_n3A, %dma_start3A_111, %dma_start3A_112] : memref<8x50x64xf32, #tpu.memory_space<vmem>> -> memref<1x50x64xf32, #tpu.memory_space<vmem>>
      %dma_start3A_114 = tpu.memref_squeeze %dma_start3A_113 : memref<1x50x64xf32, #tpu.memory_space<vmem>> -> memref<50x64xf32, #tpu.memory_space<vmem>>
      %dma_start3A_115 = arith.constant 0 : i32
      %dma_start3A_116 = tpu.memref_slice %dma_start3A_114[%select_n3A_110, %dma_start3A_115] : memref<50x64xf32, #tpu.memory_space<vmem>> -> memref<1x64xf32, #tpu.memory_space<vmem>>
      %dma_start3A_117 = arith.constant 0 : i32
      %dma_start3A_118 = tpu.memref_slice %arg3[%squeeze3A, %dma_start3A_117] : memref<1000000x64xf32, #tpu.memory_space<hbm>> -> memref<1x64xf32, #tpu.memory_space<hbm>>
      %dma_start3A_119 = arith.constant 0 : i32
      %dma_start3A_120 = arith.constant 0 : i32
      %dma_start3A_121 = tpu.memref_slice %arg6[%select_n3A, %dma_start3A_119, %dma_start3A_120] : memref<8x50x64xf32, #tpu.memory_space<vmem>> -> memref<1x50x64xf32, #tpu.memory_space<vmem>>
      %dma_start3A_122 = tpu.memref_squeeze %dma_start3A_121 : memref<1x50x64xf32, #tpu.memory_space<vmem>> -> memref<50x64xf32, #tpu.memory_space<vmem>>
      %dma_start3A_123 = arith.constant 0 : i32
      %dma_start3A_124 = tpu.memref_slice %dma_start3A_122[%select_n3A_110, %dma_start3A_123] : memref<50x64xf32, #tpu.memory_space<vmem>> -> memref<1x64xf32, #tpu.memory_space<vmem>>
      %dma_start3A_125 = arith.constant 0 : i32
      %dma_start3A_126 = tpu.memref_slice %arg3[%squeeze3A, %dma_start3A_125] : memref<1000000x64xf32, #tpu.memory_space<hbm>> -> memref<1x64xf32, #tpu.memory_space<hbm>>
      tpu.enqueue_dma source(%dma_start3A_126 : memref<1x64xf32, #tpu.memory_space<hbm>>) target(%dma_start3A_124 : memref<1x64xf32, #tpu.memory_space<vmem>>) target_semaphore(%arg8 : memref<!tpu.dma_semaphore, #tpu.memory_space<semaphore_mem>>)
      %add3A_127 = arith.constant 1 : i32
      %add3A_128 = arith.addi %mul3A_74, %add3A_127 : i32
      %slice3A_129 = vector.extract_strided_slice %get3A_78 {offsets = [1], sizes = [1], strides = [1]} : vector<16xi32> to vector<1xi32>
      %squeeze3A_130 = vector.extract %slice3A_129[0] : i32 from vector<1xi32>
      %jit3A_131 = arith.constant 50 : i32
      %div3A_132 = arith.divsi %add3A_128, %jit3A_131 : i32
      %sign3A_133 = arith.constant 0 : i32
      %sign3A_134 = arith.cmpi sgt, %add3A_128, %sign3A_133 : i32
      %sign3A_135 = arith.extui %sign3A_134 : i1 to i32
      %sign3A_136 = arith.constant 0 : i32
      %sign3A_137 = arith.cmpi slt, %add3A_128, %sign3A_136 : i32
      %sign3A_138 = arith.extui %sign3A_137 : i1 to i32
      %sign3A_139 = arith.subi %sign3A_135, %sign3A_138 : i32
      %sign3A_140 = arith.constant 0 : i32
      %sign3A_141 = arith.cmpi sgt, %jit3A_131, %sign3A_140 : i32
      %sign3A_142 = arith.extui %sign3A_141 : i1 to i32
      %sign3A_143 = arith.constant 0 : i32
      %sign3A_144 = arith.cmpi slt, %jit3A_131, %sign3A_143 : i32
      %sign3A_145 = arith.extui %sign3A_144 : i1 to i32
      %sign3A_146 = arith.subi %sign3A_142, %sign3A_145 : i32
      %ne3A_147 = arith.cmpi ne, %sign3A_139, %sign3A_146 : i32
      %rem3A_148 = arith.remsi %add3A_128, %jit3A_131 : i32
      %ne3A_149 = arith.constant 0 : i32
      %ne3A_150 = arith.cmpi ne, %rem3A_148, %ne3A_149 : i32
      %and3A_151 = arith.andi %ne3A_147, %ne3A_150 : i1
      %sub3A_152 = arith.constant 1 : i32
      %sub3A_153 = arith.subi %div3A_132, %sub3A_152 : i32
      %select_n3A_154 = arith.select %and3A_151, %sub3A_153, %div3A_132 : i32
      %jit3A_155 = arith.constant 50 : i32
      %eq3A_156 = arith.constant 0 : i32
      %eq3A_157 = arith.cmpi eq, %jit3A_155, %eq3A_156 : i32
      %jit3A_158 = arith.constant 1 : i32
      %select_n3A_159 = arith.select %eq3A_157, %jit3A_158, %jit3A_155 : i32
      %rem3A_160 = arith.remsi %add3A_128, %select_n3A_159 : i32
      %ne3A_161 = arith.constant 0 : i32
      %ne3A_162 = arith.cmpi ne, %rem3A_160, %ne3A_161 : i32
      %lt3A_163 = arith.constant 0 : i32
      %lt3A_164 = arith.cmpi slt, %rem3A_160, %lt3A_163 : i32
      %lt3A_165 = arith.constant 0 : i32
      %lt3A_166 = arith.cmpi slt, %select_n3A_159, %lt3A_165 : i32
      %ne3A_167 = arith.xori %lt3A_164, %lt3A_166 : i1
      %and3A_168 = arith.andi %ne3A_167, %ne3A_162 : i1
      %add3A_169 = arith.addi %rem3A_160, %select_n3A_159 : i32
      %select_n3A_170 = arith.select %and3A_168, %add3A_169, %rem3A_160 : i32
      %dma_start3A_171 = arith.constant 0 : i32
      %dma_start3A_172 = arith.constant 0 : i32
      %dma_start3A_173 = tpu.memref_slice %arg6[%select_n3A_154, %dma_start3A_171, %dma_start3A_172] : memref<8x50x64xf32, #tpu.memory_space<vmem>> -> memref<1x50x64xf32, #tpu.memory_space<vmem>>
      %dma_start3A_174 = tpu.memref_squeeze %dma_start3A_173 : memref<1x50x64xf32, #tpu.memory_space<vmem>> -> memref<50x64xf32, #tpu.memory_space<vmem>>
      %dma_start3A_175 = arith.constant 0 : i32
      %dma_start3A_176 = tpu.memref_slice %dma_start3A_174[%select_n3A_170, %dma_start3A_175] : memref<50x64xf32, #tpu.memory_space<vmem>> -> memref<1x64xf32, #tpu.memory_space<vmem>>
      %dma_start3A_177 = arith.constant 0 : i32
      %dma_start3A_178 = tpu.memref_slice %arg3[%squeeze3A_130, %dma_start3A_177] : memref<1000000x64xf32, #tpu.memory_space<hbm>> -> memref<1x64xf32, #tpu.memory_space<hbm>>
      %dma_start3A_179 = arith.constant 0 : i32
      %dma_start3A_180 = arith.constant 0 : i32
      %dma_start3A_181 = tpu.memref_slice %arg6[%select_n3A_154, %dma_start3A_179, %dma_start3A_180] : memref<8x50x64xf32, #tpu.memory_space<vmem>> -> memref<1x50x64xf32, #tpu.memory_space<vmem>>
      %dma_start3A_182 = tpu.memref_squeeze %dma_start3A_181 : memref<1x50x64xf32, #tpu.memory_space<vmem>> -> memref<50x64xf32, #tpu.memory_space<vmem>>
      %dma_start3A_183 = arith.constant 0 : i32
      %dma_start3A_184 = tpu.memref_slice %dma_start3A_182[%select_n3A_170, %dma_start3A_183] : memref<50x64xf32, #tpu.memory_space<vmem>> -> memref<1x64xf32, #tpu.memory_space<vmem>>
      %dma_start3A_185 = arith.constant 0 : i32
      %dma_start3A_186 = tpu.memref_slice %arg3[%squeeze3A_130, %dma_start3A_185] : memref<1000000x64xf32, #tpu.memory_space<hbm>> -> memref<1x64xf32, #tpu.memory_space<hbm>>
      tpu.enqueue_dma source(%dma_start3A_186 : memref<1x64xf32, #tpu.memory_space<hbm>>) target(%dma_start3A_184 : memref<1x64xf32, #tpu.memory_space<vmem>>) target_semaphore(%arg8 : memref<!tpu.dma_semaphore, #tpu.memory_space<semaphore_mem>>)
      %add3A_187 = arith.constant 2 : i32
      %add3A_188 = arith.addi %mul3A_74, %add3A_187 : i32
      %slice3A_189 = vector.extract_strided_slice %get3A_78 {offsets = [2], sizes = [1], strides = [1]} : vector<16xi32> to vector<1xi32>
      %squeeze3A_190 = vector.extract %slice3A_189[0] : i32 from vector<1xi32>
      %jit3A_191 = arith.constant 50 : i32
      %div3A_192 = arith.divsi %add3A_188, %jit3A_191 : i32
      %sign3A_193 = arith.constant 0 : i32
      %sign3A_194 = arith.cmpi sgt, %add3A_188, %sign3A_193 : i32
      %sign3A_195 = arith.extui %sign3A_194 : i1 to i32
      %sign3A_196 = arith.constant 0 : i32
      %sign3A_197 = arith.cmpi slt, %add3A_188, %sign3A_196 : i32
      %sign3A_198 = arith.extui %sign3A_197 : i1 to i32
      %sign3A_199 = arith.subi %sign3A_195, %sign3A_198 : i32
      %sign3A_200 = arith.constant 0 : i32
      %sign3A_201 = arith.cmpi sgt, %jit3A_191, %sign3A_200 : i32
      %sign3A_202 = arith.extui %sign3A_201 : i1 to i32
      %sign3A_203 = arith.constant 0 : i32
      %sign3A_204 = arith.cmpi slt, %jit3A_191, %sign3A_203 : i32
      %sign3A_205 = arith.extui %sign3A_204 : i1 to i32
      %sign3A_206 = arith.subi %sign3A_202, %sign3A_205 : i32
      %ne3A_207 = arith.cmpi ne, %sign3A_199, %sign3A_206 : i32
      %rem3A_208 = arith.remsi %add3A_188, %jit3A_191 : i32
      %ne3A_209 = arith.constant 0 : i32
      %ne3A_210 = arith.cmpi ne, %rem3A_208, %ne3A_209 : i32
      %and3A_211 = arith.andi %ne3A_207, %ne3A_210 : i1
      %sub3A_212 = arith.constant 1 : i32
      %sub3A_213 = arith.subi %div3A_192, %sub3A_212 : i32
      %select_n3A_214 = arith.select %and3A_211, %sub3A_213, %div3A_192 : i32
      %jit3A_215 = arith.constant 50 : i32
      %eq3A_216 = arith.constant 0 : i32
      %eq3A_217 = arith.cmpi eq, %jit3A_215, %eq3A_216 : i32
      %jit3A_218 = arith.constant 1 : i32
      %select_n3A_219 = arith.select %eq3A_217, %jit3A_218, %jit3A_215 : i32
      %rem3A_220 = arith.remsi %add3A_188, %select_n3A_219 : i32
      %ne3A_221 = arith.constant 0 : i32
      %ne3A_222 = arith.cmpi ne, %rem3A_220, %ne3A_221 : i32
      %lt3A_223 = arith.constant 0 : i32
      %lt3A_224 = arith.cmpi slt, %rem3A_220, %lt3A_223 : i32
      %lt3A_225 = arith.constant 0 : i32
      %lt3A_226 = arith.cmpi slt, %select_n3A_219, %lt3A_225 : i32
      %ne3A_227 = arith.xori %lt3A_224, %lt3A_226 : i1
      %and3A_228 = arith.andi %ne3A_227, %ne3A_222 : i1
      %add3A_229 = arith.addi %rem3A_220, %select_n3A_219 : i32
      %select_n3A_230 = arith.select %and3A_228, %add3A_229, %rem3A_220 : i32
      %dma_start3A_231 = arith.constant 0 : i32
      %dma_start3A_232 = arith.constant 0 : i32
      %dma_start3A_233 = tpu.memref_slice %arg6[%select_n3A_214, %dma_start3A_231, %dma_start3A_232] : memref<8x50x64xf32, #tpu.memory_space<vmem>> -> memref<1x50x64xf32, #tpu.memory_space<vmem>>
      %dma_start3A_234 = tpu.memref_squeeze %dma_start3A_233 : memref<1x50x64xf32, #tpu.memory_space<vmem>> -> memref<50x64xf32, #tpu.memory_space<vmem>>
      %dma_start3A_235 = arith.constant 0 : i32
      %dma_start3A_236 = tpu.memref_slice %dma_start3A_234[%select_n3A_230, %dma_start3A_235] : memref<50x64xf32, #tpu.memory_space<vmem>> -> memref<1x64xf32, #tpu.memory_space<vmem>>
      %dma_start3A_237 = arith.constant 0 : i32
      %dma_start3A_238 = tpu.memref_slice %arg3[%squeeze3A_190, %dma_start3A_237] : memref<1000000x64xf32, #tpu.memory_space<hbm>> -> memref<1x64xf32, #tpu.memory_space<hbm>>
      %dma_start3A_239 = arith.constant 0 : i32
      %dma_start3A_240 = arith.constant 0 : i32
      %dma_start3A_241 = tpu.memref_slice %arg6[%select_n3A_214, %dma_start3A_239, %dma_start3A_240] : memref<8x50x64xf32, #tpu.memory_space<vmem>> -> memref<1x50x64xf32, #tpu.memory_space<vmem>>
      %dma_start3A_242 = tpu.memref_squeeze %dma_start3A_241 : memref<1x50x64xf32, #tpu.memory_space<vmem>> -> memref<50x64xf32, #tpu.memory_space<vmem>>
      %dma_start3A_243 = arith.constant 0 : i32
      %dma_start3A_244 = tpu.memref_slice %dma_start3A_242[%select_n3A_230, %dma_start3A_243] : memref<50x64xf32, #tpu.memory_space<vmem>> -> memref<1x64xf32, #tpu.memory_space<vmem>>
      %dma_start3A_245 = arith.constant 0 : i32
      %dma_start3A_246 = tpu.memref_slice %arg3[%squeeze3A_190, %dma_start3A_245] : memref<1000000x64xf32, #tpu.memory_space<hbm>> -> memref<1x64xf32, #tpu.memory_space<hbm>>
      tpu.enqueue_dma source(%dma_start3A_246 : memref<1x64xf32, #tpu.memory_space<hbm>>) target(%dma_start3A_244 : memref<1x64xf32, #tpu.memory_space<vmem>>) target_semaphore(%arg8 : memref<!tpu.dma_semaphore, #tpu.memory_space<semaphore_mem>>)
      %add3A_247 = arith.constant 3 : i32
      %add3A_248 = arith.addi %mul3A_74, %add3A_247 : i32
      %slice3A_249 = vector.extract_strided_slice %get3A_78 {offsets = [3], sizes = [1], strides = [1]} : vector<16xi32> to vector<1xi32>
      %squeeze3A_250 = vector.extract %slice3A_249[0] : i32 from vector<1xi32>
      %jit3A_251 = arith.constant 50 : i32
      %div3A_252 = arith.divsi %add3A_248, %jit3A_251 : i32
      %sign3A_253 = arith.constant 0 : i32
      %sign3A_254 = arith.cmpi sgt, %add3A_248, %sign3A_253 : i32
      %sign3A_255 = arith.extui %sign3A_254 : i1 to i32
      %sign3A_256 = arith.constant 0 : i32
      %sign3A_257 = arith.cmpi slt, %add3A_248, %sign3A_256 : i32
      %sign3A_258 = arith.extui %sign3A_257 : i1 to i32
      %sign3A_259 = arith.subi %sign3A_255, %sign3A_258 : i32
      %sign3A_260 = arith.constant 0 : i32
      %sign3A_261 = arith.cmpi sgt, %jit3A_251, %sign3A_260 : i32
      %sign3A_262 = arith.extui %sign3A_261 : i1 to i32
      %sign3A_263 = arith.constant 0 : i32
      %sign3A_264 = arith.cmpi slt, %jit3A_251, %sign3A_263 : i32
      %sign3A_265 = arith.extui %sign3A_264 : i1 to i32
      %sign3A_266 = arith.subi %sign3A_262, %sign3A_265 : i32
      %ne3A_267 = arith.cmpi ne, %sign3A_259, %sign3A_266 : i32
      %rem3A_268 = arith.remsi %add3A_248, %jit3A_251 : i32
      %ne3A_269 = arith.constant 0 : i32
      %ne3A_270 = arith.cmpi ne, %rem3A_268, %ne3A_269 : i32
      %and3A_271 = arith.andi %ne3A_267, %ne3A_270 : i1
      %sub3A_272 = arith.constant 1 : i32
      %sub3A_273 = arith.subi %div3A_252, %sub3A_272 : i32
      %select_n3A_274 = arith.select %and3A_271, %sub3A_273, %div3A_252 : i32
      %jit3A_275 = arith.constant 50 : i32
      %eq3A_276 = arith.constant 0 : i32
      %eq3A_277 = arith.cmpi eq, %jit3A_275, %eq3A_276 : i32
      %jit3A_278 = arith.constant 1 : i32
      %select_n3A_279 = arith.select %eq3A_277, %jit3A_278, %jit3A_275 : i32
      %rem3A_280 = arith.remsi %add3A_248, %select_n3A_279 : i32
      %ne3A_281 = arith.constant 0 : i32
      %ne3A_282 = arith.cmpi ne, %rem3A_280, %ne3A_281 : i32
      %lt3A_283 = arith.constant 0 : i32
      %lt3A_284 = arith.cmpi slt, %rem3A_280, %lt3A_283 : i32
      %lt3A_285 = arith.constant 0 : i32
      %lt3A_286 = arith.cmpi slt, %select_n3A_279, %lt3A_285 : i32
      %ne3A_287 = arith.xori %lt3A_284, %lt3A_286 : i1
      %and3A_288 = arith.andi %ne3A_287, %ne3A_282 : i1
      %add3A_289 = arith.addi %rem3A_280, %select_n3A_279 : i32
      %select_n3A_290 = arith.select %and3A_288, %add3A_289, %rem3A_280 : i32
      %dma_start3A_291 = arith.constant 0 : i32
      %dma_start3A_292 = arith.constant 0 : i32
      %dma_start3A_293 = tpu.memref_slice %arg6[%select_n3A_274, %dma_start3A_291, %dma_start3A_292] : memref<8x50x64xf32, #tpu.memory_space<vmem>> -> memref<1x50x64xf32, #tpu.memory_space<vmem>>
      %dma_start3A_294 = tpu.memref_squeeze %dma_start3A_293 : memref<1x50x64xf32, #tpu.memory_space<vmem>> -> memref<50x64xf32, #tpu.memory_space<vmem>>
      %dma_start3A_295 = arith.constant 0 : i32
      %dma_start3A_296 = tpu.memref_slice %dma_start3A_294[%select_n3A_290, %dma_start3A_295] : memref<50x64xf32, #tpu.memory_space<vmem>> -> memref<1x64xf32, #tpu.memory_space<vmem>>
      %dma_start3A_297 = arith.constant 0 : i32
      %dma_start3A_298 = tpu.memref_slice %arg3[%squeeze3A_250, %dma_start3A_297] : memref<1000000x64xf32, #tpu.memory_space<hbm>> -> memref<1x64xf32, #tpu.memory_space<hbm>>
      %dma_start3A_299 = arith.constant 0 : i32
      %dma_start3A_300 = arith.constant 0 : i32
      %dma_start3A_301 = tpu.memref_slice %arg6[%select_n3A_274, %dma_start3A_299, %dma_start3A_300] : memref<8x50x64xf32, #tpu.memory_space<vmem>> -> memref<1x50x64xf32, #tpu.memory_space<vmem>>
      %dma_start3A_302 = tpu.memref_squeeze %dma_start3A_301 : memref<1x50x64xf32, #tpu.memory_space<vmem>> -> memref<50x64xf32, #tpu.memory_space<vmem>>
      %dma_start3A_303 = arith.constant 0 : i32
      %dma_start3A_304 = tpu.memref_slice %dma_start3A_302[%select_n3A_290, %dma_start3A_303] : memref<50x64xf32, #tpu.memory_space<vmem>> -> memref<1x64xf32, #tpu.memory_space<vmem>>
      %dma_start3A_305 = arith.constant 0 : i32
      %dma_start3A_306 = tpu.memref_slice %arg3[%squeeze3A_250, %dma_start3A_305] : memref<1000000x64xf32, #tpu.memory_space<hbm>> -> memref<1x64xf32, #tpu.memory_space<hbm>>
      tpu.enqueue_dma source(%dma_start3A_306 : memref<1x64xf32, #tpu.memory_space<hbm>>) target(%dma_start3A_304 : memref<1x64xf32, #tpu.memory_space<vmem>>) target_semaphore(%arg8 : memref<!tpu.dma_semaphore, #tpu.memory_space<semaphore_mem>>)
      %add3A_307 = arith.constant 4 : i32
      %add3A_308 = arith.addi %mul3A_74, %add3A_307 : i32
      %slice3A_309 = vector.extract_strided_slice %get3A_78 {offsets = [4], sizes = [1], strides = [1]} : vector<16xi32> to vector<1xi32>
      %squeeze3A_310 = vector.extract %slice3A_309[0] : i32 from vector<1xi32>
      %jit3A_311 = arith.constant 50 : i32
      %div3A_312 = arith.divsi %add3A_308, %jit3A_311 : i32
      %sign3A_313 = arith.constant 0 : i32
      %sign3A_314 = arith.cmpi sgt, %add3A_308, %sign3A_313 : i32
      %sign3A_315 = arith.extui %sign3A_314 : i1 to i32
      %sign3A_316 = arith.constant 0 : i32
      %sign3A_317 = arith.cmpi slt, %add3A_308, %sign3A_316 : i32
      %sign3A_318 = arith.extui %sign3A_317 : i1 to i32
      %sign3A_319 = arith.subi %sign3A_315, %sign3A_318 : i32
      %sign3A_320 = arith.constant 0 : i32
      %sign3A_321 = arith.cmpi sgt, %jit3A_311, %sign3A_320 : i32
      %sign3A_322 = arith.extui %sign3A_321 : i1 to i32
      %sign3A_323 = arith.constant 0 : i32
      %sign3A_324 = arith.cmpi slt, %jit3A_311, %sign3A_323 : i32
      %sign3A_325 = arith.extui %sign3A_324 : i1 to i32
      %sign3A_326 = arith.subi %sign3A_322, %sign3A_325 : i32
      %ne3A_327 = arith.cmpi ne, %sign3A_319, %sign3A_326 : i32
      %rem3A_328 = arith.remsi %add3A_308, %jit3A_311 : i32
      %ne3A_329 = arith.constant 0 : i32
      %ne3A_330 = arith.cmpi ne, %rem3A_328, %ne3A_329 : i32
      %and3A_331 = arith.andi %ne3A_327, %ne3A_330 : i1
      %sub3A_332 = arith.constant 1 : i32
      %sub3A_333 = arith.subi %div3A_312, %sub3A_332 : i32
      %select_n3A_334 = arith.select %and3A_331, %sub3A_333, %div3A_312 : i32
      %jit3A_335 = arith.constant 50 : i32
      %eq3A_336 = arith.constant 0 : i32
      %eq3A_337 = arith.cmpi eq, %jit3A_335, %eq3A_336 : i32
      %jit3A_338 = arith.constant 1 : i32
      %select_n3A_339 = arith.select %eq3A_337, %jit3A_338, %jit3A_335 : i32
      %rem3A_340 = arith.remsi %add3A_308, %select_n3A_339 : i32
      %ne3A_341 = arith.constant 0 : i32
      %ne3A_342 = arith.cmpi ne, %rem3A_340, %ne3A_341 : i32
      %lt3A_343 = arith.constant 0 : i32
      %lt3A_344 = arith.cmpi slt, %rem3A_340, %lt3A_343 : i32
      %lt3A_345 = arith.constant 0 : i32
      %lt3A_346 = arith.cmpi slt, %select_n3A_339, %lt3A_345 : i32
      %ne3A_347 = arith.xori %lt3A_344, %lt3A_346 : i1
      %and3A_348 = arith.andi %ne3A_347, %ne3A_342 : i1
      %add3A_349 = arith.addi %rem3A_340, %select_n3A_339 : i32
      %select_n3A_350 = arith.select %and3A_348, %add3A_349, %rem3A_340 : i32
      %dma_start3A_351 = arith.constant 0 : i32
      %dma_start3A_352 = arith.constant 0 : i32
      %dma_start3A_353 = tpu.memref_slice %arg6[%select_n3A_334, %dma_start3A_351, %dma_start3A_352] : memref<8x50x64xf32, #tpu.memory_space<vmem>> -> memref<1x50x64xf32, #tpu.memory_space<vmem>>
      %dma_start3A_354 = tpu.memref_squeeze %dma_start3A_353 : memref<1x50x64xf32, #tpu.memory_space<vmem>> -> memref<50x64xf32, #tpu.memory_space<vmem>>
      %dma_start3A_355 = arith.constant 0 : i32
      %dma_start3A_356 = tpu.memref_slice %dma_start3A_354[%select_n3A_350, %dma_start3A_355] : memref<50x64xf32, #tpu.memory_space<vmem>> -> memref<1x64xf32, #tpu.memory_space<vmem>>
      %dma_start3A_357 = arith.constant 0 : i32
      %dma_start3A_358 = tpu.memref_slice %arg3[%squeeze3A_310, %dma_start3A_357] : memref<1000000x64xf32, #tpu.memory_space<hbm>> -> memref<1x64xf32, #tpu.memory_space<hbm>>
      %dma_start3A_359 = arith.constant 0 : i32
      %dma_start3A_360 = arith.constant 0 : i32
      %dma_start3A_361 = tpu.memref_slice %arg6[%select_n3A_334, %dma_start3A_359, %dma_start3A_360] : memref<8x50x64xf32, #tpu.memory_space<vmem>> -> memref<1x50x64xf32, #tpu.memory_space<vmem>>
      %dma_start3A_362 = tpu.memref_squeeze %dma_start3A_361 : memref<1x50x64xf32, #tpu.memory_space<vmem>> -> memref<50x64xf32, #tpu.memory_space<vmem>>
      %dma_start3A_363 = arith.constant 0 : i32
      %dma_start3A_364 = tpu.memref_slice %dma_start3A_362[%select_n3A_350, %dma_start3A_363] : memref<50x64xf32, #tpu.memory_space<vmem>> -> memref<1x64xf32, #tpu.memory_space<vmem>>
      %dma_start3A_365 = arith.constant 0 : i32
      %dma_start3A_366 = tpu.memref_slice %arg3[%squeeze3A_310, %dma_start3A_365] : memref<1000000x64xf32, #tpu.memory_space<hbm>> -> memref<1x64xf32, #tpu.memory_space<hbm>>
      tpu.enqueue_dma source(%dma_start3A_366 : memref<1x64xf32, #tpu.memory_space<hbm>>) target(%dma_start3A_364 : memref<1x64xf32, #tpu.memory_space<vmem>>) target_semaphore(%arg8 : memref<!tpu.dma_semaphore, #tpu.memory_space<semaphore_mem>>)
      %add3A_367 = arith.constant 5 : i32
      %add3A_368 = arith.addi %mul3A_74, %add3A_367 : i32
      %slice3A_369 = vector.extract_strided_slice %get3A_78 {offsets = [5], sizes = [1], strides = [1]} : vector<16xi32> to vector<1xi32>
      %squeeze3A_370 = vector.extract %slice3A_369[0] : i32 from vector<1xi32>
      %jit3A_371 = arith.constant 50 : i32
      %div3A_372 = arith.divsi %add3A_368, %jit3A_371 : i32
      %sign3A_373 = arith.constant 0 : i32
      %sign3A_374 = arith.cmpi sgt, %add3A_368, %sign3A_373 : i32
      %sign3A_375 = arith.extui %sign3A_374 : i1 to i32
      %sign3A_376 = arith.constant 0 : i32
      %sign3A_377 = arith.cmpi slt, %add3A_368, %sign3A_376 : i32
      %sign3A_378 = arith.extui %sign3A_377 : i1 to i32
      %sign3A_379 = arith.subi %sign3A_375, %sign3A_378 : i32
      %sign3A_380 = arith.constant 0 : i32
      %sign3A_381 = arith.cmpi sgt, %jit3A_371, %sign3A_380 : i32
      %sign3A_382 = arith.extui %sign3A_381 : i1 to i32
      %sign3A_383 = arith.constant 0 : i32
      %sign3A_384 = arith.cmpi slt, %jit3A_371, %sign3A_383 : i32
      %sign3A_385 = arith.extui %sign3A_384 : i1 to i32
      %sign3A_386 = arith.subi %sign3A_382, %sign3A_385 : i32
      %ne3A_387 = arith.cmpi ne, %sign3A_379, %sign3A_386 : i32
      %rem3A_388 = arith.remsi %add3A_368, %jit3A_371 : i32
      %ne3A_389 = arith.constant 0 : i32
      %ne3A_390 = arith.cmpi ne, %rem3A_388, %ne3A_389 : i32
      %and3A_391 = arith.andi %ne3A_387, %ne3A_390 : i1
      %sub3A_392 = arith.constant 1 : i32
      %sub3A_393 = arith.subi %div3A_372, %sub3A_392 : i32
      %select_n3A_394 = arith.select %and3A_391, %sub3A_393, %div3A_372 : i32
      %jit3A_395 = arith.constant 50 : i32
      %eq3A_396 = arith.constant 0 : i32
      %eq3A_397 = arith.cmpi eq, %jit3A_395, %eq3A_396 : i32
      %jit3A_398 = arith.constant 1 : i32
      %select_n3A_399 = arith.select %eq3A_397, %jit3A_398, %jit3A_395 : i32
      %rem3A_400 = arith.remsi %add3A_368, %select_n3A_399 : i32
      %ne3A_401 = arith.constant 0 : i32
      %ne3A_402 = arith.cmpi ne, %rem3A_400, %ne3A_401 : i32
      %lt3A_403 = arith.constant 0 : i32
      %lt3A_404 = arith.cmpi slt, %rem3A_400, %lt3A_403 : i32
      %lt3A_405 = arith.constant 0 : i32
      %lt3A_406 = arith.cmpi slt, %select_n3A_399, %lt3A_405 : i32
      %ne3A_407 = arith.xori %lt3A_404, %lt3A_406 : i1
      %and3A_408 = arith.andi %ne3A_407, %ne3A_402 : i1
      %add3A_409 = arith.addi %rem3A_400, %select_n3A_399 : i32
      %select_n3A_410 = arith.select %and3A_408, %add3A_409, %rem3A_400 : i32
      %dma_start3A_411 = arith.constant 0 : i32
      %dma_start3A_412 = arith.constant 0 : i32
      %dma_start3A_413 = tpu.memref_slice %arg6[%select_n3A_394, %dma_start3A_411, %dma_start3A_412] : memref<8x50x64xf32, #tpu.memory_space<vmem>> -> memref<1x50x64xf32, #tpu.memory_space<vmem>>
      %dma_start3A_414 = tpu.memref_squeeze %dma_start3A_413 : memref<1x50x64xf32, #tpu.memory_space<vmem>> -> memref<50x64xf32, #tpu.memory_space<vmem>>
      %dma_start3A_415 = arith.constant 0 : i32
      %dma_start3A_416 = tpu.memref_slice %dma_start3A_414[%select_n3A_410, %dma_start3A_415] : memref<50x64xf32, #tpu.memory_space<vmem>> -> memref<1x64xf32, #tpu.memory_space<vmem>>
      %dma_start3A_417 = arith.constant 0 : i32
      %dma_start3A_418 = tpu.memref_slice %arg3[%squeeze3A_370, %dma_start3A_417] : memref<1000000x64xf32, #tpu.memory_space<hbm>> -> memref<1x64xf32, #tpu.memory_space<hbm>>
      %dma_start3A_419 = arith.constant 0 : i32
      %dma_start3A_420 = arith.constant 0 : i32
      %dma_start3A_421 = tpu.memref_slice %arg6[%select_n3A_394, %dma_start3A_419, %dma_start3A_420] : memref<8x50x64xf32, #tpu.memory_space<vmem>> -> memref<1x50x64xf32, #tpu.memory_space<vmem>>
      %dma_start3A_422 = tpu.memref_squeeze %dma_start3A_421 : memref<1x50x64xf32, #tpu.memory_space<vmem>> -> memref<50x64xf32, #tpu.memory_space<vmem>>
      %dma_start3A_423 = arith.constant 0 : i32
      %dma_start3A_424 = tpu.memref_slice %dma_start3A_422[%select_n3A_410, %dma_start3A_423] : memref<50x64xf32, #tpu.memory_space<vmem>> -> memref<1x64xf32, #tpu.memory_space<vmem>>
      %dma_start3A_425 = arith.constant 0 : i32
      %dma_start3A_426 = tpu.memref_slice %arg3[%squeeze3A_370, %dma_start3A_425] : memref<1000000x64xf32, #tpu.memory_space<hbm>> -> memref<1x64xf32, #tpu.memory_space<hbm>>
      tpu.enqueue_dma source(%dma_start3A_426 : memref<1x64xf32, #tpu.memory_space<hbm>>) target(%dma_start3A_424 : memref<1x64xf32, #tpu.memory_space<vmem>>) target_semaphore(%arg8 : memref<!tpu.dma_semaphore, #tpu.memory_space<semaphore_mem>>)
      %add3A_427 = arith.constant 6 : i32
      %add3A_428 = arith.addi %mul3A_74, %add3A_427 : i32
      %slice3A_429 = vector.extract_strided_slice %get3A_78 {offsets = [6], sizes = [1], strides = [1]} : vector<16xi32> to vector<1xi32>
      %squeeze3A_430 = vector.extract %slice3A_429[0] : i32 from vector<1xi32>
      %jit3A_431 = arith.constant 50 : i32
      %div3A_432 = arith.divsi %add3A_428, %jit3A_431 : i32
      %sign3A_433 = arith.constant 0 : i32
      %sign3A_434 = arith.cmpi sgt, %add3A_428, %sign3A_433 : i32
      %sign3A_435 = arith.extui %sign3A_434 : i1 to i32
      %sign3A_436 = arith.constant 0 : i32
      %sign3A_437 = arith.cmpi slt, %add3A_428, %sign3A_436 : i32
      %sign3A_438 = arith.extui %sign3A_437 : i1 to i32
      %sign3A_439 = arith.subi %sign3A_435, %sign3A_438 : i32
      %sign3A_440 = arith.constant 0 : i32
      %sign3A_441 = arith.cmpi sgt, %jit3A_431, %sign3A_440 : i32
      %sign3A_442 = arith.extui %sign3A_441 : i1 to i32
      %sign3A_443 = arith.constant 0 : i32
      %sign3A_444 = arith.cmpi slt, %jit3A_431, %sign3A_443 : i32
      %sign3A_445 = arith.extui %sign3A_444 : i1 to i32
      %sign3A_446 = arith.subi %sign3A_442, %sign3A_445 : i32
      %ne3A_447 = arith.cmpi ne, %sign3A_439, %sign3A_446 : i32
      %rem3A_448 = arith.remsi %add3A_428, %jit3A_431 : i32
      %ne3A_449 = arith.constant 0 : i32
      %ne3A_450 = arith.cmpi ne, %rem3A_448, %ne3A_449 : i32
      %and3A_451 = arith.andi %ne3A_447, %ne3A_450 : i1
      %sub3A_452 = arith.constant 1 : i32
      %sub3A_453 = arith.subi %div3A_432, %sub3A_452 : i32
      %select_n3A_454 = arith.select %and3A_451, %sub3A_453, %div3A_432 : i32
      %jit3A_455 = arith.constant 50 : i32
      %eq3A_456 = arith.constant 0 : i32
      %eq3A_457 = arith.cmpi eq, %jit3A_455, %eq3A_456 : i32
      %jit3A_458 = arith.constant 1 : i32
      %select_n3A_459 = arith.select %eq3A_457, %jit3A_458, %jit3A_455 : i32
      %rem3A_460 = arith.remsi %add3A_428, %select_n3A_459 : i32
      %ne3A_461 = arith.constant 0 : i32
      %ne3A_462 = arith.cmpi ne, %rem3A_460, %ne3A_461 : i32
      %lt3A_463 = arith.constant 0 : i32
      %lt3A_464 = arith.cmpi slt, %rem3A_460, %lt3A_463 : i32
      %lt3A_465 = arith.constant 0 : i32
      %lt3A_466 = arith.cmpi slt, %select_n3A_459, %lt3A_465 : i32
      %ne3A_467 = arith.xori %lt3A_464, %lt3A_466 : i1
      %and3A_468 = arith.andi %ne3A_467, %ne3A_462 : i1
      %add3A_469 = arith.addi %rem3A_460, %select_n3A_459 : i32
      %select_n3A_470 = arith.select %and3A_468, %add3A_469, %rem3A_460 : i32
      %dma_start3A_471 = arith.constant 0 : i32
      %dma_start3A_472 = arith.constant 0 : i32
      %dma_start3A_473 = tpu.memref_slice %arg6[%select_n3A_454, %dma_start3A_471, %dma_start3A_472] : memref<8x50x64xf32, #tpu.memory_space<vmem>> -> memref<1x50x64xf32, #tpu.memory_space<vmem>>
      %dma_start3A_474 = tpu.memref_squeeze %dma_start3A_473 : memref<1x50x64xf32, #tpu.memory_space<vmem>> -> memref<50x64xf32, #tpu.memory_space<vmem>>
      %dma_start3A_475 = arith.constant 0 : i32
      %dma_start3A_476 = tpu.memref_slice %dma_start3A_474[%select_n3A_470, %dma_start3A_475] : memref<50x64xf32, #tpu.memory_space<vmem>> -> memref<1x64xf32, #tpu.memory_space<vmem>>
      %dma_start3A_477 = arith.constant 0 : i32
      %dma_start3A_478 = tpu.memref_slice %arg3[%squeeze3A_430, %dma_start3A_477] : memref<1000000x64xf32, #tpu.memory_space<hbm>> -> memref<1x64xf32, #tpu.memory_space<hbm>>
      %dma_start3A_479 = arith.constant 0 : i32
      %dma_start3A_480 = arith.constant 0 : i32
      %dma_start3A_481 = tpu.memref_slice %arg6[%select_n3A_454, %dma_start3A_479, %dma_start3A_480] : memref<8x50x64xf32, #tpu.memory_space<vmem>> -> memref<1x50x64xf32, #tpu.memory_space<vmem>>
      %dma_start3A_482 = tpu.memref_squeeze %dma_start3A_481 : memref<1x50x64xf32, #tpu.memory_space<vmem>> -> memref<50x64xf32, #tpu.memory_space<vmem>>
      %dma_start3A_483 = arith.constant 0 : i32
      %dma_start3A_484 = tpu.memref_slice %dma_start3A_482[%select_n3A_470, %dma_start3A_483] : memref<50x64xf32, #tpu.memory_space<vmem>> -> memref<1x64xf32, #tpu.memory_space<vmem>>
      %dma_start3A_485 = arith.constant 0 : i32
      %dma_start3A_486 = tpu.memref_slice %arg3[%squeeze3A_430, %dma_start3A_485] : memref<1000000x64xf32, #tpu.memory_space<hbm>> -> memref<1x64xf32, #tpu.memory_space<hbm>>
      tpu.enqueue_dma source(%dma_start3A_486 : memref<1x64xf32, #tpu.memory_space<hbm>>) target(%dma_start3A_484 : memref<1x64xf32, #tpu.memory_space<vmem>>) target_semaphore(%arg8 : memref<!tpu.dma_semaphore, #tpu.memory_space<semaphore_mem>>)
      %add3A_487 = arith.constant 7 : i32
      %add3A_488 = arith.addi %mul3A_74, %add3A_487 : i32
      %slice3A_489 = vector.extract_strided_slice %get3A_78 {offsets = [7], sizes = [1], strides = [1]} : vector<16xi32> to vector<1xi32>
      %squeeze3A_490 = vector.extract %slice3A_489[0] : i32 from vector<1xi32>
      %jit3A_491 = arith.constant 50 : i32
      %div3A_492 = arith.divsi %add3A_488, %jit3A_491 : i32
      %sign3A_493 = arith.constant 0 : i32
      %sign3A_494 = arith.cmpi sgt, %add3A_488, %sign3A_493 : i32
      %sign3A_495 = arith.extui %sign3A_494 : i1 to i32
      %sign3A_496 = arith.constant 0 : i32
      %sign3A_497 = arith.cmpi slt, %add3A_488, %sign3A_496 : i32
      %sign3A_498 = arith.extui %sign3A_497 : i1 to i32
      %sign3A_499 = arith.subi %sign3A_495, %sign3A_498 : i32
      %sign3A_500 = arith.constant 0 : i32
      %sign3A_501 = arith.cmpi sgt, %jit3A_491, %sign3A_500 : i32
      %sign3A_502 = arith.extui %sign3A_501 : i1 to i32
      %sign3A_503 = arith.constant 0 : i32
      %sign3A_504 = arith.cmpi slt, %jit3A_491, %sign3A_503 : i32
      %sign3A_505 = arith.extui %sign3A_504 : i1 to i32
      %sign3A_506 = arith.subi %sign3A_502, %sign3A_505 : i32
      %ne3A_507 = arith.cmpi ne, %sign3A_499, %sign3A_506 : i32
      %rem3A_508 = arith.remsi %add3A_488, %jit3A_491 : i32
      %ne3A_509 = arith.constant 0 : i32
      %ne3A_510 = arith.cmpi ne, %rem3A_508, %ne3A_509 : i32
      %and3A_511 = arith.andi %ne3A_507, %ne3A_510 : i1
      %sub3A_512 = arith.constant 1 : i32
      %sub3A_513 = arith.subi %div3A_492, %sub3A_512 : i32
      %select_n3A_514 = arith.select %and3A_511, %sub3A_513, %div3A_492 : i32
      %jit3A_515 = arith.constant 50 : i32
      %eq3A_516 = arith.constant 0 : i32
      %eq3A_517 = arith.cmpi eq, %jit3A_515, %eq3A_516 : i32
      %jit3A_518 = arith.constant 1 : i32
      %select_n3A_519 = arith.select %eq3A_517, %jit3A_518, %jit3A_515 : i32
      %rem3A_520 = arith.remsi %add3A_488, %select_n3A_519 : i32
      %ne3A_521 = arith.constant 0 : i32
      %ne3A_522 = arith.cmpi ne, %rem3A_520, %ne3A_521 : i32
      %lt3A_523 = arith.constant 0 : i32
      %lt3A_524 = arith.cmpi slt, %rem3A_520, %lt3A_523 : i32
      %lt3A_525 = arith.constant 0 : i32
      %lt3A_526 = arith.cmpi slt, %select_n3A_519, %lt3A_525 : i32
      %ne3A_527 = arith.xori %lt3A_524, %lt3A_526 : i1
      %and3A_528 = arith.andi %ne3A_527, %ne3A_522 : i1
      %add3A_529 = arith.addi %rem3A_520, %select_n3A_519 : i32
      %select_n3A_530 = arith.select %and3A_528, %add3A_529, %rem3A_520 : i32
      %dma_start3A_531 = arith.constant 0 : i32
      %dma_start3A_532 = arith.constant 0 : i32
      %dma_start3A_533 = tpu.memref_slice %arg6[%select_n3A_514, %dma_start3A_531, %dma_start3A_532] : memref<8x50x64xf32, #tpu.memory_space<vmem>> -> memref<1x50x64xf32, #tpu.memory_space<vmem>>
      %dma_start3A_534 = tpu.memref_squeeze %dma_start3A_533 : memref<1x50x64xf32, #tpu.memory_space<vmem>> -> memref<50x64xf32, #tpu.memory_space<vmem>>
      %dma_start3A_535 = arith.constant 0 : i32
      %dma_start3A_536 = tpu.memref_slice %dma_start3A_534[%select_n3A_530, %dma_start3A_535] : memref<50x64xf32, #tpu.memory_space<vmem>> -> memref<1x64xf32, #tpu.memory_space<vmem>>
      %dma_start3A_537 = arith.constant 0 : i32
      %dma_start3A_538 = tpu.memref_slice %arg3[%squeeze3A_490, %dma_start3A_537] : memref<1000000x64xf32, #tpu.memory_space<hbm>> -> memref<1x64xf32, #tpu.memory_space<hbm>>
      %dma_start3A_539 = arith.constant 0 : i32
      %dma_start3A_540 = arith.constant 0 : i32
      %dma_start3A_541 = tpu.memref_slice %arg6[%select_n3A_514, %dma_start3A_539, %dma_start3A_540] : memref<8x50x64xf32, #tpu.memory_space<vmem>> -> memref<1x50x64xf32, #tpu.memory_space<vmem>>
      %dma_start3A_542 = tpu.memref_squeeze %dma_start3A_541 : memref<1x50x64xf32, #tpu.memory_space<vmem>> -> memref<50x64xf32, #tpu.memory_space<vmem>>
      %dma_start3A_543 = arith.constant 0 : i32
      %dma_start3A_544 = tpu.memref_slice %dma_start3A_542[%select_n3A_530, %dma_start3A_543] : memref<50x64xf32, #tpu.memory_space<vmem>> -> memref<1x64xf32, #tpu.memory_space<vmem>>
      %dma_start3A_545 = arith.constant 0 : i32
      %dma_start3A_546 = tpu.memref_slice %arg3[%squeeze3A_490, %dma_start3A_545] : memref<1000000x64xf32, #tpu.memory_space<hbm>> -> memref<1x64xf32, #tpu.memory_space<hbm>>
      tpu.enqueue_dma source(%dma_start3A_546 : memref<1x64xf32, #tpu.memory_space<hbm>>) target(%dma_start3A_544 : memref<1x64xf32, #tpu.memory_space<vmem>>) target_semaphore(%arg8 : memref<!tpu.dma_semaphore, #tpu.memory_space<semaphore_mem>>)
      %add3A_547 = arith.constant 8 : i32
      %add3A_548 = arith.addi %mul3A_74, %add3A_547 : i32
      %slice3A_549 = vector.extract_strided_slice %get3A_78 {offsets = [8], sizes = [1], strides = [1]} : vector<16xi32> to vector<1xi32>
      %squeeze3A_550 = vector.extract %slice3A_549[0] : i32 from vector<1xi32>
      %jit3A_551 = arith.constant 50 : i32
      %div3A_552 = arith.divsi %add3A_548, %jit3A_551 : i32
      %sign3A_553 = arith.constant 0 : i32
      %sign3A_554 = arith.cmpi sgt, %add3A_548, %sign3A_553 : i32
      %sign3A_555 = arith.extui %sign3A_554 : i1 to i32
      %sign3A_556 = arith.constant 0 : i32
      %sign3A_557 = arith.cmpi slt, %add3A_548, %sign3A_556 : i32
      %sign3A_558 = arith.extui %sign3A_557 : i1 to i32
      %sign3A_559 = arith.subi %sign3A_555, %sign3A_558 : i32
      %sign3A_560 = arith.constant 0 : i32
      %sign3A_561 = arith.cmpi sgt, %jit3A_551, %sign3A_560 : i32
      %sign3A_562 = arith.extui %sign3A_561 : i1 to i32
      %sign3A_563 = arith.constant 0 : i32
      %sign3A_564 = arith.cmpi slt, %jit3A_551, %sign3A_563 : i32
      %sign3A_565 = arith.extui %sign3A_564 : i1 to i32
      %sign3A_566 = arith.subi %sign3A_562, %sign3A_565 : i32
      %ne3A_567 = arith.cmpi ne, %sign3A_559, %sign3A_566 : i32
      %rem3A_568 = arith.remsi %add3A_548, %jit3A_551 : i32
      %ne3A_569 = arith.constant 0 : i32
      %ne3A_570 = arith.cmpi ne, %rem3A_568, %ne3A_569 : i32
      %and3A_571 = arith.andi %ne3A_567, %ne3A_570 : i1
      %sub3A_572 = arith.constant 1 : i32
      %sub3A_573 = arith.subi %div3A_552, %sub3A_572 : i32
      %select_n3A_574 = arith.select %and3A_571, %sub3A_573, %div3A_552 : i32
      %jit3A_575 = arith.constant 50 : i32
      %eq3A_576 = arith.constant 0 : i32
      %eq3A_577 = arith.cmpi eq, %jit3A_575, %eq3A_576 : i32
      %jit3A_578 = arith.constant 1 : i32
      %select_n3A_579 = arith.select %eq3A_577, %jit3A_578, %jit3A_575 : i32
      %rem3A_580 = arith.remsi %add3A_548, %select_n3A_579 : i32
      %ne3A_581 = arith.constant 0 : i32
      %ne3A_582 = arith.cmpi ne, %rem3A_580, %ne3A_581 : i32
      %lt3A_583 = arith.constant 0 : i32
      %lt3A_584 = arith.cmpi slt, %rem3A_580, %lt3A_583 : i32
      %lt3A_585 = arith.constant 0 : i32
      %lt3A_586 = arith.cmpi slt, %select_n3A_579, %lt3A_585 : i32
      %ne3A_587 = arith.xori %lt3A_584, %lt3A_586 : i1
      %and3A_588 = arith.andi %ne3A_587, %ne3A_582 : i1
      %add3A_589 = arith.addi %rem3A_580, %select_n3A_579 : i32
      %select_n3A_590 = arith.select %and3A_588, %add3A_589, %rem3A_580 : i32
      %dma_start3A_591 = arith.constant 0 : i32
      %dma_start3A_592 = arith.constant 0 : i32
      %dma_start3A_593 = tpu.memref_slice %arg6[%select_n3A_574, %dma_start3A_591, %dma_start3A_592] : memref<8x50x64xf32, #tpu.memory_space<vmem>> -> memref<1x50x64xf32, #tpu.memory_space<vmem>>
      %dma_start3A_594 = tpu.memref_squeeze %dma_start3A_593 : memref<1x50x64xf32, #tpu.memory_space<vmem>> -> memref<50x64xf32, #tpu.memory_space<vmem>>
      %dma_start3A_595 = arith.constant 0 : i32
      %dma_start3A_596 = tpu.memref_slice %dma_start3A_594[%select_n3A_590, %dma_start3A_595] : memref<50x64xf32, #tpu.memory_space<vmem>> -> memref<1x64xf32, #tpu.memory_space<vmem>>
      %dma_start3A_597 = arith.constant 0 : i32
      %dma_start3A_598 = tpu.memref_slice %arg3[%squeeze3A_550, %dma_start3A_597] : memref<1000000x64xf32, #tpu.memory_space<hbm>> -> memref<1x64xf32, #tpu.memory_space<hbm>>
      %dma_start3A_599 = arith.constant 0 : i32
      %dma_start3A_600 = arith.constant 0 : i32
      %dma_start3A_601 = tpu.memref_slice %arg6[%select_n3A_574, %dma_start3A_599, %dma_start3A_600] : memref<8x50x64xf32, #tpu.memory_space<vmem>> -> memref<1x50x64xf32, #tpu.memory_space<vmem>>
      %dma_start3A_602 = tpu.memref_squeeze %dma_start3A_601 : memref<1x50x64xf32, #tpu.memory_space<vmem>> -> memref<50x64xf32, #tpu.memory_space<vmem>>
      %dma_start3A_603 = arith.constant 0 : i32
      %dma_start3A_604 = tpu.memref_slice %dma_start3A_602[%select_n3A_590, %dma_start3A_603] : memref<50x64xf32, #tpu.memory_space<vmem>> -> memref<1x64xf32, #tpu.memory_space<vmem>>
      %dma_start3A_605 = arith.constant 0 : i32
      %dma_start3A_606 = tpu.memref_slice %arg3[%squeeze3A_550, %dma_start3A_605] : memref<1000000x64xf32, #tpu.memory_space<hbm>> -> memref<1x64xf32, #tpu.memory_space<hbm>>
      tpu.enqueue_dma source(%dma_start3A_606 : memref<1x64xf32, #tpu.memory_space<hbm>>) target(%dma_start3A_604 : memref<1x64xf32, #tpu.memory_space<vmem>>) target_semaphore(%arg8 : memref<!tpu.dma_semaphore, #tpu.memory_space<semaphore_mem>>)
      %add3A_607 = arith.constant 9 : i32
      %add3A_608 = arith.addi %mul3A_74, %add3A_607 : i32
      %slice3A_609 = vector.extract_strided_slice %get3A_78 {offsets = [9], sizes = [1], strides = [1]} : vector<16xi32> to vector<1xi32>
      %squeeze3A_610 = vector.extract %slice3A_609[0] : i32 from vector<1xi32>
      %jit3A_611 = arith.constant 50 : i32
      %div3A_612 = arith.divsi %add3A_608, %jit3A_611 : i32
      %sign3A_613 = arith.constant 0 : i32
      %sign3A_614 = arith.cmpi sgt, %add3A_608, %sign3A_613 : i32
      %sign3A_615 = arith.extui %sign3A_614 : i1 to i32
      %sign3A_616 = arith.constant 0 : i32
      %sign3A_617 = arith.cmpi slt, %add3A_608, %sign3A_616 : i32
      %sign3A_618 = arith.extui %sign3A_617 : i1 to i32
      %sign3A_619 = arith.subi %sign3A_615, %sign3A_618 : i32
      %sign3A_620 = arith.constant 0 : i32
      %sign3A_621 = arith.cmpi sgt, %jit3A_611, %sign3A_620 : i32
      %sign3A_622 = arith.extui %sign3A_621 : i1 to i32
      %sign3A_623 = arith.constant 0 : i32
      %sign3A_624 = arith.cmpi slt, %jit3A_611, %sign3A_623 : i32
      %sign3A_625 = arith.extui %sign3A_624 : i1 to i32
      %sign3A_626 = arith.subi %sign3A_622, %sign3A_625 : i32
      %ne3A_627 = arith.cmpi ne, %sign3A_619, %sign3A_626 : i32
      %rem3A_628 = arith.remsi %add3A_608, %jit3A_611 : i32
      %ne3A_629 = arith.constant 0 : i32
      %ne3A_630 = arith.cmpi ne, %rem3A_628, %ne3A_629 : i32
      %and3A_631 = arith.andi %ne3A_627, %ne3A_630 : i1
      %sub3A_632 = arith.constant 1 : i32
      %sub3A_633 = arith.subi %div3A_612, %sub3A_632 : i32
      %select_n3A_634 = arith.select %and3A_631, %sub3A_633, %div3A_612 : i32
      %jit3A_635 = arith.constant 50 : i32
      %eq3A_636 = arith.constant 0 : i32
      %eq3A_637 = arith.cmpi eq, %jit3A_635, %eq3A_636 : i32
      %jit3A_638 = arith.constant 1 : i32
      %select_n3A_639 = arith.select %eq3A_637, %jit3A_638, %jit3A_635 : i32
      %rem3A_640 = arith.remsi %add3A_608, %select_n3A_639 : i32
      %ne3A_641 = arith.constant 0 : i32
      %ne3A_642 = arith.cmpi ne, %rem3A_640, %ne3A_641 : i32
      %lt3A_643 = arith.constant 0 : i32
      %lt3A_644 = arith.cmpi slt, %rem3A_640, %lt3A_643 : i32
      %lt3A_645 = arith.constant 0 : i32
      %lt3A_646 = arith.cmpi slt, %select_n3A_639, %lt3A_645 : i32
      %ne3A_647 = arith.xori %lt3A_644, %lt3A_646 : i1
      %and3A_648 = arith.andi %ne3A_647, %ne3A_642 : i1
      %add3A_649 = arith.addi %rem3A_640, %select_n3A_639 : i32
      %select_n3A_650 = arith.select %and3A_648, %add3A_649, %rem3A_640 : i32
      %dma_start3A_651 = arith.constant 0 : i32
      %dma_start3A_652 = arith.constant 0 : i32
      %dma_start3A_653 = tpu.memref_slice %arg6[%select_n3A_634, %dma_start3A_651, %dma_start3A_652] : memref<8x50x64xf32, #tpu.memory_space<vmem>> -> memref<1x50x64xf32, #tpu.memory_space<vmem>>
      %dma_start3A_654 = tpu.memref_squeeze %dma_start3A_653 : memref<1x50x64xf32, #tpu.memory_space<vmem>> -> memref<50x64xf32, #tpu.memory_space<vmem>>
      %dma_start3A_655 = arith.constant 0 : i32
      %dma_start3A_656 = tpu.memref_slice %dma_start3A_654[%select_n3A_650, %dma_start3A_655] : memref<50x64xf32, #tpu.memory_space<vmem>> -> memref<1x64xf32, #tpu.memory_space<vmem>>
      %dma_start3A_657 = arith.constant 0 : i32
      %dma_start3A_658 = tpu.memref_slice %arg3[%squeeze3A_610, %dma_start3A_657] : memref<1000000x64xf32, #tpu.memory_space<hbm>> -> memref<1x64xf32, #tpu.memory_space<hbm>>
      %dma_start3A_659 = arith.constant 0 : i32
      %dma_start3A_660 = arith.constant 0 : i32
      %dma_start3A_661 = tpu.memref_slice %arg6[%select_n3A_634, %dma_start3A_659, %dma_start3A_660] : memref<8x50x64xf32, #tpu.memory_space<vmem>> -> memref<1x50x64xf32, #tpu.memory_space<vmem>>
      %dma_start3A_662 = tpu.memref_squeeze %dma_start3A_661 : memref<1x50x64xf32, #tpu.memory_space<vmem>> -> memref<50x64xf32, #tpu.memory_space<vmem>>
      %dma_start3A_663 = arith.constant 0 : i32
      %dma_start3A_664 = tpu.memref_slice %dma_start3A_662[%select_n3A_650, %dma_start3A_663] : memref<50x64xf32, #tpu.memory_space<vmem>> -> memref<1x64xf32, #tpu.memory_space<vmem>>
      %dma_start3A_665 = arith.constant 0 : i32
      %dma_start3A_666 = tpu.memref_slice %arg3[%squeeze3A_610, %dma_start3A_665] : memref<1000000x64xf32, #tpu.memory_space<hbm>> -> memref<1x64xf32, #tpu.memory_space<hbm>>
      tpu.enqueue_dma source(%dma_start3A_666 : memref<1x64xf32, #tpu.memory_space<hbm>>) target(%dma_start3A_664 : memref<1x64xf32, #tpu.memory_space<vmem>>) target_semaphore(%arg8 : memref<!tpu.dma_semaphore, #tpu.memory_space<semaphore_mem>>)
      %add3A_667 = arith.constant 10 : i32
      %add3A_668 = arith.addi %mul3A_74, %add3A_667 : i32
      %slice3A_669 = vector.extract_strided_slice %get3A_78 {offsets = [10], sizes = [1], strides = [1]} : vector<16xi32> to vector<1xi32>
      %squeeze3A_670 = vector.extract %slice3A_669[0] : i32 from vector<1xi32>
      %jit3A_671 = arith.constant 50 : i32
      %div3A_672 = arith.divsi %add3A_668, %jit3A_671 : i32
      %sign3A_673 = arith.constant 0 : i32
      %sign3A_674 = arith.cmpi sgt, %add3A_668, %sign3A_673 : i32
      %sign3A_675 = arith.extui %sign3A_674 : i1 to i32
      %sign3A_676 = arith.constant 0 : i32
      %sign3A_677 = arith.cmpi slt, %add3A_668, %sign3A_676 : i32
      %sign3A_678 = arith.extui %sign3A_677 : i1 to i32
      %sign3A_679 = arith.subi %sign3A_675, %sign3A_678 : i32
      %sign3A_680 = arith.constant 0 : i32
      %sign3A_681 = arith.cmpi sgt, %jit3A_671, %sign3A_680 : i32
      %sign3A_682 = arith.extui %sign3A_681 : i1 to i32
      %sign3A_683 = arith.constant 0 : i32
      %sign3A_684 = arith.cmpi slt, %jit3A_671, %sign3A_683 : i32
      %sign3A_685 = arith.extui %sign3A_684 : i1 to i32
      %sign3A_686 = arith.subi %sign3A_682, %sign3A_685 : i32
      %ne3A_687 = arith.cmpi ne, %sign3A_679, %sign3A_686 : i32
      %rem3A_688 = arith.remsi %add3A_668, %jit3A_671 : i32
      %ne3A_689 = arith.constant 0 : i32
      %ne3A_690 = arith.cmpi ne, %rem3A_688, %ne3A_689 : i32
      %and3A_691 = arith.andi %ne3A_687, %ne3A_690 : i1
      %sub3A_692 = arith.constant 1 : i32
      %sub3A_693 = arith.subi %div3A_672, %sub3A_692 : i32
      %select_n3A_694 = arith.select %and3A_691, %sub3A_693, %div3A_672 : i32
      %jit3A_695 = arith.constant 50 : i32
      %eq3A_696 = arith.constant 0 : i32
      %eq3A_697 = arith.cmpi eq, %jit3A_695, %eq3A_696 : i32
      %jit3A_698 = arith.constant 1 : i32
      %select_n3A_699 = arith.select %eq3A_697, %jit3A_698, %jit3A_695 : i32
      %rem3A_700 = arith.remsi %add3A_668, %select_n3A_699 : i32
      %ne3A_701 = arith.constant 0 : i32
      %ne3A_702 = arith.cmpi ne, %rem3A_700, %ne3A_701 : i32
      %lt3A_703 = arith.constant 0 : i32
      %lt3A_704 = arith.cmpi slt, %rem3A_700, %lt3A_703 : i32
      %lt3A_705 = arith.constant 0 : i32
      %lt3A_706 = arith.cmpi slt, %select_n3A_699, %lt3A_705 : i32
      %ne3A_707 = arith.xori %lt3A_704, %lt3A_706 : i1
      %and3A_708 = arith.andi %ne3A_707, %ne3A_702 : i1
      %add3A_709 = arith.addi %rem3A_700, %select_n3A_699 : i32
      %select_n3A_710 = arith.select %and3A_708, %add3A_709, %rem3A_700 : i32
      %dma_start3A_711 = arith.constant 0 : i32
      %dma_start3A_712 = arith.constant 0 : i32
      %dma_start3A_713 = tpu.memref_slice %arg6[%select_n3A_694, %dma_start3A_711, %dma_start3A_712] : memref<8x50x64xf32, #tpu.memory_space<vmem>> -> memref<1x50x64xf32, #tpu.memory_space<vmem>>
      %dma_start3A_714 = tpu.memref_squeeze %dma_start3A_713 : memref<1x50x64xf32, #tpu.memory_space<vmem>> -> memref<50x64xf32, #tpu.memory_space<vmem>>
      %dma_start3A_715 = arith.constant 0 : i32
      %dma_start3A_716 = tpu.memref_slice %dma_start3A_714[%select_n3A_710, %dma_start3A_715] : memref<50x64xf32, #tpu.memory_space<vmem>> -> memref<1x64xf32, #tpu.memory_space<vmem>>
      %dma_start3A_717 = arith.constant 0 : i32
      %dma_start3A_718 = tpu.memref_slice %arg3[%squeeze3A_670, %dma_start3A_717] : memref<1000000x64xf32, #tpu.memory_space<hbm>> -> memref<1x64xf32, #tpu.memory_space<hbm>>
      %dma_start3A_719 = arith.constant 0 : i32
      %dma_start3A_720 = arith.constant 0 : i32
      %dma_start3A_721 = tpu.memref_slice %arg6[%select_n3A_694, %dma_start3A_719, %dma_start3A_720] : memref<8x50x64xf32, #tpu.memory_space<vmem>> -> memref<1x50x64xf32, #tpu.memory_space<vmem>>
      %dma_start3A_722 = tpu.memref_squeeze %dma_start3A_721 : memref<1x50x64xf32, #tpu.memory_space<vmem>> -> memref<50x64xf32, #tpu.memory_space<vmem>>
      %dma_start3A_723 = arith.constant 0 : i32
      %dma_start3A_724 = tpu.memref_slice %dma_start3A_722[%select_n3A_710, %dma_start3A_723] : memref<50x64xf32, #tpu.memory_space<vmem>> -> memref<1x64xf32, #tpu.memory_space<vmem>>
      %dma_start3A_725 = arith.constant 0 : i32
      %dma_start3A_726 = tpu.memref_slice %arg3[%squeeze3A_670, %dma_start3A_725] : memref<1000000x64xf32, #tpu.memory_space<hbm>> -> memref<1x64xf32, #tpu.memory_space<hbm>>
      tpu.enqueue_dma source(%dma_start3A_726 : memref<1x64xf32, #tpu.memory_space<hbm>>) target(%dma_start3A_724 : memref<1x64xf32, #tpu.memory_space<vmem>>) target_semaphore(%arg8 : memref<!tpu.dma_semaphore, #tpu.memory_space<semaphore_mem>>)
      %add3A_727 = arith.constant 11 : i32
      %add3A_728 = arith.addi %mul3A_74, %add3A_727 : i32
      %slice3A_729 = vector.extract_strided_slice %get3A_78 {offsets = [11], sizes = [1], strides = [1]} : vector<16xi32> to vector<1xi32>
      %squeeze3A_730 = vector.extract %slice3A_729[0] : i32 from vector<1xi32>
      %jit3A_731 = arith.constant 50 : i32
      %div3A_732 = arith.divsi %add3A_728, %jit3A_731 : i32
      %sign3A_733 = arith.constant 0 : i32
      %sign3A_734 = arith.cmpi sgt, %add3A_728, %sign3A_733 : i32
      %sign3A_735 = arith.extui %sign3A_734 : i1 to i32
      %sign3A_736 = arith.constant 0 : i32
      %sign3A_737 = arith.cmpi slt, %add3A_728, %sign3A_736 : i32
      %sign3A_738 = arith.extui %sign3A_737 : i1 to i32
      %sign3A_739 = arith.subi %sign3A_735, %sign3A_738 : i32
      %sign3A_740 = arith.constant 0 : i32
      %sign3A_741 = arith.cmpi sgt, %jit3A_731, %sign3A_740 : i32
      %sign3A_742 = arith.extui %sign3A_741 : i1 to i32
      %sign3A_743 = arith.constant 0 : i32
      %sign3A_744 = arith.cmpi slt, %jit3A_731, %sign3A_743 : i32
      %sign3A_745 = arith.extui %sign3A_744 : i1 to i32
      %sign3A_746 = arith.subi %sign3A_742, %sign3A_745 : i32
      %ne3A_747 = arith.cmpi ne, %sign3A_739, %sign3A_746 : i32
      %rem3A_748 = arith.remsi %add3A_728, %jit3A_731 : i32
      %ne3A_749 = arith.constant 0 : i32
      %ne3A_750 = arith.cmpi ne, %rem3A_748, %ne3A_749 : i32
      %and3A_751 = arith.andi %ne3A_747, %ne3A_750 : i1
      %sub3A_752 = arith.constant 1 : i32
      %sub3A_753 = arith.subi %div3A_732, %sub3A_752 : i32
      %select_n3A_754 = arith.select %and3A_751, %sub3A_753, %div3A_732 : i32
      %jit3A_755 = arith.constant 50 : i32
      %eq3A_756 = arith.constant 0 : i32
      %eq3A_757 = arith.cmpi eq, %jit3A_755, %eq3A_756 : i32
      %jit3A_758 = arith.constant 1 : i32
      %select_n3A_759 = arith.select %eq3A_757, %jit3A_758, %jit3A_755 : i32
      %rem3A_760 = arith.remsi %add3A_728, %select_n3A_759 : i32
      %ne3A_761 = arith.constant 0 : i32
      %ne3A_762 = arith.cmpi ne, %rem3A_760, %ne3A_761 : i32
      %lt3A_763 = arith.constant 0 : i32
      %lt3A_764 = arith.cmpi slt, %rem3A_760, %lt3A_763 : i32
      %lt3A_765 = arith.constant 0 : i32
      %lt3A_766 = arith.cmpi slt, %select_n3A_759, %lt3A_765 : i32
      %ne3A_767 = arith.xori %lt3A_764, %lt3A_766 : i1
      %and3A_768 = arith.andi %ne3A_767, %ne3A_762 : i1
      %add3A_769 = arith.addi %rem3A_760, %select_n3A_759 : i32
      %select_n3A_770 = arith.select %and3A_768, %add3A_769, %rem3A_760 : i32
      %dma_start3A_771 = arith.constant 0 : i32
      %dma_start3A_772 = arith.constant 0 : i32
      %dma_start3A_773 = tpu.memref_slice %arg6[%select_n3A_754, %dma_start3A_771, %dma_start3A_772] : memref<8x50x64xf32, #tpu.memory_space<vmem>> -> memref<1x50x64xf32, #tpu.memory_space<vmem>>
      %dma_start3A_774 = tpu.memref_squeeze %dma_start3A_773 : memref<1x50x64xf32, #tpu.memory_space<vmem>> -> memref<50x64xf32, #tpu.memory_space<vmem>>
      %dma_start3A_775 = arith.constant 0 : i32
      %dma_start3A_776 = tpu.memref_slice %dma_start3A_774[%select_n3A_770, %dma_start3A_775] : memref<50x64xf32, #tpu.memory_space<vmem>> -> memref<1x64xf32, #tpu.memory_space<vmem>>
      %dma_start3A_777 = arith.constant 0 : i32
      %dma_start3A_778 = tpu.memref_slice %arg3[%squeeze3A_730, %dma_start3A_777] : memref<1000000x64xf32, #tpu.memory_space<hbm>> -> memref<1x64xf32, #tpu.memory_space<hbm>>
      %dma_start3A_779 = arith.constant 0 : i32
      %dma_start3A_780 = arith.constant 0 : i32
      %dma_start3A_781 = tpu.memref_slice %arg6[%select_n3A_754, %dma_start3A_779, %dma_start3A_780] : memref<8x50x64xf32, #tpu.memory_space<vmem>> -> memref<1x50x64xf32, #tpu.memory_space<vmem>>
      %dma_start3A_782 = tpu.memref_squeeze %dma_start3A_781 : memref<1x50x64xf32, #tpu.memory_space<vmem>> -> memref<50x64xf32, #tpu.memory_space<vmem>>
      %dma_start3A_783 = arith.constant 0 : i32
      %dma_start3A_784 = tpu.memref_slice %dma_start3A_782[%select_n3A_770, %dma_start3A_783] : memref<50x64xf32, #tpu.memory_space<vmem>> -> memref<1x64xf32, #tpu.memory_space<vmem>>
      %dma_start3A_785 = arith.constant 0 : i32
      %dma_start3A_786 = tpu.memref_slice %arg3[%squeeze3A_730, %dma_start3A_785] : memref<1000000x64xf32, #tpu.memory_space<hbm>> -> memref<1x64xf32, #tpu.memory_space<hbm>>
      tpu.enqueue_dma source(%dma_start3A_786 : memref<1x64xf32, #tpu.memory_space<hbm>>) target(%dma_start3A_784 : memref<1x64xf32, #tpu.memory_space<vmem>>) target_semaphore(%arg8 : memref<!tpu.dma_semaphore, #tpu.memory_space<semaphore_mem>>)
      %add3A_787 = arith.constant 12 : i32
      %add3A_788 = arith.addi %mul3A_74, %add3A_787 : i32
      %slice3A_789 = vector.extract_strided_slice %get3A_78 {offsets = [12], sizes = [1], strides = [1]} : vector<16xi32> to vector<1xi32>
      %squeeze3A_790 = vector.extract %slice3A_789[0] : i32 from vector<1xi32>
      %jit3A_791 = arith.constant 50 : i32
      %div3A_792 = arith.divsi %add3A_788, %jit3A_791 : i32
      %sign3A_793 = arith.constant 0 : i32
      %sign3A_794 = arith.cmpi sgt, %add3A_788, %sign3A_793 : i32
      %sign3A_795 = arith.extui %sign3A_794 : i1 to i32
      %sign3A_796 = arith.constant 0 : i32
      %sign3A_797 = arith.cmpi slt, %add3A_788, %sign3A_796 : i32
      %sign3A_798 = arith.extui %sign3A_797 : i1 to i32
      %sign3A_799 = arith.subi %sign3A_795, %sign3A_798 : i32
      %sign3A_800 = arith.constant 0 : i32
      %sign3A_801 = arith.cmpi sgt, %jit3A_791, %sign3A_800 : i32
      %sign3A_802 = arith.extui %sign3A_801 : i1 to i32
      %sign3A_803 = arith.constant 0 : i32
      %sign3A_804 = arith.cmpi slt, %jit3A_791, %sign3A_803 : i32
      %sign3A_805 = arith.extui %sign3A_804 : i1 to i32
      %sign3A_806 = arith.subi %sign3A_802, %sign3A_805 : i32
      %ne3A_807 = arith.cmpi ne, %sign3A_799, %sign3A_806 : i32
      %rem3A_808 = arith.remsi %add3A_788, %jit3A_791 : i32
      %ne3A_809 = arith.constant 0 : i32
      %ne3A_810 = arith.cmpi ne, %rem3A_808, %ne3A_809 : i32
      %and3A_811 = arith.andi %ne3A_807, %ne3A_810 : i1
      %sub3A_812 = arith.constant 1 : i32
      %sub3A_813 = arith.subi %div3A_792, %sub3A_812 : i32
      %select_n3A_814 = arith.select %and3A_811, %sub3A_813, %div3A_792 : i32
      %jit3A_815 = arith.constant 50 : i32
      %eq3A_816 = arith.constant 0 : i32
      %eq3A_817 = arith.cmpi eq, %jit3A_815, %eq3A_816 : i32
      %jit3A_818 = arith.constant 1 : i32
      %select_n3A_819 = arith.select %eq3A_817, %jit3A_818, %jit3A_815 : i32
      %rem3A_820 = arith.remsi %add3A_788, %select_n3A_819 : i32
      %ne3A_821 = arith.constant 0 : i32
      %ne3A_822 = arith.cmpi ne, %rem3A_820, %ne3A_821 : i32
      %lt3A_823 = arith.constant 0 : i32
      %lt3A_824 = arith.cmpi slt, %rem3A_820, %lt3A_823 : i32
      %lt3A_825 = arith.constant 0 : i32
      %lt3A_826 = arith.cmpi slt, %select_n3A_819, %lt3A_825 : i32
      %ne3A_827 = arith.xori %lt3A_824, %lt3A_826 : i1
      %and3A_828 = arith.andi %ne3A_827, %ne3A_822 : i1
      %add3A_829 = arith.addi %rem3A_820, %select_n3A_819 : i32
      %select_n3A_830 = arith.select %and3A_828, %add3A_829, %rem3A_820 : i32
      %dma_start3A_831 = arith.constant 0 : i32
      %dma_start3A_832 = arith.constant 0 : i32
      %dma_start3A_833 = tpu.memref_slice %arg6[%select_n3A_814, %dma_start3A_831, %dma_start3A_832] : memref<8x50x64xf32, #tpu.memory_space<vmem>> -> memref<1x50x64xf32, #tpu.memory_space<vmem>>
      %dma_start3A_834 = tpu.memref_squeeze %dma_start3A_833 : memref<1x50x64xf32, #tpu.memory_space<vmem>> -> memref<50x64xf32, #tpu.memory_space<vmem>>
      %dma_start3A_835 = arith.constant 0 : i32
      %dma_start3A_836 = tpu.memref_slice %dma_start3A_834[%select_n3A_830, %dma_start3A_835] : memref<50x64xf32, #tpu.memory_space<vmem>> -> memref<1x64xf32, #tpu.memory_space<vmem>>
      %dma_start3A_837 = arith.constant 0 : i32
      %dma_start3A_838 = tpu.memref_slice %arg3[%squeeze3A_790, %dma_start3A_837] : memref<1000000x64xf32, #tpu.memory_space<hbm>> -> memref<1x64xf32, #tpu.memory_space<hbm>>
      %dma_start3A_839 = arith.constant 0 : i32
      %dma_start3A_840 = arith.constant 0 : i32
      %dma_start3A_841 = tpu.memref_slice %arg6[%select_n3A_814, %dma_start3A_839, %dma_start3A_840] : memref<8x50x64xf32, #tpu.memory_space<vmem>> -> memref<1x50x64xf32, #tpu.memory_space<vmem>>
      %dma_start3A_842 = tpu.memref_squeeze %dma_start3A_841 : memref<1x50x64xf32, #tpu.memory_space<vmem>> -> memref<50x64xf32, #tpu.memory_space<vmem>>
      %dma_start3A_843 = arith.constant 0 : i32
      %dma_start3A_844 = tpu.memref_slice %dma_start3A_842[%select_n3A_830, %dma_start3A_843] : memref<50x64xf32, #tpu.memory_space<vmem>> -> memref<1x64xf32, #tpu.memory_space<vmem>>
      %dma_start3A_845 = arith.constant 0 : i32
      %dma_start3A_846 = tpu.memref_slice %arg3[%squeeze3A_790, %dma_start3A_845] : memref<1000000x64xf32, #tpu.memory_space<hbm>> -> memref<1x64xf32, #tpu.memory_space<hbm>>
      tpu.enqueue_dma source(%dma_start3A_846 : memref<1x64xf32, #tpu.memory_space<hbm>>) target(%dma_start3A_844 : memref<1x64xf32, #tpu.memory_space<vmem>>) target_semaphore(%arg8 : memref<!tpu.dma_semaphore, #tpu.memory_space<semaphore_mem>>)
      %add3A_847 = arith.constant 13 : i32
      %add3A_848 = arith.addi %mul3A_74, %add3A_847 : i32
      %slice3A_849 = vector.extract_strided_slice %get3A_78 {offsets = [13], sizes = [1], strides = [1]} : vector<16xi32> to vector<1xi32>
      %squeeze3A_850 = vector.extract %slice3A_849[0] : i32 from vector<1xi32>
      %jit3A_851 = arith.constant 50 : i32
      %div3A_852 = arith.divsi %add3A_848, %jit3A_851 : i32
      %sign3A_853 = arith.constant 0 : i32
      %sign3A_854 = arith.cmpi sgt, %add3A_848, %sign3A_853 : i32
      %sign3A_855 = arith.extui %sign3A_854 : i1 to i32
      %sign3A_856 = arith.constant 0 : i32
      %sign3A_857 = arith.cmpi slt, %add3A_848, %sign3A_856 : i32
      %sign3A_858 = arith.extui %sign3A_857 : i1 to i32
      %sign3A_859 = arith.subi %sign3A_855, %sign3A_858 : i32
      %sign3A_860 = arith.constant 0 : i32
      %sign3A_861 = arith.cmpi sgt, %jit3A_851, %sign3A_860 : i32
      %sign3A_862 = arith.extui %sign3A_861 : i1 to i32
      %sign3A_863 = arith.constant 0 : i32
      %sign3A_864 = arith.cmpi slt, %jit3A_851, %sign3A_863 : i32
      %sign3A_865 = arith.extui %sign3A_864 : i1 to i32
      %sign3A_866 = arith.subi %sign3A_862, %sign3A_865 : i32
      %ne3A_867 = arith.cmpi ne, %sign3A_859, %sign3A_866 : i32
      %rem3A_868 = arith.remsi %add3A_848, %jit3A_851 : i32
      %ne3A_869 = arith.constant 0 : i32
      %ne3A_870 = arith.cmpi ne, %rem3A_868, %ne3A_869 : i32
      %and3A_871 = arith.andi %ne3A_867, %ne3A_870 : i1
      %sub3A_872 = arith.constant 1 : i32
      %sub3A_873 = arith.subi %div3A_852, %sub3A_872 : i32
      %select_n3A_874 = arith.select %and3A_871, %sub3A_873, %div3A_852 : i32
      %jit3A_875 = arith.constant 50 : i32
      %eq3A_876 = arith.constant 0 : i32
      %eq3A_877 = arith.cmpi eq, %jit3A_875, %eq3A_876 : i32
      %jit3A_878 = arith.constant 1 : i32
      %select_n3A_879 = arith.select %eq3A_877, %jit3A_878, %jit3A_875 : i32
      %rem3A_880 = arith.remsi %add3A_848, %select_n3A_879 : i32
      %ne3A_881 = arith.constant 0 : i32
      %ne3A_882 = arith.cmpi ne, %rem3A_880, %ne3A_881 : i32
      %lt3A_883 = arith.constant 0 : i32
      %lt3A_884 = arith.cmpi slt, %rem3A_880, %lt3A_883 : i32
      %lt3A_885 = arith.constant 0 : i32
      %lt3A_886 = arith.cmpi slt, %select_n3A_879, %lt3A_885 : i32
      %ne3A_887 = arith.xori %lt3A_884, %lt3A_886 : i1
      %and3A_888 = arith.andi %ne3A_887, %ne3A_882 : i1
      %add3A_889 = arith.addi %rem3A_880, %select_n3A_879 : i32
      %select_n3A_890 = arith.select %and3A_888, %add3A_889, %rem3A_880 : i32
      %dma_start3A_891 = arith.constant 0 : i32
      %dma_start3A_892 = arith.constant 0 : i32
      %dma_start3A_893 = tpu.memref_slice %arg6[%select_n3A_874, %dma_start3A_891, %dma_start3A_892] : memref<8x50x64xf32, #tpu.memory_space<vmem>> -> memref<1x50x64xf32, #tpu.memory_space<vmem>>
      %dma_start3A_894 = tpu.memref_squeeze %dma_start3A_893 : memref<1x50x64xf32, #tpu.memory_space<vmem>> -> memref<50x64xf32, #tpu.memory_space<vmem>>
      %dma_start3A_895 = arith.constant 0 : i32
      %dma_start3A_896 = tpu.memref_slice %dma_start3A_894[%select_n3A_890, %dma_start3A_895] : memref<50x64xf32, #tpu.memory_space<vmem>> -> memref<1x64xf32, #tpu.memory_space<vmem>>
      %dma_start3A_897 = arith.constant 0 : i32
      %dma_start3A_898 = tpu.memref_slice %arg3[%squeeze3A_850, %dma_start3A_897] : memref<1000000x64xf32, #tpu.memory_space<hbm>> -> memref<1x64xf32, #tpu.memory_space<hbm>>
      %dma_start3A_899 = arith.constant 0 : i32
      %dma_start3A_900 = arith.constant 0 : i32
      %dma_start3A_901 = tpu.memref_slice %arg6[%select_n3A_874, %dma_start3A_899, %dma_start3A_900] : memref<8x50x64xf32, #tpu.memory_space<vmem>> -> memref<1x50x64xf32, #tpu.memory_space<vmem>>
      %dma_start3A_902 = tpu.memref_squeeze %dma_start3A_901 : memref<1x50x64xf32, #tpu.memory_space<vmem>> -> memref<50x64xf32, #tpu.memory_space<vmem>>
      %dma_start3A_903 = arith.constant 0 : i32
      %dma_start3A_904 = tpu.memref_slice %dma_start3A_902[%select_n3A_890, %dma_start3A_903] : memref<50x64xf32, #tpu.memory_space<vmem>> -> memref<1x64xf32, #tpu.memory_space<vmem>>
      %dma_start3A_905 = arith.constant 0 : i32
      %dma_start3A_906 = tpu.memref_slice %arg3[%squeeze3A_850, %dma_start3A_905] : memref<1000000x64xf32, #tpu.memory_space<hbm>> -> memref<1x64xf32, #tpu.memory_space<hbm>>
      tpu.enqueue_dma source(%dma_start3A_906 : memref<1x64xf32, #tpu.memory_space<hbm>>) target(%dma_start3A_904 : memref<1x64xf32, #tpu.memory_space<vmem>>) target_semaphore(%arg8 : memref<!tpu.dma_semaphore, #tpu.memory_space<semaphore_mem>>)
      %add3A_907 = arith.constant 14 : i32
      %add3A_908 = arith.addi %mul3A_74, %add3A_907 : i32
      %slice3A_909 = vector.extract_strided_slice %get3A_78 {offsets = [14], sizes = [1], strides = [1]} : vector<16xi32> to vector<1xi32>
      %squeeze3A_910 = vector.extract %slice3A_909[0] : i32 from vector<1xi32>
      %jit3A_911 = arith.constant 50 : i32
      %div3A_912 = arith.divsi %add3A_908, %jit3A_911 : i32
      %sign3A_913 = arith.constant 0 : i32
      %sign3A_914 = arith.cmpi sgt, %add3A_908, %sign3A_913 : i32
      %sign3A_915 = arith.extui %sign3A_914 : i1 to i32
      %sign3A_916 = arith.constant 0 : i32
      %sign3A_917 = arith.cmpi slt, %add3A_908, %sign3A_916 : i32
      %sign3A_918 = arith.extui %sign3A_917 : i1 to i32
      %sign3A_919 = arith.subi %sign3A_915, %sign3A_918 : i32
      %sign3A_920 = arith.constant 0 : i32
      %sign3A_921 = arith.cmpi sgt, %jit3A_911, %sign3A_920 : i32
      %sign3A_922 = arith.extui %sign3A_921 : i1 to i32
      %sign3A_923 = arith.constant 0 : i32
      %sign3A_924 = arith.cmpi slt, %jit3A_911, %sign3A_923 : i32
      %sign3A_925 = arith.extui %sign3A_924 : i1 to i32
      %sign3A_926 = arith.subi %sign3A_922, %sign3A_925 : i32
      %ne3A_927 = arith.cmpi ne, %sign3A_919, %sign3A_926 : i32
      %rem3A_928 = arith.remsi %add3A_908, %jit3A_911 : i32
      %ne3A_929 = arith.constant 0 : i32
      %ne3A_930 = arith.cmpi ne, %rem3A_928, %ne3A_929 : i32
      %and3A_931 = arith.andi %ne3A_927, %ne3A_930 : i1
      %sub3A_932 = arith.constant 1 : i32
      %sub3A_933 = arith.subi %div3A_912, %sub3A_932 : i32
      %select_n3A_934 = arith.select %and3A_931, %sub3A_933, %div3A_912 : i32
      %jit3A_935 = arith.constant 50 : i32
      %eq3A_936 = arith.constant 0 : i32
      %eq3A_937 = arith.cmpi eq, %jit3A_935, %eq3A_936 : i32
      %jit3A_938 = arith.constant 1 : i32
      %select_n3A_939 = arith.select %eq3A_937, %jit3A_938, %jit3A_935 : i32
      %rem3A_940 = arith.remsi %add3A_908, %select_n3A_939 : i32
      %ne3A_941 = arith.constant 0 : i32
      %ne3A_942 = arith.cmpi ne, %rem3A_940, %ne3A_941 : i32
      %lt3A_943 = arith.constant 0 : i32
      %lt3A_944 = arith.cmpi slt, %rem3A_940, %lt3A_943 : i32
      %lt3A_945 = arith.constant 0 : i32
      %lt3A_946 = arith.cmpi slt, %select_n3A_939, %lt3A_945 : i32
      %ne3A_947 = arith.xori %lt3A_944, %lt3A_946 : i1
      %and3A_948 = arith.andi %ne3A_947, %ne3A_942 : i1
      %add3A_949 = arith.addi %rem3A_940, %select_n3A_939 : i32
      %select_n3A_950 = arith.select %and3A_948, %add3A_949, %rem3A_940 : i32
      %dma_start3A_951 = arith.constant 0 : i32
      %dma_start3A_952 = arith.constant 0 : i32
      %dma_start3A_953 = tpu.memref_slice %arg6[%select_n3A_934, %dma_start3A_951, %dma_start3A_952] : memref<8x50x64xf32, #tpu.memory_space<vmem>> -> memref<1x50x64xf32, #tpu.memory_space<vmem>>
      %dma_start3A_954 = tpu.memref_squeeze %dma_start3A_953 : memref<1x50x64xf32, #tpu.memory_space<vmem>> -> memref<50x64xf32, #tpu.memory_space<vmem>>
      %dma_start3A_955 = arith.constant 0 : i32
      %dma_start3A_956 = tpu.memref_slice %dma_start3A_954[%select_n3A_950, %dma_start3A_955] : memref<50x64xf32, #tpu.memory_space<vmem>> -> memref<1x64xf32, #tpu.memory_space<vmem>>
      %dma_start3A_957 = arith.constant 0 : i32
      %dma_start3A_958 = tpu.memref_slice %arg3[%squeeze3A_910, %dma_start3A_957] : memref<1000000x64xf32, #tpu.memory_space<hbm>> -> memref<1x64xf32, #tpu.memory_space<hbm>>
      %dma_start3A_959 = arith.constant 0 : i32
      %dma_start3A_960 = arith.constant 0 : i32
      %dma_start3A_961 = tpu.memref_slice %arg6[%select_n3A_934, %dma_start3A_959, %dma_start3A_960] : memref<8x50x64xf32, #tpu.memory_space<vmem>> -> memref<1x50x64xf32, #tpu.memory_space<vmem>>
      %dma_start3A_962 = tpu.memref_squeeze %dma_start3A_961 : memref<1x50x64xf32, #tpu.memory_space<vmem>> -> memref<50x64xf32, #tpu.memory_space<vmem>>
      %dma_start3A_963 = arith.constant 0 : i32
      %dma_start3A_964 = tpu.memref_slice %dma_start3A_962[%select_n3A_950, %dma_start3A_963] : memref<50x64xf32, #tpu.memory_space<vmem>> -> memref<1x64xf32, #tpu.memory_space<vmem>>
      %dma_start3A_965 = arith.constant 0 : i32
      %dma_start3A_966 = tpu.memref_slice %arg3[%squeeze3A_910, %dma_start3A_965] : memref<1000000x64xf32, #tpu.memory_space<hbm>> -> memref<1x64xf32, #tpu.memory_space<hbm>>
      tpu.enqueue_dma source(%dma_start3A_966 : memref<1x64xf32, #tpu.memory_space<hbm>>) target(%dma_start3A_964 : memref<1x64xf32, #tpu.memory_space<vmem>>) target_semaphore(%arg8 : memref<!tpu.dma_semaphore, #tpu.memory_space<semaphore_mem>>)
      %add3A_967 = arith.constant 15 : i32
      %add3A_968 = arith.addi %mul3A_74, %add3A_967 : i32
      %slice3A_969 = vector.extract_strided_slice %get3A_78 {offsets = [15], sizes = [1], strides = [1]} : vector<16xi32> to vector<1xi32>
      %squeeze3A_970 = vector.extract %slice3A_969[0] : i32 from vector<1xi32>
      %jit3A_971 = arith.constant 50 : i32
      %div3A_972 = arith.divsi %add3A_968, %jit3A_971 : i32
      %sign3A_973 = arith.constant 0 : i32
      %sign3A_974 = arith.cmpi sgt, %add3A_968, %sign3A_973 : i32
      %sign3A_975 = arith.extui %sign3A_974 : i1 to i32
      %sign3A_976 = arith.constant 0 : i32
      %sign3A_977 = arith.cmpi slt, %add3A_968, %sign3A_976 : i32
      %sign3A_978 = arith.extui %sign3A_977 : i1 to i32
      %sign3A_979 = arith.subi %sign3A_975, %sign3A_978 : i32
      %sign3A_980 = arith.constant 0 : i32
      %sign3A_981 = arith.cmpi sgt, %jit3A_971, %sign3A_980 : i32
      %sign3A_982 = arith.extui %sign3A_981 : i1 to i32
      %sign3A_983 = arith.constant 0 : i32
      %sign3A_984 = arith.cmpi slt, %jit3A_971, %sign3A_983 : i32
      %sign3A_985 = arith.extui %sign3A_984 : i1 to i32
      %sign3A_986 = arith.subi %sign3A_982, %sign3A_985 : i32
      %ne3A_987 = arith.cmpi ne, %sign3A_979, %sign3A_986 : i32
      %rem3A_988 = arith.remsi %add3A_968, %jit3A_971 : i32
      %ne3A_989 = arith.constant 0 : i32
      %ne3A_990 = arith.cmpi ne, %rem3A_988, %ne3A_989 : i32
      %and3A_991 = arith.andi %ne3A_987, %ne3A_990 : i1
      %sub3A_992 = arith.constant 1 : i32
      %sub3A_993 = arith.subi %div3A_972, %sub3A_992 : i32
      %select_n3A_994 = arith.select %and3A_991, %sub3A_993, %div3A_972 : i32
      %jit3A_995 = arith.constant 50 : i32
      %eq3A_996 = arith.constant 0 : i32
      %eq3A_997 = arith.cmpi eq, %jit3A_995, %eq3A_996 : i32
      %jit3A_998 = arith.constant 1 : i32
      %select_n3A_999 = arith.select %eq3A_997, %jit3A_998, %jit3A_995 : i32
      %rem3A_1000 = arith.remsi %add3A_968, %select_n3A_999 : i32
      %ne3A_1001 = arith.constant 0 : i32
      %ne3A_1002 = arith.cmpi ne, %rem3A_1000, %ne3A_1001 : i32
      %lt3A_1003 = arith.constant 0 : i32
      %lt3A_1004 = arith.cmpi slt, %rem3A_1000, %lt3A_1003 : i32
      %lt3A_1005 = arith.constant 0 : i32
      %lt3A_1006 = arith.cmpi slt, %select_n3A_999, %lt3A_1005 : i32
      %ne3A_1007 = arith.xori %lt3A_1004, %lt3A_1006 : i1
      %and3A_1008 = arith.andi %ne3A_1007, %ne3A_1002 : i1
      %add3A_1009 = arith.addi %rem3A_1000, %select_n3A_999 : i32
      %select_n3A_1010 = arith.select %and3A_1008, %add3A_1009, %rem3A_1000 : i32
      %dma_start3A_1011 = arith.constant 0 : i32
      %dma_start3A_1012 = arith.constant 0 : i32
      %dma_start3A_1013 = tpu.memref_slice %arg6[%select_n3A_994, %dma_start3A_1011, %dma_start3A_1012] : memref<8x50x64xf32, #tpu.memory_space<vmem>> -> memref<1x50x64xf32, #tpu.memory_space<vmem>>
      %dma_start3A_1014 = tpu.memref_squeeze %dma_start3A_1013 : memref<1x50x64xf32, #tpu.memory_space<vmem>> -> memref<50x64xf32, #tpu.memory_space<vmem>>
      %dma_start3A_1015 = arith.constant 0 : i32
      %dma_start3A_1016 = tpu.memref_slice %dma_start3A_1014[%select_n3A_1010, %dma_start3A_1015] : memref<50x64xf32, #tpu.memory_space<vmem>> -> memref<1x64xf32, #tpu.memory_space<vmem>>
      %dma_start3A_1017 = arith.constant 0 : i32
      %dma_start3A_1018 = tpu.memref_slice %arg3[%squeeze3A_970, %dma_start3A_1017] : memref<1000000x64xf32, #tpu.memory_space<hbm>> -> memref<1x64xf32, #tpu.memory_space<hbm>>
      %dma_start3A_1019 = arith.constant 0 : i32
      %dma_start3A_1020 = arith.constant 0 : i32
      %dma_start3A_1021 = tpu.memref_slice %arg6[%select_n3A_994, %dma_start3A_1019, %dma_start3A_1020] : memref<8x50x64xf32, #tpu.memory_space<vmem>> -> memref<1x50x64xf32, #tpu.memory_space<vmem>>
      %dma_start3A_1022 = tpu.memref_squeeze %dma_start3A_1021 : memref<1x50x64xf32, #tpu.memory_space<vmem>> -> memref<50x64xf32, #tpu.memory_space<vmem>>
      %dma_start3A_1023 = arith.constant 0 : i32
      %dma_start3A_1024 = tpu.memref_slice %dma_start3A_1022[%select_n3A_1010, %dma_start3A_1023] : memref<50x64xf32, #tpu.memory_space<vmem>> -> memref<1x64xf32, #tpu.memory_space<vmem>>
      %dma_start3A_1025 = arith.constant 0 : i32
      %dma_start3A_1026 = tpu.memref_slice %arg3[%squeeze3A_970, %dma_start3A_1025] : memref<1000000x64xf32, #tpu.memory_space<hbm>> -> memref<1x64xf32, #tpu.memory_space<hbm>>
      tpu.enqueue_dma source(%dma_start3A_1026 : memref<1x64xf32, #tpu.memory_space<hbm>>) target(%dma_start3A_1024 : memref<1x64xf32, #tpu.memory_space<vmem>>) target_semaphore(%arg8 : memref<!tpu.dma_semaphore, #tpu.memory_space<semaphore_mem>>)
      %scan3A_1027 = arith.constant 0 : i32
      scf.yield %scan3A_1027 : i32
    }
    %scan3A_10 = arith.constant 25 : i32
    %scan3A_11 = arith.constant 0 : i32
    %scan3A_12 = arith.constant 0 : i32
    %scan3A_13 = arith.constant 25 : i32
    %scan3A_14 = arith.addi %scan3A_12, %scan3A_13 : i32
    %scan3A_15 = arith.constant 1 : i32
    %scan3A_16 = scf.for %scan3A_71 = %scan3A_12 to %scan3A_14 step %scan3A_15 iter_args(%scan3A_72 = %scan3A_11) -> (i32)  : i32 {
      %mul3A_73 = arith.constant 16 : i32
      %mul3A_74 = arith.muli %scan3A_71, %mul3A_73 : i32
      %add3A_75 = arith.constant 400 : i32
      %add3A_76 = arith.addi %add3A_75, %mul3A_74 : i32
      %get3A = arith.index_cast %add3A_76 : i32 to index
      %get3A_77 = tpu.vector_load %arg5[%get3A] {strides = array<i32>} : memref<6400xi32, #tpu.memory_space<vmem>>, vector<16xi32>,
      %get3A_78 = vector.shape_cast %get3A_77 : vector<16xi32> to vector<16xi32>
      %add3A_79 = arith.constant 0 : i32
      %add3A_80 = arith.addi %mul3A_74, %add3A_79 : i32
      %slice3A = vector.extract_strided_slice %get3A_78 {offsets = [0], sizes = [1], strides = [1]} : vector<16xi32> to vector<1xi32>
      %squeeze3A = vector.extract %slice3A[0] : i32 from vector<1xi32>
      %jit3A = arith.constant 50 : i32
      %div3A = arith.divsi %add3A_80, %jit3A : i32
      %sign3A = arith.constant 0 : i32
      %sign3A_81 = arith.cmpi sgt, %add3A_80, %sign3A : i32
      %sign3A_82 = arith.extui %sign3A_81 : i1 to i32
      %sign3A_83 = arith.constant 0 : i32
      %sign3A_84 = arith.cmpi slt, %add3A_80, %sign3A_83 : i32
      %sign3A_85 = arith.extui %sign3A_84 : i1 to i32
      %sign3A_86 = arith.subi %sign3A_82, %sign3A_85 : i32
      %sign3A_87 = arith.constant 0 : i32
      %sign3A_88 = arith.cmpi sgt, %jit3A, %sign3A_87 : i32
      %sign3A_89 = arith.extui %sign3A_88 : i1 to i32
      %sign3A_90 = arith.constant 0 : i32
      %sign3A_91 = arith.cmpi slt, %jit3A, %sign3A_90 : i32
      %sign3A_92 = arith.extui %sign3A_91 : i1 to i32
      %sign3A_93 = arith.subi %sign3A_89, %sign3A_92 : i32
      %ne3A = arith.cmpi ne, %sign3A_86, %sign3A_93 : i32
      %rem3A = arith.remsi %add3A_80, %jit3A : i32
      %ne3A_94 = arith.constant 0 : i32
      %ne3A_95 = arith.cmpi ne, %rem3A, %ne3A_94 : i32
      %and3A = arith.andi %ne3A, %ne3A_95 : i1
      %sub3A = arith.constant 1 : i32
      %sub3A_96 = arith.subi %div3A, %sub3A : i32
      %select_n3A = arith.select %and3A, %sub3A_96, %div3A : i32
      %jit3A_97 = arith.constant 50 : i32
      %eq3A = arith.constant 0 : i32
      %eq3A_98 = arith.cmpi eq, %jit3A_97, %eq3A : i32
      %jit3A_99 = arith.constant 1 : i32
      %select_n3A_100 = arith.select %eq3A_98, %jit3A_99, %jit3A_97 : i32
      %rem3A_101 = arith.remsi %add3A_80, %select_n3A_100 : i32
      %ne3A_102 = arith.constant 0 : i32
      %ne3A_103 = arith.cmpi ne, %rem3A_101, %ne3A_102 : i32
      %lt3A = arith.constant 0 : i32
      %lt3A_104 = arith.cmpi slt, %rem3A_101, %lt3A : i32
      %lt3A_105 = arith.constant 0 : i32
      %lt3A_106 = arith.cmpi slt, %select_n3A_100, %lt3A_105 : i32
      %ne3A_107 = arith.xori %lt3A_104, %lt3A_106 : i1
      %and3A_108 = arith.andi %ne3A_107, %ne3A_103 : i1
      %add3A_109 = arith.addi %rem3A_101, %select_n3A_100 : i32
      %select_n3A_110 = arith.select %and3A_108, %add3A_109, %rem3A_101 : i32
      %dma_start3A_111 = arith.constant 0 : i32
      %dma_start3A_112 = arith.constant 0 : i32
      %dma_start3A_113 = tpu.memref_slice %arg7[%select_n3A, %dma_start3A_111, %dma_start3A_112] : memref<8x50x64xf32, #tpu.memory_space<vmem>> -> memref<1x50x64xf32, #tpu.memory_space<vmem>>
      %dma_start3A_114 = tpu.memref_squeeze %dma_start3A_113 : memref<1x50x64xf32, #tpu.memory_space<vmem>> -> memref<50x64xf32, #tpu.memory_space<vmem>>
      %dma_start3A_115 = arith.constant 0 : i32
      %dma_start3A_116 = tpu.memref_slice %dma_start3A_114[%select_n3A_110, %dma_start3A_115] : memref<50x64xf32, #tpu.memory_space<vmem>> -> memref<1x64xf32, #tpu.memory_space<vmem>>
      %dma_start3A_117 = arith.constant 0 : i32
      %dma_start3A_118 = tpu.memref_slice %arg3[%squeeze3A, %dma_start3A_117] : memref<1000000x64xf32, #tpu.memory_space<hbm>> -> memref<1x64xf32, #tpu.memory_space<hbm>>
      %dma_start3A_119 = arith.constant 0 : i32
      %dma_start3A_120 = arith.constant 0 : i32
      %dma_start3A_121 = tpu.memref_slice %arg7[%select_n3A, %dma_start3A_119, %dma_start3A_120] : memref<8x50x64xf32, #tpu.memory_space<vmem>> -> memref<1x50x64xf32, #tpu.memory_space<vmem>>
      %dma_start3A_122 = tpu.memref_squeeze %dma_start3A_121 : memref<1x50x64xf32, #tpu.memory_space<vmem>> -> memref<50x64xf32, #tpu.memory_space<vmem>>
      %dma_start3A_123 = arith.constant 0 : i32
      %dma_start3A_124 = tpu.memref_slice %dma_start3A_122[%select_n3A_110, %dma_start3A_123] : memref<50x64xf32, #tpu.memory_space<vmem>> -> memref<1x64xf32, #tpu.memory_space<vmem>>
      %dma_start3A_125 = arith.constant 0 : i32
      %dma_start3A_126 = tpu.memref_slice %arg3[%squeeze3A, %dma_start3A_125] : memref<1000000x64xf32, #tpu.memory_space<hbm>> -> memref<1x64xf32, #tpu.memory_space<hbm>>
      tpu.enqueue_dma source(%dma_start3A_126 : memref<1x64xf32, #tpu.memory_space<hbm>>) target(%dma_start3A_124 : memref<1x64xf32, #tpu.memory_space<vmem>>) target_semaphore(%arg9 : memref<!tpu.dma_semaphore, #tpu.memory_space<semaphore_mem>>)
      %add3A_127 = arith.constant 1 : i32
      %add3A_128 = arith.addi %mul3A_74, %add3A_127 : i32
      %slice3A_129 = vector.extract_strided_slice %get3A_78 {offsets = [1], sizes = [1], strides = [1]} : vector<16xi32> to vector<1xi32>
      %squeeze3A_130 = vector.extract %slice3A_129[0] : i32 from vector<1xi32>
      %jit3A_131 = arith.constant 50 : i32
      %div3A_132 = arith.divsi %add3A_128, %jit3A_131 : i32
      %sign3A_133 = arith.constant 0 : i32
      %sign3A_134 = arith.cmpi sgt, %add3A_128, %sign3A_133 : i32
      %sign3A_135 = arith.extui %sign3A_134 : i1 to i32
      %sign3A_136 = arith.constant 0 : i32
      %sign3A_137 = arith.cmpi slt, %add3A_128, %sign3A_136 : i32
      %sign3A_138 = arith.extui %sign3A_137 : i1 to i32
      %sign3A_139 = arith.subi %sign3A_135, %sign3A_138 : i32
      %sign3A_140 = arith.constant 0 : i32
      %sign3A_141 = arith.cmpi sgt, %jit3A_131, %sign3A_140 : i32
      %sign3A_142 = arith.extui %sign3A_141 : i1 to i32
      %sign3A_143 = arith.constant 0 : i32
      %sign3A_144 = arith.cmpi slt, %jit3A_131, %sign3A_143 : i32
      %sign3A_145 = arith.extui %sign3A_144 : i1 to i32
      %sign3A_146 = arith.subi %sign3A_142, %sign3A_145 : i32
      %ne3A_147 = arith.cmpi ne, %sign3A_139, %sign3A_146 : i32
      %rem3A_148 = arith.remsi %add3A_128, %jit3A_131 : i32
      %ne3A_149 = arith.constant 0 : i32
      %ne3A_150 = arith.cmpi ne, %rem3A_148, %ne3A_149 : i32
      %and3A_151 = arith.andi %ne3A_147, %ne3A_150 : i1
      %sub3A_152 = arith.constant 1 : i32
      %sub3A_153 = arith.subi %div3A_132, %sub3A_152 : i32
      %select_n3A_154 = arith.select %and3A_151, %sub3A_153, %div3A_132 : i32
      %jit3A_155 = arith.constant 50 : i32
      %eq3A_156 = arith.constant 0 : i32
      %eq3A_157 = arith.cmpi eq, %jit3A_155, %eq3A_156 : i32
      %jit3A_158 = arith.constant 1 : i32
      %select_n3A_159 = arith.select %eq3A_157, %jit3A_158, %jit3A_155 : i32
      %rem3A_160 = arith.remsi %add3A_128, %select_n3A_159 : i32
      %ne3A_161 = arith.constant 0 : i32
      %ne3A_162 = arith.cmpi ne, %rem3A_160, %ne3A_161 : i32
      %lt3A_163 = arith.constant 0 : i32
      %lt3A_164 = arith.cmpi slt, %rem3A_160, %lt3A_163 : i32
      %lt3A_165 = arith.constant 0 : i32
      %lt3A_166 = arith.cmpi slt, %select_n3A_159, %lt3A_165 : i32
      %ne3A_167 = arith.xori %lt3A_164, %lt3A_166 : i1
      %and3A_168 = arith.andi %ne3A_167, %ne3A_162 : i1
      %add3A_169 = arith.addi %rem3A_160, %select_n3A_159 : i32
      %select_n3A_170 = arith.select %and3A_168, %add3A_169, %rem3A_160 : i32
      %dma_start3A_171 = arith.constant 0 : i32
      %dma_start3A_172 = arith.constant 0 : i32
      %dma_start3A_173 = tpu.memref_slice %arg7[%select_n3A_154, %dma_start3A_171, %dma_start3A_172] : memref<8x50x64xf32, #tpu.memory_space<vmem>> -> memref<1x50x64xf32, #tpu.memory_space<vmem>>
      %dma_start3A_174 = tpu.memref_squeeze %dma_start3A_173 : memref<1x50x64xf32, #tpu.memory_space<vmem>> -> memref<50x64xf32, #tpu.memory_space<vmem>>
      %dma_start3A_175 = arith.constant 0 : i32
      %dma_start3A_176 = tpu.memref_slice %dma_start3A_174[%select_n3A_170, %dma_start3A_175] : memref<50x64xf32, #tpu.memory_space<vmem>> -> memref<1x64xf32, #tpu.memory_space<vmem>>
      %dma_start3A_177 = arith.constant 0 : i32
      %dma_start3A_178 = tpu.memref_slice %arg3[%squeeze3A_130, %dma_start3A_177] : memref<1000000x64xf32, #tpu.memory_space<hbm>> -> memref<1x64xf32, #tpu.memory_space<hbm>>
      %dma_start3A_179 = arith.constant 0 : i32
      %dma_start3A_180 = arith.constant 0 : i32
      %dma_start3A_181 = tpu.memref_slice %arg7[%select_n3A_154, %dma_start3A_179, %dma_start3A_180] : memref<8x50x64xf32, #tpu.memory_space<vmem>> -> memref<1x50x64xf32, #tpu.memory_space<vmem>>
      %dma_start3A_182 = tpu.memref_squeeze %dma_start3A_181 : memref<1x50x64xf32, #tpu.memory_space<vmem>> -> memref<50x64xf32, #tpu.memory_space<vmem>>
      %dma_start3A_183 = arith.constant 0 : i32
      %dma_start3A_184 = tpu.memref_slice %dma_start3A_182[%select_n3A_170, %dma_start3A_183] : memref<50x64xf32, #tpu.memory_space<vmem>> -> memref<1x64xf32, #tpu.memory_space<vmem>>
      %dma_start3A_185 = arith.constant 0 : i32
      %dma_start3A_186 = tpu.memref_slice %arg3[%squeeze3A_130, %dma_start3A_185] : memref<1000000x64xf32, #tpu.memory_space<hbm>> -> memref<1x64xf32, #tpu.memory_space<hbm>>
      tpu.enqueue_dma source(%dma_start3A_186 : memref<1x64xf32, #tpu.memory_space<hbm>>) target(%dma_start3A_184 : memref<1x64xf32, #tpu.memory_space<vmem>>) target_semaphore(%arg9 : memref<!tpu.dma_semaphore, #tpu.memory_space<semaphore_mem>>)
      %add3A_187 = arith.constant 2 : i32
      %add3A_188 = arith.addi %mul3A_74, %add3A_187 : i32
      %slice3A_189 = vector.extract_strided_slice %get3A_78 {offsets = [2], sizes = [1], strides = [1]} : vector<16xi32> to vector<1xi32>
      %squeeze3A_190 = vector.extract %slice3A_189[0] : i32 from vector<1xi32>
      %jit3A_191 = arith.constant 50 : i32
      %div3A_192 = arith.divsi %add3A_188, %jit3A_191 : i32
      %sign3A_193 = arith.constant 0 : i32
      %sign3A_194 = arith.cmpi sgt, %add3A_188, %sign3A_193 : i32
      %sign3A_195 = arith.extui %sign3A_194 : i1 to i32
      %sign3A_196 = arith.constant 0 : i32
      %sign3A_197 = arith.cmpi slt, %add3A_188, %sign3A_196 : i32
      %sign3A_198 = arith.extui %sign3A_197 : i1 to i32
      %sign3A_199 = arith.subi %sign3A_195, %sign3A_198 : i32
      %sign3A_200 = arith.constant 0 : i32
      %sign3A_201 = arith.cmpi sgt, %jit3A_191, %sign3A_200 : i32
      %sign3A_202 = arith.extui %sign3A_201 : i1 to i32
      %sign3A_203 = arith.constant 0 : i32
      %sign3A_204 = arith.cmpi slt, %jit3A_191, %sign3A_203 : i32
      %sign3A_205 = arith.extui %sign3A_204 : i1 to i32
      %sign3A_206 = arith.subi %sign3A_202, %sign3A_205 : i32
      %ne3A_207 = arith.cmpi ne, %sign3A_199, %sign3A_206 : i32
      %rem3A_208 = arith.remsi %add3A_188, %jit3A_191 : i32
      %ne3A_209 = arith.constant 0 : i32
      %ne3A_210 = arith.cmpi ne, %rem3A_208, %ne3A_209 : i32
      %and3A_211 = arith.andi %ne3A_207, %ne3A_210 : i1
      %sub3A_212 = arith.constant 1 : i32
      %sub3A_213 = arith.subi %div3A_192, %sub3A_212 : i32
      %select_n3A_214 = arith.select %and3A_211, %sub3A_213, %div3A_192 : i32
      %jit3A_215 = arith.constant 50 : i32
      %eq3A_216 = arith.constant 0 : i32
      %eq3A_217 = arith.cmpi eq, %jit3A_215, %eq3A_216 : i32
      %jit3A_218 = arith.constant 1 : i32
      %select_n3A_219 = arith.select %eq3A_217, %jit3A_218, %jit3A_215 : i32
      %rem3A_220 = arith.remsi %add3A_188, %select_n3A_219 : i32
      %ne3A_221 = arith.constant 0 : i32
      %ne3A_222 = arith.cmpi ne, %rem3A_220, %ne3A_221 : i32
      %lt3A_223 = arith.constant 0 : i32
      %lt3A_224 = arith.cmpi slt, %rem3A_220, %lt3A_223 : i32
      %lt3A_225 = arith.constant 0 : i32
      %lt3A_226 = arith.cmpi slt, %select_n3A_219, %lt3A_225 : i32
      %ne3A_227 = arith.xori %lt3A_224, %lt3A_226 : i1
      %and3A_228 = arith.andi %ne3A_227, %ne3A_222 : i1
      %add3A_229 = arith.addi %rem3A_220, %select_n3A_219 : i32
      %select_n3A_230 = arith.select %and3A_228, %add3A_229, %rem3A_220 : i32
      %dma_start3A_231 = arith.constant 0 : i32
      %dma_start3A_232 = arith.constant 0 : i32
      %dma_start3A_233 = tpu.memref_slice %arg7[%select_n3A_214, %dma_start3A_231, %dma_start3A_232] : memref<8x50x64xf32, #tpu.memory_space<vmem>> -> memref<1x50x64xf32, #tpu.memory_space<vmem>>
      %dma_start3A_234 = tpu.memref_squeeze %dma_start3A_233 : memref<1x50x64xf32, #tpu.memory_space<vmem>> -> memref<50x64xf32, #tpu.memory_space<vmem>>
      %dma_start3A_235 = arith.constant 0 : i32
      %dma_start3A_236 = tpu.memref_slice %dma_start3A_234[%select_n3A_230, %dma_start3A_235] : memref<50x64xf32, #tpu.memory_space<vmem>> -> memref<1x64xf32, #tpu.memory_space<vmem>>
      %dma_start3A_237 = arith.constant 0 : i32
      %dma_start3A_238 = tpu.memref_slice %arg3[%squeeze3A_190, %dma_start3A_237] : memref<1000000x64xf32, #tpu.memory_space<hbm>> -> memref<1x64xf32, #tpu.memory_space<hbm>>
      %dma_start3A_239 = arith.constant 0 : i32
      %dma_start3A_240 = arith.constant 0 : i32
      %dma_start3A_241 = tpu.memref_slice %arg7[%select_n3A_214, %dma_start3A_239, %dma_start3A_240] : memref<8x50x64xf32, #tpu.memory_space<vmem>> -> memref<1x50x64xf32, #tpu.memory_space<vmem>>
      %dma_start3A_242 = tpu.memref_squeeze %dma_start3A_241 : memref<1x50x64xf32, #tpu.memory_space<vmem>> -> memref<50x64xf32, #tpu.memory_space<vmem>>
      %dma_start3A_243 = arith.constant 0 : i32
      %dma_start3A_244 = tpu.memref_slice %dma_start3A_242[%select_n3A_230, %dma_start3A_243] : memref<50x64xf32, #tpu.memory_space<vmem>> -> memref<1x64xf32, #tpu.memory_space<vmem>>
      %dma_start3A_245 = arith.constant 0 : i32
      %dma_start3A_246 = tpu.memref_slice %arg3[%squeeze3A_190, %dma_start3A_245] : memref<1000000x64xf32, #tpu.memory_space<hbm>> -> memref<1x64xf32, #tpu.memory_space<hbm>>
      tpu.enqueue_dma source(%dma_start3A_246 : memref<1x64xf32, #tpu.memory_space<hbm>>) target(%dma_start3A_244 : memref<1x64xf32, #tpu.memory_space<vmem>>) target_semaphore(%arg9 : memref<!tpu.dma_semaphore, #tpu.memory_space<semaphore_mem>>)
      %add3A_247 = arith.constant 3 : i32
      %add3A_248 = arith.addi %mul3A_74, %add3A_247 : i32
      %slice3A_249 = vector.extract_strided_slice %get3A_78 {offsets = [3], sizes = [1], strides = [1]} : vector<16xi32> to vector<1xi32>
      %squeeze3A_250 = vector.extract %slice3A_249[0] : i32 from vector<1xi32>
      %jit3A_251 = arith.constant 50 : i32
      %div3A_252 = arith.divsi %add3A_248, %jit3A_251 : i32
      %sign3A_253 = arith.constant 0 : i32
      %sign3A_254 = arith.cmpi sgt, %add3A_248, %sign3A_253 : i32
      %sign3A_255 = arith.extui %sign3A_254 : i1 to i32
      %sign3A_256 = arith.constant 0 : i32
      %sign3A_257 = arith.cmpi slt, %add3A_248, %sign3A_256 : i32
      %sign3A_258 = arith.extui %sign3A_257 : i1 to i32
      %sign3A_259 = arith.subi %sign3A_255, %sign3A_258 : i32
      %sign3A_260 = arith.constant 0 : i32
      %sign3A_261 = arith.cmpi sgt, %jit3A_251, %sign3A_260 : i32
      %sign3A_262 = arith.extui %sign3A_261 : i1 to i32
      %sign3A_263 = arith.constant 0 : i32
      %sign3A_264 = arith.cmpi slt, %jit3A_251, %sign3A_263 : i32
      %sign3A_265 = arith.extui %sign3A_264 : i1 to i32
      %sign3A_266 = arith.subi %sign3A_262, %sign3A_265 : i32
      %ne3A_267 = arith.cmpi ne, %sign3A_259, %sign3A_266 : i32
      %rem3A_268 = arith.remsi %add3A_248, %jit3A_251 : i32
      %ne3A_269 = arith.constant 0 : i32
      %ne3A_270 = arith.cmpi ne, %rem3A_268, %ne3A_269 : i32
      %and3A_271 = arith.andi %ne3A_267, %ne3A_270 : i1
      %sub3A_272 = arith.constant 1 : i32
      %sub3A_273 = arith.subi %div3A_252, %sub3A_272 : i32
      %select_n3A_274 = arith.select %and3A_271, %sub3A_273, %div3A_252 : i32
      %jit3A_275 = arith.constant 50 : i32
      %eq3A_276 = arith.constant 0 : i32
      %eq3A_277 = arith.cmpi eq, %jit3A_275, %eq3A_276 : i32
      %jit3A_278 = arith.constant 1 : i32
      %select_n3A_279 = arith.select %eq3A_277, %jit3A_278, %jit3A_275 : i32
      %rem3A_280 = arith.remsi %add3A_248, %select_n3A_279 : i32
      %ne3A_281 = arith.constant 0 : i32
      %ne3A_282 = arith.cmpi ne, %rem3A_280, %ne3A_281 : i32
      %lt3A_283 = arith.constant 0 : i32
      %lt3A_284 = arith.cmpi slt, %rem3A_280, %lt3A_283 : i32
      %lt3A_285 = arith.constant 0 : i32
      %lt3A_286 = arith.cmpi slt, %select_n3A_279, %lt3A_285 : i32
      %ne3A_287 = arith.xori %lt3A_284, %lt3A_286 : i1
      %and3A_288 = arith.andi %ne3A_287, %ne3A_282 : i1
      %add3A_289 = arith.addi %rem3A_280, %select_n3A_279 : i32
      %select_n3A_290 = arith.select %and3A_288, %add3A_289, %rem3A_280 : i32
      %dma_start3A_291 = arith.constant 0 : i32
      %dma_start3A_292 = arith.constant 0 : i32
      %dma_start3A_293 = tpu.memref_slice %arg7[%select_n3A_274, %dma_start3A_291, %dma_start3A_292] : memref<8x50x64xf32, #tpu.memory_space<vmem>> -> memref<1x50x64xf32, #tpu.memory_space<vmem>>
      %dma_start3A_294 = tpu.memref_squeeze %dma_start3A_293 : memref<1x50x64xf32, #tpu.memory_space<vmem>> -> memref<50x64xf32, #tpu.memory_space<vmem>>
      %dma_start3A_295 = arith.constant 0 : i32
      %dma_start3A_296 = tpu.memref_slice %dma_start3A_294[%select_n3A_290, %dma_start3A_295] : memref<50x64xf32, #tpu.memory_space<vmem>> -> memref<1x64xf32, #tpu.memory_space<vmem>>
      %dma_start3A_297 = arith.constant 0 : i32
      %dma_start3A_298 = tpu.memref_slice %arg3[%squeeze3A_250, %dma_start3A_297] : memref<1000000x64xf32, #tpu.memory_space<hbm>> -> memref<1x64xf32, #tpu.memory_space<hbm>>
      %dma_start3A_299 = arith.constant 0 : i32
      %dma_start3A_300 = arith.constant 0 : i32
      %dma_start3A_301 = tpu.memref_slice %arg7[%select_n3A_274, %dma_start3A_299, %dma_start3A_300] : memref<8x50x64xf32, #tpu.memory_space<vmem>> -> memref<1x50x64xf32, #tpu.memory_space<vmem>>
      %dma_start3A_302 = tpu.memref_squeeze %dma_start3A_301 : memref<1x50x64xf32, #tpu.memory_space<vmem>> -> memref<50x64xf32, #tpu.memory_space<vmem>>
      %dma_start3A_303 = arith.constant 0 : i32
      %dma_start3A_304 = tpu.memref_slice %dma_start3A_302[%select_n3A_290, %dma_start3A_303] : memref<50x64xf32, #tpu.memory_space<vmem>> -> memref<1x64xf32, #tpu.memory_space<vmem>>
      %dma_start3A_305 = arith.constant 0 : i32
      %dma_start3A_306 = tpu.memref_slice %arg3[%squeeze3A_250, %dma_start3A_305] : memref<1000000x64xf32, #tpu.memory_space<hbm>> -> memref<1x64xf32, #tpu.memory_space<hbm>>
      tpu.enqueue_dma source(%dma_start3A_306 : memref<1x64xf32, #tpu.memory_space<hbm>>) target(%dma_start3A_304 : memref<1x64xf32, #tpu.memory_space<vmem>>) target_semaphore(%arg9 : memref<!tpu.dma_semaphore, #tpu.memory_space<semaphore_mem>>)
      %add3A_307 = arith.constant 4 : i32
      %add3A_308 = arith.addi %mul3A_74, %add3A_307 : i32
      %slice3A_309 = vector.extract_strided_slice %get3A_78 {offsets = [4], sizes = [1], strides = [1]} : vector<16xi32> to vector<1xi32>
      %squeeze3A_310 = vector.extract %slice3A_309[0] : i32 from vector<1xi32>
      %jit3A_311 = arith.constant 50 : i32
      %div3A_312 = arith.divsi %add3A_308, %jit3A_311 : i32
      %sign3A_313 = arith.constant 0 : i32
      %sign3A_314 = arith.cmpi sgt, %add3A_308, %sign3A_313 : i32
      %sign3A_315 = arith.extui %sign3A_314 : i1 to i32
      %sign3A_316 = arith.constant 0 : i32
      %sign3A_317 = arith.cmpi slt, %add3A_308, %sign3A_316 : i32
      %sign3A_318 = arith.extui %sign3A_317 : i1 to i32
      %sign3A_319 = arith.subi %sign3A_315, %sign3A_318 : i32
      %sign3A_320 = arith.constant 0 : i32
      %sign3A_321 = arith.cmpi sgt, %jit3A_311, %sign3A_320 : i32
      %sign3A_322 = arith.extui %sign3A_321 : i1 to i32
      %sign3A_323 = arith.constant 0 : i32
      %sign3A_324 = arith.cmpi slt, %jit3A_311, %sign3A_323 : i32
      %sign3A_325 = arith.extui %sign3A_324 : i1 to i32
      %sign3A_326 = arith.subi %sign3A_322, %sign3A_325 : i32
      %ne3A_327 = arith.cmpi ne, %sign3A_319, %sign3A_326 : i32
      %rem3A_328 = arith.remsi %add3A_308, %jit3A_311 : i32
      %ne3A_329 = arith.constant 0 : i32
      %ne3A_330 = arith.cmpi ne, %rem3A_328, %ne3A_329 : i32
      %and3A_331 = arith.andi %ne3A_327, %ne3A_330 : i1
      %sub3A_332 = arith.constant 1 : i32
      %sub3A_333 = arith.subi %div3A_312, %sub3A_332 : i32
      %select_n3A_334 = arith.select %and3A_331, %sub3A_333, %div3A_312 : i32
      %jit3A_335 = arith.constant 50 : i32
      %eq3A_336 = arith.constant 0 : i32
      %eq3A_337 = arith.cmpi eq, %jit3A_335, %eq3A_336 : i32
      %jit3A_338 = arith.constant 1 : i32
      %select_n3A_339 = arith.select %eq3A_337, %jit3A_338, %jit3A_335 : i32
      %rem3A_340 = arith.remsi %add3A_308, %select_n3A_339 : i32
      %ne3A_341 = arith.constant 0 : i32
      %ne3A_342 = arith.cmpi ne, %rem3A_340, %ne3A_341 : i32
      %lt3A_343 = arith.constant 0 : i32
      %lt3A_344 = arith.cmpi slt, %rem3A_340, %lt3A_343 : i32
      %lt3A_345 = arith.constant 0 : i32
      %lt3A_346 = arith.cmpi slt, %select_n3A_339, %lt3A_345 : i32
      %ne3A_347 = arith.xori %lt3A_344, %lt3A_346 : i1
      %and3A_348 = arith.andi %ne3A_347, %ne3A_342 : i1
      %add3A_349 = arith.addi %rem3A_340, %select_n3A_339 : i32
      %select_n3A_350 = arith.select %and3A_348, %add3A_349, %rem3A_340 : i32
      %dma_start3A_351 = arith.constant 0 : i32
      %dma_start3A_352 = arith.constant 0 : i32
      %dma_start3A_353 = tpu.memref_slice %arg7[%select_n3A_334, %dma_start3A_351, %dma_start3A_352] : memref<8x50x64xf32, #tpu.memory_space<vmem>> -> memref<1x50x64xf32, #tpu.memory_space<vmem>>
      %dma_start3A_354 = tpu.memref_squeeze %dma_start3A_353 : memref<1x50x64xf32, #tpu.memory_space<vmem>> -> memref<50x64xf32, #tpu.memory_space<vmem>>
      %dma_start3A_355 = arith.constant 0 : i32
      %dma_start3A_356 = tpu.memref_slice %dma_start3A_354[%select_n3A_350, %dma_start3A_355] : memref<50x64xf32, #tpu.memory_space<vmem>> -> memref<1x64xf32, #tpu.memory_space<vmem>>
      %dma_start3A_357 = arith.constant 0 : i32
      %dma_start3A_358 = tpu.memref_slice %arg3[%squeeze3A_310, %dma_start3A_357] : memref<1000000x64xf32, #tpu.memory_space<hbm>> -> memref<1x64xf32, #tpu.memory_space<hbm>>
      %dma_start3A_359 = arith.constant 0 : i32
      %dma_start3A_360 = arith.constant 0 : i32
      %dma_start3A_361 = tpu.memref_slice %arg7[%select_n3A_334, %dma_start3A_359, %dma_start3A_360] : memref<8x50x64xf32, #tpu.memory_space<vmem>> -> memref<1x50x64xf32, #tpu.memory_space<vmem>>
      %dma_start3A_362 = tpu.memref_squeeze %dma_start3A_361 : memref<1x50x64xf32, #tpu.memory_space<vmem>> -> memref<50x64xf32, #tpu.memory_space<vmem>>
      %dma_start3A_363 = arith.constant 0 : i32
      %dma_start3A_364 = tpu.memref_slice %dma_start3A_362[%select_n3A_350, %dma_start3A_363] : memref<50x64xf32, #tpu.memory_space<vmem>> -> memref<1x64xf32, #tpu.memory_space<vmem>>
      %dma_start3A_365 = arith.constant 0 : i32
      %dma_start3A_366 = tpu.memref_slice %arg3[%squeeze3A_310, %dma_start3A_365] : memref<1000000x64xf32, #tpu.memory_space<hbm>> -> memref<1x64xf32, #tpu.memory_space<hbm>>
      tpu.enqueue_dma source(%dma_start3A_366 : memref<1x64xf32, #tpu.memory_space<hbm>>) target(%dma_start3A_364 : memref<1x64xf32, #tpu.memory_space<vmem>>) target_semaphore(%arg9 : memref<!tpu.dma_semaphore, #tpu.memory_space<semaphore_mem>>)
      %add3A_367 = arith.constant 5 : i32
      %add3A_368 = arith.addi %mul3A_74, %add3A_367 : i32
      %slice3A_369 = vector.extract_strided_slice %get3A_78 {offsets = [5], sizes = [1], strides = [1]} : vector<16xi32> to vector<1xi32>
      %squeeze3A_370 = vector.extract %slice3A_369[0] : i32 from vector<1xi32>
      %jit3A_371 = arith.constant 50 : i32
      %div3A_372 = arith.divsi %add3A_368, %jit3A_371 : i32
      %sign3A_373 = arith.constant 0 : i32
      %sign3A_374 = arith.cmpi sgt, %add3A_368, %sign3A_373 : i32
      %sign3A_375 = arith.extui %sign3A_374 : i1 to i32
      %sign3A_376 = arith.constant 0 : i32
      %sign3A_377 = arith.cmpi slt, %add3A_368, %sign3A_376 : i32
      %sign3A_378 = arith.extui %sign3A_377 : i1 to i32
      %sign3A_379 = arith.subi %sign3A_375, %sign3A_378 : i32
      %sign3A_380 = arith.constant 0 : i32
      %sign3A_381 = arith.cmpi sgt, %jit3A_371, %sign3A_380 : i32
      %sign3A_382 = arith.extui %sign3A_381 : i1 to i32
      %sign3A_383 = arith.constant 0 : i32
      %sign3A_384 = arith.cmpi slt, %jit3A_371, %sign3A_383 : i32
      %sign3A_385 = arith.extui %sign3A_384 : i1 to i32
      %sign3A_386 = arith.subi %sign3A_382, %sign3A_385 : i32
      %ne3A_387 = arith.cmpi ne, %sign3A_379, %sign3A_386 : i32
      %rem3A_388 = arith.remsi %add3A_368, %jit3A_371 : i32
      %ne3A_389 = arith.constant 0 : i32
      %ne3A_390 = arith.cmpi ne, %rem3A_388, %ne3A_389 : i32
      %and3A_391 = arith.andi %ne3A_387, %ne3A_390 : i1
      %sub3A_392 = arith.constant 1 : i32
      %sub3A_393 = arith.subi %div3A_372, %sub3A_392 : i32
      %select_n3A_394 = arith.select %and3A_391, %sub3A_393, %div3A_372 : i32
      %jit3A_395 = arith.constant 50 : i32
      %eq3A_396 = arith.constant 0 : i32
      %eq3A_397 = arith.cmpi eq, %jit3A_395, %eq3A_396 : i32
      %jit3A_398 = arith.constant 1 : i32
      %select_n3A_399 = arith.select %eq3A_397, %jit3A_398, %jit3A_395 : i32
      %rem3A_400 = arith.remsi %add3A_368, %select_n3A_399 : i32
      %ne3A_401 = arith.constant 0 : i32
      %ne3A_402 = arith.cmpi ne, %rem3A_400, %ne3A_401 : i32
      %lt3A_403 = arith.constant 0 : i32
      %lt3A_404 = arith.cmpi slt, %rem3A_400, %lt3A_403 : i32
      %lt3A_405 = arith.constant 0 : i32
      %lt3A_406 = arith.cmpi slt, %select_n3A_399, %lt3A_405 : i32
      %ne3A_407 = arith.xori %lt3A_404, %lt3A_406 : i1
      %and3A_408 = arith.andi %ne3A_407, %ne3A_402 : i1
      %add3A_409 = arith.addi %rem3A_400, %select_n3A_399 : i32
      %select_n3A_410 = arith.select %and3A_408, %add3A_409, %rem3A_400 : i32
      %dma_start3A_411 = arith.constant 0 : i32
      %dma_start3A_412 = arith.constant 0 : i32
      %dma_start3A_413 = tpu.memref_slice %arg7[%select_n3A_394, %dma_start3A_411, %dma_start3A_412] : memref<8x50x64xf32, #tpu.memory_space<vmem>> -> memref<1x50x64xf32, #tpu.memory_space<vmem>>
      %dma_start3A_414 = tpu.memref_squeeze %dma_start3A_413 : memref<1x50x64xf32, #tpu.memory_space<vmem>> -> memref<50x64xf32, #tpu.memory_space<vmem>>
      %dma_start3A_415 = arith.constant 0 : i32
      %dma_start3A_416 = tpu.memref_slice %dma_start3A_414[%select_n3A_410, %dma_start3A_415] : memref<50x64xf32, #tpu.memory_space<vmem>> -> memref<1x64xf32, #tpu.memory_space<vmem>>
      %dma_start3A_417 = arith.constant 0 : i32
      %dma_start3A_418 = tpu.memref_slice %arg3[%squeeze3A_370, %dma_start3A_417] : memref<1000000x64xf32, #tpu.memory_space<hbm>> -> memref<1x64xf32, #tpu.memory_space<hbm>>
      %dma_start3A_419 = arith.constant 0 : i32
      %dma_start3A_420 = arith.constant 0 : i32
      %dma_start3A_421 = tpu.memref_slice %arg7[%select_n3A_394, %dma_start3A_419, %dma_start3A_420] : memref<8x50x64xf32, #tpu.memory_space<vmem>> -> memref<1x50x64xf32, #tpu.memory_space<vmem>>
      %dma_start3A_422 = tpu.memref_squeeze %dma_start3A_421 : memref<1x50x64xf32, #tpu.memory_space<vmem>> -> memref<50x64xf32, #tpu.memory_space<vmem>>
      %dma_start3A_423 = arith.constant 0 : i32
      %dma_start3A_424 = tpu.memref_slice %dma_start3A_422[%select_n3A_410, %dma_start3A_423] : memref<50x64xf32, #tpu.memory_space<vmem>> -> memref<1x64xf32, #tpu.memory_space<vmem>>
      %dma_start3A_425 = arith.constant 0 : i32
      %dma_start3A_426 = tpu.memref_slice %arg3[%squeeze3A_370, %dma_start3A_425] : memref<1000000x64xf32, #tpu.memory_space<hbm>> -> memref<1x64xf32, #tpu.memory_space<hbm>>
      tpu.enqueue_dma source(%dma_start3A_426 : memref<1x64xf32, #tpu.memory_space<hbm>>) target(%dma_start3A_424 : memref<1x64xf32, #tpu.memory_space<vmem>>) target_semaphore(%arg9 : memref<!tpu.dma_semaphore, #tpu.memory_space<semaphore_mem>>)
      %add3A_427 = arith.constant 6 : i32
      %add3A_428 = arith.addi %mul3A_74, %add3A_427 : i32
      %slice3A_429 = vector.extract_strided_slice %get3A_78 {offsets = [6], sizes = [1], strides = [1]} : vector<16xi32> to vector<1xi32>
      %squeeze3A_430 = vector.extract %slice3A_429[0] : i32 from vector<1xi32>
      %jit3A_431 = arith.constant 50 : i32
      %div3A_432 = arith.divsi %add3A_428, %jit3A_431 : i32
      %sign3A_433 = arith.constant 0 : i32
      %sign3A_434 = arith.cmpi sgt, %add3A_428, %sign3A_433 : i32
      %sign3A_435 = arith.extui %sign3A_434 : i1 to i32
      %sign3A_436 = arith.constant 0 : i32
      %sign3A_437 = arith.cmpi slt, %add3A_428, %sign3A_436 : i32
      %sign3A_438 = arith.extui %sign3A_437 : i1 to i32
      %sign3A_439 = arith.subi %sign3A_435, %sign3A_438 : i32
      %sign3A_440 = arith.constant 0 : i32
      %sign3A_441 = arith.cmpi sgt, %jit3A_431, %sign3A_440 : i32
      %sign3A_442 = arith.extui %sign3A_441 : i1 to i32
      %sign3A_443 = arith.constant 0 : i32
      %sign3A_444 = arith.cmpi slt, %jit3A_431, %sign3A_443 : i32
      %sign3A_445 = arith.extui %sign3A_444 : i1 to i32
      %sign3A_446 = arith.subi %sign3A_442, %sign3A_445 : i32
      %ne3A_447 = arith.cmpi ne, %sign3A_439, %sign3A_446 : i32
      %rem3A_448 = arith.remsi %add3A_428, %jit3A_431 : i32
      %ne3A_449 = arith.constant 0 : i32
      %ne3A_450 = arith.cmpi ne, %rem3A_448, %ne3A_449 : i32
      %and3A_451 = arith.andi %ne3A_447, %ne3A_450 : i1
      %sub3A_452 = arith.constant 1 : i32
      %sub3A_453 = arith.subi %div3A_432, %sub3A_452 : i32
      %select_n3A_454 = arith.select %and3A_451, %sub3A_453, %div3A_432 : i32
      %jit3A_455 = arith.constant 50 : i32
      %eq3A_456 = arith.constant 0 : i32
      %eq3A_457 = arith.cmpi eq, %jit3A_455, %eq3A_456 : i32
      %jit3A_458 = arith.constant 1 : i32
      %select_n3A_459 = arith.select %eq3A_457, %jit3A_458, %jit3A_455 : i32
      %rem3A_460 = arith.remsi %add3A_428, %select_n3A_459 : i32
      %ne3A_461 = arith.constant 0 : i32
      %ne3A_462 = arith.cmpi ne, %rem3A_460, %ne3A_461 : i32
      %lt3A_463 = arith.constant 0 : i32
      %lt3A_464 = arith.cmpi slt, %rem3A_460, %lt3A_463 : i32
      %lt3A_465 = arith.constant 0 : i32
      %lt3A_466 = arith.cmpi slt, %select_n3A_459, %lt3A_465 : i32
      %ne3A_467 = arith.xori %lt3A_464, %lt3A_466 : i1
      %and3A_468 = arith.andi %ne3A_467, %ne3A_462 : i1
      %add3A_469 = arith.addi %rem3A_460, %select_n3A_459 : i32
      %select_n3A_470 = arith.select %and3A_468, %add3A_469, %rem3A_460 : i32
      %dma_start3A_471 = arith.constant 0 : i32
      %dma_start3A_472 = arith.constant 0 : i32
      %dma_start3A_473 = tpu.memref_slice %arg7[%select_n3A_454, %dma_start3A_471, %dma_start3A_472] : memref<8x50x64xf32, #tpu.memory_space<vmem>> -> memref<1x50x64xf32, #tpu.memory_space<vmem>>
      %dma_start3A_474 = tpu.memref_squeeze %dma_start3A_473 : memref<1x50x64xf32, #tpu.memory_space<vmem>> -> memref<50x64xf32, #tpu.memory_space<vmem>>
      %dma_start3A_475 = arith.constant 0 : i32
      %dma_start3A_476 = tpu.memref_slice %dma_start3A_474[%select_n3A_470, %dma_start3A_475] : memref<50x64xf32, #tpu.memory_space<vmem>> -> memref<1x64xf32, #tpu.memory_space<vmem>>
      %dma_start3A_477 = arith.constant 0 : i32
      %dma_start3A_478 = tpu.memref_slice %arg3[%squeeze3A_430, %dma_start3A_477] : memref<1000000x64xf32, #tpu.memory_space<hbm>> -> memref<1x64xf32, #tpu.memory_space<hbm>>
      %dma_start3A_479 = arith.constant 0 : i32
      %dma_start3A_480 = arith.constant 0 : i32
      %dma_start3A_481 = tpu.memref_slice %arg7[%select_n3A_454, %dma_start3A_479, %dma_start3A_480] : memref<8x50x64xf32, #tpu.memory_space<vmem>> -> memref<1x50x64xf32, #tpu.memory_space<vmem>>
      %dma_start3A_482 = tpu.memref_squeeze %dma_start3A_481 : memref<1x50x64xf32, #tpu.memory_space<vmem>> -> memref<50x64xf32, #tpu.memory_space<vmem>>
      %dma_start3A_483 = arith.constant 0 : i32
      %dma_start3A_484 = tpu.memref_slice %dma_start3A_482[%select_n3A_470, %dma_start3A_483] : memref<50x64xf32, #tpu.memory_space<vmem>> -> memref<1x64xf32, #tpu.memory_space<vmem>>
      %dma_start3A_485 = arith.constant 0 : i32
      %dma_start3A_486 = tpu.memref_slice %arg3[%squeeze3A_430, %dma_start3A_485] : memref<1000000x64xf32, #tpu.memory_space<hbm>> -> memref<1x64xf32, #tpu.memory_space<hbm>>
      tpu.enqueue_dma source(%dma_start3A_486 : memref<1x64xf32, #tpu.memory_space<hbm>>) target(%dma_start3A_484 : memref<1x64xf32, #tpu.memory_space<vmem>>) target_semaphore(%arg9 : memref<!tpu.dma_semaphore, #tpu.memory_space<semaphore_mem>>)
      %add3A_487 = arith.constant 7 : i32
      %add3A_488 = arith.addi %mul3A_74, %add3A_487 : i32
      %slice3A_489 = vector.extract_strided_slice %get3A_78 {offsets = [7], sizes = [1], strides = [1]} : vector<16xi32> to vector<1xi32>
      %squeeze3A_490 = vector.extract %slice3A_489[0] : i32 from vector<1xi32>
      %jit3A_491 = arith.constant 50 : i32
      %div3A_492 = arith.divsi %add3A_488, %jit3A_491 : i32
      %sign3A_493 = arith.constant 0 : i32
      %sign3A_494 = arith.cmpi sgt, %add3A_488, %sign3A_493 : i32
      %sign3A_495 = arith.extui %sign3A_494 : i1 to i32
      %sign3A_496 = arith.constant 0 : i32
      %sign3A_497 = arith.cmpi slt, %add3A_488, %sign3A_496 : i32
      %sign3A_498 = arith.extui %sign3A_497 : i1 to i32
      %sign3A_499 = arith.subi %sign3A_495, %sign3A_498 : i32
      %sign3A_500 = arith.constant 0 : i32
      %sign3A_501 = arith.cmpi sgt, %jit3A_491, %sign3A_500 : i32
      %sign3A_502 = arith.extui %sign3A_501 : i1 to i32
      %sign3A_503 = arith.constant 0 : i32
      %sign3A_504 = arith.cmpi slt, %jit3A_491, %sign3A_503 : i32
      %sign3A_505 = arith.extui %sign3A_504 : i1 to i32
      %sign3A_506 = arith.subi %sign3A_502, %sign3A_505 : i32
      %ne3A_507 = arith.cmpi ne, %sign3A_499, %sign3A_506 : i32
      %rem3A_508 = arith.remsi %add3A_488, %jit3A_491 : i32
      %ne3A_509 = arith.constant 0 : i32
      %ne3A_510 = arith.cmpi ne, %rem3A_508, %ne3A_509 : i32
      %and3A_511 = arith.andi %ne3A_507, %ne3A_510 : i1
      %sub3A_512 = arith.constant 1 : i32
      %sub3A_513 = arith.subi %div3A_492, %sub3A_512 : i32
      %select_n3A_514 = arith.select %and3A_511, %sub3A_513, %div3A_492 : i32
      %jit3A_515 = arith.constant 50 : i32
      %eq3A_516 = arith.constant 0 : i32
      %eq3A_517 = arith.cmpi eq, %jit3A_515, %eq3A_516 : i32
      %jit3A_518 = arith.constant 1 : i32
      %select_n3A_519 = arith.select %eq3A_517, %jit3A_518, %jit3A_515 : i32
      %rem3A_520 = arith.remsi %add3A_488, %select_n3A_519 : i32
      %ne3A_521 = arith.constant 0 : i32
      %ne3A_522 = arith.cmpi ne, %rem3A_520, %ne3A_521 : i32
      %lt3A_523 = arith.constant 0 : i32
      %lt3A_524 = arith.cmpi slt, %rem3A_520, %lt3A_523 : i32
      %lt3A_525 = arith.constant 0 : i32
      %lt3A_526 = arith.cmpi slt, %select_n3A_519, %lt3A_525 : i32
      %ne3A_527 = arith.xori %lt3A_524, %lt3A_526 : i1
      %and3A_528 = arith.andi %ne3A_527, %ne3A_522 : i1
      %add3A_529 = arith.addi %rem3A_520, %select_n3A_519 : i32
      %select_n3A_530 = arith.select %and3A_528, %add3A_529, %rem3A_520 : i32
      %dma_start3A_531 = arith.constant 0 : i32
      %dma_start3A_532 = arith.constant 0 : i32
      %dma_start3A_533 = tpu.memref_slice %arg7[%select_n3A_514, %dma_start3A_531, %dma_start3A_532] : memref<8x50x64xf32, #tpu.memory_space<vmem>> -> memref<1x50x64xf32, #tpu.memory_space<vmem>>
      %dma_start3A_534 = tpu.memref_squeeze %dma_start3A_533 : memref<1x50x64xf32, #tpu.memory_space<vmem>> -> memref<50x64xf32, #tpu.memory_space<vmem>>
      %dma_start3A_535 = arith.constant 0 : i32
      %dma_start3A_536 = tpu.memref_slice %dma_start3A_534[%select_n3A_530, %dma_start3A_535] : memref<50x64xf32, #tpu.memory_space<vmem>> -> memref<1x64xf32, #tpu.memory_space<vmem>>
      %dma_start3A_537 = arith.constant 0 : i32
      %dma_start3A_538 = tpu.memref_slice %arg3[%squeeze3A_490, %dma_start3A_537] : memref<1000000x64xf32, #tpu.memory_space<hbm>> -> memref<1x64xf32, #tpu.memory_space<hbm>>
      %dma_start3A_539 = arith.constant 0 : i32
      %dma_start3A_540 = arith.constant 0 : i32
      %dma_start3A_541 = tpu.memref_slice %arg7[%select_n3A_514, %dma_start3A_539, %dma_start3A_540] : memref<8x50x64xf32, #tpu.memory_space<vmem>> -> memref<1x50x64xf32, #tpu.memory_space<vmem>>
      %dma_start3A_542 = tpu.memref_squeeze %dma_start3A_541 : memref<1x50x64xf32, #tpu.memory_space<vmem>> -> memref<50x64xf32, #tpu.memory_space<vmem>>
      %dma_start3A_543 = arith.constant 0 : i32
      %dma_start3A_544 = tpu.memref_slice %dma_start3A_542[%select_n3A_530, %dma_start3A_543] : memref<50x64xf32, #tpu.memory_space<vmem>> -> memref<1x64xf32, #tpu.memory_space<vmem>>
      %dma_start3A_545 = arith.constant 0 : i32
      %dma_start3A_546 = tpu.memref_slice %arg3[%squeeze3A_490, %dma_start3A_545] : memref<1000000x64xf32, #tpu.memory_space<hbm>> -> memref<1x64xf32, #tpu.memory_space<hbm>>
      tpu.enqueue_dma source(%dma_start3A_546 : memref<1x64xf32, #tpu.memory_space<hbm>>) target(%dma_start3A_544 : memref<1x64xf32, #tpu.memory_space<vmem>>) target_semaphore(%arg9 : memref<!tpu.dma_semaphore, #tpu.memory_space<semaphore_mem>>)
      %add3A_547 = arith.constant 8 : i32
      %add3A_548 = arith.addi %mul3A_74, %add3A_547 : i32
      %slice3A_549 = vector.extract_strided_slice %get3A_78 {offsets = [8], sizes = [1], strides = [1]} : vector<16xi32> to vector<1xi32>
      %squeeze3A_550 = vector.extract %slice3A_549[0] : i32 from vector<1xi32>
      %jit3A_551 = arith.constant 50 : i32
      %div3A_552 = arith.divsi %add3A_548, %jit3A_551 : i32
      %sign3A_553 = arith.constant 0 : i32
      %sign3A_554 = arith.cmpi sgt, %add3A_548, %sign3A_553 : i32
      %sign3A_555 = arith.extui %sign3A_554 : i1 to i32
      %sign3A_556 = arith.constant 0 : i32
      %sign3A_557 = arith.cmpi slt, %add3A_548, %sign3A_556 : i32
      %sign3A_558 = arith.extui %sign3A_557 : i1 to i32
      %sign3A_559 = arith.subi %sign3A_555, %sign3A_558 : i32
      %sign3A_560 = arith.constant 0 : i32
      %sign3A_561 = arith.cmpi sgt, %jit3A_551, %sign3A_560 : i32
      %sign3A_562 = arith.extui %sign3A_561 : i1 to i32
      %sign3A_563 = arith.constant 0 : i32
      %sign3A_564 = arith.cmpi slt, %jit3A_551, %sign3A_563 : i32
      %sign3A_565 = arith.extui %sign3A_564 : i1 to i32
      %sign3A_566 = arith.subi %sign3A_562, %sign3A_565 : i32
      %ne3A_567 = arith.cmpi ne, %sign3A_559, %sign3A_566 : i32
      %rem3A_568 = arith.remsi %add3A_548, %jit3A_551 : i32
      %ne3A_569 = arith.constant 0 : i32
      %ne3A_570 = arith.cmpi ne, %rem3A_568, %ne3A_569 : i32
      %and3A_571 = arith.andi %ne3A_567, %ne3A_570 : i1
      %sub3A_572 = arith.constant 1 : i32
      %sub3A_573 = arith.subi %div3A_552, %sub3A_572 : i32
      %select_n3A_574 = arith.select %and3A_571, %sub3A_573, %div3A_552 : i32
      %jit3A_575 = arith.constant 50 : i32
      %eq3A_576 = arith.constant 0 : i32
      %eq3A_577 = arith.cmpi eq, %jit3A_575, %eq3A_576 : i32
      %jit3A_578 = arith.constant 1 : i32
      %select_n3A_579 = arith.select %eq3A_577, %jit3A_578, %jit3A_575 : i32
      %rem3A_580 = arith.remsi %add3A_548, %select_n3A_579 : i32
      %ne3A_581 = arith.constant 0 : i32
      %ne3A_582 = arith.cmpi ne, %rem3A_580, %ne3A_581 : i32
      %lt3A_583 = arith.constant 0 : i32
      %lt3A_584 = arith.cmpi slt, %rem3A_580, %lt3A_583 : i32
      %lt3A_585 = arith.constant 0 : i32
      %lt3A_586 = arith.cmpi slt, %select_n3A_579, %lt3A_585 : i32
      %ne3A_587 = arith.xori %lt3A_584, %lt3A_586 : i1
      %and3A_588 = arith.andi %ne3A_587, %ne3A_582 : i1
      %add3A_589 = arith.addi %rem3A_580, %select_n3A_579 : i32
      %select_n3A_590 = arith.select %and3A_588, %add3A_589, %rem3A_580 : i32
      %dma_start3A_591 = arith.constant 0 : i32
      %dma_start3A_592 = arith.constant 0 : i32
      %dma_start3A_593 = tpu.memref_slice %arg7[%select_n3A_574, %dma_start3A_591, %dma_start3A_592] : memref<8x50x64xf32, #tpu.memory_space<vmem>> -> memref<1x50x64xf32, #tpu.memory_space<vmem>>
      %dma_start3A_594 = tpu.memref_squeeze %dma_start3A_593 : memref<1x50x64xf32, #tpu.memory_space<vmem>> -> memref<50x64xf32, #tpu.memory_space<vmem>>
      %dma_start3A_595 = arith.constant 0 : i32
      %dma_start3A_596 = tpu.memref_slice %dma_start3A_594[%select_n3A_590, %dma_start3A_595] : memref<50x64xf32, #tpu.memory_space<vmem>> -> memref<1x64xf32, #tpu.memory_space<vmem>>
      %dma_start3A_597 = arith.constant 0 : i32
      %dma_start3A_598 = tpu.memref_slice %arg3[%squeeze3A_550, %dma_start3A_597] : memref<1000000x64xf32, #tpu.memory_space<hbm>> -> memref<1x64xf32, #tpu.memory_space<hbm>>
      %dma_start3A_599 = arith.constant 0 : i32
      %dma_start3A_600 = arith.constant 0 : i32
      %dma_start3A_601 = tpu.memref_slice %arg7[%select_n3A_574, %dma_start3A_599, %dma_start3A_600] : memref<8x50x64xf32, #tpu.memory_space<vmem>> -> memref<1x50x64xf32, #tpu.memory_space<vmem>>
      %dma_start3A_602 = tpu.memref_squeeze %dma_start3A_601 : memref<1x50x64xf32, #tpu.memory_space<vmem>> -> memref<50x64xf32, #tpu.memory_space<vmem>>
      %dma_start3A_603 = arith.constant 0 : i32
      %dma_start3A_604 = tpu.memref_slice %dma_start3A_602[%select_n3A_590, %dma_start3A_603] : memref<50x64xf32, #tpu.memory_space<vmem>> -> memref<1x64xf32, #tpu.memory_space<vmem>>
      %dma_start3A_605 = arith.constant 0 : i32
      %dma_start3A_606 = tpu.memref_slice %arg3[%squeeze3A_550, %dma_start3A_605] : memref<1000000x64xf32, #tpu.memory_space<hbm>> -> memref<1x64xf32, #tpu.memory_space<hbm>>
      tpu.enqueue_dma source(%dma_start3A_606 : memref<1x64xf32, #tpu.memory_space<hbm>>) target(%dma_start3A_604 : memref<1x64xf32, #tpu.memory_space<vmem>>) target_semaphore(%arg9 : memref<!tpu.dma_semaphore, #tpu.memory_space<semaphore_mem>>)
      %add3A_607 = arith.constant 9 : i32
      %add3A_608 = arith.addi %mul3A_74, %add3A_607 : i32
      %slice3A_609 = vector.extract_strided_slice %get3A_78 {offsets = [9], sizes = [1], strides = [1]} : vector<16xi32> to vector<1xi32>
      %squeeze3A_610 = vector.extract %slice3A_609[0] : i32 from vector<1xi32>
      %jit3A_611 = arith.constant 50 : i32
      %div3A_612 = arith.divsi %add3A_608, %jit3A_611 : i32
      %sign3A_613 = arith.constant 0 : i32
      %sign3A_614 = arith.cmpi sgt, %add3A_608, %sign3A_613 : i32
      %sign3A_615 = arith.extui %sign3A_614 : i1 to i32
      %sign3A_616 = arith.constant 0 : i32
      %sign3A_617 = arith.cmpi slt, %add3A_608, %sign3A_616 : i32
      %sign3A_618 = arith.extui %sign3A_617 : i1 to i32
      %sign3A_619 = arith.subi %sign3A_615, %sign3A_618 : i32
      %sign3A_620 = arith.constant 0 : i32
      %sign3A_621 = arith.cmpi sgt, %jit3A_611, %sign3A_620 : i32
      %sign3A_622 = arith.extui %sign3A_621 : i1 to i32
      %sign3A_623 = arith.constant 0 : i32
      %sign3A_624 = arith.cmpi slt, %jit3A_611, %sign3A_623 : i32
      %sign3A_625 = arith.extui %sign3A_624 : i1 to i32
      %sign3A_626 = arith.subi %sign3A_622, %sign3A_625 : i32
      %ne3A_627 = arith.cmpi ne, %sign3A_619, %sign3A_626 : i32
      %rem3A_628 = arith.remsi %add3A_608, %jit3A_611 : i32
      %ne3A_629 = arith.constant 0 : i32
      %ne3A_630 = arith.cmpi ne, %rem3A_628, %ne3A_629 : i32
      %and3A_631 = arith.andi %ne3A_627, %ne3A_630 : i1
      %sub3A_632 = arith.constant 1 : i32
      %sub3A_633 = arith.subi %div3A_612, %sub3A_632 : i32
      %select_n3A_634 = arith.select %and3A_631, %sub3A_633, %div3A_612 : i32
      %jit3A_635 = arith.constant 50 : i32
      %eq3A_636 = arith.constant 0 : i32
      %eq3A_637 = arith.cmpi eq, %jit3A_635, %eq3A_636 : i32
      %jit3A_638 = arith.constant 1 : i32
      %select_n3A_639 = arith.select %eq3A_637, %jit3A_638, %jit3A_635 : i32
      %rem3A_640 = arith.remsi %add3A_608, %select_n3A_639 : i32
      %ne3A_641 = arith.constant 0 : i32
      %ne3A_642 = arith.cmpi ne, %rem3A_640, %ne3A_641 : i32
      %lt3A_643 = arith.constant 0 : i32
      %lt3A_644 = arith.cmpi slt, %rem3A_640, %lt3A_643 : i32
      %lt3A_645 = arith.constant 0 : i32
      %lt3A_646 = arith.cmpi slt, %select_n3A_639, %lt3A_645 : i32
      %ne3A_647 = arith.xori %lt3A_644, %lt3A_646 : i1
      %and3A_648 = arith.andi %ne3A_647, %ne3A_642 : i1
      %add3A_649 = arith.addi %rem3A_640, %select_n3A_639 : i32
      %select_n3A_650 = arith.select %and3A_648, %add3A_649, %rem3A_640 : i32
      %dma_start3A_651 = arith.constant 0 : i32
      %dma_start3A_652 = arith.constant 0 : i32
      %dma_start3A_653 = tpu.memref_slice %arg7[%select_n3A_634, %dma_start3A_651, %dma_start3A_652] : memref<8x50x64xf32, #tpu.memory_space<vmem>> -> memref<1x50x64xf32, #tpu.memory_space<vmem>>
      %dma_start3A_654 = tpu.memref_squeeze %dma_start3A_653 : memref<1x50x64xf32, #tpu.memory_space<vmem>> -> memref<50x64xf32, #tpu.memory_space<vmem>>
      %dma_start3A_655 = arith.constant 0 : i32
      %dma_start3A_656 = tpu.memref_slice %dma_start3A_654[%select_n3A_650, %dma_start3A_655] : memref<50x64xf32, #tpu.memory_space<vmem>> -> memref<1x64xf32, #tpu.memory_space<vmem>>
      %dma_start3A_657 = arith.constant 0 : i32
      %dma_start3A_658 = tpu.memref_slice %arg3[%squeeze3A_610, %dma_start3A_657] : memref<1000000x64xf32, #tpu.memory_space<hbm>> -> memref<1x64xf32, #tpu.memory_space<hbm>>
      %dma_start3A_659 = arith.constant 0 : i32
      %dma_start3A_660 = arith.constant 0 : i32
      %dma_start3A_661 = tpu.memref_slice %arg7[%select_n3A_634, %dma_start3A_659, %dma_start3A_660] : memref<8x50x64xf32, #tpu.memory_space<vmem>> -> memref<1x50x64xf32, #tpu.memory_space<vmem>>
      %dma_start3A_662 = tpu.memref_squeeze %dma_start3A_661 : memref<1x50x64xf32, #tpu.memory_space<vmem>> -> memref<50x64xf32, #tpu.memory_space<vmem>>
      %dma_start3A_663 = arith.constant 0 : i32
      %dma_start3A_664 = tpu.memref_slice %dma_start3A_662[%select_n3A_650, %dma_start3A_663] : memref<50x64xf32, #tpu.memory_space<vmem>> -> memref<1x64xf32, #tpu.memory_space<vmem>>
      %dma_start3A_665 = arith.constant 0 : i32
      %dma_start3A_666 = tpu.memref_slice %arg3[%squeeze3A_610, %dma_start3A_665] : memref<1000000x64xf32, #tpu.memory_space<hbm>> -> memref<1x64xf32, #tpu.memory_space<hbm>>
      tpu.enqueue_dma source(%dma_start3A_666 : memref<1x64xf32, #tpu.memory_space<hbm>>) target(%dma_start3A_664 : memref<1x64xf32, #tpu.memory_space<vmem>>) target_semaphore(%arg9 : memref<!tpu.dma_semaphore, #tpu.memory_space<semaphore_mem>>)
      %add3A_667 = arith.constant 10 : i32
      %add3A_668 = arith.addi %mul3A_74, %add3A_667 : i32
      %slice3A_669 = vector.extract_strided_slice %get3A_78 {offsets = [10], sizes = [1], strides = [1]} : vector<16xi32> to vector<1xi32>
      %squeeze3A_670 = vector.extract %slice3A_669[0] : i32 from vector<1xi32>
      %jit3A_671 = arith.constant 50 : i32
      %div3A_672 = arith.divsi %add3A_668, %jit3A_671 : i32
      %sign3A_673 = arith.constant 0 : i32
      %sign3A_674 = arith.cmpi sgt, %add3A_668, %sign3A_673 : i32
      %sign3A_675 = arith.extui %sign3A_674 : i1 to i32
      %sign3A_676 = arith.constant 0 : i32
      %sign3A_677 = arith.cmpi slt, %add3A_668, %sign3A_676 : i32
      %sign3A_678 = arith.extui %sign3A_677 : i1 to i32
      %sign3A_679 = arith.subi %sign3A_675, %sign3A_678 : i32
      %sign3A_680 = arith.constant 0 : i32
      %sign3A_681 = arith.cmpi sgt, %jit3A_671, %sign3A_680 : i32
      %sign3A_682 = arith.extui %sign3A_681 : i1 to i32
      %sign3A_683 = arith.constant 0 : i32
      %sign3A_684 = arith.cmpi slt, %jit3A_671, %sign3A_683 : i32
      %sign3A_685 = arith.extui %sign3A_684 : i1 to i32
      %sign3A_686 = arith.subi %sign3A_682, %sign3A_685 : i32
      %ne3A_687 = arith.cmpi ne, %sign3A_679, %sign3A_686 : i32
      %rem3A_688 = arith.remsi %add3A_668, %jit3A_671 : i32
      %ne3A_689 = arith.constant 0 : i32
      %ne3A_690 = arith.cmpi ne, %rem3A_688, %ne3A_689 : i32
      %and3A_691 = arith.andi %ne3A_687, %ne3A_690 : i1
      %sub3A_692 = arith.constant 1 : i32
      %sub3A_693 = arith.subi %div3A_672, %sub3A_692 : i32
      %select_n3A_694 = arith.select %and3A_691, %sub3A_693, %div3A_672 : i32
      %jit3A_695 = arith.constant 50 : i32
      %eq3A_696 = arith.constant 0 : i32
      %eq3A_697 = arith.cmpi eq, %jit3A_695, %eq3A_696 : i32
      %jit3A_698 = arith.constant 1 : i32
      %select_n3A_699 = arith.select %eq3A_697, %jit3A_698, %jit3A_695 : i32
      %rem3A_700 = arith.remsi %add3A_668, %select_n3A_699 : i32
      %ne3A_701 = arith.constant 0 : i32
      %ne3A_702 = arith.cmpi ne, %rem3A_700, %ne3A_701 : i32
      %lt3A_703 = arith.constant 0 : i32
      %lt3A_704 = arith.cmpi slt, %rem3A_700, %lt3A_703 : i32
      %lt3A_705 = arith.constant 0 : i32
      %lt3A_706 = arith.cmpi slt, %select_n3A_699, %lt3A_705 : i32
      %ne3A_707 = arith.xori %lt3A_704, %lt3A_706 : i1
      %and3A_708 = arith.andi %ne3A_707, %ne3A_702 : i1
      %add3A_709 = arith.addi %rem3A_700, %select_n3A_699 : i32
      %select_n3A_710 = arith.select %and3A_708, %add3A_709, %rem3A_700 : i32
      %dma_start3A_711 = arith.constant 0 : i32
      %dma_start3A_712 = arith.constant 0 : i32
      %dma_start3A_713 = tpu.memref_slice %arg7[%select_n3A_694, %dma_start3A_711, %dma_start3A_712] : memref<8x50x64xf32, #tpu.memory_space<vmem>> -> memref<1x50x64xf32, #tpu.memory_space<vmem>>
      %dma_start3A_714 = tpu.memref_squeeze %dma_start3A_713 : memref<1x50x64xf32, #tpu.memory_space<vmem>> -> memref<50x64xf32, #tpu.memory_space<vmem>>
      %dma_start3A_715 = arith.constant 0 : i32
      %dma_start3A_716 = tpu.memref_slice %dma_start3A_714[%select_n3A_710, %dma_start3A_715] : memref<50x64xf32, #tpu.memory_space<vmem>> -> memref<1x64xf32, #tpu.memory_space<vmem>>
      %dma_start3A_717 = arith.constant 0 : i32
      %dma_start3A_718 = tpu.memref_slice %arg3[%squeeze3A_670, %dma_start3A_717] : memref<1000000x64xf32, #tpu.memory_space<hbm>> -> memref<1x64xf32, #tpu.memory_space<hbm>>
      %dma_start3A_719 = arith.constant 0 : i32
      %dma_start3A_720 = arith.constant 0 : i32
      %dma_start3A_721 = tpu.memref_slice %arg7[%select_n3A_694, %dma_start3A_719, %dma_start3A_720] : memref<8x50x64xf32, #tpu.memory_space<vmem>> -> memref<1x50x64xf32, #tpu.memory_space<vmem>>
      %dma_start3A_722 = tpu.memref_squeeze %dma_start3A_721 : memref<1x50x64xf32, #tpu.memory_space<vmem>> -> memref<50x64xf32, #tpu.memory_space<vmem>>
      %dma_start3A_723 = arith.constant 0 : i32
      %dma_start3A_724 = tpu.memref_slice %dma_start3A_722[%select_n3A_710, %dma_start3A_723] : memref<50x64xf32, #tpu.memory_space<vmem>> -> memref<1x64xf32, #tpu.memory_space<vmem>>
      %dma_start3A_725 = arith.constant 0 : i32
      %dma_start3A_726 = tpu.memref_slice %arg3[%squeeze3A_670, %dma_start3A_725] : memref<1000000x64xf32, #tpu.memory_space<hbm>> -> memref<1x64xf32, #tpu.memory_space<hbm>>
      tpu.enqueue_dma source(%dma_start3A_726 : memref<1x64xf32, #tpu.memory_space<hbm>>) target(%dma_start3A_724 : memref<1x64xf32, #tpu.memory_space<vmem>>) target_semaphore(%arg9 : memref<!tpu.dma_semaphore, #tpu.memory_space<semaphore_mem>>)
      %add3A_727 = arith.constant 11 : i32
      %add3A_728 = arith.addi %mul3A_74, %add3A_727 : i32
      %slice3A_729 = vector.extract_strided_slice %get3A_78 {offsets = [11], sizes = [1], strides = [1]} : vector<16xi32> to vector<1xi32>
      %squeeze3A_730 = vector.extract %slice3A_729[0] : i32 from vector<1xi32>
      %jit3A_731 = arith.constant 50 : i32
      %div3A_732 = arith.divsi %add3A_728, %jit3A_731 : i32
      %sign3A_733 = arith.constant 0 : i32
      %sign3A_734 = arith.cmpi sgt, %add3A_728, %sign3A_733 : i32
      %sign3A_735 = arith.extui %sign3A_734 : i1 to i32
      %sign3A_736 = arith.constant 0 : i32
      %sign3A_737 = arith.cmpi slt, %add3A_728, %sign3A_736 : i32
      %sign3A_738 = arith.extui %sign3A_737 : i1 to i32
      %sign3A_739 = arith.subi %sign3A_735, %sign3A_738 : i32
      %sign3A_740 = arith.constant 0 : i32
      %sign3A_741 = arith.cmpi sgt, %jit3A_731, %sign3A_740 : i32
      %sign3A_742 = arith.extui %sign3A_741 : i1 to i32
      %sign3A_743 = arith.constant 0 : i32
      %sign3A_744 = arith.cmpi slt, %jit3A_731, %sign3A_743 : i32
      %sign3A_745 = arith.extui %sign3A_744 : i1 to i32
      %sign3A_746 = arith.subi %sign3A_742, %sign3A_745 : i32
      %ne3A_747 = arith.cmpi ne, %sign3A_739, %sign3A_746 : i32
      %rem3A_748 = arith.remsi %add3A_728, %jit3A_731 : i32
      %ne3A_749 = arith.constant 0 : i32
      %ne3A_750 = arith.cmpi ne, %rem3A_748, %ne3A_749 : i32
      %and3A_751 = arith.andi %ne3A_747, %ne3A_750 : i1
      %sub3A_752 = arith.constant 1 : i32
      %sub3A_753 = arith.subi %div3A_732, %sub3A_752 : i32
      %select_n3A_754 = arith.select %and3A_751, %sub3A_753, %div3A_732 : i32
      %jit3A_755 = arith.constant 50 : i32
      %eq3A_756 = arith.constant 0 : i32
      %eq3A_757 = arith.cmpi eq, %jit3A_755, %eq3A_756 : i32
      %jit3A_758 = arith.constant 1 : i32
      %select_n3A_759 = arith.select %eq3A_757, %jit3A_758, %jit3A_755 : i32
      %rem3A_760 = arith.remsi %add3A_728, %select_n3A_759 : i32
      %ne3A_761 = arith.constant 0 : i32
      %ne3A_762 = arith.cmpi ne, %rem3A_760, %ne3A_761 : i32
      %lt3A_763 = arith.constant 0 : i32
      %lt3A_764 = arith.cmpi slt, %rem3A_760, %lt3A_763 : i32
      %lt3A_765 = arith.constant 0 : i32
      %lt3A_766 = arith.cmpi slt, %select_n3A_759, %lt3A_765 : i32
      %ne3A_767 = arith.xori %lt3A_764, %lt3A_766 : i1
      %and3A_768 = arith.andi %ne3A_767, %ne3A_762 : i1
      %add3A_769 = arith.addi %rem3A_760, %select_n3A_759 : i32
      %select_n3A_770 = arith.select %and3A_768, %add3A_769, %rem3A_760 : i32
      %dma_start3A_771 = arith.constant 0 : i32
      %dma_start3A_772 = arith.constant 0 : i32
      %dma_start3A_773 = tpu.memref_slice %arg7[%select_n3A_754, %dma_start3A_771, %dma_start3A_772] : memref<8x50x64xf32, #tpu.memory_space<vmem>> -> memref<1x50x64xf32, #tpu.memory_space<vmem>>
      %dma_start3A_774 = tpu.memref_squeeze %dma_start3A_773 : memref<1x50x64xf32, #tpu.memory_space<vmem>> -> memref<50x64xf32, #tpu.memory_space<vmem>>
      %dma_start3A_775 = arith.constant 0 : i32
      %dma_start3A_776 = tpu.memref_slice %dma_start3A_774[%select_n3A_770, %dma_start3A_775] : memref<50x64xf32, #tpu.memory_space<vmem>> -> memref<1x64xf32, #tpu.memory_space<vmem>>
      %dma_start3A_777 = arith.constant 0 : i32
      %dma_start3A_778 = tpu.memref_slice %arg3[%squeeze3A_730, %dma_start3A_777] : memref<1000000x64xf32, #tpu.memory_space<hbm>> -> memref<1x64xf32, #tpu.memory_space<hbm>>
      %dma_start3A_779 = arith.constant 0 : i32
      %dma_start3A_780 = arith.constant 0 : i32
      %dma_start3A_781 = tpu.memref_slice %arg7[%select_n3A_754, %dma_start3A_779, %dma_start3A_780] : memref<8x50x64xf32, #tpu.memory_space<vmem>> -> memref<1x50x64xf32, #tpu.memory_space<vmem>>
      %dma_start3A_782 = tpu.memref_squeeze %dma_start3A_781 : memref<1x50x64xf32, #tpu.memory_space<vmem>> -> memref<50x64xf32, #tpu.memory_space<vmem>>
      %dma_start3A_783 = arith.constant 0 : i32
      %dma_start3A_784 = tpu.memref_slice %dma_start3A_782[%select_n3A_770, %dma_start3A_783] : memref<50x64xf32, #tpu.memory_space<vmem>> -> memref<1x64xf32, #tpu.memory_space<vmem>>
      %dma_start3A_785 = arith.constant 0 : i32
      %dma_start3A_786 = tpu.memref_slice %arg3[%squeeze3A_730, %dma_start3A_785] : memref<1000000x64xf32, #tpu.memory_space<hbm>> -> memref<1x64xf32, #tpu.memory_space<hbm>>
      tpu.enqueue_dma source(%dma_start3A_786 : memref<1x64xf32, #tpu.memory_space<hbm>>) target(%dma_start3A_784 : memref<1x64xf32, #tpu.memory_space<vmem>>) target_semaphore(%arg9 : memref<!tpu.dma_semaphore, #tpu.memory_space<semaphore_mem>>)
      %add3A_787 = arith.constant 12 : i32
      %add3A_788 = arith.addi %mul3A_74, %add3A_787 : i32
      %slice3A_789 = vector.extract_strided_slice %get3A_78 {offsets = [12], sizes = [1], strides = [1]} : vector<16xi32> to vector<1xi32>
      %squeeze3A_790 = vector.extract %slice3A_789[0] : i32 from vector<1xi32>
      %jit3A_791 = arith.constant 50 : i32
      %div3A_792 = arith.divsi %add3A_788, %jit3A_791 : i32
      %sign3A_793 = arith.constant 0 : i32
      %sign3A_794 = arith.cmpi sgt, %add3A_788, %sign3A_793 : i32
      %sign3A_795 = arith.extui %sign3A_794 : i1 to i32
      %sign3A_796 = arith.constant 0 : i32
      %sign3A_797 = arith.cmpi slt, %add3A_788, %sign3A_796 : i32
      %sign3A_798 = arith.extui %sign3A_797 : i1 to i32
      %sign3A_799 = arith.subi %sign3A_795, %sign3A_798 : i32
      %sign3A_800 = arith.constant 0 : i32
      %sign3A_801 = arith.cmpi sgt, %jit3A_791, %sign3A_800 : i32
      %sign3A_802 = arith.extui %sign3A_801 : i1 to i32
      %sign3A_803 = arith.constant 0 : i32
      %sign3A_804 = arith.cmpi slt, %jit3A_791, %sign3A_803 : i32
      %sign3A_805 = arith.extui %sign3A_804 : i1 to i32
      %sign3A_806 = arith.subi %sign3A_802, %sign3A_805 : i32
      %ne3A_807 = arith.cmpi ne, %sign3A_799, %sign3A_806 : i32
      %rem3A_808 = arith.remsi %add3A_788, %jit3A_791 : i32
      %ne3A_809 = arith.constant 0 : i32
      %ne3A_810 = arith.cmpi ne, %rem3A_808, %ne3A_809 : i32
      %and3A_811 = arith.andi %ne3A_807, %ne3A_810 : i1
      %sub3A_812 = arith.constant 1 : i32
      %sub3A_813 = arith.subi %div3A_792, %sub3A_812 : i32
      %select_n3A_814 = arith.select %and3A_811, %sub3A_813, %div3A_792 : i32
      %jit3A_815 = arith.constant 50 : i32
      %eq3A_816 = arith.constant 0 : i32
      %eq3A_817 = arith.cmpi eq, %jit3A_815, %eq3A_816 : i32
      %jit3A_818 = arith.constant 1 : i32
      %select_n3A_819 = arith.select %eq3A_817, %jit3A_818, %jit3A_815 : i32
      %rem3A_820 = arith.remsi %add3A_788, %select_n3A_819 : i32
      %ne3A_821 = arith.constant 0 : i32
      %ne3A_822 = arith.cmpi ne, %rem3A_820, %ne3A_821 : i32
      %lt3A_823 = arith.constant 0 : i32
      %lt3A_824 = arith.cmpi slt, %rem3A_820, %lt3A_823 : i32
      %lt3A_825 = arith.constant 0 : i32
      %lt3A_826 = arith.cmpi slt, %select_n3A_819, %lt3A_825 : i32
      %ne3A_827 = arith.xori %lt3A_824, %lt3A_826 : i1
      %and3A_828 = arith.andi %ne3A_827, %ne3A_822 : i1
      %add3A_829 = arith.addi %rem3A_820, %select_n3A_819 : i32
      %select_n3A_830 = arith.select %and3A_828, %add3A_829, %rem3A_820 : i32
      %dma_start3A_831 = arith.constant 0 : i32
      %dma_start3A_832 = arith.constant 0 : i32
      %dma_start3A_833 = tpu.memref_slice %arg7[%select_n3A_814, %dma_start3A_831, %dma_start3A_832] : memref<8x50x64xf32, #tpu.memory_space<vmem>> -> memref<1x50x64xf32, #tpu.memory_space<vmem>>
      %dma_start3A_834 = tpu.memref_squeeze %dma_start3A_833 : memref<1x50x64xf32, #tpu.memory_space<vmem>> -> memref<50x64xf32, #tpu.memory_space<vmem>>
      %dma_start3A_835 = arith.constant 0 : i32
      %dma_start3A_836 = tpu.memref_slice %dma_start3A_834[%select_n3A_830, %dma_start3A_835] : memref<50x64xf32, #tpu.memory_space<vmem>> -> memref<1x64xf32, #tpu.memory_space<vmem>>
      %dma_start3A_837 = arith.constant 0 : i32
      %dma_start3A_838 = tpu.memref_slice %arg3[%squeeze3A_790, %dma_start3A_837] : memref<1000000x64xf32, #tpu.memory_space<hbm>> -> memref<1x64xf32, #tpu.memory_space<hbm>>
      %dma_start3A_839 = arith.constant 0 : i32
      %dma_start3A_840 = arith.constant 0 : i32
      %dma_start3A_841 = tpu.memref_slice %arg7[%select_n3A_814, %dma_start3A_839, %dma_start3A_840] : memref<8x50x64xf32, #tpu.memory_space<vmem>> -> memref<1x50x64xf32, #tpu.memory_space<vmem>>
      %dma_start3A_842 = tpu.memref_squeeze %dma_start3A_841 : memref<1x50x64xf32, #tpu.memory_space<vmem>> -> memref<50x64xf32, #tpu.memory_space<vmem>>
      %dma_start3A_843 = arith.constant 0 : i32
      %dma_start3A_844 = tpu.memref_slice %dma_start3A_842[%select_n3A_830, %dma_start3A_843] : memref<50x64xf32, #tpu.memory_space<vmem>> -> memref<1x64xf32, #tpu.memory_space<vmem>>
      %dma_start3A_845 = arith.constant 0 : i32
      %dma_start3A_846 = tpu.memref_slice %arg3[%squeeze3A_790, %dma_start3A_845] : memref<1000000x64xf32, #tpu.memory_space<hbm>> -> memref<1x64xf32, #tpu.memory_space<hbm>>
      tpu.enqueue_dma source(%dma_start3A_846 : memref<1x64xf32, #tpu.memory_space<hbm>>) target(%dma_start3A_844 : memref<1x64xf32, #tpu.memory_space<vmem>>) target_semaphore(%arg9 : memref<!tpu.dma_semaphore, #tpu.memory_space<semaphore_mem>>)
      %add3A_847 = arith.constant 13 : i32
      %add3A_848 = arith.addi %mul3A_74, %add3A_847 : i32
      %slice3A_849 = vector.extract_strided_slice %get3A_78 {offsets = [13], sizes = [1], strides = [1]} : vector<16xi32> to vector<1xi32>
      %squeeze3A_850 = vector.extract %slice3A_849[0] : i32 from vector<1xi32>
      %jit3A_851 = arith.constant 50 : i32
      %div3A_852 = arith.divsi %add3A_848, %jit3A_851 : i32
      %sign3A_853 = arith.constant 0 : i32
      %sign3A_854 = arith.cmpi sgt, %add3A_848, %sign3A_853 : i32
      %sign3A_855 = arith.extui %sign3A_854 : i1 to i32
      %sign3A_856 = arith.constant 0 : i32
      %sign3A_857 = arith.cmpi slt, %add3A_848, %sign3A_856 : i32
      %sign3A_858 = arith.extui %sign3A_857 : i1 to i32
      %sign3A_859 = arith.subi %sign3A_855, %sign3A_858 : i32
      %sign3A_860 = arith.constant 0 : i32
      %sign3A_861 = arith.cmpi sgt, %jit3A_851, %sign3A_860 : i32
      %sign3A_862 = arith.extui %sign3A_861 : i1 to i32
      %sign3A_863 = arith.constant 0 : i32
      %sign3A_864 = arith.cmpi slt, %jit3A_851, %sign3A_863 : i32
      %sign3A_865 = arith.extui %sign3A_864 : i1 to i32
      %sign3A_866 = arith.subi %sign3A_862, %sign3A_865 : i32
      %ne3A_867 = arith.cmpi ne, %sign3A_859, %sign3A_866 : i32
      %rem3A_868 = arith.remsi %add3A_848, %jit3A_851 : i32
      %ne3A_869 = arith.constant 0 : i32
      %ne3A_870 = arith.cmpi ne, %rem3A_868, %ne3A_869 : i32
      %and3A_871 = arith.andi %ne3A_867, %ne3A_870 : i1
      %sub3A_872 = arith.constant 1 : i32
      %sub3A_873 = arith.subi %div3A_852, %sub3A_872 : i32
      %select_n3A_874 = arith.select %and3A_871, %sub3A_873, %div3A_852 : i32
      %jit3A_875 = arith.constant 50 : i32
      %eq3A_876 = arith.constant 0 : i32
      %eq3A_877 = arith.cmpi eq, %jit3A_875, %eq3A_876 : i32
      %jit3A_878 = arith.constant 1 : i32
      %select_n3A_879 = arith.select %eq3A_877, %jit3A_878, %jit3A_875 : i32
      %rem3A_880 = arith.remsi %add3A_848, %select_n3A_879 : i32
      %ne3A_881 = arith.constant 0 : i32
      %ne3A_882 = arith.cmpi ne, %rem3A_880, %ne3A_881 : i32
      %lt3A_883 = arith.constant 0 : i32
      %lt3A_884 = arith.cmpi slt, %rem3A_880, %lt3A_883 : i32
      %lt3A_885 = arith.constant 0 : i32
      %lt3A_886 = arith.cmpi slt, %select_n3A_879, %lt3A_885 : i32
      %ne3A_887 = arith.xori %lt3A_884, %lt3A_886 : i1
      %and3A_888 = arith.andi %ne3A_887, %ne3A_882 : i1
      %add3A_889 = arith.addi %rem3A_880, %select_n3A_879 : i32
      %select_n3A_890 = arith.select %and3A_888, %add3A_889, %rem3A_880 : i32
      %dma_start3A_891 = arith.constant 0 : i32
      %dma_start3A_892 = arith.constant 0 : i32
      %dma_start3A_893 = tpu.memref_slice %arg7[%select_n3A_874, %dma_start3A_891, %dma_start3A_892] : memref<8x50x64xf32, #tpu.memory_space<vmem>> -> memref<1x50x64xf32, #tpu.memory_space<vmem>>
      %dma_start3A_894 = tpu.memref_squeeze %dma_start3A_893 : memref<1x50x64xf32, #tpu.memory_space<vmem>> -> memref<50x64xf32, #tpu.memory_space<vmem>>
      %dma_start3A_895 = arith.constant 0 : i32
      %dma_start3A_896 = tpu.memref_slice %dma_start3A_894[%select_n3A_890, %dma_start3A_895] : memref<50x64xf32, #tpu.memory_space<vmem>> -> memref<1x64xf32, #tpu.memory_space<vmem>>
      %dma_start3A_897 = arith.constant 0 : i32
      %dma_start3A_898 = tpu.memref_slice %arg3[%squeeze3A_850, %dma_start3A_897] : memref<1000000x64xf32, #tpu.memory_space<hbm>> -> memref<1x64xf32, #tpu.memory_space<hbm>>
      %dma_start3A_899 = arith.constant 0 : i32
      %dma_start3A_900 = arith.constant 0 : i32
      %dma_start3A_901 = tpu.memref_slice %arg7[%select_n3A_874, %dma_start3A_899, %dma_start3A_900] : memref<8x50x64xf32, #tpu.memory_space<vmem>> -> memref<1x50x64xf32, #tpu.memory_space<vmem>>
      %dma_start3A_902 = tpu.memref_squeeze %dma_start3A_901 : memref<1x50x64xf32, #tpu.memory_space<vmem>> -> memref<50x64xf32, #tpu.memory_space<vmem>>
      %dma_start3A_903 = arith.constant 0 : i32
      %dma_start3A_904 = tpu.memref_slice %dma_start3A_902[%select_n3A_890, %dma_start3A_903] : memref<50x64xf32, #tpu.memory_space<vmem>> -> memref<1x64xf32, #tpu.memory_space<vmem>>
      %dma_start3A_905 = arith.constant 0 : i32
      %dma_start3A_906 = tpu.memref_slice %arg3[%squeeze3A_850, %dma_start3A_905] : memref<1000000x64xf32, #tpu.memory_space<hbm>> -> memref<1x64xf32, #tpu.memory_space<hbm>>
      tpu.enqueue_dma source(%dma_start3A_906 : memref<1x64xf32, #tpu.memory_space<hbm>>) target(%dma_start3A_904 : memref<1x64xf32, #tpu.memory_space<vmem>>) target_semaphore(%arg9 : memref<!tpu.dma_semaphore, #tpu.memory_space<semaphore_mem>>)
      %add3A_907 = arith.constant 14 : i32
      %add3A_908 = arith.addi %mul3A_74, %add3A_907 : i32
      %slice3A_909 = vector.extract_strided_slice %get3A_78 {offsets = [14], sizes = [1], strides = [1]} : vector<16xi32> to vector<1xi32>
      %squeeze3A_910 = vector.extract %slice3A_909[0] : i32 from vector<1xi32>
      %jit3A_911 = arith.constant 50 : i32
      %div3A_912 = arith.divsi %add3A_908, %jit3A_911 : i32
      %sign3A_913 = arith.constant 0 : i32
      %sign3A_914 = arith.cmpi sgt, %add3A_908, %sign3A_913 : i32
      %sign3A_915 = arith.extui %sign3A_914 : i1 to i32
      %sign3A_916 = arith.constant 0 : i32
      %sign3A_917 = arith.cmpi slt, %add3A_908, %sign3A_916 : i32
      %sign3A_918 = arith.extui %sign3A_917 : i1 to i32
      %sign3A_919 = arith.subi %sign3A_915, %sign3A_918 : i32
      %sign3A_920 = arith.constant 0 : i32
      %sign3A_921 = arith.cmpi sgt, %jit3A_911, %sign3A_920 : i32
      %sign3A_922 = arith.extui %sign3A_921 : i1 to i32
      %sign3A_923 = arith.constant 0 : i32
      %sign3A_924 = arith.cmpi slt, %jit3A_911, %sign3A_923 : i32
      %sign3A_925 = arith.extui %sign3A_924 : i1 to i32
      %sign3A_926 = arith.subi %sign3A_922, %sign3A_925 : i32
      %ne3A_927 = arith.cmpi ne, %sign3A_919, %sign3A_926 : i32
      %rem3A_928 = arith.remsi %add3A_908, %jit3A_911 : i32
      %ne3A_929 = arith.constant 0 : i32
      %ne3A_930 = arith.cmpi ne, %rem3A_928, %ne3A_929 : i32
      %and3A_931 = arith.andi %ne3A_927, %ne3A_930 : i1
      %sub3A_932 = arith.constant 1 : i32
      %sub3A_933 = arith.subi %div3A_912, %sub3A_932 : i32
      %select_n3A_934 = arith.select %and3A_931, %sub3A_933, %div3A_912 : i32
      %jit3A_935 = arith.constant 50 : i32
      %eq3A_936 = arith.constant 0 : i32
      %eq3A_937 = arith.cmpi eq, %jit3A_935, %eq3A_936 : i32
      %jit3A_938 = arith.constant 1 : i32
      %select_n3A_939 = arith.select %eq3A_937, %jit3A_938, %jit3A_935 : i32
      %rem3A_940 = arith.remsi %add3A_908, %select_n3A_939 : i32
      %ne3A_941 = arith.constant 0 : i32
      %ne3A_942 = arith.cmpi ne, %rem3A_940, %ne3A_941 : i32
      %lt3A_943 = arith.constant 0 : i32
      %lt3A_944 = arith.cmpi slt, %rem3A_940, %lt3A_943 : i32
      %lt3A_945 = arith.constant 0 : i32
      %lt3A_946 = arith.cmpi slt, %select_n3A_939, %lt3A_945 : i32
      %ne3A_947 = arith.xori %lt3A_944, %lt3A_946 : i1
      %and3A_948 = arith.andi %ne3A_947, %ne3A_942 : i1
      %add3A_949 = arith.addi %rem3A_940, %select_n3A_939 : i32
      %select_n3A_950 = arith.select %and3A_948, %add3A_949, %rem3A_940 : i32
      %dma_start3A_951 = arith.constant 0 : i32
      %dma_start3A_952 = arith.constant 0 : i32
      %dma_start3A_953 = tpu.memref_slice %arg7[%select_n3A_934, %dma_start3A_951, %dma_start3A_952] : memref<8x50x64xf32, #tpu.memory_space<vmem>> -> memref<1x50x64xf32, #tpu.memory_space<vmem>>
      %dma_start3A_954 = tpu.memref_squeeze %dma_start3A_953 : memref<1x50x64xf32, #tpu.memory_space<vmem>> -> memref<50x64xf32, #tpu.memory_space<vmem>>
      %dma_start3A_955 = arith.constant 0 : i32
      %dma_start3A_956 = tpu.memref_slice %dma_start3A_954[%select_n3A_950, %dma_start3A_955] : memref<50x64xf32, #tpu.memory_space<vmem>> -> memref<1x64xf32, #tpu.memory_space<vmem>>
      %dma_start3A_957 = arith.constant 0 : i32
      %dma_start3A_958 = tpu.memref_slice %arg3[%squeeze3A_910, %dma_start3A_957] : memref<1000000x64xf32, #tpu.memory_space<hbm>> -> memref<1x64xf32, #tpu.memory_space<hbm>>
      %dma_start3A_959 = arith.constant 0 : i32
      %dma_start3A_960 = arith.constant 0 : i32
      %dma_start3A_961 = tpu.memref_slice %arg7[%select_n3A_934, %dma_start3A_959, %dma_start3A_960] : memref<8x50x64xf32, #tpu.memory_space<vmem>> -> memref<1x50x64xf32, #tpu.memory_space<vmem>>
      %dma_start3A_962 = tpu.memref_squeeze %dma_start3A_961 : memref<1x50x64xf32, #tpu.memory_space<vmem>> -> memref<50x64xf32, #tpu.memory_space<vmem>>
      %dma_start3A_963 = arith.constant 0 : i32
      %dma_start3A_964 = tpu.memref_slice %dma_start3A_962[%select_n3A_950, %dma_start3A_963] : memref<50x64xf32, #tpu.memory_space<vmem>> -> memref<1x64xf32, #tpu.memory_space<vmem>>
      %dma_start3A_965 = arith.constant 0 : i32
      %dma_start3A_966 = tpu.memref_slice %arg3[%squeeze3A_910, %dma_start3A_965] : memref<1000000x64xf32, #tpu.memory_space<hbm>> -> memref<1x64xf32, #tpu.memory_space<hbm>>
      tpu.enqueue_dma source(%dma_start3A_966 : memref<1x64xf32, #tpu.memory_space<hbm>>) target(%dma_start3A_964 : memref<1x64xf32, #tpu.memory_space<vmem>>) target_semaphore(%arg9 : memref<!tpu.dma_semaphore, #tpu.memory_space<semaphore_mem>>)
      %add3A_967 = arith.constant 15 : i32
      %add3A_968 = arith.addi %mul3A_74, %add3A_967 : i32
      %slice3A_969 = vector.extract_strided_slice %get3A_78 {offsets = [15], sizes = [1], strides = [1]} : vector<16xi32> to vector<1xi32>
      %squeeze3A_970 = vector.extract %slice3A_969[0] : i32 from vector<1xi32>
      %jit3A_971 = arith.constant 50 : i32
      %div3A_972 = arith.divsi %add3A_968, %jit3A_971 : i32
      %sign3A_973 = arith.constant 0 : i32
      %sign3A_974 = arith.cmpi sgt, %add3A_968, %sign3A_973 : i32
      %sign3A_975 = arith.extui %sign3A_974 : i1 to i32
      %sign3A_976 = arith.constant 0 : i32
      %sign3A_977 = arith.cmpi slt, %add3A_968, %sign3A_976 : i32
      %sign3A_978 = arith.extui %sign3A_977 : i1 to i32
      %sign3A_979 = arith.subi %sign3A_975, %sign3A_978 : i32
      %sign3A_980 = arith.constant 0 : i32
      %sign3A_981 = arith.cmpi sgt, %jit3A_971, %sign3A_980 : i32
      %sign3A_982 = arith.extui %sign3A_981 : i1 to i32
      %sign3A_983 = arith.constant 0 : i32
      %sign3A_984 = arith.cmpi slt, %jit3A_971, %sign3A_983 : i32
      %sign3A_985 = arith.extui %sign3A_984 : i1 to i32
      %sign3A_986 = arith.subi %sign3A_982, %sign3A_985 : i32
      %ne3A_987 = arith.cmpi ne, %sign3A_979, %sign3A_986 : i32
      %rem3A_988 = arith.remsi %add3A_968, %jit3A_971 : i32
      %ne3A_989 = arith.constant 0 : i32
      %ne3A_990 = arith.cmpi ne, %rem3A_988, %ne3A_989 : i32
      %and3A_991 = arith.andi %ne3A_987, %ne3A_990 : i1
      %sub3A_992 = arith.constant 1 : i32
      %sub3A_993 = arith.subi %div3A_972, %sub3A_992 : i32
      %select_n3A_994 = arith.select %and3A_991, %sub3A_993, %div3A_972 : i32
      %jit3A_995 = arith.constant 50 : i32
      %eq3A_996 = arith.constant 0 : i32
      %eq3A_997 = arith.cmpi eq, %jit3A_995, %eq3A_996 : i32
      %jit3A_998 = arith.constant 1 : i32
      %select_n3A_999 = arith.select %eq3A_997, %jit3A_998, %jit3A_995 : i32
      %rem3A_1000 = arith.remsi %add3A_968, %select_n3A_999 : i32
      %ne3A_1001 = arith.constant 0 : i32
      %ne3A_1002 = arith.cmpi ne, %rem3A_1000, %ne3A_1001 : i32
      %lt3A_1003 = arith.constant 0 : i32
      %lt3A_1004 = arith.cmpi slt, %rem3A_1000, %lt3A_1003 : i32
      %lt3A_1005 = arith.constant 0 : i32
      %lt3A_1006 = arith.cmpi slt, %select_n3A_999, %lt3A_1005 : i32
      %ne3A_1007 = arith.xori %lt3A_1004, %lt3A_1006 : i1
      %and3A_1008 = arith.andi %ne3A_1007, %ne3A_1002 : i1
      %add3A_1009 = arith.addi %rem3A_1000, %select_n3A_999 : i32
      %select_n3A_1010 = arith.select %and3A_1008, %add3A_1009, %rem3A_1000 : i32
      %dma_start3A_1011 = arith.constant 0 : i32
      %dma_start3A_1012 = arith.constant 0 : i32
      %dma_start3A_1013 = tpu.memref_slice %arg7[%select_n3A_994, %dma_start3A_1011, %dma_start3A_1012] : memref<8x50x64xf32, #tpu.memory_space<vmem>> -> memref<1x50x64xf32, #tpu.memory_space<vmem>>
      %dma_start3A_1014 = tpu.memref_squeeze %dma_start3A_1013 : memref<1x50x64xf32, #tpu.memory_space<vmem>> -> memref<50x64xf32, #tpu.memory_space<vmem>>
      %dma_start3A_1015 = arith.constant 0 : i32
      %dma_start3A_1016 = tpu.memref_slice %dma_start3A_1014[%select_n3A_1010, %dma_start3A_1015] : memref<50x64xf32, #tpu.memory_space<vmem>> -> memref<1x64xf32, #tpu.memory_space<vmem>>
      %dma_start3A_1017 = arith.constant 0 : i32
      %dma_start3A_1018 = tpu.memref_slice %arg3[%squeeze3A_970, %dma_start3A_1017] : memref<1000000x64xf32, #tpu.memory_space<hbm>> -> memref<1x64xf32, #tpu.memory_space<hbm>>
      %dma_start3A_1019 = arith.constant 0 : i32
      %dma_start3A_1020 = arith.constant 0 : i32
      %dma_start3A_1021 = tpu.memref_slice %arg7[%select_n3A_994, %dma_start3A_1019, %dma_start3A_1020] : memref<8x50x64xf32, #tpu.memory_space<vmem>> -> memref<1x50x64xf32, #tpu.memory_space<vmem>>
      %dma_start3A_1022 = tpu.memref_squeeze %dma_start3A_1021 : memref<1x50x64xf32, #tpu.memory_space<vmem>> -> memref<50x64xf32, #tpu.memory_space<vmem>>
      %dma_start3A_1023 = arith.constant 0 : i32
      %dma_start3A_1024 = tpu.memref_slice %dma_start3A_1022[%select_n3A_1010, %dma_start3A_1023] : memref<50x64xf32, #tpu.memory_space<vmem>> -> memref<1x64xf32, #tpu.memory_space<vmem>>
      %dma_start3A_1025 = arith.constant 0 : i32
      %dma_start3A_1026 = tpu.memref_slice %arg3[%squeeze3A_970, %dma_start3A_1025] : memref<1000000x64xf32, #tpu.memory_space<hbm>> -> memref<1x64xf32, #tpu.memory_space<hbm>>
      tpu.enqueue_dma source(%dma_start3A_1026 : memref<1x64xf32, #tpu.memory_space<hbm>>) target(%dma_start3A_1024 : memref<1x64xf32, #tpu.memory_space<vmem>>) target_semaphore(%arg9 : memref<!tpu.dma_semaphore, #tpu.memory_space<semaphore_mem>>)
      %scan3A_1027 = arith.constant 0 : i32
      scf.yield %scan3A_1027 : i32
    }
    %scan3A_17 = arith.constant 25 : i32
    %scan3A_18 = arith.constant 0 : i32
    %scan3A_19 = arith.constant 0 : i32
    %scan3A_20 = arith.constant 7 : i32
    %scan3A_21 = arith.addi %scan3A_19, %scan3A_20 : i32
    %scan3A_22 = arith.constant 1 : i32
    %scan3A_23 = scf.for %scan3A_71 = %scan3A_19 to %scan3A_21 step %scan3A_22 iter_args(%scan3A_72 = %scan3A_18) -> (i32)  : i32 {
      %mul3A_73 = arith.constant 2 : i32
      %mul3A_74 = arith.muli %mul3A_73, %scan3A_71 : i32
      %dma_wait3A_75 = arith.constant 0 : i32
      %dma_wait3A_76 = arith.constant 0 : i32
      %dma_wait3A_77 = arith.constant 0 : i32
      %dma_wait3A_78 = tpu.memref_slice %arg4[%dma_wait3A_75, %dma_wait3A_76, %dma_wait3A_77] : memref<4096x50x64xf32, #tpu.memory_space<hbm>> -> memref<8x50x64xf32, #tpu.memory_space<hbm>>
      %dma_wait3A_79 = arith.constant 0 : i32
      %dma_wait3A_80 = arith.constant 0 : i32
      %dma_wait3A_81 = arith.constant 0 : i32
      %dma_wait3A_82 = tpu.memref_slice %arg4[%dma_wait3A_79, %dma_wait3A_80, %dma_wait3A_81] : memref<4096x50x64xf32, #tpu.memory_space<hbm>> -> memref<8x50x64xf32, #tpu.memory_space<hbm>>
      tpu.wait_dma2 semaphore(%arg8 : memref<!tpu.dma_semaphore, #tpu.memory_space<semaphore_mem>>) src(%dma_wait3A_82 : memref<8x50x64xf32, #tpu.memory_space<hbm>>) dst(%arg6 : memref<8x50x64xf32, #tpu.memory_space<vmem>>)
      %mul3A_83 = arith.constant 8 : i32
      %mul3A_84 = arith.muli %mul3A_74, %mul3A_83 : i32
      %add3A_85 = arith.addi %mul3A_4, %mul3A_84 : i32
      %dma_start3A_86 = arith.constant 0 : i32
      %dma_start3A_87 = arith.constant 0 : i32
      %dma_start3A_88 = tpu.memref_slice %arg4[%add3A_85, %dma_start3A_86, %dma_start3A_87] : memref<4096x50x64xf32, #tpu.memory_space<hbm>> -> memref<8x50x64xf32, #tpu.memory_space<hbm>>
      %dma_start3A_89 = arith.constant 0 : i32
      %dma_start3A_90 = arith.constant 0 : i32
      %dma_start3A_91 = tpu.memref_slice %arg4[%add3A_85, %dma_start3A_89, %dma_start3A_90] : memref<4096x50x64xf32, #tpu.memory_space<hbm>> -> memref<8x50x64xf32, #tpu.memory_space<hbm>>
      tpu.enqueue_dma source(%arg6 : memref<8x50x64xf32, #tpu.memory_space<vmem>>) target(%dma_start3A_91 : memref<8x50x64xf32, #tpu.memory_space<hbm>>) target_semaphore(%arg10 : memref<!tpu.dma_semaphore, #tpu.memory_space<semaphore_mem>>)
      %mul3A_92 = arith.constant 8 : i32
      %mul3A_93 = arith.muli %mul3A_74, %mul3A_92 : i32
      %add3A_94 = arith.addi %mul3A_4, %mul3A_93 : i32
      %dma_wait3A_95 = arith.constant 0 : i32
      %dma_wait3A_96 = arith.constant 0 : i32
      %dma_wait3A_97 = tpu.memref_slice %arg4[%add3A_94, %dma_wait3A_95, %dma_wait3A_96] : memref<4096x50x64xf32, #tpu.memory_space<hbm>> -> memref<8x50x64xf32, #tpu.memory_space<hbm>>
      %dma_wait3A_98 = arith.constant 0 : i32
      %dma_wait3A_99 = arith.constant 0 : i32
      %dma_wait3A_100 = tpu.memref_slice %arg4[%add3A_94, %dma_wait3A_98, %dma_wait3A_99] : memref<4096x50x64xf32, #tpu.memory_space<hbm>> -> memref<8x50x64xf32, #tpu.memory_space<hbm>>
      tpu.wait_dma2 semaphore(%arg10 : memref<!tpu.dma_semaphore, #tpu.memory_space<semaphore_mem>>) src(%arg6 : memref<8x50x64xf32, #tpu.memory_space<vmem>>) dst(%dma_wait3A_100 : memref<8x50x64xf32, #tpu.memory_space<hbm>>)
      %add3A_101 = arith.constant 2 : i32
      %add3A_102 = arith.addi %mul3A_74, %add3A_101 : i32
      %scan3A_103 = arith.constant 0 : i32
      %scan3A_104 = arith.constant 0 : i32
      %scan3A_105 = arith.constant 25 : i32
      %scan3A_106 = arith.addi %scan3A_104, %scan3A_105 : i32
      %scan3A_107 = arith.constant 1 : i32
      %scan3A_108 = scf.for %scan3A_150 = %scan3A_104 to %scan3A_106 step %scan3A_107 iter_args(%scan3A_151 = %scan3A_103) -> (i32)  : i32 {
        %mul3A_152 = arith.constant 16 : i32
        %mul3A_153 = arith.muli %scan3A_150, %mul3A_152 : i32
        %mul3A_154 = arith.constant 400 : i32
        %mul3A_155 = arith.muli %add3A_102, %mul3A_154 : i32
        %add3A_156 = arith.addi %mul3A_155, %mul3A_153 : i32
        %get3A = arith.index_cast %add3A_156 : i32 to index
        %get3A_157 = tpu.vector_load %arg5[%get3A] {strides = array<i32>} : memref<6400xi32, #tpu.memory_space<vmem>>, vector<16xi32>,
        %get3A_158 = vector.shape_cast %get3A_157 : vector<16xi32> to vector<16xi32>
        %add3A_159 = arith.constant 0 : i32
        %add3A_160 = arith.addi %mul3A_153, %add3A_159 : i32
        %slice3A = vector.extract_strided_slice %get3A_158 {offsets = [0], sizes = [1], strides = [1]} : vector<16xi32> to vector<1xi32>
        %squeeze3A = vector.extract %slice3A[0] : i32 from vector<1xi32>
        %jit3A = arith.constant 50 : i32
        %div3A = arith.divsi %add3A_160, %jit3A : i32
        %sign3A = arith.constant 0 : i32
        %sign3A_161 = arith.cmpi sgt, %add3A_160, %sign3A : i32
        %sign3A_162 = arith.extui %sign3A_161 : i1 to i32
        %sign3A_163 = arith.constant 0 : i32
        %sign3A_164 = arith.cmpi slt, %add3A_160, %sign3A_163 : i32
        %sign3A_165 = arith.extui %sign3A_164 : i1 to i32
        %sign3A_166 = arith.subi %sign3A_162, %sign3A_165 : i32
        %sign3A_167 = arith.constant 0 : i32
        %sign3A_168 = arith.cmpi sgt, %jit3A, %sign3A_167 : i32
        %sign3A_169 = arith.extui %sign3A_168 : i1 to i32
        %sign3A_170 = arith.constant 0 : i32
        %sign3A_171 = arith.cmpi slt, %jit3A, %sign3A_170 : i32
        %sign3A_172 = arith.extui %sign3A_171 : i1 to i32
        %sign3A_173 = arith.subi %sign3A_169, %sign3A_172 : i32
        %ne3A = arith.cmpi ne, %sign3A_166, %sign3A_173 : i32
        %rem3A = arith.remsi %add3A_160, %jit3A : i32
        %ne3A_174 = arith.constant 0 : i32
        %ne3A_175 = arith.cmpi ne, %rem3A, %ne3A_174 : i32
        %and3A = arith.andi %ne3A, %ne3A_175 : i1
        %sub3A = arith.constant 1 : i32
        %sub3A_176 = arith.subi %div3A, %sub3A : i32
        %select_n3A = arith.select %and3A, %sub3A_176, %div3A : i32
        %jit3A_177 = arith.constant 50 : i32
        %eq3A = arith.constant 0 : i32
        %eq3A_178 = arith.cmpi eq, %jit3A_177, %eq3A : i32
        %jit3A_179 = arith.constant 1 : i32
        %select_n3A_180 = arith.select %eq3A_178, %jit3A_179, %jit3A_177 : i32
        %rem3A_181 = arith.remsi %add3A_160, %select_n3A_180 : i32
        %ne3A_182 = arith.constant 0 : i32
        %ne3A_183 = arith.cmpi ne, %rem3A_181, %ne3A_182 : i32
        %lt3A = arith.constant 0 : i32
        %lt3A_184 = arith.cmpi slt, %rem3A_181, %lt3A : i32
        %lt3A_185 = arith.constant 0 : i32
        %lt3A_186 = arith.cmpi slt, %select_n3A_180, %lt3A_185 : i32
        %ne3A_187 = arith.xori %lt3A_184, %lt3A_186 : i1
        %and3A_188 = arith.andi %ne3A_187, %ne3A_183 : i1
        %add3A_189 = arith.addi %rem3A_181, %select_n3A_180 : i32
        %select_n3A_190 = arith.select %and3A_188, %add3A_189, %rem3A_181 : i32
        %dma_start3A_191 = arith.constant 0 : i32
        %dma_start3A_192 = arith.constant 0 : i32
        %dma_start3A_193 = tpu.memref_slice %arg6[%select_n3A, %dma_start3A_191, %dma_start3A_192] : memref<8x50x64xf32, #tpu.memory_space<vmem>> -> memref<1x50x64xf32, #tpu.memory_space<vmem>>
        %dma_start3A_194 = tpu.memref_squeeze %dma_start3A_193 : memref<1x50x64xf32, #tpu.memory_space<vmem>> -> memref<50x64xf32, #tpu.memory_space<vmem>>
        %dma_start3A_195 = arith.constant 0 : i32
        %dma_start3A_196 = tpu.memref_slice %dma_start3A_194[%select_n3A_190, %dma_start3A_195] : memref<50x64xf32, #tpu.memory_space<vmem>> -> memref<1x64xf32, #tpu.memory_space<vmem>>
        %dma_start3A_197 = arith.constant 0 : i32
        %dma_start3A_198 = tpu.memref_slice %arg3[%squeeze3A, %dma_start3A_197] : memref<1000000x64xf32, #tpu.memory_space<hbm>> -> memref<1x64xf32, #tpu.memory_space<hbm>>
        %dma_start3A_199 = arith.constant 0 : i32
        %dma_start3A_200 = arith.constant 0 : i32
        %dma_start3A_201 = tpu.memref_slice %arg6[%select_n3A, %dma_start3A_199, %dma_start3A_200] : memref<8x50x64xf32, #tpu.memory_space<vmem>> -> memref<1x50x64xf32, #tpu.memory_space<vmem>>
        %dma_start3A_202 = tpu.memref_squeeze %dma_start3A_201 : memref<1x50x64xf32, #tpu.memory_space<vmem>> -> memref<50x64xf32, #tpu.memory_space<vmem>>
        %dma_start3A_203 = arith.constant 0 : i32
        %dma_start3A_204 = tpu.memref_slice %dma_start3A_202[%select_n3A_190, %dma_start3A_203] : memref<50x64xf32, #tpu.memory_space<vmem>> -> memref<1x64xf32, #tpu.memory_space<vmem>>
        %dma_start3A_205 = arith.constant 0 : i32
        %dma_start3A_206 = tpu.memref_slice %arg3[%squeeze3A, %dma_start3A_205] : memref<1000000x64xf32, #tpu.memory_space<hbm>> -> memref<1x64xf32, #tpu.memory_space<hbm>>
        tpu.enqueue_dma source(%dma_start3A_206 : memref<1x64xf32, #tpu.memory_space<hbm>>) target(%dma_start3A_204 : memref<1x64xf32, #tpu.memory_space<vmem>>) target_semaphore(%arg8 : memref<!tpu.dma_semaphore, #tpu.memory_space<semaphore_mem>>)
        %add3A_207 = arith.constant 1 : i32
        %add3A_208 = arith.addi %mul3A_153, %add3A_207 : i32
        %slice3A_209 = vector.extract_strided_slice %get3A_158 {offsets = [1], sizes = [1], strides = [1]} : vector<16xi32> to vector<1xi32>
        %squeeze3A_210 = vector.extract %slice3A_209[0] : i32 from vector<1xi32>
        %jit3A_211 = arith.constant 50 : i32
        %div3A_212 = arith.divsi %add3A_208, %jit3A_211 : i32
        %sign3A_213 = arith.constant 0 : i32
        %sign3A_214 = arith.cmpi sgt, %add3A_208, %sign3A_213 : i32
        %sign3A_215 = arith.extui %sign3A_214 : i1 to i32
        %sign3A_216 = arith.constant 0 : i32
        %sign3A_217 = arith.cmpi slt, %add3A_208, %sign3A_216 : i32
        %sign3A_218 = arith.extui %sign3A_217 : i1 to i32
        %sign3A_219 = arith.subi %sign3A_215, %sign3A_218 : i32
        %sign3A_220 = arith.constant 0 : i32
        %sign3A_221 = arith.cmpi sgt, %jit3A_211, %sign3A_220 : i32
        %sign3A_222 = arith.extui %sign3A_221 : i1 to i32
        %sign3A_223 = arith.constant 0 : i32
        %sign3A_224 = arith.cmpi slt, %jit3A_211, %sign3A_223 : i32
        %sign3A_225 = arith.extui %sign3A_224 : i1 to i32
        %sign3A_226 = arith.subi %sign3A_222, %sign3A_225 : i32
        %ne3A_227 = arith.cmpi ne, %sign3A_219, %sign3A_226 : i32
        %rem3A_228 = arith.remsi %add3A_208, %jit3A_211 : i32
        %ne3A_229 = arith.constant 0 : i32
        %ne3A_230 = arith.cmpi ne, %rem3A_228, %ne3A_229 : i32
        %and3A_231 = arith.andi %ne3A_227, %ne3A_230 : i1
        %sub3A_232 = arith.constant 1 : i32
        %sub3A_233 = arith.subi %div3A_212, %sub3A_232 : i32
        %select_n3A_234 = arith.select %and3A_231, %sub3A_233, %div3A_212 : i32
        %jit3A_235 = arith.constant 50 : i32
        %eq3A_236 = arith.constant 0 : i32
        %eq3A_237 = arith.cmpi eq, %jit3A_235, %eq3A_236 : i32
        %jit3A_238 = arith.constant 1 : i32
        %select_n3A_239 = arith.select %eq3A_237, %jit3A_238, %jit3A_235 : i32
        %rem3A_240 = arith.remsi %add3A_208, %select_n3A_239 : i32
        %ne3A_241 = arith.constant 0 : i32
        %ne3A_242 = arith.cmpi ne, %rem3A_240, %ne3A_241 : i32
        %lt3A_243 = arith.constant 0 : i32
        %lt3A_244 = arith.cmpi slt, %rem3A_240, %lt3A_243 : i32
        %lt3A_245 = arith.constant 0 : i32
        %lt3A_246 = arith.cmpi slt, %select_n3A_239, %lt3A_245 : i32
        %ne3A_247 = arith.xori %lt3A_244, %lt3A_246 : i1
        %and3A_248 = arith.andi %ne3A_247, %ne3A_242 : i1
        %add3A_249 = arith.addi %rem3A_240, %select_n3A_239 : i32
        %select_n3A_250 = arith.select %and3A_248, %add3A_249, %rem3A_240 : i32
        %dma_start3A_251 = arith.constant 0 : i32
        %dma_start3A_252 = arith.constant 0 : i32
        %dma_start3A_253 = tpu.memref_slice %arg6[%select_n3A_234, %dma_start3A_251, %dma_start3A_252] : memref<8x50x64xf32, #tpu.memory_space<vmem>> -> memref<1x50x64xf32, #tpu.memory_space<vmem>>
        %dma_start3A_254 = tpu.memref_squeeze %dma_start3A_253 : memref<1x50x64xf32, #tpu.memory_space<vmem>> -> memref<50x64xf32, #tpu.memory_space<vmem>>
        %dma_start3A_255 = arith.constant 0 : i32
        %dma_start3A_256 = tpu.memref_slice %dma_start3A_254[%select_n3A_250, %dma_start3A_255] : memref<50x64xf32, #tpu.memory_space<vmem>> -> memref<1x64xf32, #tpu.memory_space<vmem>>
        %dma_start3A_257 = arith.constant 0 : i32
        %dma_start3A_258 = tpu.memref_slice %arg3[%squeeze3A_210, %dma_start3A_257] : memref<1000000x64xf32, #tpu.memory_space<hbm>> -> memref<1x64xf32, #tpu.memory_space<hbm>>
        %dma_start3A_259 = arith.constant 0 : i32
        %dma_start3A_260 = arith.constant 0 : i32
        %dma_start3A_261 = tpu.memref_slice %arg6[%select_n3A_234, %dma_start3A_259, %dma_start3A_260] : memref<8x50x64xf32, #tpu.memory_space<vmem>> -> memref<1x50x64xf32, #tpu.memory_space<vmem>>
        %dma_start3A_262 = tpu.memref_squeeze %dma_start3A_261 : memref<1x50x64xf32, #tpu.memory_space<vmem>> -> memref<50x64xf32, #tpu.memory_space<vmem>>
        %dma_start3A_263 = arith.constant 0 : i32
        %dma_start3A_264 = tpu.memref_slice %dma_start3A_262[%select_n3A_250, %dma_start3A_263] : memref<50x64xf32, #tpu.memory_space<vmem>> -> memref<1x64xf32, #tpu.memory_space<vmem>>
        %dma_start3A_265 = arith.constant 0 : i32
        %dma_start3A_266 = tpu.memref_slice %arg3[%squeeze3A_210, %dma_start3A_265] : memref<1000000x64xf32, #tpu.memory_space<hbm>> -> memref<1x64xf32, #tpu.memory_space<hbm>>
        tpu.enqueue_dma source(%dma_start3A_266 : memref<1x64xf32, #tpu.memory_space<hbm>>) target(%dma_start3A_264 : memref<1x64xf32, #tpu.memory_space<vmem>>) target_semaphore(%arg8 : memref<!tpu.dma_semaphore, #tpu.memory_space<semaphore_mem>>)
        %add3A_267 = arith.constant 2 : i32
        %add3A_268 = arith.addi %mul3A_153, %add3A_267 : i32
        %slice3A_269 = vector.extract_strided_slice %get3A_158 {offsets = [2], sizes = [1], strides = [1]} : vector<16xi32> to vector<1xi32>
        %squeeze3A_270 = vector.extract %slice3A_269[0] : i32 from vector<1xi32>
        %jit3A_271 = arith.constant 50 : i32
        %div3A_272 = arith.divsi %add3A_268, %jit3A_271 : i32
        %sign3A_273 = arith.constant 0 : i32
        %sign3A_274 = arith.cmpi sgt, %add3A_268, %sign3A_273 : i32
        %sign3A_275 = arith.extui %sign3A_274 : i1 to i32
        %sign3A_276 = arith.constant 0 : i32
        %sign3A_277 = arith.cmpi slt, %add3A_268, %sign3A_276 : i32
        %sign3A_278 = arith.extui %sign3A_277 : i1 to i32
        %sign3A_279 = arith.subi %sign3A_275, %sign3A_278 : i32
        %sign3A_280 = arith.constant 0 : i32
        %sign3A_281 = arith.cmpi sgt, %jit3A_271, %sign3A_280 : i32
        %sign3A_282 = arith.extui %sign3A_281 : i1 to i32
        %sign3A_283 = arith.constant 0 : i32
        %sign3A_284 = arith.cmpi slt, %jit3A_271, %sign3A_283 : i32
        %sign3A_285 = arith.extui %sign3A_284 : i1 to i32
        %sign3A_286 = arith.subi %sign3A_282, %sign3A_285 : i32
        %ne3A_287 = arith.cmpi ne, %sign3A_279, %sign3A_286 : i32
        %rem3A_288 = arith.remsi %add3A_268, %jit3A_271 : i32
        %ne3A_289 = arith.constant 0 : i32
        %ne3A_290 = arith.cmpi ne, %rem3A_288, %ne3A_289 : i32
        %and3A_291 = arith.andi %ne3A_287, %ne3A_290 : i1
        %sub3A_292 = arith.constant 1 : i32
        %sub3A_293 = arith.subi %div3A_272, %sub3A_292 : i32
        %select_n3A_294 = arith.select %and3A_291, %sub3A_293, %div3A_272 : i32
        %jit3A_295 = arith.constant 50 : i32
        %eq3A_296 = arith.constant 0 : i32
        %eq3A_297 = arith.cmpi eq, %jit3A_295, %eq3A_296 : i32
        %jit3A_298 = arith.constant 1 : i32
        %select_n3A_299 = arith.select %eq3A_297, %jit3A_298, %jit3A_295 : i32
        %rem3A_300 = arith.remsi %add3A_268, %select_n3A_299 : i32
        %ne3A_301 = arith.constant 0 : i32
        %ne3A_302 = arith.cmpi ne, %rem3A_300, %ne3A_301 : i32
        %lt3A_303 = arith.constant 0 : i32
        %lt3A_304 = arith.cmpi slt, %rem3A_300, %lt3A_303 : i32
        %lt3A_305 = arith.constant 0 : i32
        %lt3A_306 = arith.cmpi slt, %select_n3A_299, %lt3A_305 : i32
        %ne3A_307 = arith.xori %lt3A_304, %lt3A_306 : i1
        %and3A_308 = arith.andi %ne3A_307, %ne3A_302 : i1
        %add3A_309 = arith.addi %rem3A_300, %select_n3A_299 : i32
        %select_n3A_310 = arith.select %and3A_308, %add3A_309, %rem3A_300 : i32
        %dma_start3A_311 = arith.constant 0 : i32
        %dma_start3A_312 = arith.constant 0 : i32
        %dma_start3A_313 = tpu.memref_slice %arg6[%select_n3A_294, %dma_start3A_311, %dma_start3A_312] : memref<8x50x64xf32, #tpu.memory_space<vmem>> -> memref<1x50x64xf32, #tpu.memory_space<vmem>>
        %dma_start3A_314 = tpu.memref_squeeze %dma_start3A_313 : memref<1x50x64xf32, #tpu.memory_space<vmem>> -> memref<50x64xf32, #tpu.memory_space<vmem>>
        %dma_start3A_315 = arith.constant 0 : i32
        %dma_start3A_316 = tpu.memref_slice %dma_start3A_314[%select_n3A_310, %dma_start3A_315] : memref<50x64xf32, #tpu.memory_space<vmem>> -> memref<1x64xf32, #tpu.memory_space<vmem>>
        %dma_start3A_317 = arith.constant 0 : i32
        %dma_start3A_318 = tpu.memref_slice %arg3[%squeeze3A_270, %dma_start3A_317] : memref<1000000x64xf32, #tpu.memory_space<hbm>> -> memref<1x64xf32, #tpu.memory_space<hbm>>
        %dma_start3A_319 = arith.constant 0 : i32
        %dma_start3A_320 = arith.constant 0 : i32
        %dma_start3A_321 = tpu.memref_slice %arg6[%select_n3A_294, %dma_start3A_319, %dma_start3A_320] : memref<8x50x64xf32, #tpu.memory_space<vmem>> -> memref<1x50x64xf32, #tpu.memory_space<vmem>>
        %dma_start3A_322 = tpu.memref_squeeze %dma_start3A_321 : memref<1x50x64xf32, #tpu.memory_space<vmem>> -> memref<50x64xf32, #tpu.memory_space<vmem>>
        %dma_start3A_323 = arith.constant 0 : i32
        %dma_start3A_324 = tpu.memref_slice %dma_start3A_322[%select_n3A_310, %dma_start3A_323] : memref<50x64xf32, #tpu.memory_space<vmem>> -> memref<1x64xf32, #tpu.memory_space<vmem>>
        %dma_start3A_325 = arith.constant 0 : i32
        %dma_start3A_326 = tpu.memref_slice %arg3[%squeeze3A_270, %dma_start3A_325] : memref<1000000x64xf32, #tpu.memory_space<hbm>> -> memref<1x64xf32, #tpu.memory_space<hbm>>
        tpu.enqueue_dma source(%dma_start3A_326 : memref<1x64xf32, #tpu.memory_space<hbm>>) target(%dma_start3A_324 : memref<1x64xf32, #tpu.memory_space<vmem>>) target_semaphore(%arg8 : memref<!tpu.dma_semaphore, #tpu.memory_space<semaphore_mem>>)
        %add3A_327 = arith.constant 3 : i32
        %add3A_328 = arith.addi %mul3A_153, %add3A_327 : i32
        %slice3A_329 = vector.extract_strided_slice %get3A_158 {offsets = [3], sizes = [1], strides = [1]} : vector<16xi32> to vector<1xi32>
        %squeeze3A_330 = vector.extract %slice3A_329[0] : i32 from vector<1xi32>
        %jit3A_331 = arith.constant 50 : i32
        %div3A_332 = arith.divsi %add3A_328, %jit3A_331 : i32
        %sign3A_333 = arith.constant 0 : i32
        %sign3A_334 = arith.cmpi sgt, %add3A_328, %sign3A_333 : i32
        %sign3A_335 = arith.extui %sign3A_334 : i1 to i32
        %sign3A_336 = arith.constant 0 : i32
        %sign3A_337 = arith.cmpi slt, %add3A_328, %sign3A_336 : i32
        %sign3A_338 = arith.extui %sign3A_337 : i1 to i32
        %sign3A_339 = arith.subi %sign3A_335, %sign3A_338 : i32
        %sign3A_340 = arith.constant 0 : i32
        %sign3A_341 = arith.cmpi sgt, %jit3A_331, %sign3A_340 : i32
        %sign3A_342 = arith.extui %sign3A_341 : i1 to i32
        %sign3A_343 = arith.constant 0 : i32
        %sign3A_344 = arith.cmpi slt, %jit3A_331, %sign3A_343 : i32
        %sign3A_345 = arith.extui %sign3A_344 : i1 to i32
        %sign3A_346 = arith.subi %sign3A_342, %sign3A_345 : i32
        %ne3A_347 = arith.cmpi ne, %sign3A_339, %sign3A_346 : i32
        %rem3A_348 = arith.remsi %add3A_328, %jit3A_331 : i32
        %ne3A_349 = arith.constant 0 : i32
        %ne3A_350 = arith.cmpi ne, %rem3A_348, %ne3A_349 : i32
        %and3A_351 = arith.andi %ne3A_347, %ne3A_350 : i1
        %sub3A_352 = arith.constant 1 : i32
        %sub3A_353 = arith.subi %div3A_332, %sub3A_352 : i32
        %select_n3A_354 = arith.select %and3A_351, %sub3A_353, %div3A_332 : i32
        %jit3A_355 = arith.constant 50 : i32
        %eq3A_356 = arith.constant 0 : i32
        %eq3A_357 = arith.cmpi eq, %jit3A_355, %eq3A_356 : i32
        %jit3A_358 = arith.constant 1 : i32
        %select_n3A_359 = arith.select %eq3A_357, %jit3A_358, %jit3A_355 : i32
        %rem3A_360 = arith.remsi %add3A_328, %select_n3A_359 : i32
        %ne3A_361 = arith.constant 0 : i32
        %ne3A_362 = arith.cmpi ne, %rem3A_360, %ne3A_361 : i32
        %lt3A_363 = arith.constant 0 : i32
        %lt3A_364 = arith.cmpi slt, %rem3A_360, %lt3A_363 : i32
        %lt3A_365 = arith.constant 0 : i32
        %lt3A_366 = arith.cmpi slt, %select_n3A_359, %lt3A_365 : i32
        %ne3A_367 = arith.xori %lt3A_364, %lt3A_366 : i1
        %and3A_368 = arith.andi %ne3A_367, %ne3A_362 : i1
        %add3A_369 = arith.addi %rem3A_360, %select_n3A_359 : i32
        %select_n3A_370 = arith.select %and3A_368, %add3A_369, %rem3A_360 : i32
        %dma_start3A_371 = arith.constant 0 : i32
        %dma_start3A_372 = arith.constant 0 : i32
        %dma_start3A_373 = tpu.memref_slice %arg6[%select_n3A_354, %dma_start3A_371, %dma_start3A_372] : memref<8x50x64xf32, #tpu.memory_space<vmem>> -> memref<1x50x64xf32, #tpu.memory_space<vmem>>
        %dma_start3A_374 = tpu.memref_squeeze %dma_start3A_373 : memref<1x50x64xf32, #tpu.memory_space<vmem>> -> memref<50x64xf32, #tpu.memory_space<vmem>>
        %dma_start3A_375 = arith.constant 0 : i32
        %dma_start3A_376 = tpu.memref_slice %dma_start3A_374[%select_n3A_370, %dma_start3A_375] : memref<50x64xf32, #tpu.memory_space<vmem>> -> memref<1x64xf32, #tpu.memory_space<vmem>>
        %dma_start3A_377 = arith.constant 0 : i32
        %dma_start3A_378 = tpu.memref_slice %arg3[%squeeze3A_330, %dma_start3A_377] : memref<1000000x64xf32, #tpu.memory_space<hbm>> -> memref<1x64xf32, #tpu.memory_space<hbm>>
        %dma_start3A_379 = arith.constant 0 : i32
        %dma_start3A_380 = arith.constant 0 : i32
        %dma_start3A_381 = tpu.memref_slice %arg6[%select_n3A_354, %dma_start3A_379, %dma_start3A_380] : memref<8x50x64xf32, #tpu.memory_space<vmem>> -> memref<1x50x64xf32, #tpu.memory_space<vmem>>
        %dma_start3A_382 = tpu.memref_squeeze %dma_start3A_381 : memref<1x50x64xf32, #tpu.memory_space<vmem>> -> memref<50x64xf32, #tpu.memory_space<vmem>>
        %dma_start3A_383 = arith.constant 0 : i32
        %dma_start3A_384 = tpu.memref_slice %dma_start3A_382[%select_n3A_370, %dma_start3A_383] : memref<50x64xf32, #tpu.memory_space<vmem>> -> memref<1x64xf32, #tpu.memory_space<vmem>>
        %dma_start3A_385 = arith.constant 0 : i32
        %dma_start3A_386 = tpu.memref_slice %arg3[%squeeze3A_330, %dma_start3A_385] : memref<1000000x64xf32, #tpu.memory_space<hbm>> -> memref<1x64xf32, #tpu.memory_space<hbm>>
        tpu.enqueue_dma source(%dma_start3A_386 : memref<1x64xf32, #tpu.memory_space<hbm>>) target(%dma_start3A_384 : memref<1x64xf32, #tpu.memory_space<vmem>>) target_semaphore(%arg8 : memref<!tpu.dma_semaphore, #tpu.memory_space<semaphore_mem>>)
        %add3A_387 = arith.constant 4 : i32
        %add3A_388 = arith.addi %mul3A_153, %add3A_387 : i32
        %slice3A_389 = vector.extract_strided_slice %get3A_158 {offsets = [4], sizes = [1], strides = [1]} : vector<16xi32> to vector<1xi32>
        %squeeze3A_390 = vector.extract %slice3A_389[0] : i32 from vector<1xi32>
        %jit3A_391 = arith.constant 50 : i32
        %div3A_392 = arith.divsi %add3A_388, %jit3A_391 : i32
        %sign3A_393 = arith.constant 0 : i32
        %sign3A_394 = arith.cmpi sgt, %add3A_388, %sign3A_393 : i32
        %sign3A_395 = arith.extui %sign3A_394 : i1 to i32
        %sign3A_396 = arith.constant 0 : i32
        %sign3A_397 = arith.cmpi slt, %add3A_388, %sign3A_396 : i32
        %sign3A_398 = arith.extui %sign3A_397 : i1 to i32
        %sign3A_399 = arith.subi %sign3A_395, %sign3A_398 : i32
        %sign3A_400 = arith.constant 0 : i32
        %sign3A_401 = arith.cmpi sgt, %jit3A_391, %sign3A_400 : i32
        %sign3A_402 = arith.extui %sign3A_401 : i1 to i32
        %sign3A_403 = arith.constant 0 : i32
        %sign3A_404 = arith.cmpi slt, %jit3A_391, %sign3A_403 : i32
        %sign3A_405 = arith.extui %sign3A_404 : i1 to i32
        %sign3A_406 = arith.subi %sign3A_402, %sign3A_405 : i32
        %ne3A_407 = arith.cmpi ne, %sign3A_399, %sign3A_406 : i32
        %rem3A_408 = arith.remsi %add3A_388, %jit3A_391 : i32
        %ne3A_409 = arith.constant 0 : i32
        %ne3A_410 = arith.cmpi ne, %rem3A_408, %ne3A_409 : i32
        %and3A_411 = arith.andi %ne3A_407, %ne3A_410 : i1
        %sub3A_412 = arith.constant 1 : i32
        %sub3A_413 = arith.subi %div3A_392, %sub3A_412 : i32
        %select_n3A_414 = arith.select %and3A_411, %sub3A_413, %div3A_392 : i32
        %jit3A_415 = arith.constant 50 : i32
        %eq3A_416 = arith.constant 0 : i32
        %eq3A_417 = arith.cmpi eq, %jit3A_415, %eq3A_416 : i32
        %jit3A_418 = arith.constant 1 : i32
        %select_n3A_419 = arith.select %eq3A_417, %jit3A_418, %jit3A_415 : i32
        %rem3A_420 = arith.remsi %add3A_388, %select_n3A_419 : i32
        %ne3A_421 = arith.constant 0 : i32
        %ne3A_422 = arith.cmpi ne, %rem3A_420, %ne3A_421 : i32
        %lt3A_423 = arith.constant 0 : i32
        %lt3A_424 = arith.cmpi slt, %rem3A_420, %lt3A_423 : i32
        %lt3A_425 = arith.constant 0 : i32
        %lt3A_426 = arith.cmpi slt, %select_n3A_419, %lt3A_425 : i32
        %ne3A_427 = arith.xori %lt3A_424, %lt3A_426 : i1
        %and3A_428 = arith.andi %ne3A_427, %ne3A_422 : i1
        %add3A_429 = arith.addi %rem3A_420, %select_n3A_419 : i32
        %select_n3A_430 = arith.select %and3A_428, %add3A_429, %rem3A_420 : i32
        %dma_start3A_431 = arith.constant 0 : i32
        %dma_start3A_432 = arith.constant 0 : i32
        %dma_start3A_433 = tpu.memref_slice %arg6[%select_n3A_414, %dma_start3A_431, %dma_start3A_432] : memref<8x50x64xf32, #tpu.memory_space<vmem>> -> memref<1x50x64xf32, #tpu.memory_space<vmem>>
        %dma_start3A_434 = tpu.memref_squeeze %dma_start3A_433 : memref<1x50x64xf32, #tpu.memory_space<vmem>> -> memref<50x64xf32, #tpu.memory_space<vmem>>
        %dma_start3A_435 = arith.constant 0 : i32
        %dma_start3A_436 = tpu.memref_slice %dma_start3A_434[%select_n3A_430, %dma_start3A_435] : memref<50x64xf32, #tpu.memory_space<vmem>> -> memref<1x64xf32, #tpu.memory_space<vmem>>
        %dma_start3A_437 = arith.constant 0 : i32
        %dma_start3A_438 = tpu.memref_slice %arg3[%squeeze3A_390, %dma_start3A_437] : memref<1000000x64xf32, #tpu.memory_space<hbm>> -> memref<1x64xf32, #tpu.memory_space<hbm>>
        %dma_start3A_439 = arith.constant 0 : i32
        %dma_start3A_440 = arith.constant 0 : i32
        %dma_start3A_441 = tpu.memref_slice %arg6[%select_n3A_414, %dma_start3A_439, %dma_start3A_440] : memref<8x50x64xf32, #tpu.memory_space<vmem>> -> memref<1x50x64xf32, #tpu.memory_space<vmem>>
        %dma_start3A_442 = tpu.memref_squeeze %dma_start3A_441 : memref<1x50x64xf32, #tpu.memory_space<vmem>> -> memref<50x64xf32, #tpu.memory_space<vmem>>
        %dma_start3A_443 = arith.constant 0 : i32
        %dma_start3A_444 = tpu.memref_slice %dma_start3A_442[%select_n3A_430, %dma_start3A_443] : memref<50x64xf32, #tpu.memory_space<vmem>> -> memref<1x64xf32, #tpu.memory_space<vmem>>
        %dma_start3A_445 = arith.constant 0 : i32
        %dma_start3A_446 = tpu.memref_slice %arg3[%squeeze3A_390, %dma_start3A_445] : memref<1000000x64xf32, #tpu.memory_space<hbm>> -> memref<1x64xf32, #tpu.memory_space<hbm>>
        tpu.enqueue_dma source(%dma_start3A_446 : memref<1x64xf32, #tpu.memory_space<hbm>>) target(%dma_start3A_444 : memref<1x64xf32, #tpu.memory_space<vmem>>) target_semaphore(%arg8 : memref<!tpu.dma_semaphore, #tpu.memory_space<semaphore_mem>>)
        %add3A_447 = arith.constant 5 : i32
        %add3A_448 = arith.addi %mul3A_153, %add3A_447 : i32
        %slice3A_449 = vector.extract_strided_slice %get3A_158 {offsets = [5], sizes = [1], strides = [1]} : vector<16xi32> to vector<1xi32>
        %squeeze3A_450 = vector.extract %slice3A_449[0] : i32 from vector<1xi32>
        %jit3A_451 = arith.constant 50 : i32
        %div3A_452 = arith.divsi %add3A_448, %jit3A_451 : i32
        %sign3A_453 = arith.constant 0 : i32
        %sign3A_454 = arith.cmpi sgt, %add3A_448, %sign3A_453 : i32
        %sign3A_455 = arith.extui %sign3A_454 : i1 to i32
        %sign3A_456 = arith.constant 0 : i32
        %sign3A_457 = arith.cmpi slt, %add3A_448, %sign3A_456 : i32
        %sign3A_458 = arith.extui %sign3A_457 : i1 to i32
        %sign3A_459 = arith.subi %sign3A_455, %sign3A_458 : i32
        %sign3A_460 = arith.constant 0 : i32
        %sign3A_461 = arith.cmpi sgt, %jit3A_451, %sign3A_460 : i32
        %sign3A_462 = arith.extui %sign3A_461 : i1 to i32
        %sign3A_463 = arith.constant 0 : i32
        %sign3A_464 = arith.cmpi slt, %jit3A_451, %sign3A_463 : i32
        %sign3A_465 = arith.extui %sign3A_464 : i1 to i32
        %sign3A_466 = arith.subi %sign3A_462, %sign3A_465 : i32
        %ne3A_467 = arith.cmpi ne, %sign3A_459, %sign3A_466 : i32
        %rem3A_468 = arith.remsi %add3A_448, %jit3A_451 : i32
        %ne3A_469 = arith.constant 0 : i32
        %ne3A_470 = arith.cmpi ne, %rem3A_468, %ne3A_469 : i32
        %and3A_471 = arith.andi %ne3A_467, %ne3A_470 : i1
        %sub3A_472 = arith.constant 1 : i32
        %sub3A_473 = arith.subi %div3A_452, %sub3A_472 : i32
        %select_n3A_474 = arith.select %and3A_471, %sub3A_473, %div3A_452 : i32
        %jit3A_475 = arith.constant 50 : i32
        %eq3A_476 = arith.constant 0 : i32
        %eq3A_477 = arith.cmpi eq, %jit3A_475, %eq3A_476 : i32
        %jit3A_478 = arith.constant 1 : i32
        %select_n3A_479 = arith.select %eq3A_477, %jit3A_478, %jit3A_475 : i32
        %rem3A_480 = arith.remsi %add3A_448, %select_n3A_479 : i32
        %ne3A_481 = arith.constant 0 : i32
        %ne3A_482 = arith.cmpi ne, %rem3A_480, %ne3A_481 : i32
        %lt3A_483 = arith.constant 0 : i32
        %lt3A_484 = arith.cmpi slt, %rem3A_480, %lt3A_483 : i32
        %lt3A_485 = arith.constant 0 : i32
        %lt3A_486 = arith.cmpi slt, %select_n3A_479, %lt3A_485 : i32
        %ne3A_487 = arith.xori %lt3A_484, %lt3A_486 : i1
        %and3A_488 = arith.andi %ne3A_487, %ne3A_482 : i1
        %add3A_489 = arith.addi %rem3A_480, %select_n3A_479 : i32
        %select_n3A_490 = arith.select %and3A_488, %add3A_489, %rem3A_480 : i32
        %dma_start3A_491 = arith.constant 0 : i32
        %dma_start3A_492 = arith.constant 0 : i32
        %dma_start3A_493 = tpu.memref_slice %arg6[%select_n3A_474, %dma_start3A_491, %dma_start3A_492] : memref<8x50x64xf32, #tpu.memory_space<vmem>> -> memref<1x50x64xf32, #tpu.memory_space<vmem>>
        %dma_start3A_494 = tpu.memref_squeeze %dma_start3A_493 : memref<1x50x64xf32, #tpu.memory_space<vmem>> -> memref<50x64xf32, #tpu.memory_space<vmem>>
        %dma_start3A_495 = arith.constant 0 : i32
        %dma_start3A_496 = tpu.memref_slice %dma_start3A_494[%select_n3A_490, %dma_start3A_495] : memref<50x64xf32, #tpu.memory_space<vmem>> -> memref<1x64xf32, #tpu.memory_space<vmem>>
        %dma_start3A_497 = arith.constant 0 : i32
        %dma_start3A_498 = tpu.memref_slice %arg3[%squeeze3A_450, %dma_start3A_497] : memref<1000000x64xf32, #tpu.memory_space<hbm>> -> memref<1x64xf32, #tpu.memory_space<hbm>>
        %dma_start3A_499 = arith.constant 0 : i32
        %dma_start3A_500 = arith.constant 0 : i32
        %dma_start3A_501 = tpu.memref_slice %arg6[%select_n3A_474, %dma_start3A_499, %dma_start3A_500] : memref<8x50x64xf32, #tpu.memory_space<vmem>> -> memref<1x50x64xf32, #tpu.memory_space<vmem>>
        %dma_start3A_502 = tpu.memref_squeeze %dma_start3A_501 : memref<1x50x64xf32, #tpu.memory_space<vmem>> -> memref<50x64xf32, #tpu.memory_space<vmem>>
        %dma_start3A_503 = arith.constant 0 : i32
        %dma_start3A_504 = tpu.memref_slice %dma_start3A_502[%select_n3A_490, %dma_start3A_503] : memref<50x64xf32, #tpu.memory_space<vmem>> -> memref<1x64xf32, #tpu.memory_space<vmem>>
        %dma_start3A_505 = arith.constant 0 : i32
        %dma_start3A_506 = tpu.memref_slice %arg3[%squeeze3A_450, %dma_start3A_505] : memref<1000000x64xf32, #tpu.memory_space<hbm>> -> memref<1x64xf32, #tpu.memory_space<hbm>>
        tpu.enqueue_dma source(%dma_start3A_506 : memref<1x64xf32, #tpu.memory_space<hbm>>) target(%dma_start3A_504 : memref<1x64xf32, #tpu.memory_space<vmem>>) target_semaphore(%arg8 : memref<!tpu.dma_semaphore, #tpu.memory_space<semaphore_mem>>)
        %add3A_507 = arith.constant 6 : i32
        %add3A_508 = arith.addi %mul3A_153, %add3A_507 : i32
        %slice3A_509 = vector.extract_strided_slice %get3A_158 {offsets = [6], sizes = [1], strides = [1]} : vector<16xi32> to vector<1xi32>
        %squeeze3A_510 = vector.extract %slice3A_509[0] : i32 from vector<1xi32>
        %jit3A_511 = arith.constant 50 : i32
        %div3A_512 = arith.divsi %add3A_508, %jit3A_511 : i32
        %sign3A_513 = arith.constant 0 : i32
        %sign3A_514 = arith.cmpi sgt, %add3A_508, %sign3A_513 : i32
        %sign3A_515 = arith.extui %sign3A_514 : i1 to i32
        %sign3A_516 = arith.constant 0 : i32
        %sign3A_517 = arith.cmpi slt, %add3A_508, %sign3A_516 : i32
        %sign3A_518 = arith.extui %sign3A_517 : i1 to i32
        %sign3A_519 = arith.subi %sign3A_515, %sign3A_518 : i32
        %sign3A_520 = arith.constant 0 : i32
        %sign3A_521 = arith.cmpi sgt, %jit3A_511, %sign3A_520 : i32
        %sign3A_522 = arith.extui %sign3A_521 : i1 to i32
        %sign3A_523 = arith.constant 0 : i32
        %sign3A_524 = arith.cmpi slt, %jit3A_511, %sign3A_523 : i32
        %sign3A_525 = arith.extui %sign3A_524 : i1 to i32
        %sign3A_526 = arith.subi %sign3A_522, %sign3A_525 : i32
        %ne3A_527 = arith.cmpi ne, %sign3A_519, %sign3A_526 : i32
        %rem3A_528 = arith.remsi %add3A_508, %jit3A_511 : i32
        %ne3A_529 = arith.constant 0 : i32
        %ne3A_530 = arith.cmpi ne, %rem3A_528, %ne3A_529 : i32
        %and3A_531 = arith.andi %ne3A_527, %ne3A_530 : i1
        %sub3A_532 = arith.constant 1 : i32
        %sub3A_533 = arith.subi %div3A_512, %sub3A_532 : i32
        %select_n3A_534 = arith.select %and3A_531, %sub3A_533, %div3A_512 : i32
        %jit3A_535 = arith.constant 50 : i32
        %eq3A_536 = arith.constant 0 : i32
        %eq3A_537 = arith.cmpi eq, %jit3A_535, %eq3A_536 : i32
        %jit3A_538 = arith.constant 1 : i32
        %select_n3A_539 = arith.select %eq3A_537, %jit3A_538, %jit3A_535 : i32
        %rem3A_540 = arith.remsi %add3A_508, %select_n3A_539 : i32
        %ne3A_541 = arith.constant 0 : i32
        %ne3A_542 = arith.cmpi ne, %rem3A_540, %ne3A_541 : i32
        %lt3A_543 = arith.constant 0 : i32
        %lt3A_544 = arith.cmpi slt, %rem3A_540, %lt3A_543 : i32
        %lt3A_545 = arith.constant 0 : i32
        %lt3A_546 = arith.cmpi slt, %select_n3A_539, %lt3A_545 : i32
        %ne3A_547 = arith.xori %lt3A_544, %lt3A_546 : i1
        %and3A_548 = arith.andi %ne3A_547, %ne3A_542 : i1
        %add3A_549 = arith.addi %rem3A_540, %select_n3A_539 : i32
        %select_n3A_550 = arith.select %and3A_548, %add3A_549, %rem3A_540 : i32
        %dma_start3A_551 = arith.constant 0 : i32
        %dma_start3A_552 = arith.constant 0 : i32
        %dma_start3A_553 = tpu.memref_slice %arg6[%select_n3A_534, %dma_start3A_551, %dma_start3A_552] : memref<8x50x64xf32, #tpu.memory_space<vmem>> -> memref<1x50x64xf32, #tpu.memory_space<vmem>>
        %dma_start3A_554 = tpu.memref_squeeze %dma_start3A_553 : memref<1x50x64xf32, #tpu.memory_space<vmem>> -> memref<50x64xf32, #tpu.memory_space<vmem>>
        %dma_start3A_555 = arith.constant 0 : i32
        %dma_start3A_556 = tpu.memref_slice %dma_start3A_554[%select_n3A_550, %dma_start3A_555] : memref<50x64xf32, #tpu.memory_space<vmem>> -> memref<1x64xf32, #tpu.memory_space<vmem>>
        %dma_start3A_557 = arith.constant 0 : i32
        %dma_start3A_558 = tpu.memref_slice %arg3[%squeeze3A_510, %dma_start3A_557] : memref<1000000x64xf32, #tpu.memory_space<hbm>> -> memref<1x64xf32, #tpu.memory_space<hbm>>
        %dma_start3A_559 = arith.constant 0 : i32
        %dma_start3A_560 = arith.constant 0 : i32
        %dma_start3A_561 = tpu.memref_slice %arg6[%select_n3A_534, %dma_start3A_559, %dma_start3A_560] : memref<8x50x64xf32, #tpu.memory_space<vmem>> -> memref<1x50x64xf32, #tpu.memory_space<vmem>>
        %dma_start3A_562 = tpu.memref_squeeze %dma_start3A_561 : memref<1x50x64xf32, #tpu.memory_space<vmem>> -> memref<50x64xf32, #tpu.memory_space<vmem>>
        %dma_start3A_563 = arith.constant 0 : i32
        %dma_start3A_564 = tpu.memref_slice %dma_start3A_562[%select_n3A_550, %dma_start3A_563] : memref<50x64xf32, #tpu.memory_space<vmem>> -> memref<1x64xf32, #tpu.memory_space<vmem>>
        %dma_start3A_565 = arith.constant 0 : i32
        %dma_start3A_566 = tpu.memref_slice %arg3[%squeeze3A_510, %dma_start3A_565] : memref<1000000x64xf32, #tpu.memory_space<hbm>> -> memref<1x64xf32, #tpu.memory_space<hbm>>
        tpu.enqueue_dma source(%dma_start3A_566 : memref<1x64xf32, #tpu.memory_space<hbm>>) target(%dma_start3A_564 : memref<1x64xf32, #tpu.memory_space<vmem>>) target_semaphore(%arg8 : memref<!tpu.dma_semaphore, #tpu.memory_space<semaphore_mem>>)
        %add3A_567 = arith.constant 7 : i32
        %add3A_568 = arith.addi %mul3A_153, %add3A_567 : i32
        %slice3A_569 = vector.extract_strided_slice %get3A_158 {offsets = [7], sizes = [1], strides = [1]} : vector<16xi32> to vector<1xi32>
        %squeeze3A_570 = vector.extract %slice3A_569[0] : i32 from vector<1xi32>
        %jit3A_571 = arith.constant 50 : i32
        %div3A_572 = arith.divsi %add3A_568, %jit3A_571 : i32
        %sign3A_573 = arith.constant 0 : i32
        %sign3A_574 = arith.cmpi sgt, %add3A_568, %sign3A_573 : i32
        %sign3A_575 = arith.extui %sign3A_574 : i1 to i32
        %sign3A_576 = arith.constant 0 : i32
        %sign3A_577 = arith.cmpi slt, %add3A_568, %sign3A_576 : i32
        %sign3A_578 = arith.extui %sign3A_577 : i1 to i32
        %sign3A_579 = arith.subi %sign3A_575, %sign3A_578 : i32
        %sign3A_580 = arith.constant 0 : i32
        %sign3A_581 = arith.cmpi sgt, %jit3A_571, %sign3A_580 : i32
        %sign3A_582 = arith.extui %sign3A_581 : i1 to i32
        %sign3A_583 = arith.constant 0 : i32
        %sign3A_584 = arith.cmpi slt, %jit3A_571, %sign3A_583 : i32
        %sign3A_585 = arith.extui %sign3A_584 : i1 to i32
        %sign3A_586 = arith.subi %sign3A_582, %sign3A_585 : i32
        %ne3A_587 = arith.cmpi ne, %sign3A_579, %sign3A_586 : i32
        %rem3A_588 = arith.remsi %add3A_568, %jit3A_571 : i32
        %ne3A_589 = arith.constant 0 : i32
        %ne3A_590 = arith.cmpi ne, %rem3A_588, %ne3A_589 : i32
        %and3A_591 = arith.andi %ne3A_587, %ne3A_590 : i1
        %sub3A_592 = arith.constant 1 : i32
        %sub3A_593 = arith.subi %div3A_572, %sub3A_592 : i32
        %select_n3A_594 = arith.select %and3A_591, %sub3A_593, %div3A_572 : i32
        %jit3A_595 = arith.constant 50 : i32
        %eq3A_596 = arith.constant 0 : i32
        %eq3A_597 = arith.cmpi eq, %jit3A_595, %eq3A_596 : i32
        %jit3A_598 = arith.constant 1 : i32
        %select_n3A_599 = arith.select %eq3A_597, %jit3A_598, %jit3A_595 : i32
        %rem3A_600 = arith.remsi %add3A_568, %select_n3A_599 : i32
        %ne3A_601 = arith.constant 0 : i32
        %ne3A_602 = arith.cmpi ne, %rem3A_600, %ne3A_601 : i32
        %lt3A_603 = arith.constant 0 : i32
        %lt3A_604 = arith.cmpi slt, %rem3A_600, %lt3A_603 : i32
        %lt3A_605 = arith.constant 0 : i32
        %lt3A_606 = arith.cmpi slt, %select_n3A_599, %lt3A_605 : i32
        %ne3A_607 = arith.xori %lt3A_604, %lt3A_606 : i1
        %and3A_608 = arith.andi %ne3A_607, %ne3A_602 : i1
        %add3A_609 = arith.addi %rem3A_600, %select_n3A_599 : i32
        %select_n3A_610 = arith.select %and3A_608, %add3A_609, %rem3A_600 : i32
        %dma_start3A_611 = arith.constant 0 : i32
        %dma_start3A_612 = arith.constant 0 : i32
        %dma_start3A_613 = tpu.memref_slice %arg6[%select_n3A_594, %dma_start3A_611, %dma_start3A_612] : memref<8x50x64xf32, #tpu.memory_space<vmem>> -> memref<1x50x64xf32, #tpu.memory_space<vmem>>
        %dma_start3A_614 = tpu.memref_squeeze %dma_start3A_613 : memref<1x50x64xf32, #tpu.memory_space<vmem>> -> memref<50x64xf32, #tpu.memory_space<vmem>>
        %dma_start3A_615 = arith.constant 0 : i32
        %dma_start3A_616 = tpu.memref_slice %dma_start3A_614[%select_n3A_610, %dma_start3A_615] : memref<50x64xf32, #tpu.memory_space<vmem>> -> memref<1x64xf32, #tpu.memory_space<vmem>>
        %dma_start3A_617 = arith.constant 0 : i32
        %dma_start3A_618 = tpu.memref_slice %arg3[%squeeze3A_570, %dma_start3A_617] : memref<1000000x64xf32, #tpu.memory_space<hbm>> -> memref<1x64xf32, #tpu.memory_space<hbm>>
        %dma_start3A_619 = arith.constant 0 : i32
        %dma_start3A_620 = arith.constant 0 : i32
        %dma_start3A_621 = tpu.memref_slice %arg6[%select_n3A_594, %dma_start3A_619, %dma_start3A_620] : memref<8x50x64xf32, #tpu.memory_space<vmem>> -> memref<1x50x64xf32, #tpu.memory_space<vmem>>
        %dma_start3A_622 = tpu.memref_squeeze %dma_start3A_621 : memref<1x50x64xf32, #tpu.memory_space<vmem>> -> memref<50x64xf32, #tpu.memory_space<vmem>>
        %dma_start3A_623 = arith.constant 0 : i32
        %dma_start3A_624 = tpu.memref_slice %dma_start3A_622[%select_n3A_610, %dma_start3A_623] : memref<50x64xf32, #tpu.memory_space<vmem>> -> memref<1x64xf32, #tpu.memory_space<vmem>>
        %dma_start3A_625 = arith.constant 0 : i32
        %dma_start3A_626 = tpu.memref_slice %arg3[%squeeze3A_570, %dma_start3A_625] : memref<1000000x64xf32, #tpu.memory_space<hbm>> -> memref<1x64xf32, #tpu.memory_space<hbm>>
        tpu.enqueue_dma source(%dma_start3A_626 : memref<1x64xf32, #tpu.memory_space<hbm>>) target(%dma_start3A_624 : memref<1x64xf32, #tpu.memory_space<vmem>>) target_semaphore(%arg8 : memref<!tpu.dma_semaphore, #tpu.memory_space<semaphore_mem>>)
        %add3A_627 = arith.constant 8 : i32
        %add3A_628 = arith.addi %mul3A_153, %add3A_627 : i32
        %slice3A_629 = vector.extract_strided_slice %get3A_158 {offsets = [8], sizes = [1], strides = [1]} : vector<16xi32> to vector<1xi32>
        %squeeze3A_630 = vector.extract %slice3A_629[0] : i32 from vector<1xi32>
        %jit3A_631 = arith.constant 50 : i32
        %div3A_632 = arith.divsi %add3A_628, %jit3A_631 : i32
        %sign3A_633 = arith.constant 0 : i32
        %sign3A_634 = arith.cmpi sgt, %add3A_628, %sign3A_633 : i32
        %sign3A_635 = arith.extui %sign3A_634 : i1 to i32
        %sign3A_636 = arith.constant 0 : i32
        %sign3A_637 = arith.cmpi slt, %add3A_628, %sign3A_636 : i32
        %sign3A_638 = arith.extui %sign3A_637 : i1 to i32
        %sign3A_639 = arith.subi %sign3A_635, %sign3A_638 : i32
        %sign3A_640 = arith.constant 0 : i32
        %sign3A_641 = arith.cmpi sgt, %jit3A_631, %sign3A_640 : i32
        %sign3A_642 = arith.extui %sign3A_641 : i1 to i32
        %sign3A_643 = arith.constant 0 : i32
        %sign3A_644 = arith.cmpi slt, %jit3A_631, %sign3A_643 : i32
        %sign3A_645 = arith.extui %sign3A_644 : i1 to i32
        %sign3A_646 = arith.subi %sign3A_642, %sign3A_645 : i32
        %ne3A_647 = arith.cmpi ne, %sign3A_639, %sign3A_646 : i32
        %rem3A_648 = arith.remsi %add3A_628, %jit3A_631 : i32
        %ne3A_649 = arith.constant 0 : i32
        %ne3A_650 = arith.cmpi ne, %rem3A_648, %ne3A_649 : i32
        %and3A_651 = arith.andi %ne3A_647, %ne3A_650 : i1
        %sub3A_652 = arith.constant 1 : i32
        %sub3A_653 = arith.subi %div3A_632, %sub3A_652 : i32
        %select_n3A_654 = arith.select %and3A_651, %sub3A_653, %div3A_632 : i32
        %jit3A_655 = arith.constant 50 : i32
        %eq3A_656 = arith.constant 0 : i32
        %eq3A_657 = arith.cmpi eq, %jit3A_655, %eq3A_656 : i32
        %jit3A_658 = arith.constant 1 : i32
        %select_n3A_659 = arith.select %eq3A_657, %jit3A_658, %jit3A_655 : i32
        %rem3A_660 = arith.remsi %add3A_628, %select_n3A_659 : i32
        %ne3A_661 = arith.constant 0 : i32
        %ne3A_662 = arith.cmpi ne, %rem3A_660, %ne3A_661 : i32
        %lt3A_663 = arith.constant 0 : i32
        %lt3A_664 = arith.cmpi slt, %rem3A_660, %lt3A_663 : i32
        %lt3A_665 = arith.constant 0 : i32
        %lt3A_666 = arith.cmpi slt, %select_n3A_659, %lt3A_665 : i32
        %ne3A_667 = arith.xori %lt3A_664, %lt3A_666 : i1
        %and3A_668 = arith.andi %ne3A_667, %ne3A_662 : i1
        %add3A_669 = arith.addi %rem3A_660, %select_n3A_659 : i32
        %select_n3A_670 = arith.select %and3A_668, %add3A_669, %rem3A_660 : i32
        %dma_start3A_671 = arith.constant 0 : i32
        %dma_start3A_672 = arith.constant 0 : i32
        %dma_start3A_673 = tpu.memref_slice %arg6[%select_n3A_654, %dma_start3A_671, %dma_start3A_672] : memref<8x50x64xf32, #tpu.memory_space<vmem>> -> memref<1x50x64xf32, #tpu.memory_space<vmem>>
        %dma_start3A_674 = tpu.memref_squeeze %dma_start3A_673 : memref<1x50x64xf32, #tpu.memory_space<vmem>> -> memref<50x64xf32, #tpu.memory_space<vmem>>
        %dma_start3A_675 = arith.constant 0 : i32
        %dma_start3A_676 = tpu.memref_slice %dma_start3A_674[%select_n3A_670, %dma_start3A_675] : memref<50x64xf32, #tpu.memory_space<vmem>> -> memref<1x64xf32, #tpu.memory_space<vmem>>
        %dma_start3A_677 = arith.constant 0 : i32
        %dma_start3A_678 = tpu.memref_slice %arg3[%squeeze3A_630, %dma_start3A_677] : memref<1000000x64xf32, #tpu.memory_space<hbm>> -> memref<1x64xf32, #tpu.memory_space<hbm>>
        %dma_start3A_679 = arith.constant 0 : i32
        %dma_start3A_680 = arith.constant 0 : i32
        %dma_start3A_681 = tpu.memref_slice %arg6[%select_n3A_654, %dma_start3A_679, %dma_start3A_680] : memref<8x50x64xf32, #tpu.memory_space<vmem>> -> memref<1x50x64xf32, #tpu.memory_space<vmem>>
        %dma_start3A_682 = tpu.memref_squeeze %dma_start3A_681 : memref<1x50x64xf32, #tpu.memory_space<vmem>> -> memref<50x64xf32, #tpu.memory_space<vmem>>
        %dma_start3A_683 = arith.constant 0 : i32
        %dma_start3A_684 = tpu.memref_slice %dma_start3A_682[%select_n3A_670, %dma_start3A_683] : memref<50x64xf32, #tpu.memory_space<vmem>> -> memref<1x64xf32, #tpu.memory_space<vmem>>
        %dma_start3A_685 = arith.constant 0 : i32
        %dma_start3A_686 = tpu.memref_slice %arg3[%squeeze3A_630, %dma_start3A_685] : memref<1000000x64xf32, #tpu.memory_space<hbm>> -> memref<1x64xf32, #tpu.memory_space<hbm>>
        tpu.enqueue_dma source(%dma_start3A_686 : memref<1x64xf32, #tpu.memory_space<hbm>>) target(%dma_start3A_684 : memref<1x64xf32, #tpu.memory_space<vmem>>) target_semaphore(%arg8 : memref<!tpu.dma_semaphore, #tpu.memory_space<semaphore_mem>>)
        %add3A_687 = arith.constant 9 : i32
        %add3A_688 = arith.addi %mul3A_153, %add3A_687 : i32
        %slice3A_689 = vector.extract_strided_slice %get3A_158 {offsets = [9], sizes = [1], strides = [1]} : vector<16xi32> to vector<1xi32>
        %squeeze3A_690 = vector.extract %slice3A_689[0] : i32 from vector<1xi32>
        %jit3A_691 = arith.constant 50 : i32
        %div3A_692 = arith.divsi %add3A_688, %jit3A_691 : i32
        %sign3A_693 = arith.constant 0 : i32
        %sign3A_694 = arith.cmpi sgt, %add3A_688, %sign3A_693 : i32
        %sign3A_695 = arith.extui %sign3A_694 : i1 to i32
        %sign3A_696 = arith.constant 0 : i32
        %sign3A_697 = arith.cmpi slt, %add3A_688, %sign3A_696 : i32
        %sign3A_698 = arith.extui %sign3A_697 : i1 to i32
        %sign3A_699 = arith.subi %sign3A_695, %sign3A_698 : i32
        %sign3A_700 = arith.constant 0 : i32
        %sign3A_701 = arith.cmpi sgt, %jit3A_691, %sign3A_700 : i32
        %sign3A_702 = arith.extui %sign3A_701 : i1 to i32
        %sign3A_703 = arith.constant 0 : i32
        %sign3A_704 = arith.cmpi slt, %jit3A_691, %sign3A_703 : i32
        %sign3A_705 = arith.extui %sign3A_704 : i1 to i32
        %sign3A_706 = arith.subi %sign3A_702, %sign3A_705 : i32
        %ne3A_707 = arith.cmpi ne, %sign3A_699, %sign3A_706 : i32
        %rem3A_708 = arith.remsi %add3A_688, %jit3A_691 : i32
        %ne3A_709 = arith.constant 0 : i32
        %ne3A_710 = arith.cmpi ne, %rem3A_708, %ne3A_709 : i32
        %and3A_711 = arith.andi %ne3A_707, %ne3A_710 : i1
        %sub3A_712 = arith.constant 1 : i32
        %sub3A_713 = arith.subi %div3A_692, %sub3A_712 : i32
        %select_n3A_714 = arith.select %and3A_711, %sub3A_713, %div3A_692 : i32
        %jit3A_715 = arith.constant 50 : i32
        %eq3A_716 = arith.constant 0 : i32
        %eq3A_717 = arith.cmpi eq, %jit3A_715, %eq3A_716 : i32
        %jit3A_718 = arith.constant 1 : i32
        %select_n3A_719 = arith.select %eq3A_717, %jit3A_718, %jit3A_715 : i32
        %rem3A_720 = arith.remsi %add3A_688, %select_n3A_719 : i32
        %ne3A_721 = arith.constant 0 : i32
        %ne3A_722 = arith.cmpi ne, %rem3A_720, %ne3A_721 : i32
        %lt3A_723 = arith.constant 0 : i32
        %lt3A_724 = arith.cmpi slt, %rem3A_720, %lt3A_723 : i32
        %lt3A_725 = arith.constant 0 : i32
        %lt3A_726 = arith.cmpi slt, %select_n3A_719, %lt3A_725 : i32
        %ne3A_727 = arith.xori %lt3A_724, %lt3A_726 : i1
        %and3A_728 = arith.andi %ne3A_727, %ne3A_722 : i1
        %add3A_729 = arith.addi %rem3A_720, %select_n3A_719 : i32
        %select_n3A_730 = arith.select %and3A_728, %add3A_729, %rem3A_720 : i32
        %dma_start3A_731 = arith.constant 0 : i32
        %dma_start3A_732 = arith.constant 0 : i32
        %dma_start3A_733 = tpu.memref_slice %arg6[%select_n3A_714, %dma_start3A_731, %dma_start3A_732] : memref<8x50x64xf32, #tpu.memory_space<vmem>> -> memref<1x50x64xf32, #tpu.memory_space<vmem>>
        %dma_start3A_734 = tpu.memref_squeeze %dma_start3A_733 : memref<1x50x64xf32, #tpu.memory_space<vmem>> -> memref<50x64xf32, #tpu.memory_space<vmem>>
        %dma_start3A_735 = arith.constant 0 : i32
        %dma_start3A_736 = tpu.memref_slice %dma_start3A_734[%select_n3A_730, %dma_start3A_735] : memref<50x64xf32, #tpu.memory_space<vmem>> -> memref<1x64xf32, #tpu.memory_space<vmem>>
        %dma_start3A_737 = arith.constant 0 : i32
        %dma_start3A_738 = tpu.memref_slice %arg3[%squeeze3A_690, %dma_start3A_737] : memref<1000000x64xf32, #tpu.memory_space<hbm>> -> memref<1x64xf32, #tpu.memory_space<hbm>>
        %dma_start3A_739 = arith.constant 0 : i32
        %dma_start3A_740 = arith.constant 0 : i32
        %dma_start3A_741 = tpu.memref_slice %arg6[%select_n3A_714, %dma_start3A_739, %dma_start3A_740] : memref<8x50x64xf32, #tpu.memory_space<vmem>> -> memref<1x50x64xf32, #tpu.memory_space<vmem>>
        %dma_start3A_742 = tpu.memref_squeeze %dma_start3A_741 : memref<1x50x64xf32, #tpu.memory_space<vmem>> -> memref<50x64xf32, #tpu.memory_space<vmem>>
        %dma_start3A_743 = arith.constant 0 : i32
        %dma_start3A_744 = tpu.memref_slice %dma_start3A_742[%select_n3A_730, %dma_start3A_743] : memref<50x64xf32, #tpu.memory_space<vmem>> -> memref<1x64xf32, #tpu.memory_space<vmem>>
        %dma_start3A_745 = arith.constant 0 : i32
        %dma_start3A_746 = tpu.memref_slice %arg3[%squeeze3A_690, %dma_start3A_745] : memref<1000000x64xf32, #tpu.memory_space<hbm>> -> memref<1x64xf32, #tpu.memory_space<hbm>>
        tpu.enqueue_dma source(%dma_start3A_746 : memref<1x64xf32, #tpu.memory_space<hbm>>) target(%dma_start3A_744 : memref<1x64xf32, #tpu.memory_space<vmem>>) target_semaphore(%arg8 : memref<!tpu.dma_semaphore, #tpu.memory_space<semaphore_mem>>)
        %add3A_747 = arith.constant 10 : i32
        %add3A_748 = arith.addi %mul3A_153, %add3A_747 : i32
        %slice3A_749 = vector.extract_strided_slice %get3A_158 {offsets = [10], sizes = [1], strides = [1]} : vector<16xi32> to vector<1xi32>
        %squeeze3A_750 = vector.extract %slice3A_749[0] : i32 from vector<1xi32>
        %jit3A_751 = arith.constant 50 : i32
        %div3A_752 = arith.divsi %add3A_748, %jit3A_751 : i32
        %sign3A_753 = arith.constant 0 : i32
        %sign3A_754 = arith.cmpi sgt, %add3A_748, %sign3A_753 : i32
        %sign3A_755 = arith.extui %sign3A_754 : i1 to i32
        %sign3A_756 = arith.constant 0 : i32
        %sign3A_757 = arith.cmpi slt, %add3A_748, %sign3A_756 : i32
        %sign3A_758 = arith.extui %sign3A_757 : i1 to i32
        %sign3A_759 = arith.subi %sign3A_755, %sign3A_758 : i32
        %sign3A_760 = arith.constant 0 : i32
        %sign3A_761 = arith.cmpi sgt, %jit3A_751, %sign3A_760 : i32
        %sign3A_762 = arith.extui %sign3A_761 : i1 to i32
        %sign3A_763 = arith.constant 0 : i32
        %sign3A_764 = arith.cmpi slt, %jit3A_751, %sign3A_763 : i32
        %sign3A_765 = arith.extui %sign3A_764 : i1 to i32
        %sign3A_766 = arith.subi %sign3A_762, %sign3A_765 : i32
        %ne3A_767 = arith.cmpi ne, %sign3A_759, %sign3A_766 : i32
        %rem3A_768 = arith.remsi %add3A_748, %jit3A_751 : i32
        %ne3A_769 = arith.constant 0 : i32
        %ne3A_770 = arith.cmpi ne, %rem3A_768, %ne3A_769 : i32
        %and3A_771 = arith.andi %ne3A_767, %ne3A_770 : i1
        %sub3A_772 = arith.constant 1 : i32
        %sub3A_773 = arith.subi %div3A_752, %sub3A_772 : i32
        %select_n3A_774 = arith.select %and3A_771, %sub3A_773, %div3A_752 : i32
        %jit3A_775 = arith.constant 50 : i32
        %eq3A_776 = arith.constant 0 : i32
        %eq3A_777 = arith.cmpi eq, %jit3A_775, %eq3A_776 : i32
        %jit3A_778 = arith.constant 1 : i32
        %select_n3A_779 = arith.select %eq3A_777, %jit3A_778, %jit3A_775 : i32
        %rem3A_780 = arith.remsi %add3A_748, %select_n3A_779 : i32
        %ne3A_781 = arith.constant 0 : i32
        %ne3A_782 = arith.cmpi ne, %rem3A_780, %ne3A_781 : i32
        %lt3A_783 = arith.constant 0 : i32
        %lt3A_784 = arith.cmpi slt, %rem3A_780, %lt3A_783 : i32
        %lt3A_785 = arith.constant 0 : i32
        %lt3A_786 = arith.cmpi slt, %select_n3A_779, %lt3A_785 : i32
        %ne3A_787 = arith.xori %lt3A_784, %lt3A_786 : i1
        %and3A_788 = arith.andi %ne3A_787, %ne3A_782 : i1
        %add3A_789 = arith.addi %rem3A_780, %select_n3A_779 : i32
        %select_n3A_790 = arith.select %and3A_788, %add3A_789, %rem3A_780 : i32
        %dma_start3A_791 = arith.constant 0 : i32
        %dma_start3A_792 = arith.constant 0 : i32
        %dma_start3A_793 = tpu.memref_slice %arg6[%select_n3A_774, %dma_start3A_791, %dma_start3A_792] : memref<8x50x64xf32, #tpu.memory_space<vmem>> -> memref<1x50x64xf32, #tpu.memory_space<vmem>>
        %dma_start3A_794 = tpu.memref_squeeze %dma_start3A_793 : memref<1x50x64xf32, #tpu.memory_space<vmem>> -> memref<50x64xf32, #tpu.memory_space<vmem>>
        %dma_start3A_795 = arith.constant 0 : i32
        %dma_start3A_796 = tpu.memref_slice %dma_start3A_794[%select_n3A_790, %dma_start3A_795] : memref<50x64xf32, #tpu.memory_space<vmem>> -> memref<1x64xf32, #tpu.memory_space<vmem>>
        %dma_start3A_797 = arith.constant 0 : i32
        %dma_start3A_798 = tpu.memref_slice %arg3[%squeeze3A_750, %dma_start3A_797] : memref<1000000x64xf32, #tpu.memory_space<hbm>> -> memref<1x64xf32, #tpu.memory_space<hbm>>
        %dma_start3A_799 = arith.constant 0 : i32
        %dma_start3A_800 = arith.constant 0 : i32
        %dma_start3A_801 = tpu.memref_slice %arg6[%select_n3A_774, %dma_start3A_799, %dma_start3A_800] : memref<8x50x64xf32, #tpu.memory_space<vmem>> -> memref<1x50x64xf32, #tpu.memory_space<vmem>>
        %dma_start3A_802 = tpu.memref_squeeze %dma_start3A_801 : memref<1x50x64xf32, #tpu.memory_space<vmem>> -> memref<50x64xf32, #tpu.memory_space<vmem>>
        %dma_start3A_803 = arith.constant 0 : i32
        %dma_start3A_804 = tpu.memref_slice %dma_start3A_802[%select_n3A_790, %dma_start3A_803] : memref<50x64xf32, #tpu.memory_space<vmem>> -> memref<1x64xf32, #tpu.memory_space<vmem>>
        %dma_start3A_805 = arith.constant 0 : i32
        %dma_start3A_806 = tpu.memref_slice %arg3[%squeeze3A_750, %dma_start3A_805] : memref<1000000x64xf32, #tpu.memory_space<hbm>> -> memref<1x64xf32, #tpu.memory_space<hbm>>
        tpu.enqueue_dma source(%dma_start3A_806 : memref<1x64xf32, #tpu.memory_space<hbm>>) target(%dma_start3A_804 : memref<1x64xf32, #tpu.memory_space<vmem>>) target_semaphore(%arg8 : memref<!tpu.dma_semaphore, #tpu.memory_space<semaphore_mem>>)
        %add3A_807 = arith.constant 11 : i32
        %add3A_808 = arith.addi %mul3A_153, %add3A_807 : i32
        %slice3A_809 = vector.extract_strided_slice %get3A_158 {offsets = [11], sizes = [1], strides = [1]} : vector<16xi32> to vector<1xi32>
        %squeeze3A_810 = vector.extract %slice3A_809[0] : i32 from vector<1xi32>
        %jit3A_811 = arith.constant 50 : i32
        %div3A_812 = arith.divsi %add3A_808, %jit3A_811 : i32
        %sign3A_813 = arith.constant 0 : i32
        %sign3A_814 = arith.cmpi sgt, %add3A_808, %sign3A_813 : i32
        %sign3A_815 = arith.extui %sign3A_814 : i1 to i32
        %sign3A_816 = arith.constant 0 : i32
        %sign3A_817 = arith.cmpi slt, %add3A_808, %sign3A_816 : i32
        %sign3A_818 = arith.extui %sign3A_817 : i1 to i32
        %sign3A_819 = arith.subi %sign3A_815, %sign3A_818 : i32
        %sign3A_820 = arith.constant 0 : i32
        %sign3A_821 = arith.cmpi sgt, %jit3A_811, %sign3A_820 : i32
        %sign3A_822 = arith.extui %sign3A_821 : i1 to i32
        %sign3A_823 = arith.constant 0 : i32
        %sign3A_824 = arith.cmpi slt, %jit3A_811, %sign3A_823 : i32
        %sign3A_825 = arith.extui %sign3A_824 : i1 to i32
        %sign3A_826 = arith.subi %sign3A_822, %sign3A_825 : i32
        %ne3A_827 = arith.cmpi ne, %sign3A_819, %sign3A_826 : i32
        %rem3A_828 = arith.remsi %add3A_808, %jit3A_811 : i32
        %ne3A_829 = arith.constant 0 : i32
        %ne3A_830 = arith.cmpi ne, %rem3A_828, %ne3A_829 : i32
        %and3A_831 = arith.andi %ne3A_827, %ne3A_830 : i1
        %sub3A_832 = arith.constant 1 : i32
        %sub3A_833 = arith.subi %div3A_812, %sub3A_832 : i32
        %select_n3A_834 = arith.select %and3A_831, %sub3A_833, %div3A_812 : i32
        %jit3A_835 = arith.constant 50 : i32
        %eq3A_836 = arith.constant 0 : i32
        %eq3A_837 = arith.cmpi eq, %jit3A_835, %eq3A_836 : i32
        %jit3A_838 = arith.constant 1 : i32
        %select_n3A_839 = arith.select %eq3A_837, %jit3A_838, %jit3A_835 : i32
        %rem3A_840 = arith.remsi %add3A_808, %select_n3A_839 : i32
        %ne3A_841 = arith.constant 0 : i32
        %ne3A_842 = arith.cmpi ne, %rem3A_840, %ne3A_841 : i32
        %lt3A_843 = arith.constant 0 : i32
        %lt3A_844 = arith.cmpi slt, %rem3A_840, %lt3A_843 : i32
        %lt3A_845 = arith.constant 0 : i32
        %lt3A_846 = arith.cmpi slt, %select_n3A_839, %lt3A_845 : i32
        %ne3A_847 = arith.xori %lt3A_844, %lt3A_846 : i1
        %and3A_848 = arith.andi %ne3A_847, %ne3A_842 : i1
        %add3A_849 = arith.addi %rem3A_840, %select_n3A_839 : i32
        %select_n3A_850 = arith.select %and3A_848, %add3A_849, %rem3A_840 : i32
        %dma_start3A_851 = arith.constant 0 : i32
        %dma_start3A_852 = arith.constant 0 : i32
        %dma_start3A_853 = tpu.memref_slice %arg6[%select_n3A_834, %dma_start3A_851, %dma_start3A_852] : memref<8x50x64xf32, #tpu.memory_space<vmem>> -> memref<1x50x64xf32, #tpu.memory_space<vmem>>
        %dma_start3A_854 = tpu.memref_squeeze %dma_start3A_853 : memref<1x50x64xf32, #tpu.memory_space<vmem>> -> memref<50x64xf32, #tpu.memory_space<vmem>>
        %dma_start3A_855 = arith.constant 0 : i32
        %dma_start3A_856 = tpu.memref_slice %dma_start3A_854[%select_n3A_850, %dma_start3A_855] : memref<50x64xf32, #tpu.memory_space<vmem>> -> memref<1x64xf32, #tpu.memory_space<vmem>>
        %dma_start3A_857 = arith.constant 0 : i32
        %dma_start3A_858 = tpu.memref_slice %arg3[%squeeze3A_810, %dma_start3A_857] : memref<1000000x64xf32, #tpu.memory_space<hbm>> -> memref<1x64xf32, #tpu.memory_space<hbm>>
        %dma_start3A_859 = arith.constant 0 : i32
        %dma_start3A_860 = arith.constant 0 : i32
        %dma_start3A_861 = tpu.memref_slice %arg6[%select_n3A_834, %dma_start3A_859, %dma_start3A_860] : memref<8x50x64xf32, #tpu.memory_space<vmem>> -> memref<1x50x64xf32, #tpu.memory_space<vmem>>
        %dma_start3A_862 = tpu.memref_squeeze %dma_start3A_861 : memref<1x50x64xf32, #tpu.memory_space<vmem>> -> memref<50x64xf32, #tpu.memory_space<vmem>>
        %dma_start3A_863 = arith.constant 0 : i32
        %dma_start3A_864 = tpu.memref_slice %dma_start3A_862[%select_n3A_850, %dma_start3A_863] : memref<50x64xf32, #tpu.memory_space<vmem>> -> memref<1x64xf32, #tpu.memory_space<vmem>>
        %dma_start3A_865 = arith.constant 0 : i32
        %dma_start3A_866 = tpu.memref_slice %arg3[%squeeze3A_810, %dma_start3A_865] : memref<1000000x64xf32, #tpu.memory_space<hbm>> -> memref<1x64xf32, #tpu.memory_space<hbm>>
        tpu.enqueue_dma source(%dma_start3A_866 : memref<1x64xf32, #tpu.memory_space<hbm>>) target(%dma_start3A_864 : memref<1x64xf32, #tpu.memory_space<vmem>>) target_semaphore(%arg8 : memref<!tpu.dma_semaphore, #tpu.memory_space<semaphore_mem>>)
        %add3A_867 = arith.constant 12 : i32
        %add3A_868 = arith.addi %mul3A_153, %add3A_867 : i32
        %slice3A_869 = vector.extract_strided_slice %get3A_158 {offsets = [12], sizes = [1], strides = [1]} : vector<16xi32> to vector<1xi32>
        %squeeze3A_870 = vector.extract %slice3A_869[0] : i32 from vector<1xi32>
        %jit3A_871 = arith.constant 50 : i32
        %div3A_872 = arith.divsi %add3A_868, %jit3A_871 : i32
        %sign3A_873 = arith.constant 0 : i32
        %sign3A_874 = arith.cmpi sgt, %add3A_868, %sign3A_873 : i32
        %sign3A_875 = arith.extui %sign3A_874 : i1 to i32
        %sign3A_876 = arith.constant 0 : i32
        %sign3A_877 = arith.cmpi slt, %add3A_868, %sign3A_876 : i32
        %sign3A_878 = arith.extui %sign3A_877 : i1 to i32
        %sign3A_879 = arith.subi %sign3A_875, %sign3A_878 : i32
        %sign3A_880 = arith.constant 0 : i32
        %sign3A_881 = arith.cmpi sgt, %jit3A_871, %sign3A_880 : i32
        %sign3A_882 = arith.extui %sign3A_881 : i1 to i32
        %sign3A_883 = arith.constant 0 : i32
        %sign3A_884 = arith.cmpi slt, %jit3A_871, %sign3A_883 : i32
        %sign3A_885 = arith.extui %sign3A_884 : i1 to i32
        %sign3A_886 = arith.subi %sign3A_882, %sign3A_885 : i32
        %ne3A_887 = arith.cmpi ne, %sign3A_879, %sign3A_886 : i32
        %rem3A_888 = arith.remsi %add3A_868, %jit3A_871 : i32
        %ne3A_889 = arith.constant 0 : i32
        %ne3A_890 = arith.cmpi ne, %rem3A_888, %ne3A_889 : i32
        %and3A_891 = arith.andi %ne3A_887, %ne3A_890 : i1
        %sub3A_892 = arith.constant 1 : i32
        %sub3A_893 = arith.subi %div3A_872, %sub3A_892 : i32
        %select_n3A_894 = arith.select %and3A_891, %sub3A_893, %div3A_872 : i32
        %jit3A_895 = arith.constant 50 : i32
        %eq3A_896 = arith.constant 0 : i32
        %eq3A_897 = arith.cmpi eq, %jit3A_895, %eq3A_896 : i32
        %jit3A_898 = arith.constant 1 : i32
        %select_n3A_899 = arith.select %eq3A_897, %jit3A_898, %jit3A_895 : i32
        %rem3A_900 = arith.remsi %add3A_868, %select_n3A_899 : i32
        %ne3A_901 = arith.constant 0 : i32
        %ne3A_902 = arith.cmpi ne, %rem3A_900, %ne3A_901 : i32
        %lt3A_903 = arith.constant 0 : i32
        %lt3A_904 = arith.cmpi slt, %rem3A_900, %lt3A_903 : i32
        %lt3A_905 = arith.constant 0 : i32
        %lt3A_906 = arith.cmpi slt, %select_n3A_899, %lt3A_905 : i32
        %ne3A_907 = arith.xori %lt3A_904, %lt3A_906 : i1
        %and3A_908 = arith.andi %ne3A_907, %ne3A_902 : i1
        %add3A_909 = arith.addi %rem3A_900, %select_n3A_899 : i32
        %select_n3A_910 = arith.select %and3A_908, %add3A_909, %rem3A_900 : i32
        %dma_start3A_911 = arith.constant 0 : i32
        %dma_start3A_912 = arith.constant 0 : i32
        %dma_start3A_913 = tpu.memref_slice %arg6[%select_n3A_894, %dma_start3A_911, %dma_start3A_912] : memref<8x50x64xf32, #tpu.memory_space<vmem>> -> memref<1x50x64xf32, #tpu.memory_space<vmem>>
        %dma_start3A_914 = tpu.memref_squeeze %dma_start3A_913 : memref<1x50x64xf32, #tpu.memory_space<vmem>> -> memref<50x64xf32, #tpu.memory_space<vmem>>
        %dma_start3A_915 = arith.constant 0 : i32
        %dma_start3A_916 = tpu.memref_slice %dma_start3A_914[%select_n3A_910, %dma_start3A_915] : memref<50x64xf32, #tpu.memory_space<vmem>> -> memref<1x64xf32, #tpu.memory_space<vmem>>
        %dma_start3A_917 = arith.constant 0 : i32
        %dma_start3A_918 = tpu.memref_slice %arg3[%squeeze3A_870, %dma_start3A_917] : memref<1000000x64xf32, #tpu.memory_space<hbm>> -> memref<1x64xf32, #tpu.memory_space<hbm>>
        %dma_start3A_919 = arith.constant 0 : i32
        %dma_start3A_920 = arith.constant 0 : i32
        %dma_start3A_921 = tpu.memref_slice %arg6[%select_n3A_894, %dma_start3A_919, %dma_start3A_920] : memref<8x50x64xf32, #tpu.memory_space<vmem>> -> memref<1x50x64xf32, #tpu.memory_space<vmem>>
        %dma_start3A_922 = tpu.memref_squeeze %dma_start3A_921 : memref<1x50x64xf32, #tpu.memory_space<vmem>> -> memref<50x64xf32, #tpu.memory_space<vmem>>
        %dma_start3A_923 = arith.constant 0 : i32
        %dma_start3A_924 = tpu.memref_slice %dma_start3A_922[%select_n3A_910, %dma_start3A_923] : memref<50x64xf32, #tpu.memory_space<vmem>> -> memref<1x64xf32, #tpu.memory_space<vmem>>
        %dma_start3A_925 = arith.constant 0 : i32
        %dma_start3A_926 = tpu.memref_slice %arg3[%squeeze3A_870, %dma_start3A_925] : memref<1000000x64xf32, #tpu.memory_space<hbm>> -> memref<1x64xf32, #tpu.memory_space<hbm>>
        tpu.enqueue_dma source(%dma_start3A_926 : memref<1x64xf32, #tpu.memory_space<hbm>>) target(%dma_start3A_924 : memref<1x64xf32, #tpu.memory_space<vmem>>) target_semaphore(%arg8 : memref<!tpu.dma_semaphore, #tpu.memory_space<semaphore_mem>>)
        %add3A_927 = arith.constant 13 : i32
        %add3A_928 = arith.addi %mul3A_153, %add3A_927 : i32
        %slice3A_929 = vector.extract_strided_slice %get3A_158 {offsets = [13], sizes = [1], strides = [1]} : vector<16xi32> to vector<1xi32>
        %squeeze3A_930 = vector.extract %slice3A_929[0] : i32 from vector<1xi32>
        %jit3A_931 = arith.constant 50 : i32
        %div3A_932 = arith.divsi %add3A_928, %jit3A_931 : i32
        %sign3A_933 = arith.constant 0 : i32
        %sign3A_934 = arith.cmpi sgt, %add3A_928, %sign3A_933 : i32
        %sign3A_935 = arith.extui %sign3A_934 : i1 to i32
        %sign3A_936 = arith.constant 0 : i32
        %sign3A_937 = arith.cmpi slt, %add3A_928, %sign3A_936 : i32
        %sign3A_938 = arith.extui %sign3A_937 : i1 to i32
        %sign3A_939 = arith.subi %sign3A_935, %sign3A_938 : i32
        %sign3A_940 = arith.constant 0 : i32
        %sign3A_941 = arith.cmpi sgt, %jit3A_931, %sign3A_940 : i32
        %sign3A_942 = arith.extui %sign3A_941 : i1 to i32
        %sign3A_943 = arith.constant 0 : i32
        %sign3A_944 = arith.cmpi slt, %jit3A_931, %sign3A_943 : i32
        %sign3A_945 = arith.extui %sign3A_944 : i1 to i32
        %sign3A_946 = arith.subi %sign3A_942, %sign3A_945 : i32
        %ne3A_947 = arith.cmpi ne, %sign3A_939, %sign3A_946 : i32
        %rem3A_948 = arith.remsi %add3A_928, %jit3A_931 : i32
        %ne3A_949 = arith.constant 0 : i32
        %ne3A_950 = arith.cmpi ne, %rem3A_948, %ne3A_949 : i32
        %and3A_951 = arith.andi %ne3A_947, %ne3A_950 : i1
        %sub3A_952 = arith.constant 1 : i32
        %sub3A_953 = arith.subi %div3A_932, %sub3A_952 : i32
        %select_n3A_954 = arith.select %and3A_951, %sub3A_953, %div3A_932 : i32
        %jit3A_955 = arith.constant 50 : i32
        %eq3A_956 = arith.constant 0 : i32
        %eq3A_957 = arith.cmpi eq, %jit3A_955, %eq3A_956 : i32
        %jit3A_958 = arith.constant 1 : i32
        %select_n3A_959 = arith.select %eq3A_957, %jit3A_958, %jit3A_955 : i32
        %rem3A_960 = arith.remsi %add3A_928, %select_n3A_959 : i32
        %ne3A_961 = arith.constant 0 : i32
        %ne3A_962 = arith.cmpi ne, %rem3A_960, %ne3A_961 : i32
        %lt3A_963 = arith.constant 0 : i32
        %lt3A_964 = arith.cmpi slt, %rem3A_960, %lt3A_963 : i32
        %lt3A_965 = arith.constant 0 : i32
        %lt3A_966 = arith.cmpi slt, %select_n3A_959, %lt3A_965 : i32
        %ne3A_967 = arith.xori %lt3A_964, %lt3A_966 : i1
        %and3A_968 = arith.andi %ne3A_967, %ne3A_962 : i1
        %add3A_969 = arith.addi %rem3A_960, %select_n3A_959 : i32
        %select_n3A_970 = arith.select %and3A_968, %add3A_969, %rem3A_960 : i32
        %dma_start3A_971 = arith.constant 0 : i32
        %dma_start3A_972 = arith.constant 0 : i32
        %dma_start3A_973 = tpu.memref_slice %arg6[%select_n3A_954, %dma_start3A_971, %dma_start3A_972] : memref<8x50x64xf32, #tpu.memory_space<vmem>> -> memref<1x50x64xf32, #tpu.memory_space<vmem>>
        %dma_start3A_974 = tpu.memref_squeeze %dma_start3A_973 : memref<1x50x64xf32, #tpu.memory_space<vmem>> -> memref<50x64xf32, #tpu.memory_space<vmem>>
        %dma_start3A_975 = arith.constant 0 : i32
        %dma_start3A_976 = tpu.memref_slice %dma_start3A_974[%select_n3A_970, %dma_start3A_975] : memref<50x64xf32, #tpu.memory_space<vmem>> -> memref<1x64xf32, #tpu.memory_space<vmem>>
        %dma_start3A_977 = arith.constant 0 : i32
        %dma_start3A_978 = tpu.memref_slice %arg3[%squeeze3A_930, %dma_start3A_977] : memref<1000000x64xf32, #tpu.memory_space<hbm>> -> memref<1x64xf32, #tpu.memory_space<hbm>>
        %dma_start3A_979 = arith.constant 0 : i32
        %dma_start3A_980 = arith.constant 0 : i32
        %dma_start3A_981 = tpu.memref_slice %arg6[%select_n3A_954, %dma_start3A_979, %dma_start3A_980] : memref<8x50x64xf32, #tpu.memory_space<vmem>> -> memref<1x50x64xf32, #tpu.memory_space<vmem>>
        %dma_start3A_982 = tpu.memref_squeeze %dma_start3A_981 : memref<1x50x64xf32, #tpu.memory_space<vmem>> -> memref<50x64xf32, #tpu.memory_space<vmem>>
        %dma_start3A_983 = arith.constant 0 : i32
        %dma_start3A_984 = tpu.memref_slice %dma_start3A_982[%select_n3A_970, %dma_start3A_983] : memref<50x64xf32, #tpu.memory_space<vmem>> -> memref<1x64xf32, #tpu.memory_space<vmem>>
        %dma_start3A_985 = arith.constant 0 : i32
        %dma_start3A_986 = tpu.memref_slice %arg3[%squeeze3A_930, %dma_start3A_985] : memref<1000000x64xf32, #tpu.memory_space<hbm>> -> memref<1x64xf32, #tpu.memory_space<hbm>>
        tpu.enqueue_dma source(%dma_start3A_986 : memref<1x64xf32, #tpu.memory_space<hbm>>) target(%dma_start3A_984 : memref<1x64xf32, #tpu.memory_space<vmem>>) target_semaphore(%arg8 : memref<!tpu.dma_semaphore, #tpu.memory_space<semaphore_mem>>)
        %add3A_987 = arith.constant 14 : i32
        %add3A_988 = arith.addi %mul3A_153, %add3A_987 : i32
        %slice3A_989 = vector.extract_strided_slice %get3A_158 {offsets = [14], sizes = [1], strides = [1]} : vector<16xi32> to vector<1xi32>
        %squeeze3A_990 = vector.extract %slice3A_989[0] : i32 from vector<1xi32>
        %jit3A_991 = arith.constant 50 : i32
        %div3A_992 = arith.divsi %add3A_988, %jit3A_991 : i32
        %sign3A_993 = arith.constant 0 : i32
        %sign3A_994 = arith.cmpi sgt, %add3A_988, %sign3A_993 : i32
        %sign3A_995 = arith.extui %sign3A_994 : i1 to i32
        %sign3A_996 = arith.constant 0 : i32
        %sign3A_997 = arith.cmpi slt, %add3A_988, %sign3A_996 : i32
        %sign3A_998 = arith.extui %sign3A_997 : i1 to i32
        %sign3A_999 = arith.subi %sign3A_995, %sign3A_998 : i32
        %sign3A_1000 = arith.constant 0 : i32
        %sign3A_1001 = arith.cmpi sgt, %jit3A_991, %sign3A_1000 : i32
        %sign3A_1002 = arith.extui %sign3A_1001 : i1 to i32
        %sign3A_1003 = arith.constant 0 : i32
        %sign3A_1004 = arith.cmpi slt, %jit3A_991, %sign3A_1003 : i32
        %sign3A_1005 = arith.extui %sign3A_1004 : i1 to i32
        %sign3A_1006 = arith.subi %sign3A_1002, %sign3A_1005 : i32
        %ne3A_1007 = arith.cmpi ne, %sign3A_999, %sign3A_1006 : i32
        %rem3A_1008 = arith.remsi %add3A_988, %jit3A_991 : i32
        %ne3A_1009 = arith.constant 0 : i32
        %ne3A_1010 = arith.cmpi ne, %rem3A_1008, %ne3A_1009 : i32
        %and3A_1011 = arith.andi %ne3A_1007, %ne3A_1010 : i1
        %sub3A_1012 = arith.constant 1 : i32
        %sub3A_1013 = arith.subi %div3A_992, %sub3A_1012 : i32
        %select_n3A_1014 = arith.select %and3A_1011, %sub3A_1013, %div3A_992 : i32
        %jit3A_1015 = arith.constant 50 : i32
        %eq3A_1016 = arith.constant 0 : i32
        %eq3A_1017 = arith.cmpi eq, %jit3A_1015, %eq3A_1016 : i32
        %jit3A_1018 = arith.constant 1 : i32
        %select_n3A_1019 = arith.select %eq3A_1017, %jit3A_1018, %jit3A_1015 : i32
        %rem3A_1020 = arith.remsi %add3A_988, %select_n3A_1019 : i32
        %ne3A_1021 = arith.constant 0 : i32
        %ne3A_1022 = arith.cmpi ne, %rem3A_1020, %ne3A_1021 : i32
        %lt3A_1023 = arith.constant 0 : i32
        %lt3A_1024 = arith.cmpi slt, %rem3A_1020, %lt3A_1023 : i32
        %lt3A_1025 = arith.constant 0 : i32
        %lt3A_1026 = arith.cmpi slt, %select_n3A_1019, %lt3A_1025 : i32
        %ne3A_1027 = arith.xori %lt3A_1024, %lt3A_1026 : i1
        %and3A_1028 = arith.andi %ne3A_1027, %ne3A_1022 : i1
        %add3A_1029 = arith.addi %rem3A_1020, %select_n3A_1019 : i32
        %select_n3A_1030 = arith.select %and3A_1028, %add3A_1029, %rem3A_1020 : i32
        %dma_start3A_1031 = arith.constant 0 : i32
        %dma_start3A_1032 = arith.constant 0 : i32
        %dma_start3A_1033 = tpu.memref_slice %arg6[%select_n3A_1014, %dma_start3A_1031, %dma_start3A_1032] : memref<8x50x64xf32, #tpu.memory_space<vmem>> -> memref<1x50x64xf32, #tpu.memory_space<vmem>>
        %dma_start3A_1034 = tpu.memref_squeeze %dma_start3A_1033 : memref<1x50x64xf32, #tpu.memory_space<vmem>> -> memref<50x64xf32, #tpu.memory_space<vmem>>
        %dma_start3A_1035 = arith.constant 0 : i32
        %dma_start3A_1036 = tpu.memref_slice %dma_start3A_1034[%select_n3A_1030, %dma_start3A_1035] : memref<50x64xf32, #tpu.memory_space<vmem>> -> memref<1x64xf32, #tpu.memory_space<vmem>>
        %dma_start3A_1037 = arith.constant 0 : i32
        %dma_start3A_1038 = tpu.memref_slice %arg3[%squeeze3A_990, %dma_start3A_1037] : memref<1000000x64xf32, #tpu.memory_space<hbm>> -> memref<1x64xf32, #tpu.memory_space<hbm>>
        %dma_start3A_1039 = arith.constant 0 : i32
        %dma_start3A_1040 = arith.constant 0 : i32
        %dma_start3A_1041 = tpu.memref_slice %arg6[%select_n3A_1014, %dma_start3A_1039, %dma_start3A_1040] : memref<8x50x64xf32, #tpu.memory_space<vmem>> -> memref<1x50x64xf32, #tpu.memory_space<vmem>>
        %dma_start3A_1042 = tpu.memref_squeeze %dma_start3A_1041 : memref<1x50x64xf32, #tpu.memory_space<vmem>> -> memref<50x64xf32, #tpu.memory_space<vmem>>
        %dma_start3A_1043 = arith.constant 0 : i32
        %dma_start3A_1044 = tpu.memref_slice %dma_start3A_1042[%select_n3A_1030, %dma_start3A_1043] : memref<50x64xf32, #tpu.memory_space<vmem>> -> memref<1x64xf32, #tpu.memory_space<vmem>>
        %dma_start3A_1045 = arith.constant 0 : i32
        %dma_start3A_1046 = tpu.memref_slice %arg3[%squeeze3A_990, %dma_start3A_1045] : memref<1000000x64xf32, #tpu.memory_space<hbm>> -> memref<1x64xf32, #tpu.memory_space<hbm>>
        tpu.enqueue_dma source(%dma_start3A_1046 : memref<1x64xf32, #tpu.memory_space<hbm>>) target(%dma_start3A_1044 : memref<1x64xf32, #tpu.memory_space<vmem>>) target_semaphore(%arg8 : memref<!tpu.dma_semaphore, #tpu.memory_space<semaphore_mem>>)
        %add3A_1047 = arith.constant 15 : i32
        %add3A_1048 = arith.addi %mul3A_153, %add3A_1047 : i32
        %slice3A_1049 = vector.extract_strided_slice %get3A_158 {offsets = [15], sizes = [1], strides = [1]} : vector<16xi32> to vector<1xi32>
        %squeeze3A_1050 = vector.extract %slice3A_1049[0] : i32 from vector<1xi32>
        %jit3A_1051 = arith.constant 50 : i32
        %div3A_1052 = arith.divsi %add3A_1048, %jit3A_1051 : i32
        %sign3A_1053 = arith.constant 0 : i32
        %sign3A_1054 = arith.cmpi sgt, %add3A_1048, %sign3A_1053 : i32
        %sign3A_1055 = arith.extui %sign3A_1054 : i1 to i32
        %sign3A_1056 = arith.constant 0 : i32
        %sign3A_1057 = arith.cmpi slt, %add3A_1048, %sign3A_1056 : i32
        %sign3A_1058 = arith.extui %sign3A_1057 : i1 to i32
        %sign3A_1059 = arith.subi %sign3A_1055, %sign3A_1058 : i32
        %sign3A_1060 = arith.constant 0 : i32
        %sign3A_1061 = arith.cmpi sgt, %jit3A_1051, %sign3A_1060 : i32
        %sign3A_1062 = arith.extui %sign3A_1061 : i1 to i32
        %sign3A_1063 = arith.constant 0 : i32
        %sign3A_1064 = arith.cmpi slt, %jit3A_1051, %sign3A_1063 : i32
        %sign3A_1065 = arith.extui %sign3A_1064 : i1 to i32
        %sign3A_1066 = arith.subi %sign3A_1062, %sign3A_1065 : i32
        %ne3A_1067 = arith.cmpi ne, %sign3A_1059, %sign3A_1066 : i32
        %rem3A_1068 = arith.remsi %add3A_1048, %jit3A_1051 : i32
        %ne3A_1069 = arith.constant 0 : i32
        %ne3A_1070 = arith.cmpi ne, %rem3A_1068, %ne3A_1069 : i32
        %and3A_1071 = arith.andi %ne3A_1067, %ne3A_1070 : i1
        %sub3A_1072 = arith.constant 1 : i32
        %sub3A_1073 = arith.subi %div3A_1052, %sub3A_1072 : i32
        %select_n3A_1074 = arith.select %and3A_1071, %sub3A_1073, %div3A_1052 : i32
        %jit3A_1075 = arith.constant 50 : i32
        %eq3A_1076 = arith.constant 0 : i32
        %eq3A_1077 = arith.cmpi eq, %jit3A_1075, %eq3A_1076 : i32
        %jit3A_1078 = arith.constant 1 : i32
        %select_n3A_1079 = arith.select %eq3A_1077, %jit3A_1078, %jit3A_1075 : i32
        %rem3A_1080 = arith.remsi %add3A_1048, %select_n3A_1079 : i32
        %ne3A_1081 = arith.constant 0 : i32
        %ne3A_1082 = arith.cmpi ne, %rem3A_1080, %ne3A_1081 : i32
        %lt3A_1083 = arith.constant 0 : i32
        %lt3A_1084 = arith.cmpi slt, %rem3A_1080, %lt3A_1083 : i32
        %lt3A_1085 = arith.constant 0 : i32
        %lt3A_1086 = arith.cmpi slt, %select_n3A_1079, %lt3A_1085 : i32
        %ne3A_1087 = arith.xori %lt3A_1084, %lt3A_1086 : i1
        %and3A_1088 = arith.andi %ne3A_1087, %ne3A_1082 : i1
        %add3A_1089 = arith.addi %rem3A_1080, %select_n3A_1079 : i32
        %select_n3A_1090 = arith.select %and3A_1088, %add3A_1089, %rem3A_1080 : i32
        %dma_start3A_1091 = arith.constant 0 : i32
        %dma_start3A_1092 = arith.constant 0 : i32
        %dma_start3A_1093 = tpu.memref_slice %arg6[%select_n3A_1074, %dma_start3A_1091, %dma_start3A_1092] : memref<8x50x64xf32, #tpu.memory_space<vmem>> -> memref<1x50x64xf32, #tpu.memory_space<vmem>>
        %dma_start3A_1094 = tpu.memref_squeeze %dma_start3A_1093 : memref<1x50x64xf32, #tpu.memory_space<vmem>> -> memref<50x64xf32, #tpu.memory_space<vmem>>
        %dma_start3A_1095 = arith.constant 0 : i32
        %dma_start3A_1096 = tpu.memref_slice %dma_start3A_1094[%select_n3A_1090, %dma_start3A_1095] : memref<50x64xf32, #tpu.memory_space<vmem>> -> memref<1x64xf32, #tpu.memory_space<vmem>>
        %dma_start3A_1097 = arith.constant 0 : i32
        %dma_start3A_1098 = tpu.memref_slice %arg3[%squeeze3A_1050, %dma_start3A_1097] : memref<1000000x64xf32, #tpu.memory_space<hbm>> -> memref<1x64xf32, #tpu.memory_space<hbm>>
        %dma_start3A_1099 = arith.constant 0 : i32
        %dma_start3A_1100 = arith.constant 0 : i32
        %dma_start3A_1101 = tpu.memref_slice %arg6[%select_n3A_1074, %dma_start3A_1099, %dma_start3A_1100] : memref<8x50x64xf32, #tpu.memory_space<vmem>> -> memref<1x50x64xf32, #tpu.memory_space<vmem>>
        %dma_start3A_1102 = tpu.memref_squeeze %dma_start3A_1101 : memref<1x50x64xf32, #tpu.memory_space<vmem>> -> memref<50x64xf32, #tpu.memory_space<vmem>>
        %dma_start3A_1103 = arith.constant 0 : i32
        %dma_start3A_1104 = tpu.memref_slice %dma_start3A_1102[%select_n3A_1090, %dma_start3A_1103] : memref<50x64xf32, #tpu.memory_space<vmem>> -> memref<1x64xf32, #tpu.memory_space<vmem>>
        %dma_start3A_1105 = arith.constant 0 : i32
        %dma_start3A_1106 = tpu.memref_slice %arg3[%squeeze3A_1050, %dma_start3A_1105] : memref<1000000x64xf32, #tpu.memory_space<hbm>> -> memref<1x64xf32, #tpu.memory_space<hbm>>
        tpu.enqueue_dma source(%dma_start3A_1106 : memref<1x64xf32, #tpu.memory_space<hbm>>) target(%dma_start3A_1104 : memref<1x64xf32, #tpu.memory_space<vmem>>) target_semaphore(%arg8 : memref<!tpu.dma_semaphore, #tpu.memory_space<semaphore_mem>>)
        %scan3A_1107 = arith.constant 0 : i32
        scf.yield %scan3A_1107 : i32
      }
      %scan3A_109 = arith.constant 25 : i32
      %dma_wait3A_110 = arith.constant 0 : i32
      %dma_wait3A_111 = arith.constant 0 : i32
      %dma_wait3A_112 = arith.constant 0 : i32
      %dma_wait3A_113 = tpu.memref_slice %arg4[%dma_wait3A_110, %dma_wait3A_111, %dma_wait3A_112] : memref<4096x50x64xf32, #tpu.memory_space<hbm>> -> memref<8x50x64xf32, #tpu.memory_space<hbm>>
      %dma_wait3A_114 = arith.constant 0 : i32
      %dma_wait3A_115 = arith.constant 0 : i32
      %dma_wait3A_116 = arith.constant 0 : i32
      %dma_wait3A_117 = tpu.memref_slice %arg4[%dma_wait3A_114, %dma_wait3A_115, %dma_wait3A_116] : memref<4096x50x64xf32, #tpu.memory_space<hbm>> -> memref<8x50x64xf32, #tpu.memory_space<hbm>>
      tpu.wait_dma2 semaphore(%arg9 : memref<!tpu.dma_semaphore, #tpu.memory_space<semaphore_mem>>) src(%dma_wait3A_117 : memref<8x50x64xf32, #tpu.memory_space<hbm>>) dst(%arg7 : memref<8x50x64xf32, #tpu.memory_space<vmem>>)
      %add3A_118 = arith.constant 1 : i32
      %add3A_119 = arith.addi %mul3A_74, %add3A_118 : i32
      %mul3A_120 = arith.constant 8 : i32
      %mul3A_121 = arith.muli %add3A_119, %mul3A_120 : i32
      %add3A_122 = arith.addi %mul3A_4, %mul3A_121 : i32
      %dma_start3A_123 = arith.constant 0 : i32
      %dma_start3A_124 = arith.constant 0 : i32
      %dma_start3A_125 = tpu.memref_slice %arg4[%add3A_122, %dma_start3A_123, %dma_start3A_124] : memref<4096x50x64xf32, #tpu.memory_space<hbm>> -> memref<8x50x64xf32, #tpu.memory_space<hbm>>
      %dma_start3A_126 = arith.constant 0 : i32
      %dma_start3A_127 = arith.constant 0 : i32
      %dma_start3A_128 = tpu.memref_slice %arg4[%add3A_122, %dma_start3A_126, %dma_start3A_127] : memref<4096x50x64xf32, #tpu.memory_space<hbm>> -> memref<8x50x64xf32, #tpu.memory_space<hbm>>
      tpu.enqueue_dma source(%arg7 : memref<8x50x64xf32, #tpu.memory_space<vmem>>) target(%dma_start3A_128 : memref<8x50x64xf32, #tpu.memory_space<hbm>>) target_semaphore(%arg11 : memref<!tpu.dma_semaphore, #tpu.memory_space<semaphore_mem>>)
      %add3A_129 = arith.constant 1 : i32
      %add3A_130 = arith.addi %mul3A_74, %add3A_129 : i32
      %mul3A_131 = arith.constant 8 : i32
      %mul3A_132 = arith.muli %add3A_130, %mul3A_131 : i32
      %add3A_133 = arith.addi %mul3A_4, %mul3A_132 : i32
      %dma_wait3A_134 = arith.constant 0 : i32
      %dma_wait3A_135 = arith.constant 0 : i32
      %dma_wait3A_136 = tpu.memref_slice %arg4[%add3A_133, %dma_wait3A_134, %dma_wait3A_135] : memref<4096x50x64xf32, #tpu.memory_space<hbm>> -> memref<8x50x64xf32, #tpu.memory_space<hbm>>
      %dma_wait3A_137 = arith.constant 0 : i32
      %dma_wait3A_138 = arith.constant 0 : i32
      %dma_wait3A_139 = tpu.memref_slice %arg4[%add3A_133, %dma_wait3A_137, %dma_wait3A_138] : memref<4096x50x64xf32, #tpu.memory_space<hbm>> -> memref<8x50x64xf32, #tpu.memory_space<hbm>>
      tpu.wait_dma2 semaphore(%arg11 : memref<!tpu.dma_semaphore, #tpu.memory_space<semaphore_mem>>) src(%arg7 : memref<8x50x64xf32, #tpu.memory_space<vmem>>) dst(%dma_wait3A_139 : memref<8x50x64xf32, #tpu.memory_space<hbm>>)
      %add3A_140 = arith.constant 3 : i32
      %add3A_141 = arith.addi %mul3A_74, %add3A_140 : i32
      %scan3A_142 = arith.constant 0 : i32
      %scan3A_143 = arith.constant 0 : i32
      %scan3A_144 = arith.constant 25 : i32
      %scan3A_145 = arith.addi %scan3A_143, %scan3A_144 : i32
      %scan3A_146 = arith.constant 1 : i32
      %scan3A_147 = scf.for %scan3A_150 = %scan3A_143 to %scan3A_145 step %scan3A_146 iter_args(%scan3A_151 = %scan3A_142) -> (i32)  : i32 {
        %mul3A_152 = arith.constant 16 : i32
        %mul3A_153 = arith.muli %scan3A_150, %mul3A_152 : i32
        %mul3A_154 = arith.constant 400 : i32
        %mul3A_155 = arith.muli %add3A_141, %mul3A_154 : i32
        %add3A_156 = arith.addi %mul3A_155, %mul3A_153 : i32
        %get3A = arith.index_cast %add3A_156 : i32 to index
        %get3A_157 = tpu.vector_load %arg5[%get3A] {strides = array<i32>} : memref<6400xi32, #tpu.memory_space<vmem>>, vector<16xi32>,
        %get3A_158 = vector.shape_cast %get3A_157 : vector<16xi32> to vector<16xi32>
        %add3A_159 = arith.constant 0 : i32
        %add3A_160 = arith.addi %mul3A_153, %add3A_159 : i32
        %slice3A = vector.extract_strided_slice %get3A_158 {offsets = [0], sizes = [1], strides = [1]} : vector<16xi32> to vector<1xi32>
        %squeeze3A = vector.extract %slice3A[0] : i32 from vector<1xi32>
        %jit3A = arith.constant 50 : i32
        %div3A = arith.divsi %add3A_160, %jit3A : i32
        %sign3A = arith.constant 0 : i32
        %sign3A_161 = arith.cmpi sgt, %add3A_160, %sign3A : i32
        %sign3A_162 = arith.extui %sign3A_161 : i1 to i32
        %sign3A_163 = arith.constant 0 : i32
        %sign3A_164 = arith.cmpi slt, %add3A_160, %sign3A_163 : i32
        %sign3A_165 = arith.extui %sign3A_164 : i1 to i32
        %sign3A_166 = arith.subi %sign3A_162, %sign3A_165 : i32
        %sign3A_167 = arith.constant 0 : i32
        %sign3A_168 = arith.cmpi sgt, %jit3A, %sign3A_167 : i32
        %sign3A_169 = arith.extui %sign3A_168 : i1 to i32
        %sign3A_170 = arith.constant 0 : i32
        %sign3A_171 = arith.cmpi slt, %jit3A, %sign3A_170 : i32
        %sign3A_172 = arith.extui %sign3A_171 : i1 to i32
        %sign3A_173 = arith.subi %sign3A_169, %sign3A_172 : i32
        %ne3A = arith.cmpi ne, %sign3A_166, %sign3A_173 : i32
        %rem3A = arith.remsi %add3A_160, %jit3A : i32
        %ne3A_174 = arith.constant 0 : i32
        %ne3A_175 = arith.cmpi ne, %rem3A, %ne3A_174 : i32
        %and3A = arith.andi %ne3A, %ne3A_175 : i1
        %sub3A = arith.constant 1 : i32
        %sub3A_176 = arith.subi %div3A, %sub3A : i32
        %select_n3A = arith.select %and3A, %sub3A_176, %div3A : i32
        %jit3A_177 = arith.constant 50 : i32
        %eq3A = arith.constant 0 : i32
        %eq3A_178 = arith.cmpi eq, %jit3A_177, %eq3A : i32
        %jit3A_179 = arith.constant 1 : i32
        %select_n3A_180 = arith.select %eq3A_178, %jit3A_179, %jit3A_177 : i32
        %rem3A_181 = arith.remsi %add3A_160, %select_n3A_180 : i32
        %ne3A_182 = arith.constant 0 : i32
        %ne3A_183 = arith.cmpi ne, %rem3A_181, %ne3A_182 : i32
        %lt3A = arith.constant 0 : i32
        %lt3A_184 = arith.cmpi slt, %rem3A_181, %lt3A : i32
        %lt3A_185 = arith.constant 0 : i32
        %lt3A_186 = arith.cmpi slt, %select_n3A_180, %lt3A_185 : i32
        %ne3A_187 = arith.xori %lt3A_184, %lt3A_186 : i1
        %and3A_188 = arith.andi %ne3A_187, %ne3A_183 : i1
        %add3A_189 = arith.addi %rem3A_181, %select_n3A_180 : i32
        %select_n3A_190 = arith.select %and3A_188, %add3A_189, %rem3A_181 : i32
        %dma_start3A_191 = arith.constant 0 : i32
        %dma_start3A_192 = arith.constant 0 : i32
        %dma_start3A_193 = tpu.memref_slice %arg7[%select_n3A, %dma_start3A_191, %dma_start3A_192] : memref<8x50x64xf32, #tpu.memory_space<vmem>> -> memref<1x50x64xf32, #tpu.memory_space<vmem>>
        %dma_start3A_194 = tpu.memref_squeeze %dma_start3A_193 : memref<1x50x64xf32, #tpu.memory_space<vmem>> -> memref<50x64xf32, #tpu.memory_space<vmem>>
        %dma_start3A_195 = arith.constant 0 : i32
        %dma_start3A_196 = tpu.memref_slice %dma_start3A_194[%select_n3A_190, %dma_start3A_195] : memref<50x64xf32, #tpu.memory_space<vmem>> -> memref<1x64xf32, #tpu.memory_space<vmem>>
        %dma_start3A_197 = arith.constant 0 : i32
        %dma_start3A_198 = tpu.memref_slice %arg3[%squeeze3A, %dma_start3A_197] : memref<1000000x64xf32, #tpu.memory_space<hbm>> -> memref<1x64xf32, #tpu.memory_space<hbm>>
        %dma_start3A_199 = arith.constant 0 : i32
        %dma_start3A_200 = arith.constant 0 : i32
        %dma_start3A_201 = tpu.memref_slice %arg7[%select_n3A, %dma_start3A_199, %dma_start3A_200] : memref<8x50x64xf32, #tpu.memory_space<vmem>> -> memref<1x50x64xf32, #tpu.memory_space<vmem>>
        %dma_start3A_202 = tpu.memref_squeeze %dma_start3A_201 : memref<1x50x64xf32, #tpu.memory_space<vmem>> -> memref<50x64xf32, #tpu.memory_space<vmem>>
        %dma_start3A_203 = arith.constant 0 : i32
        %dma_start3A_204 = tpu.memref_slice %dma_start3A_202[%select_n3A_190, %dma_start3A_203] : memref<50x64xf32, #tpu.memory_space<vmem>> -> memref<1x64xf32, #tpu.memory_space<vmem>>
        %dma_start3A_205 = arith.constant 0 : i32
        %dma_start3A_206 = tpu.memref_slice %arg3[%squeeze3A, %dma_start3A_205] : memref<1000000x64xf32, #tpu.memory_space<hbm>> -> memref<1x64xf32, #tpu.memory_space<hbm>>
        tpu.enqueue_dma source(%dma_start3A_206 : memref<1x64xf32, #tpu.memory_space<hbm>>) target(%dma_start3A_204 : memref<1x64xf32, #tpu.memory_space<vmem>>) target_semaphore(%arg9 : memref<!tpu.dma_semaphore, #tpu.memory_space<semaphore_mem>>)
        %add3A_207 = arith.constant 1 : i32
        %add3A_208 = arith.addi %mul3A_153, %add3A_207 : i32
        %slice3A_209 = vector.extract_strided_slice %get3A_158 {offsets = [1], sizes = [1], strides = [1]} : vector<16xi32> to vector<1xi32>
        %squeeze3A_210 = vector.extract %slice3A_209[0] : i32 from vector<1xi32>
        %jit3A_211 = arith.constant 50 : i32
        %div3A_212 = arith.divsi %add3A_208, %jit3A_211 : i32
        %sign3A_213 = arith.constant 0 : i32
        %sign3A_214 = arith.cmpi sgt, %add3A_208, %sign3A_213 : i32
        %sign3A_215 = arith.extui %sign3A_214 : i1 to i32
        %sign3A_216 = arith.constant 0 : i32
        %sign3A_217 = arith.cmpi slt, %add3A_208, %sign3A_216 : i32
        %sign3A_218 = arith.extui %sign3A_217 : i1 to i32
        %sign3A_219 = arith.subi %sign3A_215, %sign3A_218 : i32
        %sign3A_220 = arith.constant 0 : i32
        %sign3A_221 = arith.cmpi sgt, %jit3A_211, %sign3A_220 : i32
        %sign3A_222 = arith.extui %sign3A_221 : i1 to i32
        %sign3A_223 = arith.constant 0 : i32
        %sign3A_224 = arith.cmpi slt, %jit3A_211, %sign3A_223 : i32
        %sign3A_225 = arith.extui %sign3A_224 : i1 to i32
        %sign3A_226 = arith.subi %sign3A_222, %sign3A_225 : i32
        %ne3A_227 = arith.cmpi ne, %sign3A_219, %sign3A_226 : i32
        %rem3A_228 = arith.remsi %add3A_208, %jit3A_211 : i32
        %ne3A_229 = arith.constant 0 : i32
        %ne3A_230 = arith.cmpi ne, %rem3A_228, %ne3A_229 : i32
        %and3A_231 = arith.andi %ne3A_227, %ne3A_230 : i1
        %sub3A_232 = arith.constant 1 : i32
        %sub3A_233 = arith.subi %div3A_212, %sub3A_232 : i32
        %select_n3A_234 = arith.select %and3A_231, %sub3A_233, %div3A_212 : i32
        %jit3A_235 = arith.constant 50 : i32
        %eq3A_236 = arith.constant 0 : i32
        %eq3A_237 = arith.cmpi eq, %jit3A_235, %eq3A_236 : i32
        %jit3A_238 = arith.constant 1 : i32
        %select_n3A_239 = arith.select %eq3A_237, %jit3A_238, %jit3A_235 : i32
        %rem3A_240 = arith.remsi %add3A_208, %select_n3A_239 : i32
        %ne3A_241 = arith.constant 0 : i32
        %ne3A_242 = arith.cmpi ne, %rem3A_240, %ne3A_241 : i32
        %lt3A_243 = arith.constant 0 : i32
        %lt3A_244 = arith.cmpi slt, %rem3A_240, %lt3A_243 : i32
        %lt3A_245 = arith.constant 0 : i32
        %lt3A_246 = arith.cmpi slt, %select_n3A_239, %lt3A_245 : i32
        %ne3A_247 = arith.xori %lt3A_244, %lt3A_246 : i1
        %and3A_248 = arith.andi %ne3A_247, %ne3A_242 : i1
        %add3A_249 = arith.addi %rem3A_240, %select_n3A_239 : i32
        %select_n3A_250 = arith.select %and3A_248, %add3A_249, %rem3A_240 : i32
        %dma_start3A_251 = arith.constant 0 : i32
        %dma_start3A_252 = arith.constant 0 : i32
        %dma_start3A_253 = tpu.memref_slice %arg7[%select_n3A_234, %dma_start3A_251, %dma_start3A_252] : memref<8x50x64xf32, #tpu.memory_space<vmem>> -> memref<1x50x64xf32, #tpu.memory_space<vmem>>
        %dma_start3A_254 = tpu.memref_squeeze %dma_start3A_253 : memref<1x50x64xf32, #tpu.memory_space<vmem>> -> memref<50x64xf32, #tpu.memory_space<vmem>>
        %dma_start3A_255 = arith.constant 0 : i32
        %dma_start3A_256 = tpu.memref_slice %dma_start3A_254[%select_n3A_250, %dma_start3A_255] : memref<50x64xf32, #tpu.memory_space<vmem>> -> memref<1x64xf32, #tpu.memory_space<vmem>>
        %dma_start3A_257 = arith.constant 0 : i32
        %dma_start3A_258 = tpu.memref_slice %arg3[%squeeze3A_210, %dma_start3A_257] : memref<1000000x64xf32, #tpu.memory_space<hbm>> -> memref<1x64xf32, #tpu.memory_space<hbm>>
        %dma_start3A_259 = arith.constant 0 : i32
        %dma_start3A_260 = arith.constant 0 : i32
        %dma_start3A_261 = tpu.memref_slice %arg7[%select_n3A_234, %dma_start3A_259, %dma_start3A_260] : memref<8x50x64xf32, #tpu.memory_space<vmem>> -> memref<1x50x64xf32, #tpu.memory_space<vmem>>
        %dma_start3A_262 = tpu.memref_squeeze %dma_start3A_261 : memref<1x50x64xf32, #tpu.memory_space<vmem>> -> memref<50x64xf32, #tpu.memory_space<vmem>>
        %dma_start3A_263 = arith.constant 0 : i32
        %dma_start3A_264 = tpu.memref_slice %dma_start3A_262[%select_n3A_250, %dma_start3A_263] : memref<50x64xf32, #tpu.memory_space<vmem>> -> memref<1x64xf32, #tpu.memory_space<vmem>>
        %dma_start3A_265 = arith.constant 0 : i32
        %dma_start3A_266 = tpu.memref_slice %arg3[%squeeze3A_210, %dma_start3A_265] : memref<1000000x64xf32, #tpu.memory_space<hbm>> -> memref<1x64xf32, #tpu.memory_space<hbm>>
        tpu.enqueue_dma source(%dma_start3A_266 : memref<1x64xf32, #tpu.memory_space<hbm>>) target(%dma_start3A_264 : memref<1x64xf32, #tpu.memory_space<vmem>>) target_semaphore(%arg9 : memref<!tpu.dma_semaphore, #tpu.memory_space<semaphore_mem>>)
        %add3A_267 = arith.constant 2 : i32
        %add3A_268 = arith.addi %mul3A_153, %add3A_267 : i32
        %slice3A_269 = vector.extract_strided_slice %get3A_158 {offsets = [2], sizes = [1], strides = [1]} : vector<16xi32> to vector<1xi32>
        %squeeze3A_270 = vector.extract %slice3A_269[0] : i32 from vector<1xi32>
        %jit3A_271 = arith.constant 50 : i32
        %div3A_272 = arith.divsi %add3A_268, %jit3A_271 : i32
        %sign3A_273 = arith.constant 0 : i32
        %sign3A_274 = arith.cmpi sgt, %add3A_268, %sign3A_273 : i32
        %sign3A_275 = arith.extui %sign3A_274 : i1 to i32
        %sign3A_276 = arith.constant 0 : i32
        %sign3A_277 = arith.cmpi slt, %add3A_268, %sign3A_276 : i32
        %sign3A_278 = arith.extui %sign3A_277 : i1 to i32
        %sign3A_279 = arith.subi %sign3A_275, %sign3A_278 : i32
        %sign3A_280 = arith.constant 0 : i32
        %sign3A_281 = arith.cmpi sgt, %jit3A_271, %sign3A_280 : i32
        %sign3A_282 = arith.extui %sign3A_281 : i1 to i32
        %sign3A_283 = arith.constant 0 : i32
        %sign3A_284 = arith.cmpi slt, %jit3A_271, %sign3A_283 : i32
        %sign3A_285 = arith.extui %sign3A_284 : i1 to i32
        %sign3A_286 = arith.subi %sign3A_282, %sign3A_285 : i32
        %ne3A_287 = arith.cmpi ne, %sign3A_279, %sign3A_286 : i32
        %rem3A_288 = arith.remsi %add3A_268, %jit3A_271 : i32
        %ne3A_289 = arith.constant 0 : i32
        %ne3A_290 = arith.cmpi ne, %rem3A_288, %ne3A_289 : i32
        %and3A_291 = arith.andi %ne3A_287, %ne3A_290 : i1
        %sub3A_292 = arith.constant 1 : i32
        %sub3A_293 = arith.subi %div3A_272, %sub3A_292 : i32
        %select_n3A_294 = arith.select %and3A_291, %sub3A_293, %div3A_272 : i32
        %jit3A_295 = arith.constant 50 : i32
        %eq3A_296 = arith.constant 0 : i32
        %eq3A_297 = arith.cmpi eq, %jit3A_295, %eq3A_296 : i32
        %jit3A_298 = arith.constant 1 : i32
        %select_n3A_299 = arith.select %eq3A_297, %jit3A_298, %jit3A_295 : i32
        %rem3A_300 = arith.remsi %add3A_268, %select_n3A_299 : i32
        %ne3A_301 = arith.constant 0 : i32
        %ne3A_302 = arith.cmpi ne, %rem3A_300, %ne3A_301 : i32
        %lt3A_303 = arith.constant 0 : i32
        %lt3A_304 = arith.cmpi slt, %rem3A_300, %lt3A_303 : i32
        %lt3A_305 = arith.constant 0 : i32
        %lt3A_306 = arith.cmpi slt, %select_n3A_299, %lt3A_305 : i32
        %ne3A_307 = arith.xori %lt3A_304, %lt3A_306 : i1
        %and3A_308 = arith.andi %ne3A_307, %ne3A_302 : i1
        %add3A_309 = arith.addi %rem3A_300, %select_n3A_299 : i32
        %select_n3A_310 = arith.select %and3A_308, %add3A_309, %rem3A_300 : i32
        %dma_start3A_311 = arith.constant 0 : i32
        %dma_start3A_312 = arith.constant 0 : i32
        %dma_start3A_313 = tpu.memref_slice %arg7[%select_n3A_294, %dma_start3A_311, %dma_start3A_312] : memref<8x50x64xf32, #tpu.memory_space<vmem>> -> memref<1x50x64xf32, #tpu.memory_space<vmem>>
        %dma_start3A_314 = tpu.memref_squeeze %dma_start3A_313 : memref<1x50x64xf32, #tpu.memory_space<vmem>> -> memref<50x64xf32, #tpu.memory_space<vmem>>
        %dma_start3A_315 = arith.constant 0 : i32
        %dma_start3A_316 = tpu.memref_slice %dma_start3A_314[%select_n3A_310, %dma_start3A_315] : memref<50x64xf32, #tpu.memory_space<vmem>> -> memref<1x64xf32, #tpu.memory_space<vmem>>
        %dma_start3A_317 = arith.constant 0 : i32
        %dma_start3A_318 = tpu.memref_slice %arg3[%squeeze3A_270, %dma_start3A_317] : memref<1000000x64xf32, #tpu.memory_space<hbm>> -> memref<1x64xf32, #tpu.memory_space<hbm>>
        %dma_start3A_319 = arith.constant 0 : i32
        %dma_start3A_320 = arith.constant 0 : i32
        %dma_start3A_321 = tpu.memref_slice %arg7[%select_n3A_294, %dma_start3A_319, %dma_start3A_320] : memref<8x50x64xf32, #tpu.memory_space<vmem>> -> memref<1x50x64xf32, #tpu.memory_space<vmem>>
        %dma_start3A_322 = tpu.memref_squeeze %dma_start3A_321 : memref<1x50x64xf32, #tpu.memory_space<vmem>> -> memref<50x64xf32, #tpu.memory_space<vmem>>
        %dma_start3A_323 = arith.constant 0 : i32
        %dma_start3A_324 = tpu.memref_slice %dma_start3A_322[%select_n3A_310, %dma_start3A_323] : memref<50x64xf32, #tpu.memory_space<vmem>> -> memref<1x64xf32, #tpu.memory_space<vmem>>
        %dma_start3A_325 = arith.constant 0 : i32
        %dma_start3A_326 = tpu.memref_slice %arg3[%squeeze3A_270, %dma_start3A_325] : memref<1000000x64xf32, #tpu.memory_space<hbm>> -> memref<1x64xf32, #tpu.memory_space<hbm>>
        tpu.enqueue_dma source(%dma_start3A_326 : memref<1x64xf32, #tpu.memory_space<hbm>>) target(%dma_start3A_324 : memref<1x64xf32, #tpu.memory_space<vmem>>) target_semaphore(%arg9 : memref<!tpu.dma_semaphore, #tpu.memory_space<semaphore_mem>>)
        %add3A_327 = arith.constant 3 : i32
        %add3A_328 = arith.addi %mul3A_153, %add3A_327 : i32
        %slice3A_329 = vector.extract_strided_slice %get3A_158 {offsets = [3], sizes = [1], strides = [1]} : vector<16xi32> to vector<1xi32>
        %squeeze3A_330 = vector.extract %slice3A_329[0] : i32 from vector<1xi32>
        %jit3A_331 = arith.constant 50 : i32
        %div3A_332 = arith.divsi %add3A_328, %jit3A_331 : i32
        %sign3A_333 = arith.constant 0 : i32
        %sign3A_334 = arith.cmpi sgt, %add3A_328, %sign3A_333 : i32
        %sign3A_335 = arith.extui %sign3A_334 : i1 to i32
        %sign3A_336 = arith.constant 0 : i32
        %sign3A_337 = arith.cmpi slt, %add3A_328, %sign3A_336 : i32
        %sign3A_338 = arith.extui %sign3A_337 : i1 to i32
        %sign3A_339 = arith.subi %sign3A_335, %sign3A_338 : i32
        %sign3A_340 = arith.constant 0 : i32
        %sign3A_341 = arith.cmpi sgt, %jit3A_331, %sign3A_340 : i32
        %sign3A_342 = arith.extui %sign3A_341 : i1 to i32
        %sign3A_343 = arith.constant 0 : i32
        %sign3A_344 = arith.cmpi slt, %jit3A_331, %sign3A_343 : i32
        %sign3A_345 = arith.extui %sign3A_344 : i1 to i32
        %sign3A_346 = arith.subi %sign3A_342, %sign3A_345 : i32
        %ne3A_347 = arith.cmpi ne, %sign3A_339, %sign3A_346 : i32
        %rem3A_348 = arith.remsi %add3A_328, %jit3A_331 : i32
        %ne3A_349 = arith.constant 0 : i32
        %ne3A_350 = arith.cmpi ne, %rem3A_348, %ne3A_349 : i32
        %and3A_351 = arith.andi %ne3A_347, %ne3A_350 : i1
        %sub3A_352 = arith.constant 1 : i32
        %sub3A_353 = arith.subi %div3A_332, %sub3A_352 : i32
        %select_n3A_354 = arith.select %and3A_351, %sub3A_353, %div3A_332 : i32
        %jit3A_355 = arith.constant 50 : i32
        %eq3A_356 = arith.constant 0 : i32
        %eq3A_357 = arith.cmpi eq, %jit3A_355, %eq3A_356 : i32
        %jit3A_358 = arith.constant 1 : i32
        %select_n3A_359 = arith.select %eq3A_357, %jit3A_358, %jit3A_355 : i32
        %rem3A_360 = arith.remsi %add3A_328, %select_n3A_359 : i32
        %ne3A_361 = arith.constant 0 : i32
        %ne3A_362 = arith.cmpi ne, %rem3A_360, %ne3A_361 : i32
        %lt3A_363 = arith.constant 0 : i32
        %lt3A_364 = arith.cmpi slt, %rem3A_360, %lt3A_363 : i32
        %lt3A_365 = arith.constant 0 : i32
        %lt3A_366 = arith.cmpi slt, %select_n3A_359, %lt3A_365 : i32
        %ne3A_367 = arith.xori %lt3A_364, %lt3A_366 : i1
        %and3A_368 = arith.andi %ne3A_367, %ne3A_362 : i1
        %add3A_369 = arith.addi %rem3A_360, %select_n3A_359 : i32
        %select_n3A_370 = arith.select %and3A_368, %add3A_369, %rem3A_360 : i32
        %dma_start3A_371 = arith.constant 0 : i32
        %dma_start3A_372 = arith.constant 0 : i32
        %dma_start3A_373 = tpu.memref_slice %arg7[%select_n3A_354, %dma_start3A_371, %dma_start3A_372] : memref<8x50x64xf32, #tpu.memory_space<vmem>> -> memref<1x50x64xf32, #tpu.memory_space<vmem>>
        %dma_start3A_374 = tpu.memref_squeeze %dma_start3A_373 : memref<1x50x64xf32, #tpu.memory_space<vmem>> -> memref<50x64xf32, #tpu.memory_space<vmem>>
        %dma_start3A_375 = arith.constant 0 : i32
        %dma_start3A_376 = tpu.memref_slice %dma_start3A_374[%select_n3A_370, %dma_start3A_375] : memref<50x64xf32, #tpu.memory_space<vmem>> -> memref<1x64xf32, #tpu.memory_space<vmem>>
        %dma_start3A_377 = arith.constant 0 : i32
        %dma_start3A_378 = tpu.memref_slice %arg3[%squeeze3A_330, %dma_start3A_377] : memref<1000000x64xf32, #tpu.memory_space<hbm>> -> memref<1x64xf32, #tpu.memory_space<hbm>>
        %dma_start3A_379 = arith.constant 0 : i32
        %dma_start3A_380 = arith.constant 0 : i32
        %dma_start3A_381 = tpu.memref_slice %arg7[%select_n3A_354, %dma_start3A_379, %dma_start3A_380] : memref<8x50x64xf32, #tpu.memory_space<vmem>> -> memref<1x50x64xf32, #tpu.memory_space<vmem>>
        %dma_start3A_382 = tpu.memref_squeeze %dma_start3A_381 : memref<1x50x64xf32, #tpu.memory_space<vmem>> -> memref<50x64xf32, #tpu.memory_space<vmem>>
        %dma_start3A_383 = arith.constant 0 : i32
        %dma_start3A_384 = tpu.memref_slice %dma_start3A_382[%select_n3A_370, %dma_start3A_383] : memref<50x64xf32, #tpu.memory_space<vmem>> -> memref<1x64xf32, #tpu.memory_space<vmem>>
        %dma_start3A_385 = arith.constant 0 : i32
        %dma_start3A_386 = tpu.memref_slice %arg3[%squeeze3A_330, %dma_start3A_385] : memref<1000000x64xf32, #tpu.memory_space<hbm>> -> memref<1x64xf32, #tpu.memory_space<hbm>>
        tpu.enqueue_dma source(%dma_start3A_386 : memref<1x64xf32, #tpu.memory_space<hbm>>) target(%dma_start3A_384 : memref<1x64xf32, #tpu.memory_space<vmem>>) target_semaphore(%arg9 : memref<!tpu.dma_semaphore, #tpu.memory_space<semaphore_mem>>)
        %add3A_387 = arith.constant 4 : i32
        %add3A_388 = arith.addi %mul3A_153, %add3A_387 : i32
        %slice3A_389 = vector.extract_strided_slice %get3A_158 {offsets = [4], sizes = [1], strides = [1]} : vector<16xi32> to vector<1xi32>
        %squeeze3A_390 = vector.extract %slice3A_389[0] : i32 from vector<1xi32>
        %jit3A_391 = arith.constant 50 : i32
        %div3A_392 = arith.divsi %add3A_388, %jit3A_391 : i32
        %sign3A_393 = arith.constant 0 : i32
        %sign3A_394 = arith.cmpi sgt, %add3A_388, %sign3A_393 : i32
        %sign3A_395 = arith.extui %sign3A_394 : i1 to i32
        %sign3A_396 = arith.constant 0 : i32
        %sign3A_397 = arith.cmpi slt, %add3A_388, %sign3A_396 : i32
        %sign3A_398 = arith.extui %sign3A_397 : i1 to i32
        %sign3A_399 = arith.subi %sign3A_395, %sign3A_398 : i32
        %sign3A_400 = arith.constant 0 : i32
        %sign3A_401 = arith.cmpi sgt, %jit3A_391, %sign3A_400 : i32
        %sign3A_402 = arith.extui %sign3A_401 : i1 to i32
        %sign3A_403 = arith.constant 0 : i32
        %sign3A_404 = arith.cmpi slt, %jit3A_391, %sign3A_403 : i32
        %sign3A_405 = arith.extui %sign3A_404 : i1 to i32
        %sign3A_406 = arith.subi %sign3A_402, %sign3A_405 : i32
        %ne3A_407 = arith.cmpi ne, %sign3A_399, %sign3A_406 : i32
        %rem3A_408 = arith.remsi %add3A_388, %jit3A_391 : i32
        %ne3A_409 = arith.constant 0 : i32
        %ne3A_410 = arith.cmpi ne, %rem3A_408, %ne3A_409 : i32
        %and3A_411 = arith.andi %ne3A_407, %ne3A_410 : i1
        %sub3A_412 = arith.constant 1 : i32
        %sub3A_413 = arith.subi %div3A_392, %sub3A_412 : i32
        %select_n3A_414 = arith.select %and3A_411, %sub3A_413, %div3A_392 : i32
        %jit3A_415 = arith.constant 50 : i32
        %eq3A_416 = arith.constant 0 : i32
        %eq3A_417 = arith.cmpi eq, %jit3A_415, %eq3A_416 : i32
        %jit3A_418 = arith.constant 1 : i32
        %select_n3A_419 = arith.select %eq3A_417, %jit3A_418, %jit3A_415 : i32
        %rem3A_420 = arith.remsi %add3A_388, %select_n3A_419 : i32
        %ne3A_421 = arith.constant 0 : i32
        %ne3A_422 = arith.cmpi ne, %rem3A_420, %ne3A_421 : i32
        %lt3A_423 = arith.constant 0 : i32
        %lt3A_424 = arith.cmpi slt, %rem3A_420, %lt3A_423 : i32
        %lt3A_425 = arith.constant 0 : i32
        %lt3A_426 = arith.cmpi slt, %select_n3A_419, %lt3A_425 : i32
        %ne3A_427 = arith.xori %lt3A_424, %lt3A_426 : i1
        %and3A_428 = arith.andi %ne3A_427, %ne3A_422 : i1
        %add3A_429 = arith.addi %rem3A_420, %select_n3A_419 : i32
        %select_n3A_430 = arith.select %and3A_428, %add3A_429, %rem3A_420 : i32
        %dma_start3A_431 = arith.constant 0 : i32
        %dma_start3A_432 = arith.constant 0 : i32
        %dma_start3A_433 = tpu.memref_slice %arg7[%select_n3A_414, %dma_start3A_431, %dma_start3A_432] : memref<8x50x64xf32, #tpu.memory_space<vmem>> -> memref<1x50x64xf32, #tpu.memory_space<vmem>>
        %dma_start3A_434 = tpu.memref_squeeze %dma_start3A_433 : memref<1x50x64xf32, #tpu.memory_space<vmem>> -> memref<50x64xf32, #tpu.memory_space<vmem>>
        %dma_start3A_435 = arith.constant 0 : i32
        %dma_start3A_436 = tpu.memref_slice %dma_start3A_434[%select_n3A_430, %dma_start3A_435] : memref<50x64xf32, #tpu.memory_space<vmem>> -> memref<1x64xf32, #tpu.memory_space<vmem>>
        %dma_start3A_437 = arith.constant 0 : i32
        %dma_start3A_438 = tpu.memref_slice %arg3[%squeeze3A_390, %dma_start3A_437] : memref<1000000x64xf32, #tpu.memory_space<hbm>> -> memref<1x64xf32, #tpu.memory_space<hbm>>
        %dma_start3A_439 = arith.constant 0 : i32
        %dma_start3A_440 = arith.constant 0 : i32
        %dma_start3A_441 = tpu.memref_slice %arg7[%select_n3A_414, %dma_start3A_439, %dma_start3A_440] : memref<8x50x64xf32, #tpu.memory_space<vmem>> -> memref<1x50x64xf32, #tpu.memory_space<vmem>>
        %dma_start3A_442 = tpu.memref_squeeze %dma_start3A_441 : memref<1x50x64xf32, #tpu.memory_space<vmem>> -> memref<50x64xf32, #tpu.memory_space<vmem>>
        %dma_start3A_443 = arith.constant 0 : i32
        %dma_start3A_444 = tpu.memref_slice %dma_start3A_442[%select_n3A_430, %dma_start3A_443] : memref<50x64xf32, #tpu.memory_space<vmem>> -> memref<1x64xf32, #tpu.memory_space<vmem>>
        %dma_start3A_445 = arith.constant 0 : i32
        %dma_start3A_446 = tpu.memref_slice %arg3[%squeeze3A_390, %dma_start3A_445] : memref<1000000x64xf32, #tpu.memory_space<hbm>> -> memref<1x64xf32, #tpu.memory_space<hbm>>
        tpu.enqueue_dma source(%dma_start3A_446 : memref<1x64xf32, #tpu.memory_space<hbm>>) target(%dma_start3A_444 : memref<1x64xf32, #tpu.memory_space<vmem>>) target_semaphore(%arg9 : memref<!tpu.dma_semaphore, #tpu.memory_space<semaphore_mem>>)
        %add3A_447 = arith.constant 5 : i32
        %add3A_448 = arith.addi %mul3A_153, %add3A_447 : i32
        %slice3A_449 = vector.extract_strided_slice %get3A_158 {offsets = [5], sizes = [1], strides = [1]} : vector<16xi32> to vector<1xi32>
        %squeeze3A_450 = vector.extract %slice3A_449[0] : i32 from vector<1xi32>
        %jit3A_451 = arith.constant 50 : i32
        %div3A_452 = arith.divsi %add3A_448, %jit3A_451 : i32
        %sign3A_453 = arith.constant 0 : i32
        %sign3A_454 = arith.cmpi sgt, %add3A_448, %sign3A_453 : i32
        %sign3A_455 = arith.extui %sign3A_454 : i1 to i32
        %sign3A_456 = arith.constant 0 : i32
        %sign3A_457 = arith.cmpi slt, %add3A_448, %sign3A_456 : i32
        %sign3A_458 = arith.extui %sign3A_457 : i1 to i32
        %sign3A_459 = arith.subi %sign3A_455, %sign3A_458 : i32
        %sign3A_460 = arith.constant 0 : i32
        %sign3A_461 = arith.cmpi sgt, %jit3A_451, %sign3A_460 : i32
        %sign3A_462 = arith.extui %sign3A_461 : i1 to i32
        %sign3A_463 = arith.constant 0 : i32
        %sign3A_464 = arith.cmpi slt, %jit3A_451, %sign3A_463 : i32
        %sign3A_465 = arith.extui %sign3A_464 : i1 to i32
        %sign3A_466 = arith.subi %sign3A_462, %sign3A_465 : i32
        %ne3A_467 = arith.cmpi ne, %sign3A_459, %sign3A_466 : i32
        %rem3A_468 = arith.remsi %add3A_448, %jit3A_451 : i32
        %ne3A_469 = arith.constant 0 : i32
        %ne3A_470 = arith.cmpi ne, %rem3A_468, %ne3A_469 : i32
        %and3A_471 = arith.andi %ne3A_467, %ne3A_470 : i1
        %sub3A_472 = arith.constant 1 : i32
        %sub3A_473 = arith.subi %div3A_452, %sub3A_472 : i32
        %select_n3A_474 = arith.select %and3A_471, %sub3A_473, %div3A_452 : i32
        %jit3A_475 = arith.constant 50 : i32
        %eq3A_476 = arith.constant 0 : i32
        %eq3A_477 = arith.cmpi eq, %jit3A_475, %eq3A_476 : i32
        %jit3A_478 = arith.constant 1 : i32
        %select_n3A_479 = arith.select %eq3A_477, %jit3A_478, %jit3A_475 : i32
        %rem3A_480 = arith.remsi %add3A_448, %select_n3A_479 : i32
        %ne3A_481 = arith.constant 0 : i32
        %ne3A_482 = arith.cmpi ne, %rem3A_480, %ne3A_481 : i32
        %lt3A_483 = arith.constant 0 : i32
        %lt3A_484 = arith.cmpi slt, %rem3A_480, %lt3A_483 : i32
        %lt3A_485 = arith.constant 0 : i32
        %lt3A_486 = arith.cmpi slt, %select_n3A_479, %lt3A_485 : i32
        %ne3A_487 = arith.xori %lt3A_484, %lt3A_486 : i1
        %and3A_488 = arith.andi %ne3A_487, %ne3A_482 : i1
        %add3A_489 = arith.addi %rem3A_480, %select_n3A_479 : i32
        %select_n3A_490 = arith.select %and3A_488, %add3A_489, %rem3A_480 : i32
        %dma_start3A_491 = arith.constant 0 : i32
        %dma_start3A_492 = arith.constant 0 : i32
        %dma_start3A_493 = tpu.memref_slice %arg7[%select_n3A_474, %dma_start3A_491, %dma_start3A_492] : memref<8x50x64xf32, #tpu.memory_space<vmem>> -> memref<1x50x64xf32, #tpu.memory_space<vmem>>
        %dma_start3A_494 = tpu.memref_squeeze %dma_start3A_493 : memref<1x50x64xf32, #tpu.memory_space<vmem>> -> memref<50x64xf32, #tpu.memory_space<vmem>>
        %dma_start3A_495 = arith.constant 0 : i32
        %dma_start3A_496 = tpu.memref_slice %dma_start3A_494[%select_n3A_490, %dma_start3A_495] : memref<50x64xf32, #tpu.memory_space<vmem>> -> memref<1x64xf32, #tpu.memory_space<vmem>>
        %dma_start3A_497 = arith.constant 0 : i32
        %dma_start3A_498 = tpu.memref_slice %arg3[%squeeze3A_450, %dma_start3A_497] : memref<1000000x64xf32, #tpu.memory_space<hbm>> -> memref<1x64xf32, #tpu.memory_space<hbm>>
        %dma_start3A_499 = arith.constant 0 : i32
        %dma_start3A_500 = arith.constant 0 : i32
        %dma_start3A_501 = tpu.memref_slice %arg7[%select_n3A_474, %dma_start3A_499, %dma_start3A_500] : memref<8x50x64xf32, #tpu.memory_space<vmem>> -> memref<1x50x64xf32, #tpu.memory_space<vmem>>
        %dma_start3A_502 = tpu.memref_squeeze %dma_start3A_501 : memref<1x50x64xf32, #tpu.memory_space<vmem>> -> memref<50x64xf32, #tpu.memory_space<vmem>>
        %dma_start3A_503 = arith.constant 0 : i32
        %dma_start3A_504 = tpu.memref_slice %dma_start3A_502[%select_n3A_490, %dma_start3A_503] : memref<50x64xf32, #tpu.memory_space<vmem>> -> memref<1x64xf32, #tpu.memory_space<vmem>>
        %dma_start3A_505 = arith.constant 0 : i32
        %dma_start3A_506 = tpu.memref_slice %arg3[%squeeze3A_450, %dma_start3A_505] : memref<1000000x64xf32, #tpu.memory_space<hbm>> -> memref<1x64xf32, #tpu.memory_space<hbm>>
        tpu.enqueue_dma source(%dma_start3A_506 : memref<1x64xf32, #tpu.memory_space<hbm>>) target(%dma_start3A_504 : memref<1x64xf32, #tpu.memory_space<vmem>>) target_semaphore(%arg9 : memref<!tpu.dma_semaphore, #tpu.memory_space<semaphore_mem>>)
        %add3A_507 = arith.constant 6 : i32
        %add3A_508 = arith.addi %mul3A_153, %add3A_507 : i32
        %slice3A_509 = vector.extract_strided_slice %get3A_158 {offsets = [6], sizes = [1], strides = [1]} : vector<16xi32> to vector<1xi32>
        %squeeze3A_510 = vector.extract %slice3A_509[0] : i32 from vector<1xi32>
        %jit3A_511 = arith.constant 50 : i32
        %div3A_512 = arith.divsi %add3A_508, %jit3A_511 : i32
        %sign3A_513 = arith.constant 0 : i32
        %sign3A_514 = arith.cmpi sgt, %add3A_508, %sign3A_513 : i32
        %sign3A_515 = arith.extui %sign3A_514 : i1 to i32
        %sign3A_516 = arith.constant 0 : i32
        %sign3A_517 = arith.cmpi slt, %add3A_508, %sign3A_516 : i32
        %sign3A_518 = arith.extui %sign3A_517 : i1 to i32
        %sign3A_519 = arith.subi %sign3A_515, %sign3A_518 : i32
        %sign3A_520 = arith.constant 0 : i32
        %sign3A_521 = arith.cmpi sgt, %jit3A_511, %sign3A_520 : i32
        %sign3A_522 = arith.extui %sign3A_521 : i1 to i32
        %sign3A_523 = arith.constant 0 : i32
        %sign3A_524 = arith.cmpi slt, %jit3A_511, %sign3A_523 : i32
        %sign3A_525 = arith.extui %sign3A_524 : i1 to i32
        %sign3A_526 = arith.subi %sign3A_522, %sign3A_525 : i32
        %ne3A_527 = arith.cmpi ne, %sign3A_519, %sign3A_526 : i32
        %rem3A_528 = arith.remsi %add3A_508, %jit3A_511 : i32
        %ne3A_529 = arith.constant 0 : i32
        %ne3A_530 = arith.cmpi ne, %rem3A_528, %ne3A_529 : i32
        %and3A_531 = arith.andi %ne3A_527, %ne3A_530 : i1
        %sub3A_532 = arith.constant 1 : i32
        %sub3A_533 = arith.subi %div3A_512, %sub3A_532 : i32
        %select_n3A_534 = arith.select %and3A_531, %sub3A_533, %div3A_512 : i32
        %jit3A_535 = arith.constant 50 : i32
        %eq3A_536 = arith.constant 0 : i32
        %eq3A_537 = arith.cmpi eq, %jit3A_535, %eq3A_536 : i32
        %jit3A_538 = arith.constant 1 : i32
        %select_n3A_539 = arith.select %eq3A_537, %jit3A_538, %jit3A_535 : i32
        %rem3A_540 = arith.remsi %add3A_508, %select_n3A_539 : i32
        %ne3A_541 = arith.constant 0 : i32
        %ne3A_542 = arith.cmpi ne, %rem3A_540, %ne3A_541 : i32
        %lt3A_543 = arith.constant 0 : i32
        %lt3A_544 = arith.cmpi slt, %rem3A_540, %lt3A_543 : i32
        %lt3A_545 = arith.constant 0 : i32
        %lt3A_546 = arith.cmpi slt, %select_n3A_539, %lt3A_545 : i32
        %ne3A_547 = arith.xori %lt3A_544, %lt3A_546 : i1
        %and3A_548 = arith.andi %ne3A_547, %ne3A_542 : i1
        %add3A_549 = arith.addi %rem3A_540, %select_n3A_539 : i32
        %select_n3A_550 = arith.select %and3A_548, %add3A_549, %rem3A_540 : i32
        %dma_start3A_551 = arith.constant 0 : i32
        %dma_start3A_552 = arith.constant 0 : i32
        %dma_start3A_553 = tpu.memref_slice %arg7[%select_n3A_534, %dma_start3A_551, %dma_start3A_552] : memref<8x50x64xf32, #tpu.memory_space<vmem>> -> memref<1x50x64xf32, #tpu.memory_space<vmem>>
        %dma_start3A_554 = tpu.memref_squeeze %dma_start3A_553 : memref<1x50x64xf32, #tpu.memory_space<vmem>> -> memref<50x64xf32, #tpu.memory_space<vmem>>
        %dma_start3A_555 = arith.constant 0 : i32
        %dma_start3A_556 = tpu.memref_slice %dma_start3A_554[%select_n3A_550, %dma_start3A_555] : memref<50x64xf32, #tpu.memory_space<vmem>> -> memref<1x64xf32, #tpu.memory_space<vmem>>
        %dma_start3A_557 = arith.constant 0 : i32
        %dma_start3A_558 = tpu.memref_slice %arg3[%squeeze3A_510, %dma_start3A_557] : memref<1000000x64xf32, #tpu.memory_space<hbm>> -> memref<1x64xf32, #tpu.memory_space<hbm>>
        %dma_start3A_559 = arith.constant 0 : i32
        %dma_start3A_560 = arith.constant 0 : i32
        %dma_start3A_561 = tpu.memref_slice %arg7[%select_n3A_534, %dma_start3A_559, %dma_start3A_560] : memref<8x50x64xf32, #tpu.memory_space<vmem>> -> memref<1x50x64xf32, #tpu.memory_space<vmem>>
        %dma_start3A_562 = tpu.memref_squeeze %dma_start3A_561 : memref<1x50x64xf32, #tpu.memory_space<vmem>> -> memref<50x64xf32, #tpu.memory_space<vmem>>
        %dma_start3A_563 = arith.constant 0 : i32
        %dma_start3A_564 = tpu.memref_slice %dma_start3A_562[%select_n3A_550, %dma_start3A_563] : memref<50x64xf32, #tpu.memory_space<vmem>> -> memref<1x64xf32, #tpu.memory_space<vmem>>
        %dma_start3A_565 = arith.constant 0 : i32
        %dma_start3A_566 = tpu.memref_slice %arg3[%squeeze3A_510, %dma_start3A_565] : memref<1000000x64xf32, #tpu.memory_space<hbm>> -> memref<1x64xf32, #tpu.memory_space<hbm>>
        tpu.enqueue_dma source(%dma_start3A_566 : memref<1x64xf32, #tpu.memory_space<hbm>>) target(%dma_start3A_564 : memref<1x64xf32, #tpu.memory_space<vmem>>) target_semaphore(%arg9 : memref<!tpu.dma_semaphore, #tpu.memory_space<semaphore_mem>>)
        %add3A_567 = arith.constant 7 : i32
        %add3A_568 = arith.addi %mul3A_153, %add3A_567 : i32
        %slice3A_569 = vector.extract_strided_slice %get3A_158 {offsets = [7], sizes = [1], strides = [1]} : vector<16xi32> to vector<1xi32>
        %squeeze3A_570 = vector.extract %slice3A_569[0] : i32 from vector<1xi32>
        %jit3A_571 = arith.constant 50 : i32
        %div3A_572 = arith.divsi %add3A_568, %jit3A_571 : i32
        %sign3A_573 = arith.constant 0 : i32
        %sign3A_574 = arith.cmpi sgt, %add3A_568, %sign3A_573 : i32
        %sign3A_575 = arith.extui %sign3A_574 : i1 to i32
        %sign3A_576 = arith.constant 0 : i32
        %sign3A_577 = arith.cmpi slt, %add3A_568, %sign3A_576 : i32
        %sign3A_578 = arith.extui %sign3A_577 : i1 to i32
        %sign3A_579 = arith.subi %sign3A_575, %sign3A_578 : i32
        %sign3A_580 = arith.constant 0 : i32
        %sign3A_581 = arith.cmpi sgt, %jit3A_571, %sign3A_580 : i32
        %sign3A_582 = arith.extui %sign3A_581 : i1 to i32
        %sign3A_583 = arith.constant 0 : i32
        %sign3A_584 = arith.cmpi slt, %jit3A_571, %sign3A_583 : i32
        %sign3A_585 = arith.extui %sign3A_584 : i1 to i32
        %sign3A_586 = arith.subi %sign3A_582, %sign3A_585 : i32
        %ne3A_587 = arith.cmpi ne, %sign3A_579, %sign3A_586 : i32
        %rem3A_588 = arith.remsi %add3A_568, %jit3A_571 : i32
        %ne3A_589 = arith.constant 0 : i32
        %ne3A_590 = arith.cmpi ne, %rem3A_588, %ne3A_589 : i32
        %and3A_591 = arith.andi %ne3A_587, %ne3A_590 : i1
        %sub3A_592 = arith.constant 1 : i32
        %sub3A_593 = arith.subi %div3A_572, %sub3A_592 : i32
        %select_n3A_594 = arith.select %and3A_591, %sub3A_593, %div3A_572 : i32
        %jit3A_595 = arith.constant 50 : i32
        %eq3A_596 = arith.constant 0 : i32
        %eq3A_597 = arith.cmpi eq, %jit3A_595, %eq3A_596 : i32
        %jit3A_598 = arith.constant 1 : i32
        %select_n3A_599 = arith.select %eq3A_597, %jit3A_598, %jit3A_595 : i32
        %rem3A_600 = arith.remsi %add3A_568, %select_n3A_599 : i32
        %ne3A_601 = arith.constant 0 : i32
        %ne3A_602 = arith.cmpi ne, %rem3A_600, %ne3A_601 : i32
        %lt3A_603 = arith.constant 0 : i32
        %lt3A_604 = arith.cmpi slt, %rem3A_600, %lt3A_603 : i32
        %lt3A_605 = arith.constant 0 : i32
        %lt3A_606 = arith.cmpi slt, %select_n3A_599, %lt3A_605 : i32
        %ne3A_607 = arith.xori %lt3A_604, %lt3A_606 : i1
        %and3A_608 = arith.andi %ne3A_607, %ne3A_602 : i1
        %add3A_609 = arith.addi %rem3A_600, %select_n3A_599 : i32
        %select_n3A_610 = arith.select %and3A_608, %add3A_609, %rem3A_600 : i32
        %dma_start3A_611 = arith.constant 0 : i32
        %dma_start3A_612 = arith.constant 0 : i32
        %dma_start3A_613 = tpu.memref_slice %arg7[%select_n3A_594, %dma_start3A_611, %dma_start3A_612] : memref<8x50x64xf32, #tpu.memory_space<vmem>> -> memref<1x50x64xf32, #tpu.memory_space<vmem>>
        %dma_start3A_614 = tpu.memref_squeeze %dma_start3A_613 : memref<1x50x64xf32, #tpu.memory_space<vmem>> -> memref<50x64xf32, #tpu.memory_space<vmem>>
        %dma_start3A_615 = arith.constant 0 : i32
        %dma_start3A_616 = tpu.memref_slice %dma_start3A_614[%select_n3A_610, %dma_start3A_615] : memref<50x64xf32, #tpu.memory_space<vmem>> -> memref<1x64xf32, #tpu.memory_space<vmem>>
        %dma_start3A_617 = arith.constant 0 : i32
        %dma_start3A_618 = tpu.memref_slice %arg3[%squeeze3A_570, %dma_start3A_617] : memref<1000000x64xf32, #tpu.memory_space<hbm>> -> memref<1x64xf32, #tpu.memory_space<hbm>>
        %dma_start3A_619 = arith.constant 0 : i32
        %dma_start3A_620 = arith.constant 0 : i32
        %dma_start3A_621 = tpu.memref_slice %arg7[%select_n3A_594, %dma_start3A_619, %dma_start3A_620] : memref<8x50x64xf32, #tpu.memory_space<vmem>> -> memref<1x50x64xf32, #tpu.memory_space<vmem>>
        %dma_start3A_622 = tpu.memref_squeeze %dma_start3A_621 : memref<1x50x64xf32, #tpu.memory_space<vmem>> -> memref<50x64xf32, #tpu.memory_space<vmem>>
        %dma_start3A_623 = arith.constant 0 : i32
        %dma_start3A_624 = tpu.memref_slice %dma_start3A_622[%select_n3A_610, %dma_start3A_623] : memref<50x64xf32, #tpu.memory_space<vmem>> -> memref<1x64xf32, #tpu.memory_space<vmem>>
        %dma_start3A_625 = arith.constant 0 : i32
        %dma_start3A_626 = tpu.memref_slice %arg3[%squeeze3A_570, %dma_start3A_625] : memref<1000000x64xf32, #tpu.memory_space<hbm>> -> memref<1x64xf32, #tpu.memory_space<hbm>>
        tpu.enqueue_dma source(%dma_start3A_626 : memref<1x64xf32, #tpu.memory_space<hbm>>) target(%dma_start3A_624 : memref<1x64xf32, #tpu.memory_space<vmem>>) target_semaphore(%arg9 : memref<!tpu.dma_semaphore, #tpu.memory_space<semaphore_mem>>)
        %add3A_627 = arith.constant 8 : i32
        %add3A_628 = arith.addi %mul3A_153, %add3A_627 : i32
        %slice3A_629 = vector.extract_strided_slice %get3A_158 {offsets = [8], sizes = [1], strides = [1]} : vector<16xi32> to vector<1xi32>
        %squeeze3A_630 = vector.extract %slice3A_629[0] : i32 from vector<1xi32>
        %jit3A_631 = arith.constant 50 : i32
        %div3A_632 = arith.divsi %add3A_628, %jit3A_631 : i32
        %sign3A_633 = arith.constant 0 : i32
        %sign3A_634 = arith.cmpi sgt, %add3A_628, %sign3A_633 : i32
        %sign3A_635 = arith.extui %sign3A_634 : i1 to i32
        %sign3A_636 = arith.constant 0 : i32
        %sign3A_637 = arith.cmpi slt, %add3A_628, %sign3A_636 : i32
        %sign3A_638 = arith.extui %sign3A_637 : i1 to i32
        %sign3A_639 = arith.subi %sign3A_635, %sign3A_638 : i32
        %sign3A_640 = arith.constant 0 : i32
        %sign3A_641 = arith.cmpi sgt, %jit3A_631, %sign3A_640 : i32
        %sign3A_642 = arith.extui %sign3A_641 : i1 to i32
        %sign3A_643 = arith.constant 0 : i32
        %sign3A_644 = arith.cmpi slt, %jit3A_631, %sign3A_643 : i32
        %sign3A_645 = arith.extui %sign3A_644 : i1 to i32
        %sign3A_646 = arith.subi %sign3A_642, %sign3A_645 : i32
        %ne3A_647 = arith.cmpi ne, %sign3A_639, %sign3A_646 : i32
        %rem3A_648 = arith.remsi %add3A_628, %jit3A_631 : i32
        %ne3A_649 = arith.constant 0 : i32
        %ne3A_650 = arith.cmpi ne, %rem3A_648, %ne3A_649 : i32
        %and3A_651 = arith.andi %ne3A_647, %ne3A_650 : i1
        %sub3A_652 = arith.constant 1 : i32
        %sub3A_653 = arith.subi %div3A_632, %sub3A_652 : i32
        %select_n3A_654 = arith.select %and3A_651, %sub3A_653, %div3A_632 : i32
        %jit3A_655 = arith.constant 50 : i32
        %eq3A_656 = arith.constant 0 : i32
        %eq3A_657 = arith.cmpi eq, %jit3A_655, %eq3A_656 : i32
        %jit3A_658 = arith.constant 1 : i32
        %select_n3A_659 = arith.select %eq3A_657, %jit3A_658, %jit3A_655 : i32
        %rem3A_660 = arith.remsi %add3A_628, %select_n3A_659 : i32
        %ne3A_661 = arith.constant 0 : i32
        %ne3A_662 = arith.cmpi ne, %rem3A_660, %ne3A_661 : i32
        %lt3A_663 = arith.constant 0 : i32
        %lt3A_664 = arith.cmpi slt, %rem3A_660, %lt3A_663 : i32
        %lt3A_665 = arith.constant 0 : i32
        %lt3A_666 = arith.cmpi slt, %select_n3A_659, %lt3A_665 : i32
        %ne3A_667 = arith.xori %lt3A_664, %lt3A_666 : i1
        %and3A_668 = arith.andi %ne3A_667, %ne3A_662 : i1
        %add3A_669 = arith.addi %rem3A_660, %select_n3A_659 : i32
        %select_n3A_670 = arith.select %and3A_668, %add3A_669, %rem3A_660 : i32
        %dma_start3A_671 = arith.constant 0 : i32
        %dma_start3A_672 = arith.constant 0 : i32
        %dma_start3A_673 = tpu.memref_slice %arg7[%select_n3A_654, %dma_start3A_671, %dma_start3A_672] : memref<8x50x64xf32, #tpu.memory_space<vmem>> -> memref<1x50x64xf32, #tpu.memory_space<vmem>>
        %dma_start3A_674 = tpu.memref_squeeze %dma_start3A_673 : memref<1x50x64xf32, #tpu.memory_space<vmem>> -> memref<50x64xf32, #tpu.memory_space<vmem>>
        %dma_start3A_675 = arith.constant 0 : i32
        %dma_start3A_676 = tpu.memref_slice %dma_start3A_674[%select_n3A_670, %dma_start3A_675] : memref<50x64xf32, #tpu.memory_space<vmem>> -> memref<1x64xf32, #tpu.memory_space<vmem>>
        %dma_start3A_677 = arith.constant 0 : i32
        %dma_start3A_678 = tpu.memref_slice %arg3[%squeeze3A_630, %dma_start3A_677] : memref<1000000x64xf32, #tpu.memory_space<hbm>> -> memref<1x64xf32, #tpu.memory_space<hbm>>
        %dma_start3A_679 = arith.constant 0 : i32
        %dma_start3A_680 = arith.constant 0 : i32
        %dma_start3A_681 = tpu.memref_slice %arg7[%select_n3A_654, %dma_start3A_679, %dma_start3A_680] : memref<8x50x64xf32, #tpu.memory_space<vmem>> -> memref<1x50x64xf32, #tpu.memory_space<vmem>>
        %dma_start3A_682 = tpu.memref_squeeze %dma_start3A_681 : memref<1x50x64xf32, #tpu.memory_space<vmem>> -> memref<50x64xf32, #tpu.memory_space<vmem>>
        %dma_start3A_683 = arith.constant 0 : i32
        %dma_start3A_684 = tpu.memref_slice %dma_start3A_682[%select_n3A_670, %dma_start3A_683] : memref<50x64xf32, #tpu.memory_space<vmem>> -> memref<1x64xf32, #tpu.memory_space<vmem>>
        %dma_start3A_685 = arith.constant 0 : i32
        %dma_start3A_686 = tpu.memref_slice %arg3[%squeeze3A_630, %dma_start3A_685] : memref<1000000x64xf32, #tpu.memory_space<hbm>> -> memref<1x64xf32, #tpu.memory_space<hbm>>
        tpu.enqueue_dma source(%dma_start3A_686 : memref<1x64xf32, #tpu.memory_space<hbm>>) target(%dma_start3A_684 : memref<1x64xf32, #tpu.memory_space<vmem>>) target_semaphore(%arg9 : memref<!tpu.dma_semaphore, #tpu.memory_space<semaphore_mem>>)
        %add3A_687 = arith.constant 9 : i32
        %add3A_688 = arith.addi %mul3A_153, %add3A_687 : i32
        %slice3A_689 = vector.extract_strided_slice %get3A_158 {offsets = [9], sizes = [1], strides = [1]} : vector<16xi32> to vector<1xi32>
        %squeeze3A_690 = vector.extract %slice3A_689[0] : i32 from vector<1xi32>
        %jit3A_691 = arith.constant 50 : i32
        %div3A_692 = arith.divsi %add3A_688, %jit3A_691 : i32
        %sign3A_693 = arith.constant 0 : i32
        %sign3A_694 = arith.cmpi sgt, %add3A_688, %sign3A_693 : i32
        %sign3A_695 = arith.extui %sign3A_694 : i1 to i32
        %sign3A_696 = arith.constant 0 : i32
        %sign3A_697 = arith.cmpi slt, %add3A_688, %sign3A_696 : i32
        %sign3A_698 = arith.extui %sign3A_697 : i1 to i32
        %sign3A_699 = arith.subi %sign3A_695, %sign3A_698 : i32
        %sign3A_700 = arith.constant 0 : i32
        %sign3A_701 = arith.cmpi sgt, %jit3A_691, %sign3A_700 : i32
        %sign3A_702 = arith.extui %sign3A_701 : i1 to i32
        %sign3A_703 = arith.constant 0 : i32
        %sign3A_704 = arith.cmpi slt, %jit3A_691, %sign3A_703 : i32
        %sign3A_705 = arith.extui %sign3A_704 : i1 to i32
        %sign3A_706 = arith.subi %sign3A_702, %sign3A_705 : i32
        %ne3A_707 = arith.cmpi ne, %sign3A_699, %sign3A_706 : i32
        %rem3A_708 = arith.remsi %add3A_688, %jit3A_691 : i32
        %ne3A_709 = arith.constant 0 : i32
        %ne3A_710 = arith.cmpi ne, %rem3A_708, %ne3A_709 : i32
        %and3A_711 = arith.andi %ne3A_707, %ne3A_710 : i1
        %sub3A_712 = arith.constant 1 : i32
        %sub3A_713 = arith.subi %div3A_692, %sub3A_712 : i32
        %select_n3A_714 = arith.select %and3A_711, %sub3A_713, %div3A_692 : i32
        %jit3A_715 = arith.constant 50 : i32
        %eq3A_716 = arith.constant 0 : i32
        %eq3A_717 = arith.cmpi eq, %jit3A_715, %eq3A_716 : i32
        %jit3A_718 = arith.constant 1 : i32
        %select_n3A_719 = arith.select %eq3A_717, %jit3A_718, %jit3A_715 : i32
        %rem3A_720 = arith.remsi %add3A_688, %select_n3A_719 : i32
        %ne3A_721 = arith.constant 0 : i32
        %ne3A_722 = arith.cmpi ne, %rem3A_720, %ne3A_721 : i32
        %lt3A_723 = arith.constant 0 : i32
        %lt3A_724 = arith.cmpi slt, %rem3A_720, %lt3A_723 : i32
        %lt3A_725 = arith.constant 0 : i32
        %lt3A_726 = arith.cmpi slt, %select_n3A_719, %lt3A_725 : i32
        %ne3A_727 = arith.xori %lt3A_724, %lt3A_726 : i1
        %and3A_728 = arith.andi %ne3A_727, %ne3A_722 : i1
        %add3A_729 = arith.addi %rem3A_720, %select_n3A_719 : i32
        %select_n3A_730 = arith.select %and3A_728, %add3A_729, %rem3A_720 : i32
        %dma_start3A_731 = arith.constant 0 : i32
        %dma_start3A_732 = arith.constant 0 : i32
        %dma_start3A_733 = tpu.memref_slice %arg7[%select_n3A_714, %dma_start3A_731, %dma_start3A_732] : memref<8x50x64xf32, #tpu.memory_space<vmem>> -> memref<1x50x64xf32, #tpu.memory_space<vmem>>
        %dma_start3A_734 = tpu.memref_squeeze %dma_start3A_733 : memref<1x50x64xf32, #tpu.memory_space<vmem>> -> memref<50x64xf32, #tpu.memory_space<vmem>>
        %dma_start3A_735 = arith.constant 0 : i32
        %dma_start3A_736 = tpu.memref_slice %dma_start3A_734[%select_n3A_730, %dma_start3A_735] : memref<50x64xf32, #tpu.memory_space<vmem>> -> memref<1x64xf32, #tpu.memory_space<vmem>>
        %dma_start3A_737 = arith.constant 0 : i32
        %dma_start3A_738 = tpu.memref_slice %arg3[%squeeze3A_690, %dma_start3A_737] : memref<1000000x64xf32, #tpu.memory_space<hbm>> -> memref<1x64xf32, #tpu.memory_space<hbm>>
        %dma_start3A_739 = arith.constant 0 : i32
        %dma_start3A_740 = arith.constant 0 : i32
        %dma_start3A_741 = tpu.memref_slice %arg7[%select_n3A_714, %dma_start3A_739, %dma_start3A_740] : memref<8x50x64xf32, #tpu.memory_space<vmem>> -> memref<1x50x64xf32, #tpu.memory_space<vmem>>
        %dma_start3A_742 = tpu.memref_squeeze %dma_start3A_741 : memref<1x50x64xf32, #tpu.memory_space<vmem>> -> memref<50x64xf32, #tpu.memory_space<vmem>>
        %dma_start3A_743 = arith.constant 0 : i32
        %dma_start3A_744 = tpu.memref_slice %dma_start3A_742[%select_n3A_730, %dma_start3A_743] : memref<50x64xf32, #tpu.memory_space<vmem>> -> memref<1x64xf32, #tpu.memory_space<vmem>>
        %dma_start3A_745 = arith.constant 0 : i32
        %dma_start3A_746 = tpu.memref_slice %arg3[%squeeze3A_690, %dma_start3A_745] : memref<1000000x64xf32, #tpu.memory_space<hbm>> -> memref<1x64xf32, #tpu.memory_space<hbm>>
        tpu.enqueue_dma source(%dma_start3A_746 : memref<1x64xf32, #tpu.memory_space<hbm>>) target(%dma_start3A_744 : memref<1x64xf32, #tpu.memory_space<vmem>>) target_semaphore(%arg9 : memref<!tpu.dma_semaphore, #tpu.memory_space<semaphore_mem>>)
        %add3A_747 = arith.constant 10 : i32
        %add3A_748 = arith.addi %mul3A_153, %add3A_747 : i32
        %slice3A_749 = vector.extract_strided_slice %get3A_158 {offsets = [10], sizes = [1], strides = [1]} : vector<16xi32> to vector<1xi32>
        %squeeze3A_750 = vector.extract %slice3A_749[0] : i32 from vector<1xi32>
        %jit3A_751 = arith.constant 50 : i32
        %div3A_752 = arith.divsi %add3A_748, %jit3A_751 : i32
        %sign3A_753 = arith.constant 0 : i32
        %sign3A_754 = arith.cmpi sgt, %add3A_748, %sign3A_753 : i32
        %sign3A_755 = arith.extui %sign3A_754 : i1 to i32
        %sign3A_756 = arith.constant 0 : i32
        %sign3A_757 = arith.cmpi slt, %add3A_748, %sign3A_756 : i32
        %sign3A_758 = arith.extui %sign3A_757 : i1 to i32
        %sign3A_759 = arith.subi %sign3A_755, %sign3A_758 : i32
        %sign3A_760 = arith.constant 0 : i32
        %sign3A_761 = arith.cmpi sgt, %jit3A_751, %sign3A_760 : i32
        %sign3A_762 = arith.extui %sign3A_761 : i1 to i32
        %sign3A_763 = arith.constant 0 : i32
        %sign3A_764 = arith.cmpi slt, %jit3A_751, %sign3A_763 : i32
        %sign3A_765 = arith.extui %sign3A_764 : i1 to i32
        %sign3A_766 = arith.subi %sign3A_762, %sign3A_765 : i32
        %ne3A_767 = arith.cmpi ne, %sign3A_759, %sign3A_766 : i32
        %rem3A_768 = arith.remsi %add3A_748, %jit3A_751 : i32
        %ne3A_769 = arith.constant 0 : i32
        %ne3A_770 = arith.cmpi ne, %rem3A_768, %ne3A_769 : i32
        %and3A_771 = arith.andi %ne3A_767, %ne3A_770 : i1
        %sub3A_772 = arith.constant 1 : i32
        %sub3A_773 = arith.subi %div3A_752, %sub3A_772 : i32
        %select_n3A_774 = arith.select %and3A_771, %sub3A_773, %div3A_752 : i32
        %jit3A_775 = arith.constant 50 : i32
        %eq3A_776 = arith.constant 0 : i32
        %eq3A_777 = arith.cmpi eq, %jit3A_775, %eq3A_776 : i32
        %jit3A_778 = arith.constant 1 : i32
        %select_n3A_779 = arith.select %eq3A_777, %jit3A_778, %jit3A_775 : i32
        %rem3A_780 = arith.remsi %add3A_748, %select_n3A_779 : i32
        %ne3A_781 = arith.constant 0 : i32
        %ne3A_782 = arith.cmpi ne, %rem3A_780, %ne3A_781 : i32
        %lt3A_783 = arith.constant 0 : i32
        %lt3A_784 = arith.cmpi slt, %rem3A_780, %lt3A_783 : i32
        %lt3A_785 = arith.constant 0 : i32
        %lt3A_786 = arith.cmpi slt, %select_n3A_779, %lt3A_785 : i32
        %ne3A_787 = arith.xori %lt3A_784, %lt3A_786 : i1
        %and3A_788 = arith.andi %ne3A_787, %ne3A_782 : i1
        %add3A_789 = arith.addi %rem3A_780, %select_n3A_779 : i32
        %select_n3A_790 = arith.select %and3A_788, %add3A_789, %rem3A_780 : i32
        %dma_start3A_791 = arith.constant 0 : i32
        %dma_start3A_792 = arith.constant 0 : i32
        %dma_start3A_793 = tpu.memref_slice %arg7[%select_n3A_774, %dma_start3A_791, %dma_start3A_792] : memref<8x50x64xf32, #tpu.memory_space<vmem>> -> memref<1x50x64xf32, #tpu.memory_space<vmem>>
        %dma_start3A_794 = tpu.memref_squeeze %dma_start3A_793 : memref<1x50x64xf32, #tpu.memory_space<vmem>> -> memref<50x64xf32, #tpu.memory_space<vmem>>
        %dma_start3A_795 = arith.constant 0 : i32
        %dma_start3A_796 = tpu.memref_slice %dma_start3A_794[%select_n3A_790, %dma_start3A_795] : memref<50x64xf32, #tpu.memory_space<vmem>> -> memref<1x64xf32, #tpu.memory_space<vmem>>
        %dma_start3A_797 = arith.constant 0 : i32
        %dma_start3A_798 = tpu.memref_slice %arg3[%squeeze3A_750, %dma_start3A_797] : memref<1000000x64xf32, #tpu.memory_space<hbm>> -> memref<1x64xf32, #tpu.memory_space<hbm>>
        %dma_start3A_799 = arith.constant 0 : i32
        %dma_start3A_800 = arith.constant 0 : i32
        %dma_start3A_801 = tpu.memref_slice %arg7[%select_n3A_774, %dma_start3A_799, %dma_start3A_800] : memref<8x50x64xf32, #tpu.memory_space<vmem>> -> memref<1x50x64xf32, #tpu.memory_space<vmem>>
        %dma_start3A_802 = tpu.memref_squeeze %dma_start3A_801 : memref<1x50x64xf32, #tpu.memory_space<vmem>> -> memref<50x64xf32, #tpu.memory_space<vmem>>
        %dma_start3A_803 = arith.constant 0 : i32
        %dma_start3A_804 = tpu.memref_slice %dma_start3A_802[%select_n3A_790, %dma_start3A_803] : memref<50x64xf32, #tpu.memory_space<vmem>> -> memref<1x64xf32, #tpu.memory_space<vmem>>
        %dma_start3A_805 = arith.constant 0 : i32
        %dma_start3A_806 = tpu.memref_slice %arg3[%squeeze3A_750, %dma_start3A_805] : memref<1000000x64xf32, #tpu.memory_space<hbm>> -> memref<1x64xf32, #tpu.memory_space<hbm>>
        tpu.enqueue_dma source(%dma_start3A_806 : memref<1x64xf32, #tpu.memory_space<hbm>>) target(%dma_start3A_804 : memref<1x64xf32, #tpu.memory_space<vmem>>) target_semaphore(%arg9 : memref<!tpu.dma_semaphore, #tpu.memory_space<semaphore_mem>>)
        %add3A_807 = arith.constant 11 : i32
        %add3A_808 = arith.addi %mul3A_153, %add3A_807 : i32
        %slice3A_809 = vector.extract_strided_slice %get3A_158 {offsets = [11], sizes = [1], strides = [1]} : vector<16xi32> to vector<1xi32>
        %squeeze3A_810 = vector.extract %slice3A_809[0] : i32 from vector<1xi32>
        %jit3A_811 = arith.constant 50 : i32
        %div3A_812 = arith.divsi %add3A_808, %jit3A_811 : i32
        %sign3A_813 = arith.constant 0 : i32
        %sign3A_814 = arith.cmpi sgt, %add3A_808, %sign3A_813 : i32
        %sign3A_815 = arith.extui %sign3A_814 : i1 to i32
        %sign3A_816 = arith.constant 0 : i32
        %sign3A_817 = arith.cmpi slt, %add3A_808, %sign3A_816 : i32
        %sign3A_818 = arith.extui %sign3A_817 : i1 to i32
        %sign3A_819 = arith.subi %sign3A_815, %sign3A_818 : i32
        %sign3A_820 = arith.constant 0 : i32
        %sign3A_821 = arith.cmpi sgt, %jit3A_811, %sign3A_820 : i32
        %sign3A_822 = arith.extui %sign3A_821 : i1 to i32
        %sign3A_823 = arith.constant 0 : i32
        %sign3A_824 = arith.cmpi slt, %jit3A_811, %sign3A_823 : i32
        %sign3A_825 = arith.extui %sign3A_824 : i1 to i32
        %sign3A_826 = arith.subi %sign3A_822, %sign3A_825 : i32
        %ne3A_827 = arith.cmpi ne, %sign3A_819, %sign3A_826 : i32
        %rem3A_828 = arith.remsi %add3A_808, %jit3A_811 : i32
        %ne3A_829 = arith.constant 0 : i32
        %ne3A_830 = arith.cmpi ne, %rem3A_828, %ne3A_829 : i32
        %and3A_831 = arith.andi %ne3A_827, %ne3A_830 : i1
        %sub3A_832 = arith.constant 1 : i32
        %sub3A_833 = arith.subi %div3A_812, %sub3A_832 : i32
        %select_n3A_834 = arith.select %and3A_831, %sub3A_833, %div3A_812 : i32
        %jit3A_835 = arith.constant 50 : i32
        %eq3A_836 = arith.constant 0 : i32
        %eq3A_837 = arith.cmpi eq, %jit3A_835, %eq3A_836 : i32
        %jit3A_838 = arith.constant 1 : i32
        %select_n3A_839 = arith.select %eq3A_837, %jit3A_838, %jit3A_835 : i32
        %rem3A_840 = arith.remsi %add3A_808, %select_n3A_839 : i32
        %ne3A_841 = arith.constant 0 : i32
        %ne3A_842 = arith.cmpi ne, %rem3A_840, %ne3A_841 : i32
        %lt3A_843 = arith.constant 0 : i32
        %lt3A_844 = arith.cmpi slt, %rem3A_840, %lt3A_843 : i32
        %lt3A_845 = arith.constant 0 : i32
        %lt3A_846 = arith.cmpi slt, %select_n3A_839, %lt3A_845 : i32
        %ne3A_847 = arith.xori %lt3A_844, %lt3A_846 : i1
        %and3A_848 = arith.andi %ne3A_847, %ne3A_842 : i1
        %add3A_849 = arith.addi %rem3A_840, %select_n3A_839 : i32
        %select_n3A_850 = arith.select %and3A_848, %add3A_849, %rem3A_840 : i32
        %dma_start3A_851 = arith.constant 0 : i32
        %dma_start3A_852 = arith.constant 0 : i32
        %dma_start3A_853 = tpu.memref_slice %arg7[%select_n3A_834, %dma_start3A_851, %dma_start3A_852] : memref<8x50x64xf32, #tpu.memory_space<vmem>> -> memref<1x50x64xf32, #tpu.memory_space<vmem>>
        %dma_start3A_854 = tpu.memref_squeeze %dma_start3A_853 : memref<1x50x64xf32, #tpu.memory_space<vmem>> -> memref<50x64xf32, #tpu.memory_space<vmem>>
        %dma_start3A_855 = arith.constant 0 : i32
        %dma_start3A_856 = tpu.memref_slice %dma_start3A_854[%select_n3A_850, %dma_start3A_855] : memref<50x64xf32, #tpu.memory_space<vmem>> -> memref<1x64xf32, #tpu.memory_space<vmem>>
        %dma_start3A_857 = arith.constant 0 : i32
        %dma_start3A_858 = tpu.memref_slice %arg3[%squeeze3A_810, %dma_start3A_857] : memref<1000000x64xf32, #tpu.memory_space<hbm>> -> memref<1x64xf32, #tpu.memory_space<hbm>>
        %dma_start3A_859 = arith.constant 0 : i32
        %dma_start3A_860 = arith.constant 0 : i32
        %dma_start3A_861 = tpu.memref_slice %arg7[%select_n3A_834, %dma_start3A_859, %dma_start3A_860] : memref<8x50x64xf32, #tpu.memory_space<vmem>> -> memref<1x50x64xf32, #tpu.memory_space<vmem>>
        %dma_start3A_862 = tpu.memref_squeeze %dma_start3A_861 : memref<1x50x64xf32, #tpu.memory_space<vmem>> -> memref<50x64xf32, #tpu.memory_space<vmem>>
        %dma_start3A_863 = arith.constant 0 : i32
        %dma_start3A_864 = tpu.memref_slice %dma_start3A_862[%select_n3A_850, %dma_start3A_863] : memref<50x64xf32, #tpu.memory_space<vmem>> -> memref<1x64xf32, #tpu.memory_space<vmem>>
        %dma_start3A_865 = arith.constant 0 : i32
        %dma_start3A_866 = tpu.memref_slice %arg3[%squeeze3A_810, %dma_start3A_865] : memref<1000000x64xf32, #tpu.memory_space<hbm>> -> memref<1x64xf32, #tpu.memory_space<hbm>>
        tpu.enqueue_dma source(%dma_start3A_866 : memref<1x64xf32, #tpu.memory_space<hbm>>) target(%dma_start3A_864 : memref<1x64xf32, #tpu.memory_space<vmem>>) target_semaphore(%arg9 : memref<!tpu.dma_semaphore, #tpu.memory_space<semaphore_mem>>)
        %add3A_867 = arith.constant 12 : i32
        %add3A_868 = arith.addi %mul3A_153, %add3A_867 : i32
        %slice3A_869 = vector.extract_strided_slice %get3A_158 {offsets = [12], sizes = [1], strides = [1]} : vector<16xi32> to vector<1xi32>
        %squeeze3A_870 = vector.extract %slice3A_869[0] : i32 from vector<1xi32>
        %jit3A_871 = arith.constant 50 : i32
        %div3A_872 = arith.divsi %add3A_868, %jit3A_871 : i32
        %sign3A_873 = arith.constant 0 : i32
        %sign3A_874 = arith.cmpi sgt, %add3A_868, %sign3A_873 : i32
        %sign3A_875 = arith.extui %sign3A_874 : i1 to i32
        %sign3A_876 = arith.constant 0 : i32
        %sign3A_877 = arith.cmpi slt, %add3A_868, %sign3A_876 : i32
        %sign3A_878 = arith.extui %sign3A_877 : i1 to i32
        %sign3A_879 = arith.subi %sign3A_875, %sign3A_878 : i32
        %sign3A_880 = arith.constant 0 : i32
        %sign3A_881 = arith.cmpi sgt, %jit3A_871, %sign3A_880 : i32
        %sign3A_882 = arith.extui %sign3A_881 : i1 to i32
        %sign3A_883 = arith.constant 0 : i32
        %sign3A_884 = arith.cmpi slt, %jit3A_871, %sign3A_883 : i32
        %sign3A_885 = arith.extui %sign3A_884 : i1 to i32
        %sign3A_886 = arith.subi %sign3A_882, %sign3A_885 : i32
        %ne3A_887 = arith.cmpi ne, %sign3A_879, %sign3A_886 : i32
        %rem3A_888 = arith.remsi %add3A_868, %jit3A_871 : i32
        %ne3A_889 = arith.constant 0 : i32
        %ne3A_890 = arith.cmpi ne, %rem3A_888, %ne3A_889 : i32
        %and3A_891 = arith.andi %ne3A_887, %ne3A_890 : i1
        %sub3A_892 = arith.constant 1 : i32
        %sub3A_893 = arith.subi %div3A_872, %sub3A_892 : i32
        %select_n3A_894 = arith.select %and3A_891, %sub3A_893, %div3A_872 : i32
        %jit3A_895 = arith.constant 50 : i32
        %eq3A_896 = arith.constant 0 : i32
        %eq3A_897 = arith.cmpi eq, %jit3A_895, %eq3A_896 : i32
        %jit3A_898 = arith.constant 1 : i32
        %select_n3A_899 = arith.select %eq3A_897, %jit3A_898, %jit3A_895 : i32
        %rem3A_900 = arith.remsi %add3A_868, %select_n3A_899 : i32
        %ne3A_901 = arith.constant 0 : i32
        %ne3A_902 = arith.cmpi ne, %rem3A_900, %ne3A_901 : i32
        %lt3A_903 = arith.constant 0 : i32
        %lt3A_904 = arith.cmpi slt, %rem3A_900, %lt3A_903 : i32
        %lt3A_905 = arith.constant 0 : i32
        %lt3A_906 = arith.cmpi slt, %select_n3A_899, %lt3A_905 : i32
        %ne3A_907 = arith.xori %lt3A_904, %lt3A_906 : i1
        %and3A_908 = arith.andi %ne3A_907, %ne3A_902 : i1
        %add3A_909 = arith.addi %rem3A_900, %select_n3A_899 : i32
        %select_n3A_910 = arith.select %and3A_908, %add3A_909, %rem3A_900 : i32
        %dma_start3A_911 = arith.constant 0 : i32
        %dma_start3A_912 = arith.constant 0 : i32
        %dma_start3A_913 = tpu.memref_slice %arg7[%select_n3A_894, %dma_start3A_911, %dma_start3A_912] : memref<8x50x64xf32, #tpu.memory_space<vmem>> -> memref<1x50x64xf32, #tpu.memory_space<vmem>>
        %dma_start3A_914 = tpu.memref_squeeze %dma_start3A_913 : memref<1x50x64xf32, #tpu.memory_space<vmem>> -> memref<50x64xf32, #tpu.memory_space<vmem>>
        %dma_start3A_915 = arith.constant 0 : i32
        %dma_start3A_916 = tpu.memref_slice %dma_start3A_914[%select_n3A_910, %dma_start3A_915] : memref<50x64xf32, #tpu.memory_space<vmem>> -> memref<1x64xf32, #tpu.memory_space<vmem>>
        %dma_start3A_917 = arith.constant 0 : i32
        %dma_start3A_918 = tpu.memref_slice %arg3[%squeeze3A_870, %dma_start3A_917] : memref<1000000x64xf32, #tpu.memory_space<hbm>> -> memref<1x64xf32, #tpu.memory_space<hbm>>
        %dma_start3A_919 = arith.constant 0 : i32
        %dma_start3A_920 = arith.constant 0 : i32
        %dma_start3A_921 = tpu.memref_slice %arg7[%select_n3A_894, %dma_start3A_919, %dma_start3A_920] : memref<8x50x64xf32, #tpu.memory_space<vmem>> -> memref<1x50x64xf32, #tpu.memory_space<vmem>>
        %dma_start3A_922 = tpu.memref_squeeze %dma_start3A_921 : memref<1x50x64xf32, #tpu.memory_space<vmem>> -> memref<50x64xf32, #tpu.memory_space<vmem>>
        %dma_start3A_923 = arith.constant 0 : i32
        %dma_start3A_924 = tpu.memref_slice %dma_start3A_922[%select_n3A_910, %dma_start3A_923] : memref<50x64xf32, #tpu.memory_space<vmem>> -> memref<1x64xf32, #tpu.memory_space<vmem>>
        %dma_start3A_925 = arith.constant 0 : i32
        %dma_start3A_926 = tpu.memref_slice %arg3[%squeeze3A_870, %dma_start3A_925] : memref<1000000x64xf32, #tpu.memory_space<hbm>> -> memref<1x64xf32, #tpu.memory_space<hbm>>
        tpu.enqueue_dma source(%dma_start3A_926 : memref<1x64xf32, #tpu.memory_space<hbm>>) target(%dma_start3A_924 : memref<1x64xf32, #tpu.memory_space<vmem>>) target_semaphore(%arg9 : memref<!tpu.dma_semaphore, #tpu.memory_space<semaphore_mem>>)
        %add3A_927 = arith.constant 13 : i32
        %add3A_928 = arith.addi %mul3A_153, %add3A_927 : i32
        %slice3A_929 = vector.extract_strided_slice %get3A_158 {offsets = [13], sizes = [1], strides = [1]} : vector<16xi32> to vector<1xi32>
        %squeeze3A_930 = vector.extract %slice3A_929[0] : i32 from vector<1xi32>
        %jit3A_931 = arith.constant 50 : i32
        %div3A_932 = arith.divsi %add3A_928, %jit3A_931 : i32
        %sign3A_933 = arith.constant 0 : i32
        %sign3A_934 = arith.cmpi sgt, %add3A_928, %sign3A_933 : i32
        %sign3A_935 = arith.extui %sign3A_934 : i1 to i32
        %sign3A_936 = arith.constant 0 : i32
        %sign3A_937 = arith.cmpi slt, %add3A_928, %sign3A_936 : i32
        %sign3A_938 = arith.extui %sign3A_937 : i1 to i32
        %sign3A_939 = arith.subi %sign3A_935, %sign3A_938 : i32
        %sign3A_940 = arith.constant 0 : i32
        %sign3A_941 = arith.cmpi sgt, %jit3A_931, %sign3A_940 : i32
        %sign3A_942 = arith.extui %sign3A_941 : i1 to i32
        %sign3A_943 = arith.constant 0 : i32
        %sign3A_944 = arith.cmpi slt, %jit3A_931, %sign3A_943 : i32
        %sign3A_945 = arith.extui %sign3A_944 : i1 to i32
        %sign3A_946 = arith.subi %sign3A_942, %sign3A_945 : i32
        %ne3A_947 = arith.cmpi ne, %sign3A_939, %sign3A_946 : i32
        %rem3A_948 = arith.remsi %add3A_928, %jit3A_931 : i32
        %ne3A_949 = arith.constant 0 : i32
        %ne3A_950 = arith.cmpi ne, %rem3A_948, %ne3A_949 : i32
        %and3A_951 = arith.andi %ne3A_947, %ne3A_950 : i1
        %sub3A_952 = arith.constant 1 : i32
        %sub3A_953 = arith.subi %div3A_932, %sub3A_952 : i32
        %select_n3A_954 = arith.select %and3A_951, %sub3A_953, %div3A_932 : i32
        %jit3A_955 = arith.constant 50 : i32
        %eq3A_956 = arith.constant 0 : i32
        %eq3A_957 = arith.cmpi eq, %jit3A_955, %eq3A_956 : i32
        %jit3A_958 = arith.constant 1 : i32
        %select_n3A_959 = arith.select %eq3A_957, %jit3A_958, %jit3A_955 : i32
        %rem3A_960 = arith.remsi %add3A_928, %select_n3A_959 : i32
        %ne3A_961 = arith.constant 0 : i32
        %ne3A_962 = arith.cmpi ne, %rem3A_960, %ne3A_961 : i32
        %lt3A_963 = arith.constant 0 : i32
        %lt3A_964 = arith.cmpi slt, %rem3A_960, %lt3A_963 : i32
        %lt3A_965 = arith.constant 0 : i32
        %lt3A_966 = arith.cmpi slt, %select_n3A_959, %lt3A_965 : i32
        %ne3A_967 = arith.xori %lt3A_964, %lt3A_966 : i1
        %and3A_968 = arith.andi %ne3A_967, %ne3A_962 : i1
        %add3A_969 = arith.addi %rem3A_960, %select_n3A_959 : i32
        %select_n3A_970 = arith.select %and3A_968, %add3A_969, %rem3A_960 : i32
        %dma_start3A_971 = arith.constant 0 : i32
        %dma_start3A_972 = arith.constant 0 : i32
        %dma_start3A_973 = tpu.memref_slice %arg7[%select_n3A_954, %dma_start3A_971, %dma_start3A_972] : memref<8x50x64xf32, #tpu.memory_space<vmem>> -> memref<1x50x64xf32, #tpu.memory_space<vmem>>
        %dma_start3A_974 = tpu.memref_squeeze %dma_start3A_973 : memref<1x50x64xf32, #tpu.memory_space<vmem>> -> memref<50x64xf32, #tpu.memory_space<vmem>>
        %dma_start3A_975 = arith.constant 0 : i32
        %dma_start3A_976 = tpu.memref_slice %dma_start3A_974[%select_n3A_970, %dma_start3A_975] : memref<50x64xf32, #tpu.memory_space<vmem>> -> memref<1x64xf32, #tpu.memory_space<vmem>>
        %dma_start3A_977 = arith.constant 0 : i32
        %dma_start3A_978 = tpu.memref_slice %arg3[%squeeze3A_930, %dma_start3A_977] : memref<1000000x64xf32, #tpu.memory_space<hbm>> -> memref<1x64xf32, #tpu.memory_space<hbm>>
        %dma_start3A_979 = arith.constant 0 : i32
        %dma_start3A_980 = arith.constant 0 : i32
        %dma_start3A_981 = tpu.memref_slice %arg7[%select_n3A_954, %dma_start3A_979, %dma_start3A_980] : memref<8x50x64xf32, #tpu.memory_space<vmem>> -> memref<1x50x64xf32, #tpu.memory_space<vmem>>
        %dma_start3A_982 = tpu.memref_squeeze %dma_start3A_981 : memref<1x50x64xf32, #tpu.memory_space<vmem>> -> memref<50x64xf32, #tpu.memory_space<vmem>>
        %dma_start3A_983 = arith.constant 0 : i32
        %dma_start3A_984 = tpu.memref_slice %dma_start3A_982[%select_n3A_970, %dma_start3A_983] : memref<50x64xf32, #tpu.memory_space<vmem>> -> memref<1x64xf32, #tpu.memory_space<vmem>>
        %dma_start3A_985 = arith.constant 0 : i32
        %dma_start3A_986 = tpu.memref_slice %arg3[%squeeze3A_930, %dma_start3A_985] : memref<1000000x64xf32, #tpu.memory_space<hbm>> -> memref<1x64xf32, #tpu.memory_space<hbm>>
        tpu.enqueue_dma source(%dma_start3A_986 : memref<1x64xf32, #tpu.memory_space<hbm>>) target(%dma_start3A_984 : memref<1x64xf32, #tpu.memory_space<vmem>>) target_semaphore(%arg9 : memref<!tpu.dma_semaphore, #tpu.memory_space<semaphore_mem>>)
        %add3A_987 = arith.constant 14 : i32
        %add3A_988 = arith.addi %mul3A_153, %add3A_987 : i32
        %slice3A_989 = vector.extract_strided_slice %get3A_158 {offsets = [14], sizes = [1], strides = [1]} : vector<16xi32> to vector<1xi32>
        %squeeze3A_990 = vector.extract %slice3A_989[0] : i32 from vector<1xi32>
        %jit3A_991 = arith.constant 50 : i32
        %div3A_992 = arith.divsi %add3A_988, %jit3A_991 : i32
        %sign3A_993 = arith.constant 0 : i32
        %sign3A_994 = arith.cmpi sgt, %add3A_988, %sign3A_993 : i32
        %sign3A_995 = arith.extui %sign3A_994 : i1 to i32
        %sign3A_996 = arith.constant 0 : i32
        %sign3A_997 = arith.cmpi slt, %add3A_988, %sign3A_996 : i32
        %sign3A_998 = arith.extui %sign3A_997 : i1 to i32
        %sign3A_999 = arith.subi %sign3A_995, %sign3A_998 : i32
        %sign3A_1000 = arith.constant 0 : i32
        %sign3A_1001 = arith.cmpi sgt, %jit3A_991, %sign3A_1000 : i32
        %sign3A_1002 = arith.extui %sign3A_1001 : i1 to i32
        %sign3A_1003 = arith.constant 0 : i32
        %sign3A_1004 = arith.cmpi slt, %jit3A_991, %sign3A_1003 : i32
        %sign3A_1005 = arith.extui %sign3A_1004 : i1 to i32
        %sign3A_1006 = arith.subi %sign3A_1002, %sign3A_1005 : i32
        %ne3A_1007 = arith.cmpi ne, %sign3A_999, %sign3A_1006 : i32
        %rem3A_1008 = arith.remsi %add3A_988, %jit3A_991 : i32
        %ne3A_1009 = arith.constant 0 : i32
        %ne3A_1010 = arith.cmpi ne, %rem3A_1008, %ne3A_1009 : i32
        %and3A_1011 = arith.andi %ne3A_1007, %ne3A_1010 : i1
        %sub3A_1012 = arith.constant 1 : i32
        %sub3A_1013 = arith.subi %div3A_992, %sub3A_1012 : i32
        %select_n3A_1014 = arith.select %and3A_1011, %sub3A_1013, %div3A_992 : i32
        %jit3A_1015 = arith.constant 50 : i32
        %eq3A_1016 = arith.constant 0 : i32
        %eq3A_1017 = arith.cmpi eq, %jit3A_1015, %eq3A_1016 : i32
        %jit3A_1018 = arith.constant 1 : i32
        %select_n3A_1019 = arith.select %eq3A_1017, %jit3A_1018, %jit3A_1015 : i32
        %rem3A_1020 = arith.remsi %add3A_988, %select_n3A_1019 : i32
        %ne3A_1021 = arith.constant 0 : i32
        %ne3A_1022 = arith.cmpi ne, %rem3A_1020, %ne3A_1021 : i32
        %lt3A_1023 = arith.constant 0 : i32
        %lt3A_1024 = arith.cmpi slt, %rem3A_1020, %lt3A_1023 : i32
        %lt3A_1025 = arith.constant 0 : i32
        %lt3A_1026 = arith.cmpi slt, %select_n3A_1019, %lt3A_1025 : i32
        %ne3A_1027 = arith.xori %lt3A_1024, %lt3A_1026 : i1
        %and3A_1028 = arith.andi %ne3A_1027, %ne3A_1022 : i1
        %add3A_1029 = arith.addi %rem3A_1020, %select_n3A_1019 : i32
        %select_n3A_1030 = arith.select %and3A_1028, %add3A_1029, %rem3A_1020 : i32
        %dma_start3A_1031 = arith.constant 0 : i32
        %dma_start3A_1032 = arith.constant 0 : i32
        %dma_start3A_1033 = tpu.memref_slice %arg7[%select_n3A_1014, %dma_start3A_1031, %dma_start3A_1032] : memref<8x50x64xf32, #tpu.memory_space<vmem>> -> memref<1x50x64xf32, #tpu.memory_space<vmem>>
        %dma_start3A_1034 = tpu.memref_squeeze %dma_start3A_1033 : memref<1x50x64xf32, #tpu.memory_space<vmem>> -> memref<50x64xf32, #tpu.memory_space<vmem>>
        %dma_start3A_1035 = arith.constant 0 : i32
        %dma_start3A_1036 = tpu.memref_slice %dma_start3A_1034[%select_n3A_1030, %dma_start3A_1035] : memref<50x64xf32, #tpu.memory_space<vmem>> -> memref<1x64xf32, #tpu.memory_space<vmem>>
        %dma_start3A_1037 = arith.constant 0 : i32
        %dma_start3A_1038 = tpu.memref_slice %arg3[%squeeze3A_990, %dma_start3A_1037] : memref<1000000x64xf32, #tpu.memory_space<hbm>> -> memref<1x64xf32, #tpu.memory_space<hbm>>
        %dma_start3A_1039 = arith.constant 0 : i32
        %dma_start3A_1040 = arith.constant 0 : i32
        %dma_start3A_1041 = tpu.memref_slice %arg7[%select_n3A_1014, %dma_start3A_1039, %dma_start3A_1040] : memref<8x50x64xf32, #tpu.memory_space<vmem>> -> memref<1x50x64xf32, #tpu.memory_space<vmem>>
        %dma_start3A_1042 = tpu.memref_squeeze %dma_start3A_1041 : memref<1x50x64xf32, #tpu.memory_space<vmem>> -> memref<50x64xf32, #tpu.memory_space<vmem>>
        %dma_start3A_1043 = arith.constant 0 : i32
        %dma_start3A_1044 = tpu.memref_slice %dma_start3A_1042[%select_n3A_1030, %dma_start3A_1043] : memref<50x64xf32, #tpu.memory_space<vmem>> -> memref<1x64xf32, #tpu.memory_space<vmem>>
        %dma_start3A_1045 = arith.constant 0 : i32
        %dma_start3A_1046 = tpu.memref_slice %arg3[%squeeze3A_990, %dma_start3A_1045] : memref<1000000x64xf32, #tpu.memory_space<hbm>> -> memref<1x64xf32, #tpu.memory_space<hbm>>
        tpu.enqueue_dma source(%dma_start3A_1046 : memref<1x64xf32, #tpu.memory_space<hbm>>) target(%dma_start3A_1044 : memref<1x64xf32, #tpu.memory_space<vmem>>) target_semaphore(%arg9 : memref<!tpu.dma_semaphore, #tpu.memory_space<semaphore_mem>>)
        %add3A_1047 = arith.constant 15 : i32
        %add3A_1048 = arith.addi %mul3A_153, %add3A_1047 : i32
        %slice3A_1049 = vector.extract_strided_slice %get3A_158 {offsets = [15], sizes = [1], strides = [1]} : vector<16xi32> to vector<1xi32>
        %squeeze3A_1050 = vector.extract %slice3A_1049[0] : i32 from vector<1xi32>
        %jit3A_1051 = arith.constant 50 : i32
        %div3A_1052 = arith.divsi %add3A_1048, %jit3A_1051 : i32
        %sign3A_1053 = arith.constant 0 : i32
        %sign3A_1054 = arith.cmpi sgt, %add3A_1048, %sign3A_1053 : i32
        %sign3A_1055 = arith.extui %sign3A_1054 : i1 to i32
        %sign3A_1056 = arith.constant 0 : i32
        %sign3A_1057 = arith.cmpi slt, %add3A_1048, %sign3A_1056 : i32
        %sign3A_1058 = arith.extui %sign3A_1057 : i1 to i32
        %sign3A_1059 = arith.subi %sign3A_1055, %sign3A_1058 : i32
        %sign3A_1060 = arith.constant 0 : i32
        %sign3A_1061 = arith.cmpi sgt, %jit3A_1051, %sign3A_1060 : i32
        %sign3A_1062 = arith.extui %sign3A_1061 : i1 to i32
        %sign3A_1063 = arith.constant 0 : i32
        %sign3A_1064 = arith.cmpi slt, %jit3A_1051, %sign3A_1063 : i32
        %sign3A_1065 = arith.extui %sign3A_1064 : i1 to i32
        %sign3A_1066 = arith.subi %sign3A_1062, %sign3A_1065 : i32
        %ne3A_1067 = arith.cmpi ne, %sign3A_1059, %sign3A_1066 : i32
        %rem3A_1068 = arith.remsi %add3A_1048, %jit3A_1051 : i32
        %ne3A_1069 = arith.constant 0 : i32
        %ne3A_1070 = arith.cmpi ne, %rem3A_1068, %ne3A_1069 : i32
        %and3A_1071 = arith.andi %ne3A_1067, %ne3A_1070 : i1
        %sub3A_1072 = arith.constant 1 : i32
        %sub3A_1073 = arith.subi %div3A_1052, %sub3A_1072 : i32
        %select_n3A_1074 = arith.select %and3A_1071, %sub3A_1073, %div3A_1052 : i32
        %jit3A_1075 = arith.constant 50 : i32
        %eq3A_1076 = arith.constant 0 : i32
        %eq3A_1077 = arith.cmpi eq, %jit3A_1075, %eq3A_1076 : i32
        %jit3A_1078 = arith.constant 1 : i32
        %select_n3A_1079 = arith.select %eq3A_1077, %jit3A_1078, %jit3A_1075 : i32
        %rem3A_1080 = arith.remsi %add3A_1048, %select_n3A_1079 : i32
        %ne3A_1081 = arith.constant 0 : i32
        %ne3A_1082 = arith.cmpi ne, %rem3A_1080, %ne3A_1081 : i32
        %lt3A_1083 = arith.constant 0 : i32
        %lt3A_1084 = arith.cmpi slt, %rem3A_1080, %lt3A_1083 : i32
        %lt3A_1085 = arith.constant 0 : i32
        %lt3A_1086 = arith.cmpi slt, %select_n3A_1079, %lt3A_1085 : i32
        %ne3A_1087 = arith.xori %lt3A_1084, %lt3A_1086 : i1
        %and3A_1088 = arith.andi %ne3A_1087, %ne3A_1082 : i1
        %add3A_1089 = arith.addi %rem3A_1080, %select_n3A_1079 : i32
        %select_n3A_1090 = arith.select %and3A_1088, %add3A_1089, %rem3A_1080 : i32
        %dma_start3A_1091 = arith.constant 0 : i32
        %dma_start3A_1092 = arith.constant 0 : i32
        %dma_start3A_1093 = tpu.memref_slice %arg7[%select_n3A_1074, %dma_start3A_1091, %dma_start3A_1092] : memref<8x50x64xf32, #tpu.memory_space<vmem>> -> memref<1x50x64xf32, #tpu.memory_space<vmem>>
        %dma_start3A_1094 = tpu.memref_squeeze %dma_start3A_1093 : memref<1x50x64xf32, #tpu.memory_space<vmem>> -> memref<50x64xf32, #tpu.memory_space<vmem>>
        %dma_start3A_1095 = arith.constant 0 : i32
        %dma_start3A_1096 = tpu.memref_slice %dma_start3A_1094[%select_n3A_1090, %dma_start3A_1095] : memref<50x64xf32, #tpu.memory_space<vmem>> -> memref<1x64xf32, #tpu.memory_space<vmem>>
        %dma_start3A_1097 = arith.constant 0 : i32
        %dma_start3A_1098 = tpu.memref_slice %arg3[%squeeze3A_1050, %dma_start3A_1097] : memref<1000000x64xf32, #tpu.memory_space<hbm>> -> memref<1x64xf32, #tpu.memory_space<hbm>>
        %dma_start3A_1099 = arith.constant 0 : i32
        %dma_start3A_1100 = arith.constant 0 : i32
        %dma_start3A_1101 = tpu.memref_slice %arg7[%select_n3A_1074, %dma_start3A_1099, %dma_start3A_1100] : memref<8x50x64xf32, #tpu.memory_space<vmem>> -> memref<1x50x64xf32, #tpu.memory_space<vmem>>
        %dma_start3A_1102 = tpu.memref_squeeze %dma_start3A_1101 : memref<1x50x64xf32, #tpu.memory_space<vmem>> -> memref<50x64xf32, #tpu.memory_space<vmem>>
        %dma_start3A_1103 = arith.constant 0 : i32
        %dma_start3A_1104 = tpu.memref_slice %dma_start3A_1102[%select_n3A_1090, %dma_start3A_1103] : memref<50x64xf32, #tpu.memory_space<vmem>> -> memref<1x64xf32, #tpu.memory_space<vmem>>
        %dma_start3A_1105 = arith.constant 0 : i32
        %dma_start3A_1106 = tpu.memref_slice %arg3[%squeeze3A_1050, %dma_start3A_1105] : memref<1000000x64xf32, #tpu.memory_space<hbm>> -> memref<1x64xf32, #tpu.memory_space<hbm>>
        tpu.enqueue_dma source(%dma_start3A_1106 : memref<1x64xf32, #tpu.memory_space<hbm>>) target(%dma_start3A_1104 : memref<1x64xf32, #tpu.memory_space<vmem>>) target_semaphore(%arg9 : memref<!tpu.dma_semaphore, #tpu.memory_space<semaphore_mem>>)
        %scan3A_1107 = arith.constant 0 : i32
        scf.yield %scan3A_1107 : i32
      }
      %scan3A_148 = arith.constant 25 : i32
      %scan3A_149 = arith.constant 0 : i32
      scf.yield %scan3A_149 : i32
    }
    %scan3A_24 = arith.constant 7 : i32
    %dma_wait3A = arith.constant 0 : i32
    %dma_wait3A_25 = arith.constant 0 : i32
    %dma_wait3A_26 = arith.constant 0 : i32
    %dma_wait3A_27 = tpu.memref_slice %arg4[%dma_wait3A, %dma_wait3A_25, %dma_wait3A_26] : memref<4096x50x64xf32, #tpu.memory_space<hbm>> -> memref<8x50x64xf32, #tpu.memory_space<hbm>>
    %dma_wait3A_28 = arith.constant 0 : i32
    %dma_wait3A_29 = arith.constant 0 : i32
    %dma_wait3A_30 = arith.constant 0 : i32
    %dma_wait3A_31 = tpu.memref_slice %arg4[%dma_wait3A_28, %dma_wait3A_29, %dma_wait3A_30] : memref<4096x50x64xf32, #tpu.memory_space<hbm>> -> memref<8x50x64xf32, #tpu.memory_space<hbm>>
    tpu.wait_dma2 semaphore(%arg8 : memref<!tpu.dma_semaphore, #tpu.memory_space<semaphore_mem>>) src(%dma_wait3A_31 : memref<8x50x64xf32, #tpu.memory_space<hbm>>) dst(%arg6 : memref<8x50x64xf32, #tpu.memory_space<vmem>>)
    %add3A_32 = arith.constant 112 : i32
    %add3A_33 = arith.addi %mul3A_4, %add3A_32 : i32
    %dma_start3A = arith.constant 0 : i32
    %dma_start3A_34 = arith.constant 0 : i32
    %dma_start3A_35 = tpu.memref_slice %arg4[%add3A_33, %dma_start3A, %dma_start3A_34] : memref<4096x50x64xf32, #tpu.memory_space<hbm>> -> memref<8x50x64xf32, #tpu.memory_space<hbm>>
    %dma_start3A_36 = arith.constant 0 : i32
    %dma_start3A_37 = arith.constant 0 : i32
    %dma_start3A_38 = tpu.memref_slice %arg4[%add3A_33, %dma_start3A_36, %dma_start3A_37] : memref<4096x50x64xf32, #tpu.memory_space<hbm>> -> memref<8x50x64xf32, #tpu.memory_space<hbm>>
    tpu.enqueue_dma source(%arg6 : memref<8x50x64xf32, #tpu.memory_space<vmem>>) target(%dma_start3A_38 : memref<8x50x64xf32, #tpu.memory_space<hbm>>) target_semaphore(%arg10 : memref<!tpu.dma_semaphore, #tpu.memory_space<semaphore_mem>>)
    %dma_wait3A_39 = arith.constant 0 : i32
    %dma_wait3A_40 = arith.constant 0 : i32
    %dma_wait3A_41 = arith.constant 0 : i32
    %dma_wait3A_42 = tpu.memref_slice %arg4[%dma_wait3A_39, %dma_wait3A_40, %dma_wait3A_41] : memref<4096x50x64xf32, #tpu.memory_space<hbm>> -> memref<8x50x64xf32, #tpu.memory_space<hbm>>
    %dma_wait3A_43 = arith.constant 0 : i32
    %dma_wait3A_44 = arith.constant 0 : i32
    %dma_wait3A_45 = arith.constant 0 : i32
    %dma_wait3A_46 = tpu.memref_slice %arg4[%dma_wait3A_43, %dma_wait3A_44, %dma_wait3A_45] : memref<4096x50x64xf32, #tpu.memory_space<hbm>> -> memref<8x50x64xf32, #tpu.memory_space<hbm>>
    tpu.wait_dma2 semaphore(%arg9 : memref<!tpu.dma_semaphore, #tpu.memory_space<semaphore_mem>>) src(%dma_wait3A_46 : memref<8x50x64xf32, #tpu.memory_space<hbm>>) dst(%arg7 : memref<8x50x64xf32, #tpu.memory_space<vmem>>)
    %add3A_47 = arith.constant 120 : i32
    %add3A_48 = arith.addi %mul3A_4, %add3A_47 : i32
    %dma_start3A_49 = arith.constant 0 : i32
    %dma_start3A_50 = arith.constant 0 : i32
    %dma_start3A_51 = tpu.memref_slice %arg4[%add3A_48, %dma_start3A_49, %dma_start3A_50] : memref<4096x50x64xf32, #tpu.memory_space<hbm>> -> memref<8x50x64xf32, #tpu.memory_space<hbm>>
    %dma_start3A_52 = arith.constant 0 : i32
    %dma_start3A_53 = arith.constant 0 : i32
    %dma_start3A_54 = tpu.memref_slice %arg4[%add3A_48, %dma_start3A_52, %dma_start3A_53] : memref<4096x50x64xf32, #tpu.memory_space<hbm>> -> memref<8x50x64xf32, #tpu.memory_space<hbm>>
    tpu.enqueue_dma source(%arg7 : memref<8x50x64xf32, #tpu.memory_space<vmem>>) target(%dma_start3A_54 : memref<8x50x64xf32, #tpu.memory_space<hbm>>) target_semaphore(%arg11 : memref<!tpu.dma_semaphore, #tpu.memory_space<semaphore_mem>>)
    %add3A_55 = arith.constant 112 : i32
    %add3A_56 = arith.addi %mul3A_4, %add3A_55 : i32
    %dma_wait3A_57 = arith.constant 0 : i32
    %dma_wait3A_58 = arith.constant 0 : i32
    %dma_wait3A_59 = tpu.memref_slice %arg4[%add3A_56, %dma_wait3A_57, %dma_wait3A_58] : memref<4096x50x64xf32, #tpu.memory_space<hbm>> -> memref<8x50x64xf32, #tpu.memory_space<hbm>>
    %dma_wait3A_60 = arith.constant 0 : i32
    %dma_wait3A_61 = arith.constant 0 : i32
    %dma_wait3A_62 = tpu.memref_slice %arg4[%add3A_56, %dma_wait3A_60, %dma_wait3A_61] : memref<4096x50x64xf32, #tpu.memory_space<hbm>> -> memref<8x50x64xf32, #tpu.memory_space<hbm>>
    tpu.wait_dma2 semaphore(%arg10 : memref<!tpu.dma_semaphore, #tpu.memory_space<semaphore_mem>>) src(%arg6 : memref<8x50x64xf32, #tpu.memory_space<vmem>>) dst(%dma_wait3A_62 : memref<8x50x64xf32, #tpu.memory_space<hbm>>)
    %add3A_63 = arith.constant 120 : i32
    %add3A_64 = arith.addi %mul3A_4, %add3A_63 : i32
    %dma_wait3A_65 = arith.constant 0 : i32
    %dma_wait3A_66 = arith.constant 0 : i32
    %dma_wait3A_67 = tpu.memref_slice %arg4[%add3A_64, %dma_wait3A_65, %dma_wait3A_66] : memref<4096x50x64xf32, #tpu.memory_space<hbm>> -> memref<8x50x64xf32, #tpu.memory_space<hbm>>
    %dma_wait3A_68 = arith.constant 0 : i32
    %dma_wait3A_69 = arith.constant 0 : i32
    %dma_wait3A_70 = tpu.memref_slice %arg4[%add3A_64, %dma_wait3A_68, %dma_wait3A_69] : memref<4096x50x64xf32, #tpu.memory_space<hbm>> -> memref<8x50x64xf32, #tpu.memory_space<hbm>>
    tpu.wait_dma2 semaphore(%arg11 : memref<!tpu.dma_semaphore, #tpu.memory_space<semaphore_mem>>) src(%arg7 : memref<8x50x64xf32, #tpu.memory_space<vmem>>) dst(%dma_wait3A_70 : memref<8x50x64xf32, #tpu.memory_space<hbm>>)
    return
  }
}

</mosaic_0001>

<sc_bundles>
// kernel: kernel.3.cloned.1.call-start
scs
__scs_entry_jumppad:
0x0: {  	(pc) =	sbr.rel $0x88, $3  }
0x1: {  	(tag) =	ssettag $0x0;
	lr =	simm.s32 $0x1  }
0x2: {  	[smem:$0x3F9F] =	sst lr;
	_ =	strace $0xD0000000  }
0x3: {  	_ = 	snop  }
0x4: {  	_ = 	snop  }
0x5: {  	_ = 	snop  }
0x6: {  	_ = 	snop  }
0x7: {  	_ = 	snop  }
__scs_overlays_trampoline_lowered:
0x8: {  	[smem:$0x3FAE] =	sst s0  }
0x9: {  	[smem:$0x3FAF] =	sst s1  }
0xa: {  	[smem:$0x3FB0] =	sst s2  }
0xb: {  	[smem:$0x3FB1] =	sst s3  }
0xc: {  	[smem:$0x3FB2] =	sst s4  }
0xd: {  	[smem:$0x3FB3] =	sst s5  }
0xe: {  	[smem:$0x3FB4] =	sst s6  }
0xf: {  	[smem:$0x3FB5] =	sst s7  }
0x10: {  	[smem:$0x3FB6] =	sst s8  }
0x11: {  	[smem:$0x3FB7] =	sst s9;
	s0 =	simm.s32 @!p0 $0x0  }
0x12: {  	s1 =	sld [smem:$0x3F9D];
	s0 =	simm.s32 @p0 $0x1  }
0x13: {  	[smem:$0x3FB8] =	sst s0;
	s0 =	simm.s32 @!p1 $0x0  }
0x14: {  	s2 =	sld [smem:$0x3F9C];
	s0 =	simm.s32 @p1 $0x1  }
0x15: {  	[smem:$0x3FB9] =	sst s0;
	s0 =	simm.s32 @!p2 $0x0  }
0x16: {  	s3 =	sld [smem:$0x3FDB];
	s0 =	simm.s32 @p2 $0x1  }
0x17: {  	s4 =	simm.s32 $0x1BF5;
	[smem:$0x3FBB] =	sst s0  }
0x18: {  	s0 =	sld [smem:$0x3F9E];
	_ =	swait.ge [sflag:s4], $0x0  }
0x19: {  	s7 =	sld [smem:$0x3F9F]  }
0x1a: {  	s8 =	sadd.s32 $0xFFFFE003, lr  }
0x1b: {  	s9 =	sadd.s32 $0xFFFFFEF7, lr;
	s5 =	simm.s32 $0xFFFFFFFF;
	p2 =	slt.u32 s8, $0xFFFFF086  }
0x1c: {  	p1 =	slt.u32 s9, $0xF7A;
	s5 =	simm.s32 @!p2 $0x0  }
0x1d: {  	s5 =	simm.s32 @p1 $0x1;
	p0 =	seq.s32 s7, s2  }
0x1e: {  	s7 =	smul.u32 @!p0 $0xF7A, s2;
	p2 =	seq.s32 @!p0 s5, $0x0  }
0x1f: {  	s9 =	smul.u32 $0xF7A, s1;
	s8 =	simm.s32 @!p0 $0x1BF5;
	p2 =	por !p2, p0  }
0x20: {  	[sflag:s8] =	ssyncset.s32 @!p0 $0xFFFFF086;
	s6 =	sadd.s32 @!p0 s3, s7;
	s7 =	simm.s32 @!p0 $0x108  }
0x21: {  	s3 =	sadd.s32 s3, s9;
	s6 =	sadd.s32 @!p0 $0x88, s6;
	s7 =	simm.s32 @p2 $0x1082  }
0x22: {  	[simem:s7], [sflag:s8] =	dma.local @!p0 [hbm:s6], $0xF7A  }
0x23: {  	s9 =	sor.u32 $0xD0000000, s2;
	s6 =	simm.s32 $0x108;
	_ =	swait.ge @!p0 [sflag:s8], $0x0  }
0x24: {  	s3 =	sadd.s32 $0x88, s3;
	s6 =	simm.s32 @!p1 $0x1082;
	[sflag:s4] =	ssyncset.s32 $0xFFFFF086  }
0x25: {  	[simem:s6], [sflag:s4] =	dma.local [hbm:s3], $0xF7A  }
0x26: {  	[smem:$0x3F9F] =	sst s1;
	(tag) =	ssettag s2;
	_ =	strace s9  }
0x27: {  	s1 =	sld [smem:$0x3FAF]  }
0x28: {  	s2 =	sld [smem:$0x3FB0]  }
0x29: {  	s4 =	sld [smem:$0x3FB2]  }
0x2a: {  	p0 =	seq.s32 s5, $0x0;
	s5 =	sld [smem:$0x3FB3]  }
0x2b: {  	s6 =	sld [smem:$0x3FB4]  }
0x2c: {  	s7 =	sld [smem:$0x3FB5]  }
0x2d: {  	s3 =	simm.s32 $0x108;
	s8 =	sld [smem:$0x3FB6]  }
0x2e: {  	s3 =	simm.s32 @!p0 $0x1082;
	s9 =	sld [smem:$0x3FB7]  }
0x2f: {  	lr =	sadd.s32 s0, s3;
	s0 =	sld [smem:$0x3FAE]  }
0x30: {  	s3 =	sld [smem:$0x3FB1]  }
0x31: {  	[smem:$0x3FBA] =	sst s10  }
0x32: {  	s10 =	sld [smem:$0x3FB8];
	_ =	sdelay $0x3  }
0x33: {  	p0 =	seq.s32 s10, $0x1;
	s10 =	sld [smem:$0x3FBA];
	_ =	sdelay $0x3  }
0x34: {  	[smem:$0x3FBA] =	sst s10  }
0x35: {  	s10 =	sld [smem:$0x3FB9];
	_ =	sdelay $0x3  }
0x36: {  	p1 =	seq.s32 s10, $0x1;
	s10 =	sld [smem:$0x3FBA];
	_ =	sdelay $0x3  }
0x37: {  	[smem:$0x3FBA] =	sst s10  }
0x38: {  	s10 =	sld [smem:$0x3FBB]  }
0x39: {  	_ = 	snop;
	(pc) =	sbr.ind lr, $3  }
0x3a: {  	_ = 	snop  }
0x3b: {  	_ = 	snop  }
0x3c: {  	p2 =	seq.s32 s10, $0x1;
	s10 =	sld [smem:$0x3FBA]  }
0x3d: {  	_ =	shalt  }
0x3e: {  	_ =	shalt  }
0x3f: {  	_ =	shalt  }
0x40: {  	_ =	shalt  }
0x41: {  	_ =	shalt  }
0x42: {  	_ =	shalt  }
0x43: {  	_ =	shalt  }
0x44: {  	_ =	shalt  }
0x45: {  	_ =	shalt  }
0x46: {  	_ =	shalt  }
0x47: {  	_ =	shalt  }
0x48: {  	_ =	shalt  }
0x49: {  	_ =	shalt  }
0x4a: {  	_ =	shalt  }
0x4b: {  	_ =	shalt  }
0x4c: {  	_ =	shalt  }
0x4d: {  	_ =	shalt  }
0x4e: {  	_ =	shalt  }
0x4f: {  	_ =	shalt  }
0x50: {  	_ =	shalt  }
0x51: {  	_ =	shalt  }
0x52: {  	_ =	shalt  }
0x53: {  	_ =	shalt  }
0x54: {  	_ =	shalt  }
0x55: {  	_ =	shalt  }
0x56: {  	_ =	shalt  }
0x57: {  	_ =	shalt  }
0x58: {  	_ =	shalt  }
0x59: {  	_ =	shalt  }
0x5a: {  	_ =	shalt  }
0x5b: {  	_ =	shalt  }
0x5c: {  	_ =	shalt  }
0x5d: {  	_ =	shalt  }
0x5e: {  	_ =	shalt  }
0x5f: {  	_ =	shalt  }
0x60: {  	_ =	shalt  }
0x61: {  	_ =	shalt  }
0x62: {  	_ =	shalt  }
0x63: {  	_ =	shalt  }
0x64: {  	_ =	shalt  }
0x65: {  	_ =	shalt  }
0x66: {  	_ =	shalt  }
0x67: {  	_ =	shalt  }
0x68: {  	_ =	shalt  }
0x69: {  	_ =	shalt  }
0x6a: {  	_ =	shalt  }
0x6b: {  	_ =	shalt  }
0x6c: {  	_ =	shalt  }
0x6d: {  	_ =	shalt  }
0x6e: {  	_ =	shalt  }
0x6f: {  	_ =	shalt  }
0x70: {  	_ =	shalt  }
0x71: {  	_ =	shalt  }
0x72: {  	_ =	shalt  }
0x73: {  	_ =	shalt  }
0x74: {  	_ =	shalt  }
0x75: {  	_ =	shalt  }
0x76: {  	_ =	shalt  }
0x77: {  	_ =	shalt  }
0x78: {  	_ =	shalt  }
0x79: {  	_ =	shalt  }
0x7a: {  	_ =	shalt  }
0x7b: {  	_ =	shalt  }
0x7c: {  	_ =	shalt  }
0x7d: {  	_ =	shalt  }
0x7e: {  	_ =	shalt  }
0x7f: {  	_ =	shalt  }
0x80: {  	_ =	shalt  }
0x81: {  	_ =	shalt  }
0x82: {  	_ =	shalt  }
0x83: {  	_ =	shalt  }
0x84: {  	_ =	shalt  }
0x85: {  	_ =	shalt  }
0x86: {  	_ =	shalt  }
0x87: {  	_ =	shalt  }
.Lfunc_end0:
.L_simem_size_0:
called_computation_lowered:
.L_overlay_start_0:
0x88: {  	s2 =	sld [smem:$0x3FD9]  }
0x89: {  	s3 =	sld [smem:$0x3FFE];
	_ =	sdelay $0x1  }
0x8a: {  	s1 =	srdreg.scid  }
0x8b: {  	s0 =	sand.u32 $0x1, s1  }
0x8c: {  	s17 =	sshll.u32 s0, $0xA;
	s2 =	sadd.s32 s3, s2  }
0x8d: {  	s2 =	sadd.s32 s2, s17  }
0x8e: {  	[smem:$0x3FC6] =	sst s2  }
0x8f: {  	_ = 	snop  }
0x90: {  	s2 =	sld [smem:$0x3FD0];
	(tm) =	ssettm $0x1  }
0x91: {  	s18 =	sld [smem:$0x3FFB];
	_ =	sdelay $0x3  }
0x92: {  	_ =	strace s18  }
0x93: {  	s3 =	sld [smem:$0x3FFC];
	_ =	sdelay $0x3  }
0x94: {  	_ =	strace s3  }
0x95: {  	s3 =	sld [smem:$0x3FFD];
	_ =	sdelay $0x3  }
0x96: {  	_ =	strace s3  }
0x97: {  	_ =	strace $0x8FFFFFFF  }
0x98: {  	s19 =	sld [smem:$0x3FDB];
	_ =	sdelay $0x1  }
0x99: {  	s4 =	simm.s32 $_scs_section_size  }
0x9a: {  	s5 =	simm.s32 $_size__tile_overlayer_lowered;
	s6 =	simm.s32 $_tile_overlayer_lowered  }
0x9b: {  	s22 =	simm.s32 $0x1BFF;
	s21 =	sshll.u32 s6, $0x1;
	s3 =	sadd.s32 s4, s19  }
0x9c: {  	s7 =	simm.s32 $0x0;
	s20 =	sshll.u32 s5, $0x1;
	s5 =	sadd.s32 s21, s3  }
0x9d: {  	[timem:s7], [sflag:s22] =	dma.local [hbm:s5], s20  }
0x9e: {  	_ =	swait.ge [sflag:s22], s20  }
0x9f: {  	s4 =	ssub.s32 $0x0, s20;
	[sflag:s22] =	ssyncset.done $0x0  }
0xa0: {  	[sflag:s22] =	ssyncadd.s32 s4;
	_ =	sdelay $0x1  }
0xa1: {  	s23 =	simm.s32 $0x1B8B  }
0xa2: {  	_ =	swait.ge [sflag:s23], $0x1  }
0xa3: {  	[sflag:s23] =	ssyncset.done $0x0  }
0xa4: {  	s25 =	simm.s32 $0x1B8E;
	s24 =	sld [smem:$0x3FFE];
	[sflag:s23] =	ssyncadd.s32 $0xFFFFFFFF  }
0xa5: {  	s26 =	simm.s32 $execute0_lowered;
	[smem:$0x3FD2] =	sst s25  }
0xa6: {  	s5 =	sshll.u32 s26, $0x1;
	_ =	strace $0x80000046;
	[dreg:$0x1] =	wrdreg $0xFFFFFFFF  }
0xa7: {  	s28 =	simm.s32 $_size_execute0_lowered;
	s3 =	sadd.s32 s3, s5;
	[dreg:$0x0] =	wrdreg $0x0  }
0xa8: {  	s5 =	sshll.u32 s28, $0x1;
	[dreg:$0x2] =	wrdreg s3  }
0xa9: {  	[dreg:$0x3] =	wrdreg s5  }
0xaa: {  	[dreg:$0x4] =	wrdreg $0xC0  }
0xab: {  	_ =	task [dreg:s7], $0x5FFFF  }
0xac: {  	[dreg:$0x1] =	wrdreg $0xFFFFFFFF  }
0xad: {  	[dreg:$0x0] =	wrdreg $0x60  }
0xae: {  	[dreg:$0x2] =	wrdreg s2  }
0xaf: {  	[dreg:$0x3] =	wrdreg s24  }
0xb0: {  	[dreg:$0x4] =	wrdreg $0x9  }
0xb1: {  	_ =	task.clear_ibuf [dreg:s7], $0x5FFFF;
	_ =	strace $0x90000046  }
0xb2: {  	s29 =	simm.s32 $0x9;
	_ =	strace $0x80000048  }
0xb3: {  	_ =	swait.ge [sflag:s29], $0x1  }
0xb4: {  	[sflag:s29] =	ssyncadd.s32 $0xFFFFFFFF  }
0xb5: {  	_ =	strace $0x90000048  }
0xb6: {  	_ =	sfence  }
0xb7: {  	s30 =	sld [smem:$0x0];
	_ =	sdelay $0x2  }
0xb8: {  	s31 =	sshll.u32 s1, $0xD;
	s1 =	sshrl.u32 s1, $0x2  }
0xb9: {  	s3 =	sand.u32 $0x4000, s31;
	s1 =	sadd.s32 s1, s30  }
0xba: {  	s0 =	sor.u32 s3, s0;
	s1 =	sshll.u32 s1, $0x11  }
0xbb: {  	s0 =	sor.u32 s1, s0  }
0xbc: {  	s0 =	sadd.s32 $0x8F2B, s0  }
0xbd: {  	[sflag:s0] =	ssyncadd.remote.s32 $0x1  }
0xbe: {  	_ =	sfence.sel $0xFFFF  }
0xbf: {  	[dreg:$0x0] =	wrdreg $0xFFFFFFFF;
	(pc) =	sbr.abs _section_cstart, $3  }
0xc0: {  	[dreg:$0x1] =	wrdreg $0xFFFFFFFF  }
0xc1: {  	_ =	task.clear_ibuf [dreg:s7], $0x2FFFF;
	_ =	strace $0x9FFFFFFF  }
0xc2: {  	(tm) =	ssettm $0x7FFFFFFF  }
0xc3: {  	_ =	shalt  }
tec
execute0_lowered:
.L_overlay_start_1:
0x0: {  	(tag) =	ssettag $0x1  }
0x1: {  	s0 =	rddreg [dreg:$0x0];
	s1 =	srdreg.scid  }
0x2: {  	s3 =	stileid.u32;
	s2 =	rddreg [dreg:$0x1];
	s25 =	simm.s32 $0x0  }
0x3: {  	s1 =	sand.u32 $0x1, s1;
	s3 =	sshll.u32 s3, $0x1;
	[smem:$0x7FF] =	sst s25  }
0x4: {  	s7 =	sadd.s32 $0xF42800, s2;
	s26 =	sadd.s32 $0x400, s2;
	s3 =	sor.u32 s1, s3  }
0x5: {  	_ =	strace $0x80000047;
	s1 =	ssub.s32 $0x2, s1;
	s4 =	smul.u32 $0xE0000, s3  }
0x6: {  	[smem:$0x7F8] =	sst s7;
	s5 =	sshrl.u32 s1, $0x1;
	s6 =	smul.u32 $0x320, s3  }
0x7: {  	[dreg:$0x3] =	wrdreg s26;
	s3 =	sshll.u32 s3, $0x7;
	s1 =	ssub.s32 s1, s5  }
0x8: {  	[smem:$0x7F9] =	sst s3;
	s4 =	sshrl.u32 s4, $0x3;
	s0 =	sadd.s32 s0, s6  }
0x9: {  	s31 =	smax.u32 s1, $0x1;
	s28 =	sadd.s32 s7, s4;
	[smem:$0x7FA] =	sst s0  }
0xa: {  	[smem:$0x7FD] =	sst s31;
	s29 =	sadd.s32 $0x18800, s28  }
0xb: {  	s30 =	sadd.s32 $0x1A400, s28;
	[smem:$0x7FB] =	sst s29  }
0xc: {  	s2 =	simm.s32 $0x0;
	[smem:$0x7FC] =	sst s30  }
.LBB2_1:
0xd: {  	s0 =	sld [smem:$0x7FA];
	_ =	sdelay $0x1  }
0xe: {  	[smem:$0x7F7] =	sst s2;
	s19 =	simm.s32 $0x5  }
0xf: {  	[tilespmem:s25], [sflag:$0x5] =	stream.linear.gather [hbm4b:s0+s25], $0x1900, $0x38;
	[tilespmem:$0x1D900] =	vst v63  }
0x10: {  	_ =	swait.ge [sflag:s19], $0x1900  }
0x11: {  	[sflag:s19] =	ssyncset.done $0x0  }
0x12: {  	[sflag:s19] =	ssyncadd.s32 $0xFFFFE700  }
0x13: {  	v0 =	vld [tilespmem:s25+$0x0];
	_ =	sdelay $0x3  }
0x14: {  	s6 =	sor.u32 $0x2, s25  }
0x15: {  	s3 =	sor.u32 $0x4, s25;
	s1 =	sand.u32 $0xFFFE, s6;
	v0 =	vshll.u32 v0, $0x4  }
0x16: {  	s8 =	sor.u32 $0x3, s25;
	s4 =	sand.u32 $0xFFFE, s3;
	s1 =	sshrl.u32 s1, $0x1;
	(v2sf) =	vpush v0, $0xA  }
0x17: {  	s21 =	sand.u32 $0xFFFE, s8;
	s4 =	sshrl.u32 s4, $0x1;
	s7 =	smul.u32 $0x147B, s1;
	(v2sf) =	vpush v0, $0xE  }
0x18: {  	s20 =	sand.u32 $0xFFFE, s25;
	s13 =	sshrl.u32 s21, $0x1;
	s12 =	smul.u32 $0x147B, s4;
	(v2sf) =	vpush v0, $0xD  }
0x19: {  	s0 =	sshrl.u32 s20, $0x1;
	s13 =	smul.u32 $0x147B, s13;
	(v2sf) =	vpush v0, $0x1  }
0x1a: {  	s0 =	smul.u32 $0x147B, s0;
	s17 =	sshrl.u32 s7, $0x11;
	(v2sf) =	vpush v0, $0xF  }
0x1b: {  	s19 =	smul.u32 $0x7000, s17;
	(v2sf) =	vpush v0, $0x9  }
0x1c: {  	s18 =	sshrl.u32 s12, $0x11;
	s17 =	smul.u32 $0x32, s17;
	(v2sf) =	vpush v0, $0xB  }
0x1d: {  	s21 =	smul.u32 $0x32, s18;
	(v2sf) =	vpush v0, $0x4  }
0x1e: {  	s13 =	sshrl.u32 s13, $0x11;
	s18 =	smul.u32 $0x7000, s18;
	(v2sf) =	vpush v0, $0x8  }
0x1f: {  	s24 =	smul.u32 $0x32, s13;
	(v2sf) =	vpush v0, $0x5  }
0x20: {  	s5 =	sshrl.u32 s0, $0x11;
	s13 =	smul.u32 $0x7000, s13;
	(v2sf) =	vpush v0, $0x2  }
0x21: {  	s10 =	sor.u32 $0x1, s25;
	s9 =	smul.u32 $0x7000, s5;
	(v2sf) =	vpush v0, $0x6  }
0x22: {  	s5 =	smul.u32 $0x32, s5;
	s6 =	ssub.s32 s6, s17;
	s3 =	ssub.s32 s3, s21;
	(v2sf) =	vpush v0, $0x0  }
0x23: {  	s19 =	sshrl.u32 s19, $0x2;
	s8 =	ssub.s32 s8, s24;
	s13 =	sshrl.u32 s13, $0x2  }
0x24: {  	s18 =	sshrl.u32 s18, $0x2;
	s9 =	sshrl.u32 s9, $0x2;
	s11 =	ssub.s32 $0x0, s5  }
0x25: {  	s5 =	ssub.s32 s10, s5;
	s23 =	sshll.u32 s6, $0x7;
	s2 =	spop (v2sf)  }
0x26: {  	s3 =	sshll.u32 s3, $0x7;
	s6 =	sor.u32 $0xE, s25;
	(v2sf) =	vpush v0, $0x7;
	s0 =	spop (v2sf)  }
0x27: {  	s8 =	sshll.u32 s8, $0x7;
	s15 =	sadd.s32 $0x1900, s9;
	(v2sf) =	vpush v0, $0x3;
	s1 =	spop (v2sf)  }
0x28: {  	s11 =	sshll.u32 s11, $0x7;
	s5 =	sshll.u32 s5, $0x7;
	s14 =	spop (v2sf)  }
0x29: {  	s3 =	sand.u32 $0x3F80, s3;
	s8 =	sand.u32 $0x3F80, s8;
	s4 =	spop (v2sf)  }
0x2a: {  	s24 =	sand.u32 $0xFFFE, s6;
	s16 =	sand.u32 $0x3F80, s11;
	s10 =	spop (v2sf)  }
0x2b: {  	s5 =	sand.u32 $0x3F80, s5;
	s13 =	sadd.s32 s8, s13;
	s9 =	spop (v2sf)  }
0x2c: {  	s18 =	sadd.s32 s3, s18;
	s16 =	sadd.s32 s16, s15;
	s11 =	spop (v2sf)  }
0x2d: {  	s15 =	sadd.s32 s5, s15;
	s13 =	sadd.s32 $0x1900, s13;
	s12 =	spop (v2sf)  }
0x2e: {  	s18 =	sadd.s32 $0x1900, s18;
	s14 =	sand.u32 $0x1FFFFFF0, s14;
	s7 =	spop (v2sf)  }
0x2f: {  	s2 =	sand.u32 $0x1FFFFFF0, s2;
	s14 =	sadd.s32 s26, s14;
	s20 =	spop (v2sf)  }
0x30: {  	s10 =	sand.u32 $0x1FFFFFF0, s10;
	s11 =	sand.u32 $0x1FFFFFF0, s11;
	s5 =	spop (v2sf)  }
0x31: {  	s10 =	sadd.s32 s26, s10;
	s11 =	sadd.s32 s26, s11;
	s22 =	spop (v2sf)  }
0x32: {  	s12 =	sand.u32 $0x1FFFFFF0, s12;
	s7 =	sand.u32 $0x1FFFFFF0, s7;
	s17 =	sand.u32 $0x1FFFFFF0, s22  }
0x33: {  	s12 =	sadd.s32 s26, s12;
	s28 =	sand.u32 $0x1FFFFFF0, s20;
	s17 =	sadd.s32 s26, s17  }
0x34: {  	[tilespmem:s16], [sflag:$0x1] =	stream.linear.gather [hbm4b:s17+s25], $0x80, $0x38;
	[tilespmem:$0x1D900] =	vst v63  }
0x35: {  	s7 =	sadd.s32 s26, s7;
	s16 =	sand.u32 $0x3F80, s23;
	s8 =	spop (v2sf)  }
0x36: {  	s17 =	sor.u32 $0x5, s25;
	s16 =	sadd.s32 s16, s19;
	s29 =	spop (v2sf)  }
0x37: {  	[tilespmem:s15], [sflag:$0x1] =	stream.linear.gather [hbm4b:s14+s25], $0x80, $0x38;
	[tilespmem:$0x1D900] =	vst v63  }
0x38: {  	s19 =	sadd.s32 s26, s28;
	s30 =	sand.u32 $0xFFFE, s17;
	s14 =	sor.u32 $0xF, s25  }
0x39: {  	s15 =	sor.u32 $0x6, s25;
	s20 =	sand.u32 $0x1FFFFFF0, s29;
	s16 =	sadd.s32 $0x1900, s16  }
0x3a: {  	[tilespmem:s16], [sflag:$0x1] =	stream.linear.gather [hbm4b:s19+s25], $0x80, $0x38;
	[tilespmem:$0x1D900] =	vst v63  }
0x3b: {  	s21 =	sadd.s32 s26, s20;
	s23 =	sand.u32 $0xFFFE, s15;
	s16 =	sshrl.u32 s30, $0x1  }
0x3c: {  	s22 =	sand.u32 $0xFFFE, s14;
	s19 =	sshrl.u32 s23, $0x1;
	s16 =	smul.u32 $0x147B, s16  }
0x3d: {  	[tilespmem:s13], [sflag:$0x1] =	stream.linear.gather [hbm4b:s21+s25], $0x80, $0x38;
	[tilespmem:$0x1D900] =	vst v63  }
0x3e: {  	s5 =	sand.u32 $0x1FFFFFF0, s5;
	s19 =	smul.u32 $0x147B, s19;
	s13 =	sshrl.u32 s22, $0x1  }
0x3f: {  	s8 =	sand.u32 $0x1FFFFFF0, s8;
	s13 =	smul.u32 $0x147B, s13;
	s16 =	sshrl.u32 s16, $0x11  }
0x40: {  	s5 =	sadd.s32 s26, s5;
	s8 =	sadd.s32 s26, s8;
	s28 =	smul.u32 $0x32, s16  }
0x41: {  	[tilespmem:s18], [sflag:$0x1] =	stream.linear.gather [hbm4b:s11+s25], $0x80, $0x38;
	[tilespmem:$0x1D900] =	vst v63  }
0x42: {  	s20 =	sshrl.u32 s24, $0x1;
	s29 =	smul.u32 $0x7000, s16;
	s3 =	sshrl.u32 s13, $0x11  }
0x43: {  	s19 =	sshrl.u32 s19, $0x11;
	s30 =	ssub.s32 s17, s28;
	s21 =	smul.u32 $0x32, s3  }
0x44: {  	s17 =	sor.u32 $0x7, s25;
	s13 =	sshrl.u32 s29, $0x2;
	s29 =	smul.u32 $0x32, s19  }
0x45: {  	s19 =	smul.u32 $0x7000, s19;
	s23 =	sshll.u32 s30, $0x7;
	s24 =	sand.u32 $0xFFFE, s17  }
0x46: {  	s3 =	smul.u32 $0x7000, s3;
	s11 =	sand.u32 $0x3F80, s23;
	s16 =	sshrl.u32 s24, $0x1  }
0x47: {  	s15 =	ssub.s32 s15, s29;
	s11 =	sadd.s32 s11, s13;
	s28 =	smul.u32 $0x147B, s16  }
0x48: {  	s13 =	smul.u32 $0x147B, s20;
	s16 =	sor.u32 $0x8, s25;
	s11 =	sadd.s32 $0x1900, s11  }
0x49: {  	[tilespmem:s11], [sflag:$0x1] =	stream.linear.gather [hbm4b:s7+s25], $0x80, $0x38;
	[tilespmem:$0x1D900] =	vst v63  }
0x4a: {  	s15 =	sshll.u32 s15, $0x7;
	s20 =	sand.u32 $0xFFFE, s16;
	s30 =	sshrl.u32 s28, $0x11  }
0x4b: {  	s15 =	sand.u32 $0x3F80, s15;
	s11 =	sor.u32 $0xA, s25;
	s18 =	smul.u32 $0x32, s30  }
0x4c: {  	s7 =	ssub.s32 s14, s21;
	s13 =	sshrl.u32 s13, $0x11;
	s22 =	sand.u32 $0xFFFE, s11  }
0x4d: {  	s23 =	smul.u32 $0x7000, s30;
	s22 =	sshrl.u32 s22, $0x1;
	s14 =	ssub.s32 s17, s18  }
0x4e: {  	s17 =	sshrl.u32 s20, $0x1;
	s18 =	sshrl.u32 s19, $0x2;
	s19 =	smul.u32 $0x147B, s22  }
0x4f: {  	s20 =	sshrl.u32 s23, $0x2;
	s14 =	sshll.u32 s14, $0x7;
	s17 =	smul.u32 $0x147B, s17  }
0x50: {  	s15 =	sadd.s32 s15, s18;
	s18 =	sor.u32 $0x9, s25;
	s14 =	sand.u32 $0x3F80, s14  }
0x51: {  	s24 =	sand.u32 $0xFFFE, s18;
	s15 =	sadd.s32 $0x1900, s15;
	s17 =	sshrl.u32 s17, $0x11  }
0x52: {  	[tilespmem:s15], [sflag:$0x1] =	stream.linear.gather [hbm4b:s5+s25], $0x80, $0x38;
	[tilespmem:$0x1D900] =	vst v63  }
0x53: {  	s14 =	sadd.s32 s14, s20;
	s20 =	sshrl.u32 s24, $0x1;
	s28 =	smul.u32 $0x32, s17  }
0x54: {  	s7 =	sshll.u32 s7, $0x7;
	s14 =	sadd.s32 $0x1900, s14;
	s29 =	smul.u32 $0x147B, s20  }
0x55: {  	[tilespmem:s14], [sflag:$0x1] =	stream.linear.gather [hbm4b:s8+s25], $0x80, $0x38;
	[tilespmem:$0x1D900] =	vst v63  }
0x56: {  	s7 =	sand.u32 $0x3F80, s7;
	s21 =	smul.u32 $0x7000, s17;
	s14 =	sor.u32 $0xB, s25  }
0x57: {  	s8 =	sor.u32 $0xD, s25;
	s30 =	sand.u32 $0xFFFE, s14;
	s15 =	sshrl.u32 s29, $0x11  }
0x58: {  	s5 =	ssub.s32 s16, s28;
	s16 =	sshrl.u32 s21, $0x2;
	s23 =	smul.u32 $0x32, s15  }
0x59: {  	s22 =	sshrl.u32 s30, $0x1;
	s5 =	sshll.u32 s5, $0x7;
	s15 =	smul.u32 $0x7000, s15  }
0x5a: {  	s5 =	sand.u32 $0x3F80, s5;
	s17 =	smul.u32 $0x147B, s22;
	s22 =	sand.u32 $0xFFFE, s8  }
0x5b: {  	(v2sf) =	vpush v0, $0xC;
	s5 =	sadd.s32 s5, s16;
	s16 =	sshrl.u32 s19, $0x11;
	s19 =	sor.u32 $0xC, s25  }
0x5c: {  	s18 =	ssub.s32 s18, s23;
	s15 =	sshrl.u32 s15, $0x2;
	s23 =	smul.u32 $0x32, s13  }
0x5d: {  	s20 =	smul.u32 $0x32, s16;
	s5 =	sadd.s32 $0x1900, s5;
	s28 =	sshrl.u32 s17, $0x11  }
0x5e: {  	[tilespmem:s5], [sflag:$0x1] =	stream.linear.gather [hbm4b:s12+s25], $0x80, $0x38;
	[tilespmem:$0x1D900] =	vst v63  }
0x5f: {  	s24 =	sshll.u32 s18, $0x7;
	s29 =	sand.u32 $0xFFFE, s19;
	s30 =	smul.u32 $0x32, s28  }
0x60: {  	s5 =	sand.u32 $0x3F80, s24;
	s17 =	sshrl.u32 s29, $0x1;
	s12 =	smul.u32 $0x7000, s28  }
0x61: {  	s18 =	ssub.s32 s6, s23;
	s6 =	simm.s32 $0x10;
	s23 =	smul.u32 $0x7000, s13  }
0x62: {  	s29 =	sand.u32 $0x1FFFFFF0, s9;
	s5 =	sadd.s32 s5, s15;
	s21 =	smul.u32 $0x147B, s17  }
0x63: {  	s17 =	sshrl.u32 s22, $0x1;
	s11 =	ssub.s32 s11, s20;
	s31 =	sadd.s32 s26, s29  }
0x64: {  	s20 =	sand.u32 $0x1FFFFFF0, s1;
	s14 =	ssub.s32 s14, s30;
	s17 =	smul.u32 $0x147B, s17  }
0x65: {  	s5 =	sadd.s32 $0x1900, s5;
	s12 =	sshrl.u32 s12, $0x2;
	s30 =	smul.u32 $0x7000, s16  }
0x66: {  	[tilespmem:s5], [sflag:$0x1] =	stream.linear.gather [hbm4b:s10+s25], $0x80, $0x38;
	[tilespmem:$0x1D900] =	vst v63  }
0x67: {  	s9 =	sshll.u32 s11, $0x7;
	s15 =	sshrl.u32 s21, $0x11;
	s24 =	sshll.u32 s14, $0x7  }
0x68: {  	s21 =	simm.s32 $0x10;
	s14 =	sadd.s32 s26, s20;
	s25 =	smul.u32 $0x32, s15  }
0x69: {  	s28 =	sshrl.u32 s17, $0x11;
	s5 =	sand.u32 $0x3F80, s24;
	s11 =	smul.u32 $0x7000, s15  }
0x6a: {  	s15 =	spop (v2sf);
	s24 =	sshrl.u32 s3, $0x2;
	s3 =	sshrl.u32 s23, $0x2  }
0x6b: {  	s17 =	smul.u32 $0x32, s28;
	s5 =	sadd.s32 s5, s12;
	s16 =	sand.u32 $0x1FFFFFF0, s15  }
0x6c: {  	s22 =	smul.u32 $0x7000, s28;
	s28 =	sshll.u32 s18, $0x7;
	s10 =	ssub.s32 s19, s25  }
0x6d: {  	s19 =	sadd.s32 s26, s2;
	s25 =	sand.u32 $0x1FFFFFF0, s0;
	s0 =	sadd.s32 $0x1900, s5  }
0x6e: {  	s29 =	sand.u32 $0x3F80, s28;
	s12 =	ssub.s32 s8, s17;
	s17 =	sand.u32 $0x1FFFFFF0, s4  }
0x6f: {  	s8 =	sshrl.u32 s30, $0x2;
	s4 =	sand.u32 $0x3F80, s9;
	s10 =	sshll.u32 s10, $0x7  }
0x70: {  	s9 =	sshrl.u32 s11, $0x2;
	s11 =	sshrl.u32 s22, $0x2;
	s3 =	sadd.s32 s29, s3  }
0x71: {  	s10 =	sand.u32 $0x3F80, s10;
	s4 =	sadd.s32 s4, s8;
	s8 =	sadd.s32 s26, s16  }
0x72: {  	s30 =	sshll.u32 s12, $0x7;
	s16 =	simm.s32 $0x0;
	s10 =	sadd.s32 s10, s9  }
0x73: {  	s1 =	sadd.s32 $0x1900, s4;
	s15 =	sand.u32 $0x3F80, s30;
	s4 =	sadd.s32 s26, s25  }
.LBB2_2:
0x74: {  	s13 =	smov.u32 s6;
	s5 =	sand.u32 $0xFFFE, s6;
	s7 =	sadd.s32 s7, s24  }
0x75: {  	s2 =	sor.u32 $0x2, s6;
	s10 =	sadd.s32 $0x1900, s10;
	s11 =	sadd.s32 s15, s11  }
0x76: {  	s3 =	sadd.s32 $0x1900, s3;
	s12 =	sand.u32 $0xFFFE, s2;
	s7 =	sadd.s32 $0x1900, s7  }
0x77: {  	[tilespmem:s1], [sflag:$0x1] =	stream.linear.gather [hbm4b:s19+s16], $0x80, $0x38;
	[tilespmem:$0x1D900] =	vst v63  }
0x78: {  	s5 =	sshrl.u32 s5, $0x1;
	s1 =	sor.u32 $0x4, s6;
	s22 =	sshrl.u32 s12, $0x1  }
0x79: {  	s5 =	smul.u32 $0x147B, s5;
	s24 =	sadd.s32 s26, s17;
	s20 =	sand.u32 $0xFFFE, s1  }
0x7a: {  	[tilespmem:s0], [sflag:$0x1] =	stream.linear.gather [hbm4b:s31+s16], $0x80, $0x38;
	[tilespmem:$0x1D900] =	vst v63  }
0x7b: {  	s26 =	smul.u32 $0x147B, s22;
	s0 =	sor.u32 $0x3, s6;
	s28 =	sshrl.u32 s20, $0x1  }
0x7c: {  	s25 =	sshrl.u32 s5, $0x11;
	s23 =	sand.u32 $0xFFFE, s0;
	s5 =	smul.u32 $0x147B, s28  }
0x7d: {  	[tilespmem:s10], [sflag:$0x1] =	stream.linear.gather [hbm4b:s8+s16], $0x80, $0x38;
	[tilespmem:$0x1D900] =	vst v63  }
0x7e: {  	s11 =	sadd.s32 $0x1900, s11;
	s29 =	smul.u32 $0x7000, s25;
	s10 =	sshrl.u32 s23, $0x1  }
0x7f: {  	s30 =	sor.u32 $0x1, s13;
	s5 =	sshrl.u32 s5, $0x11;
	s17 =	smul.u32 $0x147B, s10  }
0x80: {  	[tilespmem:s11], [sflag:$0x1] =	stream.linear.gather [hbm4b:s14+s16], $0x80, $0x38;
	[tilespmem:$0x1D900] =	vst v63  }
0x81: {  	s22 =	sor.u32 $0xF, s13;
	s8 =	sshrl.u32 s29, $0x2;
	s18 =	smul.u32 $0x32, s5  }
0x82: {  	[tilespmem:s3], [sflag:$0x1] =	stream.linear.gather [hbm4b:s4+s16], $0x80, $0x38;
	[tilespmem:$0x1D900] =	vst v63  }
0x83: {  	s23 =	sand.u32 $0xFFFE, s22;
	s12 =	sadd.s32 $0x1900, s8;
	s5 =	smul.u32 $0x7000, s5  }
0x84: {  	[tilespmem:s7], [sflag:$0x1] =	stream.linear.gather [hbm4b:s24+s16], $0x80, $0x38;
	[tilespmem:$0x1D900] =	vst v63  }
0x85: {  	s3 =	smul.u32 $0x32, s25;
	s4 =	sshrl.u32 s26, $0x11;
	s1 =	ssub.s32 s1, s18;
	v0 =	vld [tilespmem:s21+$0x0]  }
0x86: {  	s5 =	sshrl.u32 s5, $0x2;
	s15 =	smul.u32 $0x7000, s4;
	s1 =	sshll.u32 s1, $0x7  }
0x87: {  	s9 =	ssub.s32 s13, s3;
	s3 =	ssub.s32 s30, s3;
	s16 =	smul.u32 $0x32, s4  }
0x88: {  	s4 =	sshrl.u32 s17, $0x11;
	s1 =	sand.u32 $0x3F80, s1;
	s14 =	sshll.u32 s9, $0x7  }
0x89: {  	s3 =	sshll.u32 s3, $0x7;
	s19 =	sshrl.u32 s15, $0x2;
	s20 =	smul.u32 $0x32, s4  }
0x8a: {  	s9 =	sor.u32 $0xE, s13;
	s4 =	smul.u32 $0x7000, s4;
	s26 =	sadd.s32 s1, s5;
	v0 =	vshll.u32 v0, $0x4  }
0x8b: {  	s8 =	sand.u32 $0x3F80, s14;
	s3 =	sand.u32 $0x3F80, s3;
	[dreg:$0xf] =	wrdreg s9;
	(v2sf) =	vpush v0, $0xA  }
0x8c: {  	s2 =	ssub.s32 s2, s16;
	s25 =	sand.u32 $0xFFFE, s9;
	[dreg:$0x1d] =	wrdreg s26;
	(v2sf) =	vpush v0, $0xE  }
0x8d: {  	s14 =	sor.u32 $0xA, s13;
	s8 =	sadd.s32 s8, s12;
	s3 =	sadd.s32 s3, s12;
	(v2sf) =	vpush v0, $0xD  }
0x8e: {  	s2 =	sshll.u32 s2, $0x7;
	s0 =	ssub.s32 s0, s20;
	[smem:$0x7EE] =	sst s14;
	(v2sf) =	vpush v0, $0x1  }
0x8f: {  	s4 =	sshrl.u32 s4, $0x2;
	s12 =	sshrl.u32 s25, $0x1;
	[dreg:$0xe] =	wrdreg s8;
	(v2sf) =	vpush v0, $0xF  }
0x90: {  	s7 =	sand.u32 $0xFFFE, s14;
	[dreg:$0xd] =	wrdreg s3;
	s3 =	sor.u32 $0x6, s13;
	(v2sf) =	vpush v0, $0x9  }
0x91: {  	s8 =	sshrl.u32 s23, $0x1;
	s0 =	sshll.u32 s0, $0x7;
	s23 =	sor.u32 $0x5, s13;
	(v2sf) =	vpush v0, $0xB  }
0x92: {  	s29 =	sand.u32 $0x3F80, s2;
	s15 =	smul.u32 $0x147B, s12;
	s26 =	sshrl.u32 s7, $0x1;
	(v2sf) =	vpush v0, $0x4  }
0x93: {  	s7 =	sor.u32 $0x9, s13;
	s24 =	sand.u32 $0xFFFE, s3;
	s8 =	smul.u32 $0x147B, s8;
	(v2sf) =	vpush v0, $0x8  }
0x94: {  	s0 =	sand.u32 $0x3F80, s0;
	s28 =	sand.u32 $0xFFFE, s23;
	s11 =	sshrl.u32 s24, $0x1  }
0x95: {  	s0 =	sadd.s32 s0, s4;
	[smem:$0x7EA] =	sst s15;
	s4 =	smul.u32 $0x147B, s26  }
0x96: {  	s17 =	sshrl.u32 s28, $0x1;
	s28 =	sor.u32 $0xD, s13;
	s11 =	smul.u32 $0x147B, s11  }
0x97: {  	[dreg:$0x1c] =	wrdreg s0;
	s8 =	sshrl.u32 s8, $0x11;
	s0 =	sadd.s32 s29, s19;
	(v2sf) =	vpush v0, $0x5  }
0x98: {  	s20 =	smul.u32 $0x147B, s17;
	[smem:$0x7F1] =	sst s28;
	s29 =	sand.u32 $0xFFFE, s7;
	(v2sf) =	vpush v0, $0x2  }
0x99: {  	[smem:$0x7ED] =	sst s0;
	s0 =	sor.u32 $0x7, s13;
	s9 =	smul.u32 $0x32, s8;
	(v2sf) =	vpush v0, $0x6  }
0x9a: {  	s1 =	smul.u32 $0x7000, s8;
	s30 =	sshrl.u32 s11, $0x11;
	(v2sf) =	vpush v0, $0x0;
	s11 =	spop (v2sf)  }
0x9b: {  	s8 =	sor.u32 $0x8, s13;
	s17 =	sshrl.u32 s29, $0x1;
	s16 =	spop (v2sf)  }
0x9c: {  	s25 =	sand.u32 $0xFFFE, s8;
	s12 =	smul.u32 $0x147B, s17;
	s24 =	spop (v2sf)  }
0x9d: {  	s20 =	sshrl.u32 s20, $0x11;
	[smem:$0x7E9] =	sst s1;
	s15 =	spop (v2sf)  }
0x9e: {  	s10 =	ssub.s32 s22, s9;
	s18 =	smul.u32 $0x7000, s30;
	s19 =	spop (v2sf)  }
0x9f: {  	s25 =	sshrl.u32 s25, $0x1;
	s5 =	smul.u32 $0x32, s30;
	s2 =	spop (v2sf)  }
0xa0: {  	s1 =	sand.u32 $0xFFFE, s0;
	s14 =	sshll.u32 s10, $0x7;
	s10 =	spop (v2sf)  }
0xa1: {  	s31 =	sshrl.u32 s1, $0x1;
	s25 =	smul.u32 $0x147B, s25;
	s22 =	spop (v2sf)  }
0xa2: {  	s12 =	sshrl.u32 s12, $0x11;
	s3 =	ssub.s32 s3, s5;
	s30 =	spop (v2sf)  }
0xa3: {  	s5 =	sor.u32 $0xB, s13;
	s18 =	sshrl.u32 s18, $0x2;
	[smem:$0x7EB] =	sst s30  }
0xa4: {  	s3 =	sshll.u32 s3, $0x7;
	s11 =	sand.u32 $0x1FFFFFF0, s11;
	s30 =	rddreg [dreg:$0x3]  }
0xa5: {  	[smem:$0x7EC] =	sst s16;
	s1 =	sadd.s32 s30, s11;
	s30 =	smul.u32 $0x32, s20  }
0xa6: {  	s25 =	sshrl.u32 s25, $0x11;
	s16 =	spop (v2sf);
	s11 =	smul.u32 $0x147B, s31  }
0xa7: {  	s17 =	sand.u32 $0x1FFFFFF0, s15;
	s9 =	spop (v2sf);
	s31 =	smul.u32 $0x32, s25  }
0xa8: {  	s15 =	sand.u32 $0xFFFE, s5;
	(v2sf) =	vpush v0, $0x7;
	s20 =	smul.u32 $0x7000, s20;
	s28 =	spop (v2sf)  }
0xa9: {  	s9 =	sand.u32 $0x1FFFFFF0, s9;
	[smem:$0x7F2] =	sst s1;
	s29 =	spop (v2sf)  }
0xaa: {  	s1 =	sand.u32 $0x3F80, s3;
	s26 =	sand.u32 $0x1FFFFFF0, s29;
	s29 =	rddreg [dreg:$0x3]  }
0xab: {  	(v2sf) =	vpush v0, $0x3;
	s11 =	sshrl.u32 s11, $0x11;
	s8 =	ssub.s32 s8, s31;
	s3 =	sadd.s32 s29, s17  }
0xac: {  	s17 =	sshrl.u32 s15, $0x1;
	s15 =	sand.u32 $0x1FFFFFF0, s19;
	s19 =	rddreg [dreg:$0x3]  }
0xad: {  	s23 =	ssub.s32 s23, s30;
	s20 =	sshrl.u32 s20, $0x2;
	[smem:$0x7EF] =	sst s3  }
0xae: {  	s1 =	sadd.s32 s1, s18;
	s8 =	sshll.u32 s8, $0x7;
	[smem:$0x7F3] =	sst s15  }
0xaf: {  	(v2sf) =	vpush v0, $0xC;
	s29 =	sand.u32 $0x1FFFFFF0, s10;
	s3 =	sadd.s32 s19, s9;
	s19 =	rddreg [dreg:$0x3]  }
0xb0: {  	s8 =	sand.u32 $0x3F80, s8;
	s9 =	smul.u32 $0x32, s11;
	[smem:$0x7F0] =	sst s3  }
0xb1: {  	s10 =	sadd.s32 s19, s26;
	s3 =	smul.u32 $0x7000, s11;
	s11 =	sor.u32 $0xC, s13  }
0xb2: {  	s19 =	smul.u32 $0x7000, s25;
	s26 =	sand.u32 $0x1FFFFFF0, s16;
	s31 =	ssub.s32 s0, s9  }
0xb3: {  	s9 =	sand.u32 $0x1FFFFFF0, s28;
	s0 =	sshll.u32 s23, $0x7;
	s23 =	sshrl.u32 s4, $0x11  }
0xb4: {  	s4 =	rddreg [dreg:$0x3];
	s13 =	sshrl.u32 s19, $0x2;
	s19 =	sand.u32 $0x1FFFFFF0, s2  }
0xb5: {  	s16 =	sadd.s32 s8, s13;
	s8 =	sand.u32 $0x3F80, s0;
	s0 =	smul.u32 $0x7000, s23  }
0xb6: {  	s25 =	sshrl.u32 s3, $0x2;
	[smem:$0x7F4] =	sst s19;
	s19 =	smul.u32 $0x32, s23  }
0xb7: {  	s18 =	sadd.s32 s8, s20;
	s20 =	smul.u32 $0x147B, s17;
	s28 =	spop (v2sf)  }
0xb8: {  	s23 =	sadd.s32 $0x10, s21;
	s15 =	sand.u32 $0x1FFFFFF0, s28;
	s28 =	smul.u32 $0x7000, s12  }
0xb9: {  	s21 =	rddreg [dreg:$0x3];
	s8 =	sshll.u32 s31, $0x7;
	s12 =	smul.u32 $0x32, s12  }
0xba: {  	s31 =	sadd.s32 s21, s29;
	s17 =	sld [smem:$0x7E9];
	s3 =	spop (v2sf)  }
0xbb: {  	s20 =	sshrl.u32 s20, $0x11;
	s12 =	ssub.s32 s7, s12;
	s13 =	sand.u32 $0x1FFFFFF0, s3  }
0xbc: {  	s3 =	sadd.s32 $0x1900, s1;
	s1 =	sand.u32 $0x3F80, s8;
	s8 =	sshll.u32 s12, $0x7  }
0xbd: {  	s12 =	rddreg [dreg:$0x3];
	s4 =	sadd.s32 s4, s13;
	s13 =	sshrl.u32 s0, $0x2  }
0xbe: {  	s30 =	spop (v2sf);
	[smem:$0x7F5] =	sst s13;
	s13 =	sand.u32 $0x1FFFFFF0, s24  }
0xbf: {  	s2 =	sand.u32 $0x3F80, s8;
	s29 =	sand.u32 $0x1FFFFFF0, s30;
	[smem:$0x7F6] =	sst s13  }
0xc0: {  	s30 =	sshrl.u32 s28, $0x2;
	s8 =	sadd.s32 s12, s29;
	s29 =	rddreg [dreg:$0x3]  }
0xc1: {  	s7 =	sand.u32 $0x3F80, s14;
	s14 =	sadd.s32 s2, s30;
	s30 =	sld [smem:$0x7EA]  }
0xc2: {  	s21 =	smul.u32 $0x32, s20;
	s12 =	rddreg [dreg:$0x3]  }
0xc3: {  	s28 =	sand.u32 $0xFFFE, s11;
	s2 =	sand.u32 $0x1FFFFFF0, s22;
	s13 =	sld [smem:$0x7EB]  }
0xc4: {  	s26 =	sadd.s32 s29, s26;
	s29 =	sadd.s32 s12, s2;
	s2 =	sld [smem:$0x7EC]  }
0xc5: {  	s24 =	sshrl.u32 s17, $0x2;
	s17 =	sshrl.u32 s28, $0x1;
	s28 =	sshrl.u32 s30, $0x11  }
0xc6: {  	s30 =	ssub.s32 s5, s21;
	s21 =	sand.u32 $0x1FFFFFF0, s13;
	s13 =	sld [smem:$0x7ED]  }
0xc7: {  	s1 =	sadd.s32 s1, s25;
	s12 =	sand.u32 $0x1FFFFFF0, s2;
	s2 =	rddreg [dreg:$0x1d]  }
0xc8: {  	s25 =	sadd.s32 $0x1900, s1;
	s1 =	sadd.s32 $0x1900, s2  }
0xc9: {  	s2 =	simm.s32 $0x0;
	s0 =	sadd.s32 $0x1900, s13;
	s13 =	rddreg [dreg:$0xe]  }
0xca: {  	[tilespmem:s13], [sflag:$0x1] =	stream.linear.gather [hbm4b:s10+s2], $0x80, $0x38;
	[tilespmem:$0x1D900] =	vst v63  }
0xcb: {  	s20 =	smul.u32 $0x7000, s20;
	s13 =	sld [smem:$0x7EE]  }
0xcc: {  	s30 =	sshll.u32 s30, $0x7  }
0xcd: {  	s20 =	sshrl.u32 s20, $0x2;
	s5 =	rddreg [dreg:$0x3];
	s30 =	sand.u32 $0x3F80, s30  }
0xce: {  	s10 =	ssub.s32 s13, s19;
	s19 =	sadd.s32 s30, s20;
	s30 =	sld [smem:$0x7EF]  }
0xcf: {  	p0 =	sne.s32 s6, $0x180;
	s5 =	sadd.s32 s5, s21;
	s21 =	rddreg [dreg:$0x1c]  }
0xd0: {  	s6 =	sadd.s32 $0x10, s6;
	s17 =	smul.u32 $0x147B, s17;
	s13 =	rddreg [dreg:$0xd]  }
0xd1: {  	[tilespmem:s13], [sflag:$0x1] =	stream.linear.gather [hbm4b:s30+s2], $0x80, $0x38;
	[tilespmem:$0x1D900] =	vst v63  }
0xd2: {  	s16 =	sadd.s32 $0x1900, s16;
	s22 =	smul.u32 $0x7000, s28;
	s30 =	sld [smem:$0x7F0]  }
0xd3: {  	s14 =	sadd.s32 $0x1900, s14;
	s17 =	sshrl.u32 s17, $0x11;
	s21 =	sadd.s32 $0x1900, s21  }
0xd4: {  	s22 =	sshrl.u32 s22, $0x2;
	s20 =	rddreg [dreg:$0x3];
	s10 =	sshll.u32 s10, $0x7  }
0xd5: {  	[tilespmem:s0], [sflag:$0x1] =	stream.linear.gather [hbm4b:s30+s2], $0x80, $0x38;
	[tilespmem:$0x1D900] =	vst v63  }
0xd6: {  	s0 =	sadd.s32 s20, s15;
	s30 =	rddreg [dreg:$0x3];
	s20 =	smul.u32 $0x7000, s17  }
0xd7: {  	s17 =	smul.u32 $0x32, s17;
	s9 =	sadd.s32 s30, s9;
	s30 =	sld [smem:$0x7F1]  }
0xd8: {  	[tilespmem:s21], [sflag:$0x1] =	stream.linear.gather [hbm4b:s4+s2], $0x80, $0x38;
	[tilespmem:$0x1D900] =	vst v63  }
0xd9: {  	s15 =	smul.u32 $0x32, s28;
	s28 =	rddreg [dreg:$0xf];
	s21 =	smov.u32 s23  }
0xda: {  	s4 =	sadd.s32 $0x1900, s18;
	s17 =	ssub.s32 s11, s17;
	s13 =	sand.u32 $0xFFFE, s30  }
0xdb: {  	[tilespmem:s1], [sflag:$0x1] =	stream.linear.gather [hbm4b:s29+s2], $0x80, $0x38;
	[tilespmem:$0x1D900] =	vst v63  }
0xdc: {  	s15 =	ssub.s32 s28, s15;
	s28 =	sld [smem:$0x7F5];
	s13 =	sshrl.u32 s13, $0x1  }
0xdd: {  	s1 =	sshll.u32 s17, $0x7;
	s17 =	sld [smem:$0x7F3];
	s23 =	smul.u32 $0x147B, s13  }
0xde: {  	[tilespmem:s4], [sflag:$0x1] =	stream.linear.gather [hbm4b:s26+s2], $0x80, $0x38;
	[tilespmem:$0x1D900] =	vst v63  }
0xdf: {  	s10 =	sand.u32 $0x3F80, s10;
	s1 =	sand.u32 $0x3F80, s1;
	s26 =	rddreg [dreg:$0x3]  }
0xe0: {  	s4 =	sshrl.u32 s20, $0x2;
	s13 =	sshll.u32 s15, $0x7;
	s29 =	sshrl.u32 s23, $0x11  }
0xe1: {  	[tilespmem:s3], [sflag:$0x1] =	stream.linear.gather [hbm4b:s9+s2], $0x80, $0x38;
	[tilespmem:$0x1D900] =	vst v63  }
0xe2: {  	s15 =	simm.s32 $0x0;
	s9 =	sand.u32 $0x3F80, s13;
	s11 =	smul.u32 $0x7000, s29  }
0xe3: {  	s23 =	sld [smem:$0x7F4];
	s18 =	smul.u32 $0x32, s29;
	s29 =	sadd.s32 s10, s28  }
0xe4: {  	s10 =	sadd.s32 s1, s4;
	s3 =	sadd.s32 s9, s22;
	s4 =	sadd.s32 s26, s12  }
0xe5: {  	[tilespmem:s25], [sflag:$0x1] =	stream.linear.gather [hbm4b:s0+s2], $0x80, $0x38;
	[tilespmem:$0x1D900] =	vst v63  }
0xe6: {  	s0 =	sadd.s32 $0x1900, s19;
	s19 =	sld [smem:$0x7F2];
	s1 =	sadd.s32 $0x1900, s29  }
.Ltmp0:
0xe7: {  	s20 =	ssub.s32 s30, s18;
	s30 =	sld [smem:$0x7F6];
	(pc) =	sbr.rel @p0 .LBB2_2-.Ltmp0, $4  }
0xe8: {  	[tilespmem:s16], [sflag:$0x1] =	stream.linear.gather [hbm4b:s5+s15], $0x80, $0x38;
	[tilespmem:$0x1D900] =	vst v63  }
0xe9: {  	s25 =	sadd.s32 s26, s23;
	s16 =	simm.s32 $0x0;
	s2 =	sshll.u32 s20, $0x7  }
0xea: {  	[tilespmem:s14], [sflag:$0x1] =	stream.linear.gather [hbm4b:s25+s16], $0x80, $0x38;
	[tilespmem:$0x1D900] =	vst v63  }
0xeb: {  	s11 =	sshrl.u32 s11, $0x2;
	s15 =	sand.u32 $0x3F80, s2;
	s14 =	sadd.s32 s26, s30  }
0xec: {  	[tilespmem:s1], [sflag:$0x1] =	stream.linear.gather [hbm4b:s19+s16], $0x80, $0x38;
	[tilespmem:$0x1D900] =	vst v63  }
0xed: {  	_ = 	snop  }
0xee: {  	[tilespmem:s0], [sflag:$0x1] =	stream.linear.gather [hbm4b:s31+s16], $0x80, $0x38;
	[tilespmem:$0x1D900] =	vst v63  }
0xef: {  	s20 =	sadd.s32 $0x1900, s10;
	s21 =	sadd.s32 s15, s11  }
0xf0: {  	[tilespmem:s20], [sflag:$0x1] =	stream.linear.gather [hbm4b:s8+s16], $0x80, $0x38;
	[tilespmem:$0x1D900] =	vst v63  }
0xf1: {  	s22 =	sadd.s32 $0x1900, s21  }
0xf2: {  	[tilespmem:s22], [sflag:$0x1] =	stream.linear.gather [hbm4b:s14+s16], $0x80, $0x38;
	[tilespmem:$0x1D900] =	vst v63  }
0xf3: {  	s23 =	sadd.s32 s7, s24;
	s24 =	sadd.s32 $0x1900, s3  }
0xf4: {  	[tilespmem:s24], [sflag:$0x1] =	stream.linear.gather [hbm4b:s4+s16], $0x80, $0x38;
	[tilespmem:$0x1D900] =	vst v63  }
0xf5: {  	s25 =	sadd.s32 s26, s17;
	s28 =	simm.s32 $0x190;
	s0 =	sadd.s32 $0x1900, s23  }
0xf6: {  	[tilespmem:s0], [sflag:$0x1] =	stream.linear.gather [hbm4b:s25+s16], $0x80, $0x38;
	[tilespmem:$0x1D900] =	vst v63  }
0xf7: {  	v0 =	vld [tilespmem:s28+$0x0];
	_ =	sdelay $0x2  }
0xf8: {  	s30 =	sor.u32 $0x2, s16  }
0xf9: {  	s5 =	sand.u32 $0xFFFE, s30  }
0xfa: {  	s5 =	sshrl.u32 s5, $0x1;
	v0 =	vshll.u32 v0, $0x4  }
0xfb: {  	s29 =	sand.u32 $0xFFFE, s16;
	s5 =	smul.u32 $0x147B, s5;
	(v2sf) =	vpush v0, $0xA  }
0xfc: {  	s0 =	sshrl.u32 s29, $0x1;
	(v2sf) =	vpush v0, $0x2  }
0xfd: {  	s5 =	sshrl.u32 s5, $0x11;
	s0 =	smul.u32 $0x147B, s0;
	(v2sf) =	vpush v0, $0x0  }
0xfe: {  	s24 =	smul.u32 $0x32, s5;
	(v2sf) =	vpush v0, $0x7  }
0xff: {  	s3 =	sor.u32 $0x3, s16;
	s5 =	smul.u32 $0x7000, s5;
	s0 =	sshrl.u32 s0, $0x11;
	(v2sf) =	vpush v0, $0x5  }
0x100: {  	s20 =	sand.u32 $0xFFFE, s3;
	s6 =	smul.u32 $0x32, s0;
	(v2sf) =	vpush v0, $0x4  }
0x101: {  	s23 =	sshrl.u32 s20, $0x1;
	s14 =	sor.u32 $0x1, s16;
	s2 =	smul.u32 $0x7000, s0  }
0x102: {  	s4 =	ssub.s32 s30, s24;
	s13 =	ssub.s32 $0x0, s6;
	s6 =	ssub.s32 s14, s6;
	(v2sf) =	vpush v0, $0x1  }
0x103: {  	s12 =	sshrl.u32 s2, $0x2;
	s15 =	sshll.u32 s13, $0x7;
	s6 =	sshll.u32 s6, $0x7  }
0x104: {  	s8 =	sadd.s32 $0xF900, s12;
	s17 =	sand.u32 $0x3F80, s15;
	s6 =	sand.u32 $0x3F80, s6  }
0x105: {  	s10 =	sadd.s32 s17, s8;
	s6 =	sadd.s32 s6, s8;
	s8 =	smul.u32 $0x147B, s23  }
0x106: {  	s22 =	sor.u32 $0x4, s16;
	s4 =	sshll.u32 s4, $0x7  }
0x107: {  	s5 =	sshrl.u32 s5, $0x2;
	s4 =	sand.u32 $0x3F80, s4;
	s8 =	sshrl.u32 s8, $0x11  }
0x108: {  	s25 =	sand.u32 $0xFFFE, s22;
	s4 =	sadd.s32 s4, s5;
	s30 =	smul.u32 $0x32, s8  }
0x109: {  	s28 =	sshrl.u32 s25, $0x1;
	s4 =	sadd.s32 $0xF900, s4  }
0x10a: {  	s8 =	smul.u32 $0x7000, s8;
	s3 =	ssub.s32 s3, s30;
	s1 =	spop (v2sf)  }
0x10b: {  	s14 =	sor.u32 $0x7, s16;
	s3 =	sshll.u32 s3, $0x7;
	s31 =	spop (v2sf)  }
0x10c: {  	s8 =	sshrl.u32 s8, $0x2;
	s3 =	sand.u32 $0x3F80, s3;
	s9 =	spop (v2sf)  }
0x10d: {  	s12 =	sor.u32 $0x6, s16;
	s3 =	sadd.s32 s3, s8;
	s0 =	spop (v2sf)  }
0x10e: {  	s3 =	sadd.s32 $0xF900, s3;
	s9 =	sand.u32 $0x1FFFFFF0, s9;
	s2 =	spop (v2sf)  }
0x10f: {  	s7 =	sand.u32 $0x1FFFFFF0, s31;
	s9 =	sadd.s32 s26, s9;
	s18 =	spop (v2sf)  }
0x110: {  	(v2sf) =	vpush v0, $0x3;
	[tilespmem:s10], [sflag:$0x2] =	stream.linear.gather [hbm4b:s9+s16], $0x80, $0x38;
	[tilespmem:$0x1D900] =	vst v63  }
0x111: {  	s31 =	sor.u32 $0x5, s16;
	s7 =	sadd.s32 s26, s7;
	s19 =	spop (v2sf)  }
0x112: {  	s0 =	sand.u32 $0x1FFFFFF0, s0;
	s10 =	sand.u32 $0xFFFE, s31;
	s9 =	sand.u32 $0x1FFFFFF0, s19  }
0x113: {  	s2 =	sand.u32 $0x1FFFFFF0, s2;
	s21 =	sadd.s32 s26, s9;
	s9 =	smul.u32 $0x147B, s28  }
0x114: {  	(v2sf) =	vpush v0, $0x6;
	[tilespmem:s6], [sflag:$0x2] =	stream.linear.gather [hbm4b:s21+s16], $0x80, $0x38;
	[tilespmem:$0x1D900] =	vst v63  }
0x115: {  	s0 =	sadd.s32 s26, s0;
	s15 =	sand.u32 $0x1FFFFFF0, s18;
	s6 =	sshrl.u32 s10, $0x1  }
0x116: {  	s18 =	sand.u32 $0xFFFE, s12;
	s9 =	sshrl.u32 s9, $0x11;
	s6 =	smul.u32 $0x147B, s6  }
0x117: {  	(v2sf) =	vpush v0, $0x8;
	s2 =	sadd.s32 s26, s2;
	s17 =	sadd.s32 s26, s15;
	s29 =	smul.u32 $0x32, s9  }
0x118: {  	[tilespmem:s4], [sflag:$0x2] =	stream.linear.gather [hbm4b:s7+s16], $0x80, $0x38;
	[tilespmem:$0x1D900] =	vst v63  }
0x119: {  	s19 =	sand.u32 $0xFFFE, s14;
	s9 =	smul.u32 $0x7000, s9;
	s6 =	sshrl.u32 s6, $0x11  }
0x11a: {  	s21 =	sor.u32 $0x9, s16;
	s5 =	ssub.s32 s22, s29;
	s20 =	smul.u32 $0x32, s6  }
0x11b: {  	(v2sf) =	vpush v0, $0xB;
	s9 =	sshrl.u32 s9, $0x2;
	s22 =	sand.u32 $0xFFFE, s21;
	s6 =	smul.u32 $0x7000, s6  }
0x11c: {  	s29 =	sor.u32 $0x8, s16;
	s5 =	sshll.u32 s5, $0x7;
	s10 =	sshrl.u32 s22, $0x1  }
0x11d: {  	s30 =	sand.u32 $0xFFFE, s29;
	s5 =	sand.u32 $0x3F80, s5;
	s7 =	ssub.s32 s31, s20  }
0x11e: {  	s6 =	sshrl.u32 s6, $0x2;
	s23 =	smul.u32 $0x147B, s10;
	s7 =	sshll.u32 s7, $0x7  }
0x11f: {  	s5 =	sadd.s32 s5, s9;
	s7 =	sand.u32 $0x3F80, s7;
	s13 =	spop (v2sf)  }
0x120: {  	s6 =	sadd.s32 s7, s6;
	s7 =	sshrl.u32 s23, $0x11;
	s9 =	sand.u32 $0x1FFFFFF0, s13  }
0x121: {  	s5 =	sadd.s32 $0xF900, s5;
	s31 =	smul.u32 $0x7000, s7;
	s9 =	sadd.s32 s26, s9  }
0x122: {  	[tilespmem:s3], [sflag:$0x2] =	stream.linear.gather [hbm4b:s9+s16], $0x80, $0x38;
	[tilespmem:$0x1D900] =	vst v63  }
0x123: {  	s28 =	spop (v2sf);
	s7 =	smul.u32 $0x32, s7;
	s9 =	sshrl.u32 s19, $0x1  }
0x124: {  	s6 =	sadd.s32 $0xF900, s6;
	s4 =	sand.u32 $0x1FFFFFF0, s28;
	s9 =	smul.u32 $0x147B, s9  }
0x125: {  	[tilespmem:s5], [sflag:$0x2] =	stream.linear.gather [hbm4b:s17+s16], $0x80, $0x38;
	[tilespmem:$0x1D900] =	vst v63  }
0x126: {  	s13 =	spop (v2sf);
	s4 =	sadd.s32 s26, s4;
	s5 =	sshrl.u32 s18, $0x1  }
0x127: {  	s3 =	ssub.s32 s21, s7;
	s5 =	smul.u32 $0x147B, s5;
	s25 =	sshrl.u32 s9, $0x11  }
0x128: {  	[tilespmem:s6], [sflag:$0x2] =	stream.linear.gather [hbm4b:s2+s16], $0x80, $0x38;
	[tilespmem:$0x1D900] =	vst v63  }
0x129: {  	(v2sf) =	vpush v0, $0xC;
	s15 =	sand.u32 $0x1FFFFFF0, s13;
	s3 =	sshll.u32 s3, $0x7;
	s9 =	smul.u32 $0x32, s25  }
0x12a: {  	(v2sf) =	vpush v0, $0x9;
	s17 =	spop (v2sf);
	s6 =	smul.u32 $0x7000, s25;
	s5 =	sshrl.u32 s5, $0x11  }
0x12b: {  	s18 =	sor.u32 $0xA, s16;
	s24 =	smul.u32 $0x32, s5;
	s8 =	ssub.s32 s14, s9  }
0x12c: {  	s3 =	sand.u32 $0x3F80, s3;
	s5 =	smul.u32 $0x7000, s5;
	s8 =	sshll.u32 s8, $0x7  }
0x12d: {  	s6 =	sshrl.u32 s6, $0x2;
	s2 =	ssub.s32 s12, s24;
	s8 =	sand.u32 $0x3F80, s8  }
0x12e: {  	s2 =	sshll.u32 s2, $0x7;
	s6 =	sadd.s32 s8, s6;
	s8 =	sshrl.u32 s30, $0x1  }
0x12f: {  	s5 =	sshrl.u32 s5, $0x2;
	s2 =	sand.u32 $0x3F80, s2;
	s8 =	smul.u32 $0x147B, s8  }
0x130: {  	s19 =	sand.u32 $0xFFFE, s18;
	s12 =	sor.u32 $0xD, s16;
	s2 =	sadd.s32 s2, s5  }
0x131: {  	s24 =	sor.u32 $0xB, s16;
	s2 =	sadd.s32 $0xF900, s2;
	s10 =	sshrl.u32 s8, $0x11  }
0x132: {  	[tilespmem:s2], [sflag:$0x2] =	stream.linear.gather [hbm4b:s4+s16], $0x80, $0x38;
	[tilespmem:$0x1D900] =	vst v63  }
0x133: {  	s21 =	sand.u32 $0xFFFE, s12;
	s11 =	sadd.s32 $0xF900, s6;
	s14 =	smul.u32 $0x32, s10  }
0x134: {  	[tilespmem:s11], [sflag:$0x2] =	stream.linear.gather [hbm4b:s0+s16], $0x80, $0x38;
	[tilespmem:$0x1D900] =	vst v63  }
0x135: {  	s25 =	sand.u32 $0xFFFE, s24;
	s2 =	smul.u32 $0x7000, s10;
	s6 =	ssub.s32 s29, s14  }
0x136: {  	s5 =	sshrl.u32 s31, $0x2;
	s8 =	sadd.s32 s26, s15;
	s6 =	sshll.u32 s6, $0x7  }
0x137: {  	s3 =	sadd.s32 s3, s5;
	s2 =	sshrl.u32 s2, $0x2;
	s6 =	sand.u32 $0x3F80, s6  }
0x138: {  	s0 =	spop (v2sf);
	s2 =	sadd.s32 s6, s2;
	s6 =	sshrl.u32 s19, $0x1  }
0x139: {  	s20 =	spop (v2sf);
	s2 =	sadd.s32 $0xF900, s2;
	s6 =	smul.u32 $0x147B, s6  }
0x13a: {  	[tilespmem:s2], [sflag:$0x2] =	stream.linear.gather [hbm4b:s8+s16], $0x80, $0x38;
	[tilespmem:$0x1D900] =	vst v63  }
0x13b: {  	s3 =	sadd.s32 $0xF900, s3;
	s2 =	sand.u32 $0x1FFFFFF0, s20;
	s8 =	sshrl.u32 s25, $0x1  }
0x13c: {  	s22 =	sshrl.u32 s6, $0x11;
	s2 =	sadd.s32 s26, s2;
	s8 =	smul.u32 $0x147B, s8  }
0x13d: {  	[tilespmem:s3], [sflag:$0x2] =	stream.linear.gather [hbm4b:s2+s16], $0x80, $0x38;
	[tilespmem:$0x1D900] =	vst v63  }
0x13e: {  	s1 =	sand.u32 $0x1FFFFFF0, s1;
	s23 =	sshrl.u32 s21, $0x1;
	s6 =	smul.u32 $0x32, s22  }
0x13f: {  	s1 =	sadd.s32 s26, s1;
	s28 =	sor.u32 $0xC, s16;
	(v2sf) =	vpush v0, $0xF;
	s2 =	smul.u32 $0x147B, s23  }
0x140: {  	s30 =	sand.u32 $0xFFFE, s28;
	(v2sf) =	vpush v0, $0xD;
	s5 =	smul.u32 $0x7000, s22;
	s8 =	sshrl.u32 s8, $0x11  }
0x141: {  	s11 =	sor.u32 $0xF, s16;
	s14 =	sor.u32 $0xE, s16;
	s29 =	smul.u32 $0x32, s8  }
0x142: {  	(v2sf) =	vpush v0, $0xE;
	s6 =	ssub.s32 s18, s6;
	s2 =	sshrl.u32 s2, $0x11;
	s9 =	smul.u32 $0x7000, s8  }
0x143: {  	s15 =	sand.u32 $0xFFFE, s11;
	s6 =	sshll.u32 s6, $0x7;
	s31 =	smul.u32 $0x32, s2  }
0x144: {  	s5 =	sshrl.u32 s5, $0x2;
	s2 =	smul.u32 $0x7000, s2;
	s6 =	sand.u32 $0x3F80, s6  }
0x145: {  	s3 =	ssub.s32 s24, s29;
	s5 =	sadd.s32 s6, s5;
	s4 =	ssub.s32 s12, s31  }
0x146: {  	s3 =	sshll.u32 s3, $0x7;
	s6 =	sshrl.u32 s9, $0x2;
	s12 =	sand.u32 $0x1FFFFFF0, s17  }
0x147: {  	s17 =	sand.u32 $0xFFFE, s14;
	s5 =	sadd.s32 $0xF900, s5;
	s3 =	sand.u32 $0x3F80, s3  }
0x148: {  	[tilespmem:s5], [sflag:$0x2] =	stream.linear.gather [hbm4b:s1+s16], $0x80, $0x38;
	[tilespmem:$0x1D900] =	vst v63  }
0x149: {  	s8 =	sadd.s32 s26, s12;
	s7 =	sshrl.u32 s17, $0x1;
	s3 =	sadd.s32 s3, s6  }
0x14a: {  	s1 =	sshrl.u32 s30, $0x1;
	s7 =	smul.u32 $0x147B, s7;
	s3 =	sadd.s32 $0xF900, s3  }
0x14b: {  	[tilespmem:s3], [sflag:$0x2] =	stream.linear.gather [hbm4b:s8+s16], $0x80, $0x38;
	[tilespmem:$0x1D900] =	vst v63  }
0x14c: {  	s0 =	sand.u32 $0x1FFFFFF0, s0;
	s1 =	smul.u32 $0x147B, s1;
	s8 =	sshrl.u32 s15, $0x1  }
0x14d: {  	s0 =	sadd.s32 s26, s0;
	s18 =	sshrl.u32 s7, $0x11;
	s8 =	smul.u32 $0x147B, s8  }
0x14e: {  	s23 =	spop (v2sf);
	s1 =	sshrl.u32 s1, $0x11;
	s21 =	smul.u32 $0x32, s18  }
0x14f: {  	s2 =	sshrl.u32 s2, $0x2;
	s24 =	spop (v2sf);
	s13 =	smul.u32 $0x32, s1  }
0x150: {  	s19 =	sshll.u32 s4, $0x7;
	s1 =	smul.u32 $0x7000, s1;
	s4 =	sand.u32 $0x1FFFFFF0, s24  }
0x151: {  	s29 =	spop (v2sf);
	s20 =	sshrl.u32 s8, $0x11;
	s3 =	ssub.s32 s14, s21  }
0x152: {  	s6 =	ssub.s32 s28, s13;
	s1 =	sshrl.u32 s1, $0x2;
	s22 =	smul.u32 $0x32, s20  }
0x153: {  	s3 =	sshll.u32 s3, $0x7;
	s28 =	smul.u32 $0x7000, s20;
	s6 =	sshll.u32 s6, $0x7  }
0x154: {  	s3 =	sand.u32 $0x3F80, s3;
	s6 =	sand.u32 $0x3F80, s6;
	s5 =	ssub.s32 s11, s22  }
0x155: {  	s22 =	sand.u32 $0x1FFFFFF0, s23;
	s31 =	sshrl.u32 s28, $0x2;
	s1 =	sadd.s32 s6, s1  }
0x156: {  	s6 =	smul.u32 $0x7000, s18;
	s30 =	sshll.u32 s5, $0x7;
	s1 =	sadd.s32 $0xF900, s1  }
0x157: {  	[tilespmem:s1], [sflag:$0x2] =	stream.linear.gather [hbm4b:s0+s16], $0x80, $0x38;
	[tilespmem:$0x1D900] =	vst v63  }
0x158: {  	s0 =	sand.u32 $0x3F80, s19;
	s19 =	sadd.s32 s26, s4;
	s25 =	sshrl.u32 s6, $0x2  }
0x159: {  	s4 =	sand.u32 $0x1FFFFFF0, s29;
	s6 =	simm.s32 $0x1A0;
	s2 =	sadd.s32 s0, s2  }
0x15a: {  	s1 =	sadd.s32 s3, s25;
	s3 =	sadd.s32 $0xF900, s2;
	s2 =	sand.u32 $0x3F80, s30  }
0x15b: {  	s0 =	simm.s32 $0x10;
	s4 =	sadd.s32 s26, s4;
	s2 =	sadd.s32 s2, s31  }
.LBB2_4:
0x15c: {  	[dreg:$0x6] =	wrdreg s6;
	s10 =	sor.u32 $0x9, s0  }
0x15d: {  	s1 =	sadd.s32 $0xF900, s1;
	s5 =	sadd.s32 $0xF900, s2;
	s9 =	smov.u32 s0  }
0x15e: {  	[tilespmem:s3], [sflag:$0x2] =	stream.linear.gather [hbm4b:s19+s16], $0x80, $0x38;
	[tilespmem:$0x1D900] =	vst v63  }
0x15f: {  	s14 =	sor.u32 $0x3, s0;
	s3 =	sor.u32 $0x4, s0;
	s2 =	sor.u32 $0x6, s0  }
0x160: {  	s8 =	sand.u32 $0xFFFE, s0;
	s12 =	sadd.s32 s26, s22;
	s11 =	sor.u32 $0x2, s0  }
0x161: {  	s22 =	sor.u32 $0xC, s0;
	s28 =	sadd.s32 $0x10, s0;
	p0 =	sne.s32 s0, $0x180  }
0x162: {  	[smem:$0x7E1] =	sst s10;
	s7 =	sand.u32 $0xFFFE, s2;
	s19 =	sand.u32 $0xFFFE, s14  }
0x163: {  	s20 =	sand.u32 $0xFFFE, s11;
	[dreg:$0xa] =	wrdreg s22;
	s8 =	sshrl.u32 s8, $0x1  }
0x164: {  	[tilespmem:s1], [sflag:$0x2] =	stream.linear.gather [hbm4b:s4+s16], $0x80, $0x38;
	[tilespmem:$0x1D900] =	vst v63  }
0x165: {  	s17 =	sand.u32 $0xFFFE, s3;
	s13 =	sshrl.u32 s7, $0x1;
	s8 =	smul.u32 $0x147B, s8  }
0x166: {  	s26 =	sand.u32 $0xFFFE, s10;
	s4 =	sshrl.u32 s19, $0x1;
	s13 =	smul.u32 $0x147B, s13  }
0x167: {  	[tilespmem:s5], [sflag:$0x2] =	stream.linear.gather [hbm4b:s12+s16], $0x80, $0x38;
	[tilespmem:$0x1D900] =	vst v63  }
0x168: {  	s1 =	sor.u32 $0x5, s0;
	s24 =	sshrl.u32 s17, $0x1;
	s4 =	smul.u32 $0x147B, s4;
	v0 =	vld [tilespmem:s6+$0x0]  }
0x169: {  	s17 =	sshrl.u32 s26, $0x1;
	s21 =	sand.u32 $0xFFFE, s1;
	s16 =	smul.u32 $0x147B, s24  }
0x16a: {  	s23 =	sand.u32 $0xFFFE, s22;
	s12 =	sshrl.u32 s21, $0x1;
	s24 =	smul.u32 $0x147B, s17  }
0x16b: {  	[dreg:$0x7] =	wrdreg s28;
	s8 =	sshrl.u32 s8, $0x11;
	s12 =	smul.u32 $0x147B, s12  }
0x16c: {  	s7 =	sor.u32 $0x7, s0;
	s19 =	sor.u32 $0xD, s9;
	s18 =	smul.u32 $0x7000, s8  }
0x16d: {  	s15 =	sand.u32 $0xFFFE, s7;
	s5 =	sshrl.u32 s20, $0x1;
	s8 =	smul.u32 $0x32, s8;
	v0 =	vshll.u32 v0, $0x4  }
0x16e: {  	s15 =	sshrl.u32 s15, $0x1;
	s21 =	sand.u32 $0xFFFE, s19;
	s29 =	smul.u32 $0x147B, s5;
	(v2sf) =	vpush v0, $0xA  }
0x16f: {  	s6 =	sshrl.u32 s23, $0x1;
	s23 =	smul.u32 $0x147B, s15;
	s5 =	sor.u32 $0xF, s9;
	(v2sf) =	vpush v0, $0x2  }
0x170: {  	s25 =	sshrl.u32 s21, $0x1;
	s4 =	sshrl.u32 s4, $0x11;
	[dreg:$0x13] =	wrdreg s6;
	(v2sf) =	vpush v0, $0x0  }
0x171: {  	[smem:$0x7E2] =	sst s5;
	s21 =	sshrl.u32 s16, $0x11;
	s0 =	smul.u32 $0x147B, s25;
	(v2sf) =	vpush v0, $0x7  }
0x172: {  	s6 =	sor.u32 $0x1, s9;
	s10 =	sshrl.u32 s18, $0x2;
	s16 =	smul.u32 $0x32, s21  }
0x173: {  	s12 =	sshrl.u32 s12, $0x11;
	s18 =	sshrl.u32 s29, $0x11;
	s29 =	smul.u32 $0x7000, s21;
	(v2sf) =	vpush v0, $0x5  }
0x174: {  	s30 =	ssub.s32 s9, s8;
	s8 =	ssub.s32 s6, s8;
	s31 =	smul.u32 $0x7000, s12  }
0x175: {  	s20 =	sshll.u32 s30, $0x7;
	s12 =	smul.u32 $0x32, s12;
	s8 =	sshll.u32 s8, $0x7;
	(v2sf) =	vpush v0, $0x4  }
0x176: {  	s26 =	smul.u32 $0x7000, s18;
	s10 =	sadd.s32 $0xF900, s10;
	s15 =	sand.u32 $0x3F80, s8  }
0x177: {  	s8 =	sshrl.u32 s13, $0x11;
	s1 =	ssub.s32 s1, s12;
	s12 =	smul.u32 $0x32, s4;
	(v2sf) =	vpush v0, $0x1  }
0x178: {  	s13 =	sshrl.u32 s24, $0x11;
	s22 =	sshrl.u32 s31, $0x2;
	s31 =	smul.u32 $0x32, s18  }
0x179: {  	s3 =	ssub.s32 s3, s16;
	[smem:$0x7E0] =	sst s15;
	s18 =	smul.u32 $0x7000, s13;
	(v2sf) =	vpush v0, $0x3  }
0x17a: {  	s3 =	sshll.u32 s3, $0x7;
	s24 =	smul.u32 $0x32, s8;
	s1 =	sshll.u32 s1, $0x7;
	(v2sf) =	vpush v0, $0x6  }
0x17b: {  	s8 =	smul.u32 $0x7000, s8;
	s3 =	sand.u32 $0x3F80, s3;
	s1 =	sand.u32 $0x3F80, s1;
	(v2sf) =	vpush v0, $0x8  }
0x17c: {  	s11 =	ssub.s32 s11, s31;
	s14 =	ssub.s32 s14, s12;
	s12 =	rddreg [dreg:$0x3]  }
0x17d: {  	s28 =	sadd.s32 s1, s22;
	s22 =	smul.u32 $0x7000, s4;
	(v2sf) =	vpush v0, $0xB;
	s16 =	spop (v2sf)  }
0x17e: {  	s1 =	sshrl.u32 s29, $0x2;
	s11 =	sshll.u32 s11, $0x7;
	s30 =	spop (v2sf)  }
0x17f: {  	s14 =	sshll.u32 s14, $0x7;
	[smem:$0x7E3] =	sst s28;
	s6 =	spop (v2sf)  }
0x180: {  	s25 =	sand.u32 $0x3F80, s11;
	s5 =	sand.u32 $0x1FFFFFF0, s30;
	s15 =	spop (v2sf)  }
0x181: {  	[smem:$0x7E4] =	sst s5;
	s31 =	sand.u32 $0x1FFFFFF0, s6;
	s21 =	sand.u32 $0x1FFFFFF0, s15  }
0x182: {  	(v2sf) =	vpush v0, $0xC;
	s28 =	spop (v2sf);
	s15 =	sshrl.u32 s8, $0x2;
	s6 =	sadd.s32 s12, s31  }
0x183: {  	(v2sf) =	vpush v0, $0x9;
	s8 =	sshrl.u32 s22, $0x2;
	s31 =	sand.u32 $0x1FFFFFF0, s16;
	s16 =	smul.u32 $0x32, s13  }
0x184: {  	s22 =	sshrl.u32 s23, $0x11;
	[dreg:$0x10] =	wrdreg s21;
	s29 =	spop (v2sf)  }
0x185: {  	s5 =	ssub.s32 s2, s24;
	[dreg:$0x16] =	wrdreg s31;
	s23 =	smul.u32 $0x7000, s22  }
0x186: {  	s21 =	sshrl.u32 s26, $0x2;
	s13 =	smul.u32 $0x32, s22;
	s17 =	spop (v2sf)  }
0x187: {  	s11 =	sand.u32 $0x1FFFFFF0, s29;
	s29 =	sand.u32 $0x1FFFFFF0, s28;
	s28 =	sshrl.u32 s18, $0x2  }
0x188: {  	s30 =	spop (v2sf);
	[smem:$0x7E5] =	sst s11;
	s11 =	sadd.s32 s3, s1  }
0x189: {  	s7 =	ssub.s32 s7, s13;
	s13 =	sand.u32 $0x1FFFFFF0, s17;
	s24 =	spop (v2sf)  }
0x18a: {  	s30 =	sand.u32 $0x1FFFFFF0, s30;
	s4 =	spop (v2sf);
	s3 =	sand.u32 $0x1FFFFFF0, s24  }
0x18b: {  	s12 =	sand.u32 $0x1FFFFFF0, s4;
	s4 =	sand.u32 $0x3F80, s14;
	s14 =	rddreg [dreg:$0x3]  }
0x18c: {  	s26 =	spop (v2sf);
	s1 =	sadd.s32 s14, s3;
	s8 =	sadd.s32 s4, s8  }
0x18d: {  	s31 =	sand.u32 $0x1FFFFFF0, s26;
	s3 =	sshrl.u32 s0, $0x11;
	s4 =	sor.u32 $0xA, s9  }
0x18e: {  	[smem:$0x7E6] =	sst s1;
	s14 =	sadd.s32 $0xF900, s8;
	s8 =	smul.u32 $0x32, s3  }
0x18f: {  	[dreg:$0x1e] =	wrdreg s31;
	s31 =	sor.u32 $0x8, s9;
	s2 =	sand.u32 $0xFFFE, s4  }
0x190: {  	(v2sf) =	vpush v0, $0xF;
	s3 =	smul.u32 $0x7000, s3;
	s2 =	sshrl.u32 s2, $0x1;
	s19 =	ssub.s32 s19, s8  }
0x191: {  	s8 =	sshll.u32 s7, $0x7;
	s2 =	smul.u32 $0x147B, s2;
	s18 =	spop (v2sf)  }
0x192: {  	(v2sf) =	vpush v0, $0xD;
	s3 =	sshrl.u32 s3, $0x2;
	s1 =	sand.u32 $0x1FFFFFF0, s18;
	s24 =	spop (v2sf)  }
0x193: {  	s18 =	sand.u32 $0xFFFE, s31;
	[dreg:$0x19] =	wrdreg s1;
	s1 =	sand.u32 $0x1FFFFFF0, s24  }
0x194: {  	[smem:$0x7E8] =	sst s1;
	s1 =	sand.u32 $0x3F80, s20;
	s20 =	sor.u32 $0xB, s9  }
0x195: {  	s22 =	sshrl.u32 s18, $0x1;
	s18 =	sld [smem:$0x7E0];
	s24 =	sand.u32 $0xFFFE, s20  }
0x196: {  	s26 =	sadd.s32 s1, s10;
	s1 =	smul.u32 $0x147B, s22;
	s22 =	simm.s32 $0x0  }
0x197: {  	[tilespmem:s26], [sflag:$0x2] =	stream.linear.gather [hbm4b:s6+s22], $0x80, $0x38;
	[tilespmem:$0x1D900] =	vst v63  }
0x198: {  	s7 =	sadd.s32 s18, s10;
	s0 =	sshrl.u32 s24, $0x1;
	s24 =	rddreg [dreg:$0x3]  }
0x199: {  	s10 =	sshrl.u32 s23, $0x2;
	s23 =	sand.u32 $0x3F80, s8;
	s26 =	sld [smem:$0x7E1]  }
0x19a: {  	s18 =	sshll.u32 s19, $0x7;
	s23 =	sadd.s32 s23, s10;
	s22 =	rddreg [dreg:$0x3]  }
0x19b: {  	s10 =	sadd.s32 s25, s21;
	s0 =	smul.u32 $0x147B, s0;
	s1 =	sshrl.u32 s1, $0x11  }
0x19c: {  	s6 =	sadd.s32 s24, s12;
	s25 =	sadd.s32 $0xF900, s10;
	s24 =	smul.u32 $0x32, s1  }
0x19d: {  	[smem:$0x7E7] =	sst s6;
	s1 =	smul.u32 $0x7000, s1;
	s6 =	sshll.u32 s5, $0x7  }
0x19e: {  	s16 =	ssub.s32 s26, s16;
	s26 =	sshrl.u32 s2, $0x11;
	s2 =	sand.u32 $0x3F80, s6  }
0x19f: {  	s6 =	sld [smem:$0x7E2];
	s12 =	spop (v2sf);
	s16 =	sshll.u32 s16, $0x7  }
0x1a0: {  	s1 =	sshrl.u32 s1, $0x2;
	s2 =	sadd.s32 s2, s15;
	s15 =	rddreg [dreg:$0x13]  }
0x1a1: {  	s8 =	spop (v2sf);
	s10 =	sadd.s32 $0xF900, s2;
	s16 =	sand.u32 $0x3F80, s16  }
0x1a2: {  	s2 =	rddreg [dreg:$0x3];
	s17 =	sand.u32 $0x1FFFFFF0, s8;
	s8 =	ssub.s32 s31, s24  }
0x1a3: {  	s31 =	sand.u32 $0xFFFE, s6;
	s13 =	sadd.s32 s2, s13;
	s16 =	sadd.s32 s16, s28  }
0x1a4: {  	s28 =	simm.s32 $0x0;
	s19 =	sadd.s32 s22, s17;
	s17 =	sand.u32 $0x3F80, s18  }
0x1a5: {  	s22 =	sand.u32 $0x1FFFFFF0, s12;
	s12 =	sor.u32 $0xE, s9;
	s5 =	sshll.u32 s8, $0x7  }
0x1a6: {  	s18 =	smul.u32 $0x147B, s15;
	s21 =	sshrl.u32 s31, $0x1;
	s31 =	sld [smem:$0x7E5]  }
0x1a7: {  	[tilespmem:s7], [sflag:$0x2] =	stream.linear.gather [hbm4b:s13+s28], $0x80, $0x38;
	[tilespmem:$0x1D900] =	vst v63  }
0x1a8: {  	s28 =	smul.u32 $0x7000, s26;
	s5 =	sand.u32 $0x3F80, s5;
	s24 =	sand.u32 $0xFFFE, s12  }
0x1a9: {  	s8 =	sadd.s32 s5, s1;
	s5 =	sadd.s32 $0xF900, s23;
	s23 =	sld [smem:$0x7E4]  }
0x1aa: {  	s21 =	smul.u32 $0x147B, s21;
	s1 =	sshrl.u32 s24, $0x1;
	s24 =	rddreg [dreg:$0x3]  }
0x1ab: {  	s31 =	sadd.s32 s24, s31;
	s1 =	smul.u32 $0x147B, s1;
	s24 =	rddreg [dreg:$0x3]  }
0x1ac: {  	s21 =	sshrl.u32 s21, $0x11;
	s30 =	sadd.s32 s24, s30;
	s24 =	smul.u32 $0x32, s26  }
0x1ad: {  	s0 =	sshrl.u32 s0, $0x11;
	s3 =	sadd.s32 s17, s3;
	s17 =	smul.u32 $0x32, s21  }
0x1ae: {  	s15 =	sshrl.u32 s18, $0x11;
	s18 =	rddreg [dreg:$0x3];
	s21 =	smul.u32 $0x7000, s21  }
0x1af: {  	s11 =	sadd.s32 $0xF900, s11;
	s23 =	sadd.s32 s18, s23;
	s18 =	smul.u32 $0x32, s0  }
0x1b0: {  	s9 =	sld [smem:$0x7E3];
	s0 =	smul.u32 $0x7000, s0;
	s1 =	sshrl.u32 s1, $0x11  }
0x1b1: {  	s2 =	rddreg [dreg:$0x3];
	s4 =	ssub.s32 s4, s24;
	s24 =	smul.u32 $0x32, s1  }
0x1b2: {  	s29 =	sadd.s32 s2, s29;
	s3 =	sadd.s32 $0xF900, s3;
	s1 =	smul.u32 $0x7000, s1  }
0x1b3: {  	s9 =	sadd.s32 $0xF900, s9;
	s18 =	ssub.s32 s20, s18;
	s20 =	smul.u32 $0x32, s15  }
0x1b4: {  	(v2sf) =	vpush v0, $0xE;
	s26 =	rddreg [dreg:$0x3];
	s0 =	sshrl.u32 s0, $0x2;
	s15 =	smul.u32 $0x7000, s15  }
0x1b5: {  	s4 =	sshll.u32 s4, $0x7;
	s18 =	sshll.u32 s18, $0x7;
	s12 =	ssub.s32 s12, s24  }
0x1b6: {  	s24 =	simm.s32 $0x0;
	s4 =	sand.u32 $0x3F80, s4;
	s1 =	sshrl.u32 s1, $0x2  }
0x1b7: {  	[tilespmem:s25], [sflag:$0x2] =	stream.linear.gather [hbm4b:s23+s24], $0x80, $0x38;
	[tilespmem:$0x1D900] =	vst v63  }
0x1b8: {  	s18 =	sand.u32 $0x3F80, s18;
	s7 =	sshrl.u32 s15, $0x2;
	s12 =	sshll.u32 s12, $0x7  }
0x1b9: {  	s23 =	simm.s32 $0x0;
	s24 =	sshrl.u32 s28, $0x2;
	s25 =	ssub.s32 s6, s17  }
0x1ba: {  	s28 =	simm.s32 $0x0;
	s0 =	sadd.s32 s18, s0;
	s18 =	rddreg [dreg:$0xa]  }
0x1bb: {  	s17 =	simm.s32 $0x0;
	s4 =	sadd.s32 s4, s24;
	s24 =	rddreg [dreg:$0x6]  }
0x1bc: {  	s15 =	ssub.s32 s18, s20;
	s20 =	simm.s32 $0x0;
	s18 =	sadd.s32 $0xF900, s8  }
0x1bd: {  	s4 =	sadd.s32 $0xF900, s4;
	s0 =	sadd.s32 $0xF900, s0;
	s6 =	sadd.s32 $0x10, s24  }
0x1be: {  	[tilespmem:s14], [sflag:$0x2] =	stream.linear.gather [hbm4b:s30+s20], $0x80, $0x38;
	[tilespmem:$0x1D900] =	vst v63  }
0x1bf: {  	s14 =	sadd.s32 $0xF900, s16;
	s20 =	sshrl.u32 s21, $0x2;
	s21 =	sld [smem:$0x7E7]  }
0x1c0: {  	[tilespmem:s11], [sflag:$0x2] =	stream.linear.gather [hbm4b:s31+s23], $0x80, $0x38;
	[tilespmem:$0x1D900] =	vst v63  }
0x1c1: {  	s15 =	sshll.u32 s15, $0x7;
	s30 =	simm.s32 $0x0;
	s31 =	sld [smem:$0x7E6]  }
0x1c2: {  	[tilespmem:s9], [sflag:$0x2] =	stream.linear.gather [hbm4b:s29+s28], $0x80, $0x38;
	[tilespmem:$0x1D900] =	vst v63  }
0x1c3: {  	s16 =	simm.s32 $0x0;
	s2 =	spop (v2sf);
	s11 =	rddreg [dreg:$0x10]  }
0x1c4: {  	[tilespmem:s10], [sflag:$0x2] =	stream.linear.gather [hbm4b:s31+s30], $0x80, $0x38;
	[tilespmem:$0x1D900] =	vst v63  }
0x1c5: {  	s23 =	sld [smem:$0x7E8];
	s29 =	sand.u32 $0x3F80, s12;
	s12 =	sadd.s32 s26, s11  }
0x1c6: {  	[tilespmem:s5], [sflag:$0x2] =	stream.linear.gather [hbm4b:s12+s17], $0x80, $0x38;
	[tilespmem:$0x1D900] =	vst v63  }
0x1c7: {  	s15 =	sand.u32 $0x3F80, s15;
	s13 =	sand.u32 $0x1FFFFFF0, s2;
	s2 =	sshll.u32 s25, $0x7  }
0x1c8: {  	[tilespmem:s18], [sflag:$0x2] =	stream.linear.gather [hbm4b:s21+s16], $0x80, $0x38;
	[tilespmem:$0x1D900] =	vst v63  }
0x1c9: {  	s25 =	rddreg [dreg:$0x16];
	s2 =	sand.u32 $0x3F80, s2;
	s5 =	sadd.s32 s26, s23  }
0x1ca: {  	[tilespmem:s14], [sflag:$0x2] =	stream.linear.gather [hbm4b:s5+s16], $0x80, $0x38;
	[tilespmem:$0x1D900] =	vst v63  }
0x1cb: {  	s7 =	sadd.s32 s15, s7;
	s2 =	sadd.s32 s2, s20;
	s5 =	sadd.s32 s26, s25  }
0x1cc: {  	[tilespmem:s4], [sflag:$0x2] =	stream.linear.gather [hbm4b:s5+s16], $0x80, $0x38;
	[tilespmem:$0x1D900] =	vst v63  }
.Ltmp1:
0x1cd: {  	s28 =	rddreg [dreg:$0x1e];
	s1 =	sadd.s32 s29, s1;
	(pc) =	sbr.rel @p0 .LBB2_4-.Ltmp1, $4  }
0x1ce: {  	s29 =	sadd.s32 $0xF900, s7;
	s30 =	rddreg [dreg:$0x19];
	s4 =	sadd.s32 s26, s28  }
0x1cf: {  	[tilespmem:s0], [sflag:$0x2] =	stream.linear.gather [hbm4b:s4+s16], $0x80, $0x38;
	[tilespmem:$0x1D900] =	vst v63  }
0x1d0: {  	s31 =	sadd.s32 s26, s30;
	s4 =	sadd.s32 s26, s13;
	s0 =	rddreg [dreg:$0x7]  }
0x1d1: {  	[tilespmem:s29], [sflag:$0x2] =	stream.linear.gather [hbm4b:s31+s16], $0x80, $0x38;
	[tilespmem:$0x1D900] =	vst v63  }
0x1d2: {  	[tilespmem:s3], [sflag:$0x2] =	stream.linear.gather [hbm4b:s19+s16], $0x80, $0x38;
	[tilespmem:$0x1D900] =	vst v63  }
0x1d3: {  	s0 =	sadd.s32 $0xF900, s1  }
0x1d4: {  	s29 =	sadd.s32 $0xF900, s2;
	s30 =	sadd.s32 s26, s22;
	s31 =	simm.s32 $0x4B0  }
0x1d5: {  	[tilespmem:s0], [sflag:$0x2] =	stream.linear.gather [hbm4b:s4+s16], $0x80, $0x38;
	[tilespmem:$0x1D900] =	vst v63  }
0x1d6: {  	s12 =	simm.s32 $0x320;
	s25 =	simm.s32 $0x0;
	[smem:$0x7DF] =	sst s31  }
0x1d7: {  	[tilespmem:s29], [sflag:$0x2] =	stream.linear.gather [hbm4b:s30+s16], $0x80, $0x38;
	[tilespmem:$0x1D900] =	vst v63  }
.LBB2_6:
0x1d8: {  	[smem:$0x7DC] =	sst s16  }
0x1d9: {  	s1 =	sshll.u32 s16, $0x4;
	s0 =	sld [smem:$0x7F9]  }
0x1da: {  	s21 =	simm.s32 $0x1;
	[smem:$0x7DD] =	sst s1  }
0x1db: {  	_ =	swait.ge [sflag:s21], $0xC800  }
0x1dc: {  	s0 =	sadd.s32 s0, s1;
	s22 =	sld [smem:$0x7F8]  }
0x1dd: {  	s0 =	smul.u32 $0x380, s0  }
0x1de: {  	s2 =	simm.s32 $0x1900;
	[sflag:s21] =	ssyncset.done $0x0  }
0x1df: {  	s1 =	simm.s32 $0x0;
	[sflag:s21] =	ssyncadd.s32 $0xFFFF3800;
	s0 =	sadd.s32 s22, s0  }
0x1e0: {  	[hbm4b:s0+s1] =	stream.linear.scatter [tilespmem:s2], [sflag:$0x3], $0x1900, $0x38;
	[tilespmem:$0x1D900] =	vst v63  }
0x1e1: {  	s3 =	simm.s32 $0x3500;
	s23 =	sadd.s32 $0x380, s0  }
0x1e2: {  	[hbm4b:s23+s1] =	stream.linear.scatter [tilespmem:s3], [sflag:$0x3], $0x1900, $0x38;
	[tilespmem:$0x1D900] =	vst v63  }
0x1e3: {  	s28 =	simm.s32 $0x5100;
	s24 =	sadd.s32 $0x700, s0  }
0x1e4: {  	[hbm4b:s24+s1] =	stream.linear.scatter [tilespmem:s28], [sflag:$0x3], $0x1900, $0x38;
	[tilespmem:$0x1D900] =	vst v63  }
0x1e5: {  	s31 =	simm.s32 $0x6D00;
	s30 =	sadd.s32 $0xA80, s0  }
0x1e6: {  	[hbm4b:s30+s1] =	stream.linear.scatter [tilespmem:s31], [sflag:$0x3], $0x1900, $0x38;
	[tilespmem:$0x1D900] =	vst v63  }
0x1e7: {  	s5 =	simm.s32 $0x8900;
	s4 =	sadd.s32 $0xE00, s0  }
0x1e8: {  	[hbm4b:s4+s1] =	stream.linear.scatter [tilespmem:s5], [sflag:$0x3], $0x1900, $0x38;
	[tilespmem:$0x1D900] =	vst v63  }
0x1e9: {  	s7 =	simm.s32 $0xA500;
	s6 =	sadd.s32 $0x1180, s0  }
0x1ea: {  	[hbm4b:s6+s1] =	stream.linear.scatter [tilespmem:s7], [sflag:$0x3], $0x1900, $0x38;
	[tilespmem:$0x1D900] =	vst v63  }
0x1eb: {  	s9 =	simm.s32 $0xC100;
	s8 =	sadd.s32 $0x1500, s0  }
0x1ec: {  	[hbm4b:s8+s1] =	stream.linear.scatter [tilespmem:s9], [sflag:$0x3], $0x1900, $0x38;
	[tilespmem:$0x1D900] =	vst v63  }
0x1ed: {  	s10 =	simm.s32 $0xDD00;
	s11 =	simm.s32 $0x3;
	s0 =	sadd.s32 $0x1880, s0  }
0x1ee: {  	[hbm4b:s0+s1] =	stream.linear.scatter [tilespmem:s10], [sflag:$0x3], $0x1900, $0x38;
	[tilespmem:$0x1D900] =	vst v63  }
0x1ef: {  	_ =	swait.ge [sflag:s11], $0xC800  }
0x1f0: {  	[sflag:s11] =	ssyncset.done $0x0  }
0x1f1: {  	[sflag:s11] =	ssyncadd.s32 $0xFFFF3800  }
0x1f2: {  	v0 =	vld [tilespmem:s12+$0x0];
	_ =	sdelay $0x4  }
0x1f3: {  	v0 =	vshll.u32 v0, $0x4  }
0x1f4: {  	(v2sf) =	vpush v0, $0xA  }
0x1f5: {  	(v2sf) =	vpush v0, $0x2  }
0x1f6: {  	(v2sf) =	vpush v0, $0x0  }
0x1f7: {  	s4 =	sor.u32 $0x2, s1;
	(v2sf) =	vpush v0, $0x7  }
0x1f8: {  	s14 =	sand.u32 $0xFFFE, s4;
	(v2sf) =	vpush v0, $0x5  }
0x1f9: {  	s2 =	sshrl.u32 s14, $0x1  }
0x1fa: {  	s13 =	sand.u32 $0xFFFE, s1;
	s2 =	smul.u32 $0x147B, s2;
	(v2sf) =	vpush v0, $0x4  }
0x1fb: {  	s0 =	sshrl.u32 s13, $0x1;
	(v2sf) =	vpush v0, $0x1  }
0x1fc: {  	s8 =	sshrl.u32 s2, $0x11;
	s0 =	smul.u32 $0x147B, s0  }
0x1fd: {  	s16 =	sor.u32 $0x1, s1;
	s17 =	sor.u32 $0x3, s1;
	s11 =	smul.u32 $0x32, s8  }
0x1fe: {  	s21 =	sand.u32 $0xFFFE, s17;
	s0 =	sshrl.u32 s0, $0x11;
	s8 =	smul.u32 $0x7000, s8  }
0x1ff: {  	s22 =	sor.u32 $0x4, s1;
	s23 =	sor.u32 $0x5, s1;
	s15 =	smul.u32 $0x32, s0  }
0x200: {  	s28 =	sand.u32 $0xFFFE, s23;
	s13 =	sor.u32 $0x6, s1;
	s5 =	smul.u32 $0x7000, s0  }
0x201: {  	s30 =	sand.u32 $0xFFFE, s22;
	s14 =	sand.u32 $0xFFFE, s13;
	s4 =	ssub.s32 s4, s11  }
0x202: {  	s8 =	sshrl.u32 s8, $0x2;
	s6 =	ssub.s32 $0x0, s15;
	s5 =	sshrl.u32 s5, $0x2  }
0x203: {  	s10 =	ssub.s32 s16, s15;
	s4 =	sshll.u32 s4, $0x7;
	s0 =	spop (v2sf)  }
0x204: {  	s6 =	sshll.u32 s6, $0x7;
	s5 =	sadd.s32 $0x1900, s5;
	s7 =	spop (v2sf)  }
0x205: {  	s4 =	sand.u32 $0x3F80, s4;
	s6 =	sand.u32 $0x3F80, s6;
	s9 =	spop (v2sf)  }
0x206: {  	s4 =	sadd.s32 s4, s8;
	(v2sf) =	vpush v0, $0x3;
	s2 =	spop (v2sf);
	s9 =	sand.u32 $0x1FFFFFF0, s9  }
0x207: {  	s6 =	sadd.s32 s6, s5;
	s3 =	spop (v2sf);
	s9 =	sadd.s32 s26, s9  }
0x208: {  	[tilespmem:s6], [sflag:$0x1] =	stream.linear.gather [hbm4b:s9+s25], $0x80, $0x38;
	[tilespmem:$0x1D900] =	vst v63  }
0x209: {  	s18 =	sshll.u32 s10, $0x7;
	s4 =	sadd.s32 $0x1900, s4;
	s19 =	spop (v2sf)  }
0x20a: {  	s0 =	sand.u32 $0x1FFFFFF0, s0;
	s9 =	sand.u32 $0x3F80, s18;
	s20 =	spop (v2sf)  }
0x20b: {  	s5 =	sadd.s32 s9, s5;
	s9 =	sshrl.u32 s21, $0x1;
	s11 =	sand.u32 $0x1FFFFFF0, s20  }
0x20c: {  	s7 =	sand.u32 $0x1FFFFFF0, s7;
	s9 =	smul.u32 $0x147B, s9;
	s11 =	sadd.s32 s26, s11  }
0x20d: {  	[tilespmem:s5], [sflag:$0x1] =	stream.linear.gather [hbm4b:s11+s25], $0x80, $0x38;
	[tilespmem:$0x1D900] =	vst v63  }
0x20e: {  	s0 =	sadd.s32 s26, s0;
	s7 =	sadd.s32 s26, s7;
	(v2sf) =	vpush v0, $0x6;
	s9 =	sshrl.u32 s9, $0x11  }
0x20f: {  	s2 =	sand.u32 $0x1FFFFFF0, s2;
	s3 =	sand.u32 $0x1FFFFFF0, s3;
	s24 =	smul.u32 $0x32, s9  }
0x210: {  	[tilespmem:s4], [sflag:$0x1] =	stream.linear.gather [hbm4b:s7+s25], $0x80, $0x38;
	[tilespmem:$0x1D900] =	vst v63  }
0x211: {  	s2 =	sadd.s32 s26, s2;
	s9 =	smul.u32 $0x7000, s9;
	s7 =	sshrl.u32 s30, $0x1  }
0x212: {  	s4 =	sshrl.u32 s28, $0x1;
	s6 =	ssub.s32 s17, s24;
	s7 =	smul.u32 $0x147B, s7  }
0x213: {  	s16 =	sand.u32 $0x1FFFFFF0, s19;
	s4 =	smul.u32 $0x147B, s4;
	s6 =	sshll.u32 s6, $0x7  }
0x214: {  	s3 =	sadd.s32 s26, s3;
	s9 =	sshrl.u32 s9, $0x2;
	s6 =	sand.u32 $0x3F80, s6  }
0x215: {  	s7 =	sshrl.u32 s7, $0x11;
	s4 =	sshrl.u32 s4, $0x11;
	s31 =	spop (v2sf)  }
0x216: {  	s6 =	sadd.s32 s6, s9;
	s9 =	smul.u32 $0x32, s4;
	s8 =	sand.u32 $0x1FFFFFF0, s31  }
0x217: {  	s4 =	smul.u32 $0x7000, s4;
	s6 =	sadd.s32 $0x1900, s6;
	s8 =	sadd.s32 s26, s8  }
0x218: {  	(v2sf) =	vpush v0, $0x8;
	[tilespmem:s6], [sflag:$0x1] =	stream.linear.gather [hbm4b:s8+s25], $0x80, $0x38;
	[tilespmem:$0x1D900] =	vst v63  }
0x219: {  	(v2sf) =	vpush v0, $0xB;
	s20 =	sor.u32 $0x9, s1;
	s17 =	sor.u32 $0x7, s1;
	s8 =	smul.u32 $0x32, s7  }
0x21a: {  	s30 =	sor.u32 $0x8, s1;
	s19 =	sand.u32 $0xFFFE, s17;
	s7 =	smul.u32 $0x7000, s7  }
0x21b: {  	s4 =	sshrl.u32 s4, $0x2;
	s31 =	sand.u32 $0xFFFE, s30;
	s5 =	ssub.s32 s22, s8  }
0x21c: {  	s8 =	ssub.s32 s23, s9;
	s9 =	sshrl.u32 s14, $0x1;
	s7 =	sshrl.u32 s7, $0x2  }
0x21d: {  	s22 =	spop (v2sf);
	s23 =	sand.u32 $0xFFFE, s20;
	s14 =	sor.u32 $0xA, s1  }
0x21e: {  	s5 =	sshll.u32 s5, $0x7;
	s15 =	smul.u32 $0x147B, s9;
	s9 =	sadd.s32 s26, s16  }
0x21f: {  	s8 =	sshll.u32 s8, $0x7;
	s24 =	sshrl.u32 s23, $0x1;
	s5 =	sand.u32 $0x3F80, s5  }
0x220: {  	s8 =	sand.u32 $0x3F80, s8;
	s5 =	sadd.s32 s5, s7;
	s7 =	sshrl.u32 s15, $0x11  }
0x221: {  	(v2sf) =	vpush v0, $0xC;
	s23 =	sor.u32 $0xD, s1;
	s4 =	sadd.s32 s8, s4;
	s18 =	smul.u32 $0x32, s7  }
0x222: {  	s8 =	sshrl.u32 s19, $0x1;
	s5 =	sadd.s32 $0x1900, s5;
	s7 =	smul.u32 $0x7000, s7  }
0x223: {  	s4 =	sadd.s32 $0x1900, s4;
	s21 =	smul.u32 $0x147B, s8;
	s8 =	sand.u32 $0x1FFFFFF0, s22  }
0x224: {  	[tilespmem:s5], [sflag:$0x1] =	stream.linear.gather [hbm4b:s9+s25], $0x80, $0x38;
	[tilespmem:$0x1D900] =	vst v63  }
0x225: {  	s8 =	sadd.s32 s26, s8;
	s6 =	ssub.s32 s13, s18;
	s7 =	sshrl.u32 s7, $0x2  }
0x226: {  	(v2sf) =	vpush v0, $0x9;
	[tilespmem:s4], [sflag:$0x1] =	stream.linear.gather [hbm4b:s3+s25], $0x80, $0x38;
	[tilespmem:$0x1D900] =	vst v63  }
0x227: {  	s13 =	spop (v2sf);
	s6 =	sshll.u32 s6, $0x7;
	s4 =	sshrl.u32 s21, $0x11  }
0x228: {  	s16 =	spop (v2sf);
	s21 =	sor.u32 $0xB, s1;
	s28 =	smul.u32 $0x32, s4  }
0x229: {  	s6 =	sand.u32 $0x3F80, s6;
	s4 =	smul.u32 $0x7000, s4;
	s22 =	sand.u32 $0xFFFE, s21  }
0x22a: {  	s6 =	sadd.s32 s6, s7;
	s7 =	sshrl.u32 s31, $0x1;
	s31 =	sor.u32 $0xC, s1  }
0x22b: {  	s6 =	sadd.s32 $0x1900, s6;
	s5 =	ssub.s32 s17, s28;
	s7 =	smul.u32 $0x147B, s7  }
0x22c: {  	[tilespmem:s6], [sflag:$0x1] =	stream.linear.gather [hbm4b:s8+s25], $0x80, $0x38;
	[tilespmem:$0x1D900] =	vst v63  }
0x22d: {  	s4 =	sshrl.u32 s4, $0x2;
	s6 =	smul.u32 $0x147B, s24;
	s7 =	sshrl.u32 s7, $0x11  }
0x22e: {  	s17 =	sand.u32 $0xFFFE, s14;
	s5 =	sshll.u32 s5, $0x7;
	s10 =	smul.u32 $0x32, s7  }
0x22f: {  	s5 =	sand.u32 $0x3F80, s5;
	s6 =	sshrl.u32 s6, $0x11;
	s7 =	smul.u32 $0x7000, s7  }
0x230: {  	s18 =	spop (v2sf);
	s4 =	sadd.s32 s5, s4;
	s9 =	smul.u32 $0x7000, s6  }
0x231: {  	s24 =	sand.u32 $0xFFFE, s23;
	s4 =	sadd.s32 $0x1900, s4;
	s11 =	smul.u32 $0x32, s6  }
0x232: {  	s6 =	sand.u32 $0x1FFFFFF0, s13;
	s13 =	sor.u32 $0xF, s1;
	s1 =	sor.u32 $0xE, s1  }
0x233: {  	[tilespmem:s4], [sflag:$0x1] =	stream.linear.gather [hbm4b:s2+s25], $0x80, $0x38;
	[tilespmem:$0x1D900] =	vst v63  }
0x234: {  	s2 =	ssub.s32 s30, s10;
	s15 =	sshrl.u32 s7, $0x2;
	s4 =	sshrl.u32 s17, $0x1  }
0x235: {  	s6 =	sadd.s32 s26, s6;
	s19 =	spop (v2sf);
	s4 =	smul.u32 $0x147B, s4  }
0x236: {  	s2 =	sshll.u32 s2, $0x7;
	s3 =	ssub.s32 s20, s11;
	s5 =	sshrl.u32 s9, $0x2  }
0x237: {  	s2 =	sand.u32 $0x3F80, s2;
	s3 =	sshll.u32 s3, $0x7;
	s4 =	sshrl.u32 s4, $0x11  }
0x238: {  	s2 =	sadd.s32 s2, s15;
	s3 =	sand.u32 $0x3F80, s3;
	s20 =	smul.u32 $0x32, s4  }
0x239: {  	s2 =	sadd.s32 $0x1900, s2;
	s3 =	sadd.s32 s3, s5;
	s4 =	smul.u32 $0x7000, s4  }
0x23a: {  	(v2sf) =	vpush v0, $0xF;
	[tilespmem:s2], [sflag:$0x1] =	stream.linear.gather [hbm4b:s6+s25], $0x80, $0x38;
	[tilespmem:$0x1D900] =	vst v63  }
0x23b: {  	s15 =	sand.u32 $0xFFFE, s1;
	s6 =	sand.u32 $0x1FFFFFF0, s19;
	s3 =	sadd.s32 $0x1900, s3  }
0x23c: {  	s6 =	sadd.s32 s26, s6;
	s5 =	ssub.s32 s14, s20;
	s4 =	sshrl.u32 s4, $0x2  }
0x23d: {  	[tilespmem:s3], [sflag:$0x1] =	stream.linear.gather [hbm4b:s6+s25], $0x80, $0x38;
	[tilespmem:$0x1D900] =	vst v63  }
0x23e: {  	(v2sf) =	vpush v0, $0xD;
	s14 =	sand.u32 $0xFFFE, s13;
	s6 =	sshrl.u32 s22, $0x1;
	s5 =	sshll.u32 s5, $0x7  }
0x23f: {  	s8 =	sshrl.u32 s14, $0x1;
	s6 =	smul.u32 $0x147B, s6;
	s5 =	sand.u32 $0x3F80, s5  }
0x240: {  	s8 =	smul.u32 $0x147B, s8;
	s4 =	sadd.s32 s5, s4;
	s5 =	sshrl.u32 s15, $0x1  }
0x241: {  	s6 =	sshrl.u32 s6, $0x11;
	s4 =	sadd.s32 $0x1900, s4;
	s5 =	smul.u32 $0x147B, s5  }
0x242: {  	[tilespmem:s4], [sflag:$0x1] =	stream.linear.gather [hbm4b:s0+s25], $0x80, $0x38;
	[tilespmem:$0x1D900] =	vst v63  }
0x243: {  	(v2sf) =	vpush v0, $0xE;
	s28 =	sshrl.u32 s24, $0x1;
	s30 =	smul.u32 $0x32, s6  }
0x244: {  	[smem:$0x7DE] =	sst s12;
	s12 =	sadd.s32 $0x10, s12;
	s0 =	smul.u32 $0x147B, s28  }
0x245: {  	s2 =	sand.u32 $0x1FFFFFF0, s18;
	s18 =	sshrl.u32 s8, $0x11;
	s6 =	smul.u32 $0x7000, s6  }
0x246: {  	s7 =	sand.u32 $0x1FFFFFF0, s16;
	s9 =	sand.u32 $0xFFFE, s31;
	s19 =	smul.u32 $0x32, s18  }
0x247: {  	s7 =	sadd.s32 s26, s7;
	s4 =	sshrl.u32 s9, $0x1;
	s22 =	smul.u32 $0x7000, s18  }
0x248: {  	s2 =	sadd.s32 s26, s2;
	s4 =	smul.u32 $0x147B, s4;
	s16 =	sshrl.u32 s5, $0x11  }
0x249: {  	s20 =	spop (v2sf);
	s0 =	sshrl.u32 s0, $0x11;
	s5 =	smul.u32 $0x32, s16  }
0x24a: {  	s29 =	sand.u32 $0x1FFFFFF0, s20;
	s3 =	ssub.s32 s21, s30;
	s10 =	smul.u32 $0x32, s0  }
0x24b: {  	s3 =	sshll.u32 s3, $0x7;
	s4 =	sshrl.u32 s4, $0x11;
	s0 =	smul.u32 $0x7000, s0  }
0x24c: {  	s6 =	sshrl.u32 s6, $0x2;
	s3 =	sand.u32 $0x3F80, s3;
	s11 =	smul.u32 $0x32, s4  }
0x24d: {  	s21 =	spop (v2sf);
	s4 =	smul.u32 $0x7000, s4;
	s3 =	sadd.s32 s3, s6  }
0x24e: {  	s1 =	ssub.s32 s1, s5;
	s5 =	sand.u32 $0x1FFFFFF0, s21;
	s3 =	sadd.s32 $0x1900, s3  }
0x24f: {  	[tilespmem:s3], [sflag:$0x1] =	stream.linear.gather [hbm4b:s7+s25], $0x80, $0x38;
	[tilespmem:$0x1D900] =	vst v63  }
0x250: {  	s6 =	ssub.s32 s23, s10;
	s0 =	sshrl.u32 s0, $0x2;
	s3 =	ssub.s32 s31, s11  }
0x251: {  	s1 =	sshll.u32 s1, $0x7;
	s24 =	sadd.s32 s26, s5;
	s3 =	sshll.u32 s3, $0x7  }
0x252: {  	s23 =	spop (v2sf);
	s4 =	sshrl.u32 s4, $0x2;
	s3 =	sand.u32 $0x3F80, s3  }
0x253: {  	s17 =	sshll.u32 s6, $0x7;
	s6 =	ssub.s32 s13, s19;
	s3 =	sadd.s32 s3, s4  }
0x254: {  	s1 =	sand.u32 $0x3F80, s1;
	s30 =	sand.u32 $0x1FFFFFF0, s23;
	s3 =	sadd.s32 $0x1900, s3  }
0x255: {  	[tilespmem:s3], [sflag:$0x1] =	stream.linear.gather [hbm4b:s2+s25], $0x80, $0x38;
	[tilespmem:$0x1D900] =	vst v63  }
0x256: {  	s28 =	sshll.u32 s6, $0x7;
	s4 =	smul.u32 $0x7000, s16;
	s2 =	sand.u32 $0x3F80, s17  }
0x257: {  	s31 =	sshrl.u32 s22, $0x2;
	s6 =	sadd.s32 s26, s30;
	s2 =	sadd.s32 s2, s0  }
0x258: {  	s4 =	sshrl.u32 s4, $0x2;
	s3 =	sadd.s32 $0x1900, s2;
	s2 =	sand.u32 $0x3F80, s28  }
0x259: {  	s0 =	simm.s32 $0x10;
	s4 =	sadd.s32 s1, s4;
	s2 =	sadd.s32 s2, s31  }
.LBB2_7:
0x25a: {  	[dreg:$0x4] =	wrdreg s12;
	s14 =	sor.u32 $0x9, s0  }
0x25b: {  	s4 =	sadd.s32 $0x1900, s4;
	s7 =	sadd.s32 $0x1900, s2;
	s13 =	smov.u32 s0  }
0x25c: {  	[tilespmem:s3], [sflag:$0x1] =	stream.linear.gather [hbm4b:s24+s25], $0x80, $0x38;
	[tilespmem:$0x1D900] =	vst v63  }
0x25d: {  	s17 =	sor.u32 $0x3, s0;
	s5 =	sor.u32 $0x4, s0;
	s18 =	sor.u32 $0x6, s0  }
0x25e: {  	s10 =	sand.u32 $0xFFFE, s0;
	s9 =	sadd.s32 s26, s29;
	s11 =	sor.u32 $0x2, s0  }
0x25f: {  	s2 =	sor.u32 $0x5, s0;
	s22 =	sor.u32 $0x7, s0;
	s1 =	sor.u32 $0xC, s0  }
0x260: {  	p0 =	sne.s32 s0, $0x180;
	[smem:$0x7D4] =	sst s14;
	s8 =	sand.u32 $0xFFFE, s18  }
0x261: {  	s15 =	sand.u32 $0xFFFE, s17;
	s16 =	sand.u32 $0xFFFE, s11;
	s19 =	sand.u32 $0xFFFE, s2  }
0x262: {  	s20 =	sand.u32 $0xFFFE, s22;
	[dreg:$0xb] =	wrdreg s1;
	s3 =	sshrl.u32 s10, $0x1  }
0x263: {  	[tilespmem:s4], [sflag:$0x1] =	stream.linear.gather [hbm4b:s6+s25], $0x80, $0x38;
	[tilespmem:$0x1D900] =	vst v63  }
0x264: {  	s10 =	sand.u32 $0xFFFE, s1;
	s6 =	sshrl.u32 s16, $0x1;
	s3 =	smul.u32 $0x147B, s3  }
0x265: {  	[tilespmem:s7], [sflag:$0x1] =	stream.linear.gather [hbm4b:s9+s25], $0x80, $0x38;
	[tilespmem:$0x1D900] =	vst v63  }
0x266: {  	s21 =	sand.u32 $0xFFFE, s5;
	s8 =	sshrl.u32 s8, $0x1;
	s6 =	smul.u32 $0x147B, s6;
	v0 =	vld [tilespmem:s12+$0x0]  }
0x267: {  	s24 =	sand.u32 $0xFFFE, s14;
	s4 =	sshrl.u32 s15, $0x1;
	s8 =	smul.u32 $0x147B, s8  }
0x268: {  	s1 =	sshrl.u32 s10, $0x1;
	s23 =	sshrl.u32 s21, $0x1;
	s4 =	smul.u32 $0x147B, s4  }
0x269: {  	s15 =	sshrl.u32 s24, $0x1;
	s24 =	sor.u32 $0xD, s13;
	s10 =	smul.u32 $0x147B, s23  }
0x26a: {  	s21 =	sor.u32 $0x1, s13;
	s23 =	smul.u32 $0x147B, s15;
	s7 =	sshrl.u32 s19, $0x1  }
0x26b: {  	[dreg:$0x14] =	wrdreg s1;
	s3 =	sshrl.u32 s3, $0x11;
	s7 =	smul.u32 $0x147B, s7;
	v0 =	vshll.u32 v0, $0x4  }
0x26c: {  	s30 =	sand.u32 $0xFFFE, s24;
	s1 =	sor.u32 $0xF, s13;
	s26 =	smul.u32 $0x7000, s3;
	(v2sf) =	vpush v0, $0xA  }
0x26d: {  	s9 =	sshrl.u32 s20, $0x1;
	s25 =	sadd.s32 $0x10, s0;
	s3 =	smul.u32 $0x32, s3;
	(v2sf) =	vpush v0, $0x2  }
0x26e: {  	[smem:$0x7D5] =	sst s1;
	s12 =	smul.u32 $0x147B, s9;
	s19 =	sshrl.u32 s10, $0x11;
	(v2sf) =	vpush v0, $0x0  }
0x26f: {  	[dreg:$0x8] =	wrdreg s25;
	s10 =	sshrl.u32 s23, $0x11;
	s25 =	smul.u32 $0x32, s19  }
0x270: {  	s6 =	sshrl.u32 s6, $0x11;
	s29 =	smul.u32 $0x7000, s10;
	s7 =	sshrl.u32 s7, $0x11;
	(v2sf) =	vpush v0, $0x7  }
0x271: {  	s28 =	ssub.s32 s13, s3;
	s3 =	ssub.s32 s21, s3;
	s21 =	smul.u32 $0x7000, s6;
	(v2sf) =	vpush v0, $0x5  }
0x272: {  	s9 =	sshrl.u32 s30, $0x1;
	s4 =	sshrl.u32 s4, $0x11;
	s20 =	smul.u32 $0x7000, s7;
	(v2sf) =	vpush v0, $0x4  }
0x273: {  	s30 =	sshrl.u32 s8, $0x11;
	s14 =	sshrl.u32 s26, $0x2;
	s7 =	smul.u32 $0x32, s7  }
0x274: {  	s6 =	smul.u32 $0x32, s6;
	s31 =	sshll.u32 s28, $0x7;
	s3 =	sshll.u32 s3, $0x7  }
0x275: {  	s28 =	smul.u32 $0x7000, s19;
	s5 =	ssub.s32 s5, s25;
	s2 =	ssub.s32 s2, s7;
	(v2sf) =	vpush v0, $0x1  }
0x276: {  	s14 =	sadd.s32 $0x1900, s14;
	s16 =	sand.u32 $0x3F80, s3;
	s2 =	sshll.u32 s2, $0x7;
	(v2sf) =	vpush v0, $0x3  }
0x277: {  	s3 =	sshll.u32 s5, $0x7;
	s20 =	sshrl.u32 s20, $0x2;
	s2 =	sand.u32 $0x3F80, s2  }
0x278: {  	s6 =	ssub.s32 s11, s6;
	s26 =	sadd.s32 s2, s20;
	s20 =	smul.u32 $0x32, s4;
	(v2sf) =	vpush v0, $0x6  }
0x279: {  	s31 =	sand.u32 $0x3F80, s31;
	[smem:$0x7D3] =	sst s16;
	s4 =	smul.u32 $0x7000, s4  }
0x27a: {  	s11 =	sshll.u32 s6, $0x7;
	s6 =	sshrl.u32 s21, $0x2;
	s2 =	smul.u32 $0x147B, s9;
	(v2sf) =	vpush v0, $0x8  }
0x27b: {  	[smem:$0x7D6] =	sst s26;
	s26 =	sshrl.u32 s28, $0x2;
	s15 =	spop (v2sf)  }
0x27c: {  	s17 =	ssub.s32 s17, s20;
	s0 =	spop (v2sf);
	s21 =	sand.u32 $0x1FFFFFF0, s15  }
0x27d: {  	(v2sf) =	vpush v0, $0xB;
	s1 =	sand.u32 $0x1FFFFFF0, s0;
	s23 =	spop (v2sf);
	[dreg:$0x17] =	wrdreg s21  }
0x27e: {  	[smem:$0x7D7] =	sst s1;
	s1 =	sand.u32 $0x3F80, s3;
	s3 =	smul.u32 $0x32, s30  }
0x27f: {  	s4 =	sshrl.u32 s4, $0x2;
	s8 =	spop (v2sf);
	s30 =	smul.u32 $0x7000, s30  }
0x280: {  	s23 =	sand.u32 $0x1FFFFFF0, s23;
	s16 =	sand.u32 $0x1FFFFFF0, s8;
	s0 =	spop (v2sf)  }
0x281: {  	[dreg:$0x11] =	wrdreg s16;
	s19 =	spop (v2sf);
	s7 =	ssub.s32 s18, s3  }
0x282: {  	s9 =	sshrl.u32 s30, $0x2;
	s18 =	sand.u32 $0x3F80, s11;
	s11 =	sshll.u32 s17, $0x7  }
0x283: {  	s17 =	sshrl.u32 s29, $0x2;
	s20 =	sand.u32 $0x1FFFFFF0, s19;
	s19 =	rddreg [dreg:$0x3]  }
0x284: {  	(v2sf) =	vpush v0, $0xC;
	s21 =	sand.u32 $0x1FFFFFF0, s0;
	s8 =	spop (v2sf);
	[smem:$0x7D8] =	sst s17  }
0x285: {  	s6 =	sadd.s32 s18, s6;
	s18 =	rddreg [dreg:$0x14];
	s25 =	spop (v2sf)  }
0x286: {  	(v2sf) =	vpush v0, $0x9;
	s23 =	sadd.s32 s19, s23;
	s19 =	sand.u32 $0x3F80, s11;
	s6 =	sadd.s32 $0x1900, s6  }
0x287: {  	s28 =	spop (v2sf);
	s15 =	sand.u32 $0x1FFFFFF0, s25;
	s25 =	smul.u32 $0x32, s10  }
0x288: {  	s10 =	sadd.s32 s1, s26;
	s26 =	rddreg [dreg:$0x3];
	s4 =	sadd.s32 s19, s4  }
0x289: {  	s1 =	sshrl.u32 s12, $0x11;
	s19 =	sor.u32 $0x8, s13;
	s16 =	spop (v2sf)  }
0x28a: {  	s5 =	sand.u32 $0x1FFFFFF0, s28;
	s3 =	sadd.s32 $0x1900, s4;
	s12 =	smul.u32 $0x7000, s1  }
0x28b: {  	s10 =	sadd.s32 $0x1900, s10;
	s30 =	sand.u32 $0x1FFFFFF0, s16;
	[smem:$0x7D9] =	sst s3  }
0x28c: {  	s16 =	spop (v2sf);
	s0 =	sadd.s32 s26, s5;
	s3 =	rddreg [dreg:$0x3]  }
0x28d: {  	s5 =	smul.u32 $0x32, s1;
	s26 =	sshrl.u32 s2, $0x11;
	[smem:$0x7DA] =	sst s0  }
0x28e: {  	s11 =	sand.u32 $0x1FFFFFF0, s16;
	s17 =	smul.u32 $0x32, s26;
	s12 =	sshrl.u32 s12, $0x2  }
0x28f: {  	s30 =	sadd.s32 s3, s30;
	s3 =	sand.u32 $0x1FFFFFF0, s8;
	s26 =	smul.u32 $0x7000, s26  }
0x290: {  	[dreg:$0x1f] =	wrdreg s11;
	s16 =	ssub.s32 s22, s5;
	s5 =	sor.u32 $0xA, s13  }
0x291: {  	(v2sf) =	vpush v0, $0xF;
	s22 =	ssub.s32 s24, s17;
	s2 =	sshll.u32 s16, $0x7;
	s24 =	sand.u32 $0xFFFE, s5  }
0x292: {  	(v2sf) =	vpush v0, $0xD;
	s16 =	sadd.s32 s31, s14;
	s17 =	sld [smem:$0x7D3];
	s26 =	sshrl.u32 s26, $0x2  }
0x293: {  	s2 =	sand.u32 $0x3F80, s2;
	s22 =	sshll.u32 s22, $0x7;
	s28 =	spop (v2sf)  }
0x294: {  	s12 =	sadd.s32 s2, s12;
	s0 =	sand.u32 $0x1FFFFFF0, s28;
	s28 =	sand.u32 $0xFFFE, s19  }
0x295: {  	[dreg:$0x1a] =	wrdreg s0;
	s4 =	spop (v2sf);
	s1 =	sshrl.u32 s28, $0x1  }
0x296: {  	s28 =	simm.s32 $0x0;
	s0 =	sand.u32 $0x1FFFFFF0, s4;
	s4 =	sor.u32 $0xB, s13  }
0x297: {  	[tilespmem:s16], [sflag:$0x1] =	stream.linear.gather [hbm4b:s23+s28], $0x80, $0x38;
	[tilespmem:$0x1D900] =	vst v63  }
0x298: {  	s31 =	sadd.s32 s17, s14;
	s16 =	sld [smem:$0x7D4];
	s11 =	sand.u32 $0xFFFE, s4  }
0x299: {  	s14 =	smul.u32 $0x147B, s1;
	[smem:$0x7DB] =	sst s0;
	s0 =	sshrl.u32 s11, $0x1  }
0x29a: {  	s22 =	sand.u32 $0x3F80, s22;
	s11 =	sshrl.u32 s24, $0x1;
	s0 =	smul.u32 $0x147B, s0  }
0x29b: {  	s8 =	ssub.s32 s16, s25;
	s1 =	smul.u32 $0x147B, s11;
	s25 =	sshrl.u32 s14, $0x11  }
0x29c: {  	s28 =	rddreg [dreg:$0x3];
	s13 =	sor.u32 $0xE, s13;
	s11 =	smul.u32 $0x32, s25  }
0x29d: {  	s16 =	sshll.u32 s7, $0x7;
	s2 =	smul.u32 $0x7000, s25;
	s8 =	sshll.u32 s8, $0x7  }
0x29e: {  	s14 =	sshrl.u32 s1, $0x11;
	s1 =	sand.u32 $0x3F80, s16;
	s16 =	sand.u32 $0xFFFE, s13  }
0x29f: {  	s0 =	sshrl.u32 s0, $0x11;
	s8 =	sand.u32 $0x3F80, s8;
	s1 =	sadd.s32 s1, s9  }
0x2a0: {  	s9 =	smul.u32 $0x147B, s18;
	s18 =	sshrl.u32 s16, $0x1;
	s23 =	spop (v2sf)  }
0x2a1: {  	s2 =	sshrl.u32 s2, $0x2;
	s18 =	smul.u32 $0x147B, s18;
	s17 =	spop (v2sf)  }
0x2a2: {  	s24 =	sand.u32 $0x1FFFFFF0, s17;
	s17 =	ssub.s32 s19, s11;
	s11 =	sadd.s32 $0x1900, s1  }
0x2a3: {  	s24 =	sadd.s32 s28, s24;
	s7 =	sshll.u32 s17, $0x7;
	s28 =	sld [smem:$0x7D6]  }
0x2a4: {  	s1 =	smul.u32 $0x32, s14;
	s19 =	sand.u32 $0x3F80, s7;
	s7 =	sld [smem:$0x7D5]  }
0x2a5: {  	s16 =	rddreg [dreg:$0x3];
	s29 =	sand.u32 $0x1FFFFFF0, s23;
	s18 =	sshrl.u32 s18, $0x11  }
0x2a6: {  	s1 =	ssub.s32 s5, s1;
	s5 =	smul.u32 $0x32, s18;
	s17 =	sadd.s32 $0x1900, s28  }
0x2a7: {  	s28 =	sadd.s32 s19, s2;
	s19 =	sld [smem:$0x7D7];
	s23 =	sand.u32 $0xFFFE, s7  }
0x2a8: {  	s1 =	sshll.u32 s1, $0x7;
	s5 =	ssub.s32 s13, s5;
	s25 =	sshrl.u32 s23, $0x1  }
0x2a9: {  	s1 =	sand.u32 $0x3F80, s1;
	s23 =	rddreg [dreg:$0x3];
	s2 =	smul.u32 $0x147B, s25  }
0x2aa: {  	(v2sf) =	vpush v0, $0xE;
	s25 =	sshrl.u32 s9, $0x11;
	s9 =	sadd.s32 $0x1900, s12;
	s19 =	sadd.s32 s16, s19  }
0x2ab: {  	s20 =	sadd.s32 s23, s20;
	s23 =	smul.u32 $0x32, s0;
	s16 =	rddreg [dreg:$0x3]  }
0x2ac: {  	s0 =	smul.u32 $0x7000, s0;
	s16 =	sadd.s32 s16, s3;
	s3 =	rddreg [dreg:$0x3]  }
0x2ad: {  	s4 =	ssub.s32 s4, s23;
	s23 =	sadd.s32 s22, s26;
	s26 =	sld [smem:$0x7D8]  }
0x2ae: {  	s12 =	sshrl.u32 s2, $0x11;
	s2 =	rddreg [dreg:$0x3];
	s21 =	sadd.s32 s3, s21  }
0x2af: {  	s0 =	sshrl.u32 s0, $0x2;
	s3 =	sadd.s32 $0x1900, s23;
	s22 =	smul.u32 $0x32, s12  }
0x2b0: {  	s23 =	smul.u32 $0x32, s25;
	s8 =	sadd.s32 s8, s26;
	s26 =	simm.s32 $0x0  }
0x2b1: {  	[tilespmem:s31], [sflag:$0x1] =	stream.linear.gather [hbm4b:s16+s26], $0x80, $0x38;
	[tilespmem:$0x1D900] =	vst v63  }
0x2b2: {  	s15 =	sadd.s32 s2, s15;
	s31 =	smul.u32 $0x7000, s25;
	s25 =	simm.s32 $0x0  }
0x2b3: {  	[tilespmem:s6], [sflag:$0x1] =	stream.linear.gather [hbm4b:s19+s25], $0x80, $0x38;
	[tilespmem:$0x1D900] =	vst v63  }
0x2b4: {  	s4 =	sshll.u32 s4, $0x7;
	s12 =	smul.u32 $0x7000, s12;
	s19 =	rddreg [dreg:$0xb]  }
0x2b5: {  	s4 =	sand.u32 $0x3F80, s4;
	s13 =	ssub.s32 s19, s23;
	s23 =	sld [smem:$0x7D9]  }
0x2b6: {  	s0 =	sadd.s32 s4, s0;
	s4 =	sshll.u32 s5, $0x7;
	s26 =	rddreg [dreg:$0x3]  }
0x2b7: {  	s16 =	smul.u32 $0x7000, s14;
	s8 =	sadd.s32 $0x1900, s8;
	s4 =	sand.u32 $0x3F80, s4  }
0x2b8: {  	[tilespmem:s23], [sflag:$0x1] =	stream.linear.gather [hbm4b:s15+s25], $0x80, $0x38;
	[tilespmem:$0x1D900] =	vst v63  }
0x2b9: {  	s0 =	sadd.s32 $0x1900, s0;
	s2 =	spop (v2sf);
	s6 =	sshrl.u32 s31, $0x2  }
0x2ba: {  	[tilespmem:s10], [sflag:$0x1] =	stream.linear.gather [hbm4b:s20+s25], $0x80, $0x38;
	[tilespmem:$0x1D900] =	vst v63  }
0x2bb: {  	s5 =	sshrl.u32 s16, $0x2;
	s31 =	ssub.s32 s7, s22;
	s22 =	sld [smem:$0x7DB]  }
0x2bc: {  	[tilespmem:s17], [sflag:$0x1] =	stream.linear.gather [hbm4b:s21+s25], $0x80, $0x38;
	[tilespmem:$0x1D900] =	vst v63  }
0x2bd: {  	s1 =	sadd.s32 s1, s5;
	s19 =	sadd.s32 $0x1900, s28;
	s17 =	sld [smem:$0x7DA]  }
0x2be: {  	s28 =	rddreg [dreg:$0x1f];
	s13 =	sshll.u32 s13, $0x7;
	s1 =	sadd.s32 $0x1900, s1  }
0x2bf: {  	s13 =	sand.u32 $0x3F80, s13;
	s15 =	smul.u32 $0x7000, s18;
	s18 =	rddreg [dreg:$0x11]  }
0x2c0: {  	[tilespmem:s11], [sflag:$0x1] =	stream.linear.gather [hbm4b:s17+s25], $0x80, $0x38;
	[tilespmem:$0x1D900] =	vst v63  }
0x2c1: {  	s5 =	sadd.s32 s26, s22;
	s6 =	sadd.s32 s13, s6;
	s7 =	sadd.s32 s26, s18  }
0x2c2: {  	[tilespmem:s9], [sflag:$0x1] =	stream.linear.gather [hbm4b:s7+s25], $0x80, $0x38;
	[tilespmem:$0x1D900] =	vst v63  }
0x2c3: {  	s23 =	rddreg [dreg:$0x17];
	s10 =	sand.u32 $0x1FFFFFF0, s2;
	s16 =	sshrl.u32 s15, $0x2  }
0x2c4: {  	[tilespmem:s19], [sflag:$0x1] =	stream.linear.gather [hbm4b:s30+s25], $0x80, $0x38;
	[tilespmem:$0x1D900] =	vst v63  }
0x2c5: {  	s2 =	sshll.u32 s31, $0x7;
	s20 =	sshrl.u32 s12, $0x2;
	s31 =	rddreg [dreg:$0x1a]  }
0x2c6: {  	[tilespmem:s8], [sflag:$0x1] =	stream.linear.gather [hbm4b:s5+s25], $0x80, $0x38;
	[tilespmem:$0x1D900] =	vst v63  }
0x2c7: {  	s4 =	sadd.s32 s4, s16;
	s2 =	sand.u32 $0x3F80, s2;
	s5 =	sadd.s32 s26, s23  }
0x2c8: {  	[tilespmem:s1], [sflag:$0x1] =	stream.linear.gather [hbm4b:s5+s25], $0x80, $0x38;
	[tilespmem:$0x1D900] =	vst v63  }
.Ltmp2:
0x2c9: {  	s21 =	rddreg [dreg:$0x4];
	s2 =	sadd.s32 s2, s20;
	(pc) =	sbr.rel @p0 .LBB2_7-.Ltmp2, $4  }
0x2ca: {  	s12 =	sadd.s32 $0x10, s21;
	s30 =	sadd.s32 $0x1900, s6;
	s1 =	sadd.s32 s26, s28  }
0x2cb: {  	[tilespmem:s0], [sflag:$0x1] =	stream.linear.gather [hbm4b:s1+s25], $0x80, $0x38;
	[tilespmem:$0x1D900] =	vst v63  }
0x2cc: {  	s6 =	sadd.s32 s26, s10;
	s1 =	sadd.s32 s26, s31;
	s0 =	rddreg [dreg:$0x8]  }
0x2cd: {  	[tilespmem:s30], [sflag:$0x1] =	stream.linear.gather [hbm4b:s1+s25], $0x80, $0x38;
	[tilespmem:$0x1D900] =	vst v63  }
0x2ce: {  	[tilespmem:s3], [sflag:$0x1] =	stream.linear.gather [hbm4b:s24+s25], $0x80, $0x38;
	[tilespmem:$0x1D900] =	vst v63  }
0x2cf: {  	s0 =	sadd.s32 $0x1900, s4;
	s5 =	sadd.s32 $0x1900, s2;
	s7 =	sld [smem:$0x7DD]  }
0x2d0: {  	[tilespmem:s0], [sflag:$0x1] =	stream.linear.gather [hbm4b:s6+s25], $0x80, $0x38;
	[tilespmem:$0x1D900] =	vst v63  }
0x2d1: {  	s1 =	sadd.s32 s26, s29;
	s8 =	simm.s32 $0x2;
	s6 =	sld [smem:$0x7F9]  }
0x2d2: {  	[tilespmem:s5], [sflag:$0x1] =	stream.linear.gather [hbm4b:s1+s25], $0x80, $0x38;
	[tilespmem:$0x1D900] =	vst v63  }
0x2d3: {  	_ =	swait.ge [sflag:s8], $0xC800  }
0x2d4: {  	s0 =	sadd.s32 s7, s6;
	s9 =	sld [smem:$0x7F8]  }
0x2d5: {  	s0 =	smul.u32 $0x380, s0;
	_ =	sdelay $0x1  }
0x2d6: {  	s11 =	simm.s32 $0xF900;
	[sflag:s8] =	ssyncset.done $0x0;
	s0 =	sadd.s32 s9, s0  }
0x2d7: {  	s1 =	simm.s32 $0x0;
	[sflag:s8] =	ssyncadd.s32 $0xFFFF3800;
	s10 =	sadd.s32 $0x1C00, s0  }
0x2d8: {  	[hbm4b:s10+s1] =	stream.linear.scatter [tilespmem:s11], [sflag:$0x4], $0x1900, $0x38;
	[tilespmem:$0x1D900] =	vst v63  }
0x2d9: {  	s13 =	simm.s32 $0x11500;
	s12 =	sadd.s32 $0x1F80, s0  }
0x2da: {  	[hbm4b:s12+s1] =	stream.linear.scatter [tilespmem:s13], [sflag:$0x4], $0x1900, $0x38;
	[tilespmem:$0x1D900] =	vst v63  }
0x2db: {  	s15 =	simm.s32 $0x13100;
	s14 =	sadd.s32 $0x2300, s0  }
0x2dc: {  	[hbm4b:s14+s1] =	stream.linear.scatter [tilespmem:s15], [sflag:$0x4], $0x1900, $0x38;
	[tilespmem:$0x1D900] =	vst v63  }
0x2dd: {  	s17 =	simm.s32 $0x14D00;
	s16 =	sadd.s32 $0x2680, s0  }
0x2de: {  	[hbm4b:s16+s1] =	stream.linear.scatter [tilespmem:s17], [sflag:$0x4], $0x1900, $0x38;
	[tilespmem:$0x1D900] =	vst v63  }
0x2df: {  	s19 =	simm.s32 $0x16900;
	s18 =	sadd.s32 $0x2A00, s0  }
0x2e0: {  	[hbm4b:s18+s1] =	stream.linear.scatter [tilespmem:s19], [sflag:$0x4], $0x1900, $0x38;
	[tilespmem:$0x1D900] =	vst v63  }
0x2e1: {  	s21 =	simm.s32 $0x18500;
	s20 =	sadd.s32 $0x2D80, s0  }
0x2e2: {  	[hbm4b:s20+s1] =	stream.linear.scatter [tilespmem:s21], [sflag:$0x4], $0x1900, $0x38;
	[tilespmem:$0x1D900] =	vst v63  }
0x2e3: {  	s23 =	simm.s32 $0x1A100;
	s22 =	sadd.s32 $0x3100, s0  }
0x2e4: {  	[hbm4b:s22+s1] =	stream.linear.scatter [tilespmem:s23], [sflag:$0x4], $0x1900, $0x38;
	[tilespmem:$0x1D900] =	vst v63  }
0x2e5: {  	s24 =	simm.s32 $0x1BD00;
	s29 =	simm.s32 $0x4;
	s0 =	sadd.s32 $0x3480, s0  }
0x2e6: {  	[hbm4b:s0+s1] =	stream.linear.scatter [tilespmem:s24], [sflag:$0x4], $0x1900, $0x38;
	[tilespmem:$0x1D900] =	vst v63  }
0x2e7: {  	_ =	swait.ge [sflag:s29], $0xC800  }
0x2e8: {  	s12 =	sld [smem:$0x7DF]  }
0x2e9: {  	[sflag:s29] =	ssyncset.done $0x0  }
0x2ea: {  	[sflag:s29] =	ssyncadd.s32 $0xFFFF3800  }
0x2eb: {  	v0 =	vld [tilespmem:s12+$0x0];
	_ =	sdelay $0x4  }
0x2ec: {  	v0 =	vshll.u32 v0, $0x4  }
0x2ed: {  	(v2sf) =	vpush v0, $0xA  }
0x2ee: {  	(v2sf) =	vpush v0, $0x2  }
0x2ef: {  	s31 =	sor.u32 $0x2, s1;
	(v2sf) =	vpush v0, $0x0  }
0x2f0: {  	s13 =	sand.u32 $0xFFFE, s31;
	(v2sf) =	vpush v0, $0x7  }
0x2f1: {  	s2 =	sshrl.u32 s13, $0x1;
	(v2sf) =	vpush v0, $0x5  }
0x2f2: {  	s2 =	smul.u32 $0x147B, s2  }
0x2f3: {  	(v2sf) =	vpush v0, $0x4  }
0x2f4: {  	s8 =	sshrl.u32 s2, $0x11;
	(v2sf) =	vpush v0, $0x1  }
0x2f5: {  	s30 =	sand.u32 $0xFFFE, s1;
	s13 =	sor.u32 $0x6, s1;
	s11 =	smul.u32 $0x32, s8  }
0x2f6: {  	s16 =	sor.u32 $0x1, s1;
	s8 =	smul.u32 $0x7000, s8;
	s0 =	sshrl.u32 s30, $0x1  }
0x2f7: {  	s17 =	sor.u32 $0x3, s1;
	s4 =	ssub.s32 s31, s11;
	s0 =	smul.u32 $0x147B, s0  }
0x2f8: {  	s8 =	sshrl.u32 s8, $0x2;
	s21 =	sand.u32 $0xFFFE, s17;
	s4 =	sshll.u32 s4, $0x7  }
0x2f9: {  	s4 =	sand.u32 $0x3F80, s4;
	s22 =	sor.u32 $0x4, s1;
	s0 =	sshrl.u32 s0, $0x11  }
0x2fa: {  	s23 =	sor.u32 $0x5, s1;
	s4 =	sadd.s32 s4, s8;
	s14 =	smul.u32 $0x32, s0  }
0x2fb: {  	s4 =	sadd.s32 $0xF900, s4;
	s30 =	sand.u32 $0xFFFE, s22;
	s5 =	smul.u32 $0x7000, s0  }
0x2fc: {  	s29 =	sand.u32 $0xFFFE, s23;
	s15 =	ssub.s32 $0x0, s14;
	s0 =	spop (v2sf)  }
0x2fd: {  	s5 =	sshrl.u32 s5, $0x2;
	s10 =	ssub.s32 s16, s14;
	s7 =	spop (v2sf)  }
0x2fe: {  	s6 =	sshll.u32 s15, $0x7;
	s5 =	sadd.s32 $0xF900, s5;
	s9 =	spop (v2sf)  }
0x2ff: {  	s6 =	sand.u32 $0x3F80, s6;
	(v2sf) =	vpush v0, $0x3;
	s2 =	spop (v2sf);
	s9 =	sand.u32 $0x1FFFFFF0, s9  }
0x300: {  	s6 =	sadd.s32 s6, s5;
	s3 =	spop (v2sf);
	s9 =	sadd.s32 s26, s9  }
0x301: {  	[tilespmem:s6], [sflag:$0x2] =	stream.linear.gather [hbm4b:s9+s25], $0x80, $0x38;
	[tilespmem:$0x1D900] =	vst v63  }
0x302: {  	s14 =	sand.u32 $0xFFFE, s13;
	s18 =	sshll.u32 s10, $0x7;
	s19 =	spop (v2sf)  }
0x303: {  	s0 =	sand.u32 $0x1FFFFFF0, s0;
	s9 =	sand.u32 $0x3F80, s18;
	s20 =	spop (v2sf)  }
0x304: {  	s5 =	sadd.s32 s9, s5;
	s9 =	sshrl.u32 s21, $0x1;
	s11 =	sand.u32 $0x1FFFFFF0, s20  }
0x305: {  	s7 =	sand.u32 $0x1FFFFFF0, s7;
	s9 =	smul.u32 $0x147B, s9;
	s11 =	sadd.s32 s26, s11  }
0x306: {  	[tilespmem:s5], [sflag:$0x2] =	stream.linear.gather [hbm4b:s11+s25], $0x80, $0x38;
	[tilespmem:$0x1D900] =	vst v63  }
0x307: {  	s0 =	sadd.s32 s26, s0;
	s7 =	sadd.s32 s26, s7;
	(v2sf) =	vpush v0, $0x6;
	s9 =	sshrl.u32 s9, $0x11  }
0x308: {  	s2 =	sand.u32 $0x1FFFFFF0, s2;
	s3 =	sand.u32 $0x1FFFFFF0, s3;
	s24 =	smul.u32 $0x32, s9  }
0x309: {  	[tilespmem:s4], [sflag:$0x2] =	stream.linear.gather [hbm4b:s7+s25], $0x80, $0x38;
	[tilespmem:$0x1D900] =	vst v63  }
0x30a: {  	s2 =	sadd.s32 s26, s2;
	s9 =	smul.u32 $0x7000, s9;
	s7 =	sshrl.u32 s30, $0x1  }
0x30b: {  	s4 =	sshrl.u32 s29, $0x1;
	s6 =	ssub.s32 s17, s24;
	s7 =	smul.u32 $0x147B, s7  }
0x30c: {  	s16 =	sand.u32 $0x1FFFFFF0, s19;
	s4 =	smul.u32 $0x147B, s4;
	s6 =	sshll.u32 s6, $0x7  }
0x30d: {  	s3 =	sadd.s32 s26, s3;
	s9 =	sshrl.u32 s9, $0x2;
	s6 =	sand.u32 $0x3F80, s6  }
0x30e: {  	s7 =	sshrl.u32 s7, $0x11;
	s4 =	sshrl.u32 s4, $0x11;
	s31 =	spop (v2sf)  }
0x30f: {  	s6 =	sadd.s32 s6, s9;
	s9 =	smul.u32 $0x32, s4;
	s8 =	sand.u32 $0x1FFFFFF0, s31  }
0x310: {  	s4 =	smul.u32 $0x7000, s4;
	s6 =	sadd.s32 $0xF900, s6;
	s8 =	sadd.s32 s26, s8  }
0x311: {  	(v2sf) =	vpush v0, $0x8;
	[tilespmem:s6], [sflag:$0x2] =	stream.linear.gather [hbm4b:s8+s25], $0x80, $0x38;
	[tilespmem:$0x1D900] =	vst v63  }
0x312: {  	(v2sf) =	vpush v0, $0xB;
	s20 =	sor.u32 $0x9, s1;
	s17 =	sor.u32 $0x7, s1;
	s8 =	smul.u32 $0x32, s7  }
0x313: {  	s30 =	sor.u32 $0x8, s1;
	s19 =	sand.u32 $0xFFFE, s17;
	s7 =	smul.u32 $0x7000, s7  }
0x314: {  	s4 =	sshrl.u32 s4, $0x2;
	s31 =	sand.u32 $0xFFFE, s30;
	s5 =	ssub.s32 s22, s8  }
0x315: {  	s8 =	ssub.s32 s23, s9;
	s9 =	sshrl.u32 s14, $0x1;
	s7 =	sshrl.u32 s7, $0x2  }
0x316: {  	s22 =	spop (v2sf);
	s23 =	sand.u32 $0xFFFE, s20;
	s14 =	sor.u32 $0xA, s1  }
0x317: {  	s5 =	sshll.u32 s5, $0x7;
	s15 =	smul.u32 $0x147B, s9;
	s9 =	sadd.s32 s26, s16  }
0x318: {  	s8 =	sshll.u32 s8, $0x7;
	s24 =	sshrl.u32 s23, $0x1;
	s5 =	sand.u32 $0x3F80, s5  }
0x319: {  	s8 =	sand.u32 $0x3F80, s8;
	s5 =	sadd.s32 s5, s7;
	s7 =	sshrl.u32 s15, $0x11  }
0x31a: {  	(v2sf) =	vpush v0, $0xC;
	s23 =	sor.u32 $0xD, s1;
	s4 =	sadd.s32 s8, s4;
	s18 =	smul.u32 $0x32, s7  }
0x31b: {  	s8 =	sshrl.u32 s19, $0x1;
	s5 =	sadd.s32 $0xF900, s5;
	s7 =	smul.u32 $0x7000, s7  }
0x31c: {  	s4 =	sadd.s32 $0xF900, s4;
	s21 =	smul.u32 $0x147B, s8;
	s8 =	sand.u32 $0x1FFFFFF0, s22  }
0x31d: {  	[tilespmem:s5], [sflag:$0x2] =	stream.linear.gather [hbm4b:s9+s25], $0x80, $0x38;
	[tilespmem:$0x1D900] =	vst v63  }
0x31e: {  	s8 =	sadd.s32 s26, s8;
	s6 =	ssub.s32 s13, s18;
	s7 =	sshrl.u32 s7, $0x2  }
0x31f: {  	(v2sf) =	vpush v0, $0x9;
	[tilespmem:s4], [sflag:$0x2] =	stream.linear.gather [hbm4b:s3+s25], $0x80, $0x38;
	[tilespmem:$0x1D900] =	vst v63  }
0x320: {  	s13 =	spop (v2sf);
	s6 =	sshll.u32 s6, $0x7;
	s4 =	sshrl.u32 s21, $0x11  }
0x321: {  	s16 =	spop (v2sf);
	s21 =	sor.u32 $0xB, s1;
	s29 =	smul.u32 $0x32, s4  }
0x322: {  	s6 =	sand.u32 $0x3F80, s6;
	s4 =	smul.u32 $0x7000, s4;
	s22 =	sand.u32 $0xFFFE, s21  }
0x323: {  	s6 =	sadd.s32 s6, s7;
	s7 =	sshrl.u32 s31, $0x1;
	s31 =	sor.u32 $0xC, s1  }
0x324: {  	s6 =	sadd.s32 $0xF900, s6;
	s5 =	ssub.s32 s17, s29;
	s7 =	smul.u32 $0x147B, s7  }
0x325: {  	[tilespmem:s6], [sflag:$0x2] =	stream.linear.gather [hbm4b:s8+s25], $0x80, $0x38;
	[tilespmem:$0x1D900] =	vst v63  }
0x326: {  	s4 =	sshrl.u32 s4, $0x2;
	s6 =	smul.u32 $0x147B, s24;
	s7 =	sshrl.u32 s7, $0x11  }
0x327: {  	s17 =	sand.u32 $0xFFFE, s14;
	s5 =	sshll.u32 s5, $0x7;
	s10 =	smul.u32 $0x32, s7  }
0x328: {  	s5 =	sand.u32 $0x3F80, s5;
	s6 =	sshrl.u32 s6, $0x11;
	s7 =	smul.u32 $0x7000, s7  }
0x329: {  	s18 =	spop (v2sf);
	s4 =	sadd.s32 s5, s4;
	s9 =	smul.u32 $0x7000, s6  }
0x32a: {  	s24 =	sand.u32 $0xFFFE, s23;
	s4 =	sadd.s32 $0xF900, s4;
	s11 =	smul.u32 $0x32, s6  }
0x32b: {  	s6 =	sand.u32 $0x1FFFFFF0, s13;
	s13 =	sor.u32 $0xF, s1;
	s1 =	sor.u32 $0xE, s1  }
0x32c: {  	[tilespmem:s4], [sflag:$0x2] =	stream.linear.gather [hbm4b:s2+s25], $0x80, $0x38;
	[tilespmem:$0x1D900] =	vst v63  }
0x32d: {  	s2 =	ssub.s32 s30, s10;
	s15 =	sshrl.u32 s7, $0x2;
	s4 =	sshrl.u32 s17, $0x1  }
0x32e: {  	s6 =	sadd.s32 s26, s6;
	s19 =	spop (v2sf);
	s4 =	smul.u32 $0x147B, s4  }
0x32f: {  	s2 =	sshll.u32 s2, $0x7;
	s3 =	ssub.s32 s20, s11;
	s5 =	sshrl.u32 s9, $0x2  }
0x330: {  	s2 =	sand.u32 $0x3F80, s2;
	s3 =	sshll.u32 s3, $0x7;
	s4 =	sshrl.u32 s4, $0x11  }
0x331: {  	s2 =	sadd.s32 s2, s15;
	s3 =	sand.u32 $0x3F80, s3;
	s20 =	smul.u32 $0x32, s4  }
0x332: {  	(v2sf) =	vpush v0, $0xF;
	s2 =	sadd.s32 $0xF900, s2;
	s3 =	sadd.s32 s3, s5;
	s4 =	smul.u32 $0x7000, s4  }
0x333: {  	[tilespmem:s2], [sflag:$0x2] =	stream.linear.gather [hbm4b:s6+s25], $0x80, $0x38;
	[tilespmem:$0x1D900] =	vst v63  }
0x334: {  	s15 =	sand.u32 $0xFFFE, s1;
	s6 =	sand.u32 $0x1FFFFFF0, s19;
	s3 =	sadd.s32 $0xF900, s3  }
0x335: {  	s6 =	sadd.s32 s26, s6;
	s5 =	ssub.s32 s14, s20;
	s4 =	sshrl.u32 s4, $0x2  }
0x336: {  	(v2sf) =	vpush v0, $0xD;
	[tilespmem:s3], [sflag:$0x2] =	stream.linear.gather [hbm4b:s6+s25], $0x80, $0x38;
	[tilespmem:$0x1D900] =	vst v63  }
0x337: {  	(v2sf) =	vpush v0, $0xE;
	s14 =	sand.u32 $0xFFFE, s13;
	s6 =	sshrl.u32 s22, $0x1;
	s5 =	sshll.u32 s5, $0x7  }
0x338: {  	s8 =	sshrl.u32 s14, $0x1;
	s6 =	smul.u32 $0x147B, s6;
	s5 =	sand.u32 $0x3F80, s5  }
0x339: {  	s8 =	smul.u32 $0x147B, s8;
	s4 =	sadd.s32 s5, s4;
	s5 =	sshrl.u32 s15, $0x1  }
0x33a: {  	s6 =	sshrl.u32 s6, $0x11;
	s4 =	sadd.s32 $0xF900, s4;
	s5 =	smul.u32 $0x147B, s5  }
0x33b: {  	[tilespmem:s4], [sflag:$0x2] =	stream.linear.gather [hbm4b:s0+s25], $0x80, $0x38;
	[tilespmem:$0x1D900] =	vst v63  }
0x33c: {  	s29 =	sshrl.u32 s24, $0x1;
	s30 =	smul.u32 $0x32, s6  }
0x33d: {  	s7 =	sand.u32 $0x1FFFFFF0, s16;
	s0 =	smul.u32 $0x147B, s29  }
0x33e: {  	s2 =	sand.u32 $0x1FFFFFF0, s18;
	s18 =	sshrl.u32 s8, $0x11;
	s6 =	smul.u32 $0x7000, s6  }
0x33f: {  	s9 =	sand.u32 $0xFFFE, s31;
	s7 =	sadd.s32 s26, s7;
	s19 =	smul.u32 $0x32, s18  }
0x340: {  	s2 =	sadd.s32 s26, s2;
	s4 =	sshrl.u32 s9, $0x1;
	s22 =	smul.u32 $0x7000, s18  }
0x341: {  	s20 =	spop (v2sf);
	s4 =	smul.u32 $0x147B, s4;
	s16 =	sshrl.u32 s5, $0x11  }
0x342: {  	s28 =	sand.u32 $0x1FFFFFF0, s20;
	s0 =	sshrl.u32 s0, $0x11;
	s5 =	smul.u32 $0x32, s16  }
0x343: {  	s3 =	ssub.s32 s21, s30;
	s6 =	sshrl.u32 s6, $0x2;
	s10 =	smul.u32 $0x32, s0  }
0x344: {  	s3 =	sshll.u32 s3, $0x7;
	s4 =	sshrl.u32 s4, $0x11;
	s0 =	smul.u32 $0x7000, s0  }
0x345: {  	s21 =	spop (v2sf);
	s3 =	sand.u32 $0x3F80, s3;
	s11 =	smul.u32 $0x32, s4  }
0x346: {  	s24 =	spop (v2sf);
	s4 =	smul.u32 $0x7000, s4;
	s3 =	sadd.s32 s3, s6  }
0x347: {  	s1 =	ssub.s32 s1, s5;
	s5 =	sand.u32 $0x1FFFFFF0, s21;
	s3 =	sadd.s32 $0xF900, s3  }
0x348: {  	[tilespmem:s3], [sflag:$0x2] =	stream.linear.gather [hbm4b:s7+s25], $0x80, $0x38;
	[tilespmem:$0x1D900] =	vst v63  }
0x349: {  	s30 =	sand.u32 $0x1FFFFFF0, s24;
	s6 =	ssub.s32 s23, s10;
	s3 =	ssub.s32 s31, s11  }
0x34a: {  	s0 =	sshrl.u32 s0, $0x2;
	s1 =	sshll.u32 s1, $0x7;
	s3 =	sshll.u32 s3, $0x7  }
0x34b: {  	s23 =	sadd.s32 s26, s5;
	s4 =	sshrl.u32 s4, $0x2;
	s3 =	sand.u32 $0x3F80, s3  }
0x34c: {  	s10 =	sadd.s32 $0x10, s12;
	s17 =	sshll.u32 s6, $0x7;
	s3 =	sadd.s32 s3, s4  }
0x34d: {  	s6 =	ssub.s32 s13, s19;
	s4 =	smul.u32 $0x7000, s16;
	s3 =	sadd.s32 $0xF900, s3  }
0x34e: {  	[tilespmem:s3], [sflag:$0x2] =	stream.linear.gather [hbm4b:s2+s25], $0x80, $0x38;
	[tilespmem:$0x1D900] =	vst v63  }
0x34f: {  	s1 =	sand.u32 $0x3F80, s1;
	s29 =	sshll.u32 s6, $0x7;
	s2 =	sand.u32 $0x3F80, s17  }
0x350: {  	s31 =	sshrl.u32 s22, $0x2;
	s4 =	sshrl.u32 s4, $0x2;
	s2 =	sadd.s32 s2, s0  }
0x351: {  	s0 =	simm.s32 $0x10;
	s3 =	sadd.s32 $0xF900, s2;
	s2 =	sand.u32 $0x3F80, s29  }
0x352: {  	s5 =	sadd.s32 s1, s4;
	s4 =	sadd.s32 s26, s30;
	s2 =	sadd.s32 s2, s31  }
.LBB2_9:
0x353: {  	[dreg:$0x5] =	wrdreg s10;
	s13 =	sor.u32 $0x9, s0;
	s6 =	sadd.s32 $0xF900, s5  }
0x354: {  	[tilespmem:s3], [sflag:$0x2] =	stream.linear.gather [hbm4b:s23+s25], $0x80, $0x38;
	[tilespmem:$0x1D900] =	vst v63  }
0x355: {  	s7 =	sadd.s32 $0xF900, s2;
	s12 =	smov.u32 s0;
	s16 =	sor.u32 $0x3, s0  }
0x356: {  	s5 =	sor.u32 $0x4, s0;
	s17 =	sor.u32 $0x6, s0;
	s2 =	sand.u32 $0xFFFE, s0  }
0x357: {  	s9 =	sadd.s32 s26, s28;
	s11 =	sor.u32 $0x2, s0;
	s14 =	sor.u32 $0x5, s0  }
0x358: {  	s1 =	sor.u32 $0xC, s0;
	s23 =	sadd.s32 $0x10, s0;
	p0 =	sne.s32 s0, $0x180  }
0x359: {  	[smem:$0x7CA] =	sst s13;
	s8 =	sand.u32 $0xFFFE, s17;
	s18 =	sand.u32 $0xFFFE, s11  }
0x35a: {  	s19 =	sand.u32 $0xFFFE, s14;
	[dreg:$0xc] =	wrdreg s1;
	s3 =	sshrl.u32 s2, $0x1  }
0x35b: {  	s21 =	sand.u32 $0xFFFE, s1;
	s15 =	sand.u32 $0xFFFE, s5;
	s22 =	sand.u32 $0xFFFE, s13  }
0x35c: {  	[tilespmem:s6], [sflag:$0x2] =	stream.linear.gather [hbm4b:s4+s25], $0x80, $0x38;
	[tilespmem:$0x1D900] =	vst v63  }
0x35d: {  	[dreg:$0x9] =	wrdreg s23;
	s8 =	sshrl.u32 s8, $0x1;
	s3 =	smul.u32 $0x147B, s3  }
0x35e: {  	[tilespmem:s7], [sflag:$0x2] =	stream.linear.gather [hbm4b:s9+s25], $0x80, $0x38;
	[tilespmem:$0x1D900] =	vst v63  }
0x35f: {  	s6 =	sand.u32 $0xFFFE, s16;
	s15 =	sshrl.u32 s15, $0x1;
	s8 =	smul.u32 $0x147B, s8;
	v0 =	vld [tilespmem:s10+$0x0]  }
0x360: {  	s4 =	sshrl.u32 s6, $0x1;
	s6 =	sshrl.u32 s18, $0x1;
	s15 =	smul.u32 $0x147B, s15  }
0x361: {  	s23 =	sor.u32 $0xD, s12;
	s31 =	sor.u32 $0xF, s12;
	s6 =	smul.u32 $0x147B, s6  }
0x362: {  	s1 =	sshrl.u32 s21, $0x1;
	s7 =	sshrl.u32 s19, $0x1;
	s4 =	smul.u32 $0x147B, s4  }
0x363: {  	s19 =	sor.u32 $0x7, s0;
	s3 =	sshrl.u32 s3, $0x11;
	s7 =	smul.u32 $0x147B, s7  }
0x364: {  	s30 =	sand.u32 $0xFFFE, s23;
	s20 =	sand.u32 $0xFFFE, s19;
	s24 =	smul.u32 $0x7000, s3;
	v0 =	vshll.u32 v0, $0x4  }
0x365: {  	s3 =	smul.u32 $0x32, s3;
	s9 =	sshrl.u32 s20, $0x1;
	s20 =	sshrl.u32 s22, $0x1;
	(v2sf) =	vpush v0, $0xA  }
0x366: {  	s6 =	sshrl.u32 s6, $0x11;
	s22 =	sor.u32 $0x1, s12;
	s10 =	smul.u32 $0x147B, s9;
	(v2sf) =	vpush v0, $0x2  }
0x367: {  	s26 =	ssub.s32 s12, s3;
	s3 =	ssub.s32 s22, s3;
	s22 =	smul.u32 $0x7000, s6;
	(v2sf) =	vpush v0, $0x0  }
0x368: {  	[dreg:$0x15] =	wrdreg s1;
	s15 =	sshrl.u32 s15, $0x11;
	s20 =	smul.u32 $0x147B, s20;
	(v2sf) =	vpush v0, $0x7  }
0x369: {  	s1 =	sshrl.u32 s4, $0x11;
	s25 =	sshrl.u32 s24, $0x2;
	s24 =	smul.u32 $0x32, s15  }
0x36a: {  	[smem:$0x7CB] =	sst s31;
	s7 =	sshrl.u32 s7, $0x11;
	s4 =	smul.u32 $0x32, s1;
	(v2sf) =	vpush v0, $0x5  }
0x36b: {  	s9 =	sshrl.u32 s30, $0x1;
	s6 =	smul.u32 $0x32, s6;
	[smem:$0x7C8] =	sst s25  }
0x36c: {  	s29 =	sshll.u32 s26, $0x7;
	s21 =	smul.u32 $0x7000, s7;
	s3 =	sshll.u32 s3, $0x7;
	(v2sf) =	vpush v0, $0x4  }
0x36d: {  	s7 =	smul.u32 $0x32, s7;
	[smem:$0x7C9] =	sst s29;
	s13 =	sand.u32 $0x3F80, s3;
	(v2sf) =	vpush v0, $0x1  }
0x36e: {  	s3 =	smul.u32 $0x7000, s15;
	s26 =	sshrl.u32 s20, $0x11;
	s5 =	ssub.s32 s5, s24;
	(v2sf) =	vpush v0, $0x3  }
0x36f: {  	s24 =	smul.u32 $0x7000, s1;
	s6 =	ssub.s32 s11, s6;
	s4 =	ssub.s32 s16, s4;
	(v2sf) =	vpush v0, $0x6  }
0x370: {  	s10 =	sshrl.u32 s10, $0x11;
	s21 =	sshrl.u32 s21, $0x2;
	s2 =	ssub.s32 s14, s7;
	(v2sf) =	vpush v0, $0x8  }
0x371: {  	s14 =	sshrl.u32 s8, $0x11;
	s30 =	sshll.u32 s5, $0x7;
	s11 =	sshll.u32 s6, $0x7  }
0x372: {  	s8 =	sshrl.u32 s22, $0x2;
	s5 =	rddreg [dreg:$0x3];
	s2 =	sshll.u32 s2, $0x7;
	(v2sf) =	vpush v0, $0xB  }
0x373: {  	s28 =	sshrl.u32 s3, $0x2;
	s3 =	smul.u32 $0x147B, s9;
	s2 =	sand.u32 $0x3F80, s2  }
0x374: {  	s15 =	smul.u32 $0x7000, s14;
	s2 =	sadd.s32 s2, s21;
	s21 =	spop (v2sf)  }
0x375: {  	s6 =	sshll.u32 s4, $0x7;
	[smem:$0x7CC] =	sst s2;
	(v2sf) =	vpush v0, $0xC;
	s18 =	spop (v2sf)  }
0x376: {  	s25 =	sand.u32 $0x1FFFFFF0, s18;
	s29 =	spop (v2sf);
	s18 =	smul.u32 $0x32, s14  }
0x377: {  	s9 =	sshrl.u32 s15, $0x2;
	[smem:$0x7CD] =	sst s25;
	s0 =	spop (v2sf)  }
0x378: {  	(v2sf) =	vpush v0, $0x9;
	s29 =	sand.u32 $0x1FFFFFF0, s29;
	s1 =	sand.u32 $0x1FFFFFF0, s0;
	s0 =	smul.u32 $0x7000, s26  }
0x379: {  	s31 =	spop (v2sf);
	s7 =	ssub.s32 s17, s18;
	s17 =	sand.u32 $0x3F80, s11  }
0x37a: {  	s22 =	sadd.s32 s5, s29;
	s11 =	sand.u32 $0x1FFFFFF0, s21;
	[dreg:$0x12] =	wrdreg s1  }
0x37b: {  	s1 =	sand.u32 $0x3F80, s30;
	s2 =	spop (v2sf);
	[dreg:$0x18] =	wrdreg s11  }
0x37c: {  	s21 =	sand.u32 $0x1FFFFFF0, s31;
	s8 =	sadd.s32 s17, s8;
	s25 =	spop (v2sf)  }
0x37d: {  	s20 =	sand.u32 $0x1FFFFFF0, s2;
	s31 =	sadd.s32 s1, s28;
	s14 =	spop (v2sf)  }
0x37e: {  	s18 =	spop (v2sf);
	s11 =	sand.u32 $0x1FFFFFF0, s14;
	s14 =	smul.u32 $0x32, s26  }
0x37f: {  	s8 =	sadd.s32 $0xF900, s8;
	s26 =	rddreg [dreg:$0x3];
	s30 =	spop (v2sf)  }
0x380: {  	s16 =	sand.u32 $0x1FFFFFF0, s18;
	s18 =	sshrl.u32 s0, $0x2;
	s29 =	sand.u32 $0x1FFFFFF0, s30  }
0x381: {  	s15 =	spop (v2sf);
	s30 =	sshrl.u32 s24, $0x2;
	s24 =	sand.u32 $0x3F80, s6  }
0x382: {  	s1 =	sadd.s32 s26, s16;
	s6 =	smul.u32 $0x7000, s10;
	s26 =	sld [smem:$0x7C9]  }
0x383: {  	s10 =	smul.u32 $0x32, s10;
	[smem:$0x7D0] =	sst s1;
	s0 =	sadd.s32 s24, s30  }
0x384: {  	s16 =	sand.u32 $0x1FFFFFF0, s15;
	s24 =	sld [smem:$0x7C8];
	s2 =	spop (v2sf)  }
0x385: {  	s15 =	sor.u32 $0xB, s12;
	[smem:$0x7D2] =	sst s16;
	s1 =	sand.u32 $0x1FFFFFF0, s2  }
0x386: {  	s0 =	sadd.s32 $0xF900, s0;
	s6 =	sshrl.u32 s6, $0x2;
	[dreg:$0x1b] =	wrdreg s1  }
0x387: {  	(v2sf) =	vpush v0, $0xF;
	s4 =	spop (v2sf);
	s1 =	sadd.s32 $0xF900, s24;
	s24 =	sand.u32 $0xFFFE, s15  }
0x388: {  	(v2sf) =	vpush v0, $0xD;
	[smem:$0x7CF] =	sst s0;
	s5 =	sand.u32 $0x1FFFFFF0, s4;
	s0 =	sshrl.u32 s24, $0x1  }
0x389: {  	[smem:$0x7D1] =	sst s5;
	s5 =	sand.u32 $0x3F80, s26;
	s26 =	sshrl.u32 s3, $0x11  }
0x38a: {  	s3 =	ssub.s32 s19, s10;
	s19 =	sor.u32 $0x8, s12;
	s0 =	smul.u32 $0x147B, s0  }
0x38b: {  	s10 =	sor.u32 $0xA, s12;
	s12 =	sor.u32 $0xE, s12;
	s30 =	smul.u32 $0x32, s26  }
0x38c: {  	s4 =	sand.u32 $0xFFFE, s19;
	s3 =	sshll.u32 s3, $0x7;
	s5 =	sadd.s32 s5, s1  }
0x38d: {  	s1 =	sadd.s32 s13, s1;
	s17 =	sand.u32 $0xFFFE, s12;
	s16 =	sshrl.u32 s4, $0x1  }
0x38e: {  	[smem:$0x7CE] =	sst s1;
	s13 =	sand.u32 $0x3F80, s3;
	s3 =	sand.u32 $0x1FFFFFF0, s25  }
0x38f: {  	s17 =	sshrl.u32 s17, $0x1;
	s0 =	sshrl.u32 s0, $0x11;
	s2 =	ssub.s32 s23, s30  }
0x390: {  	s30 =	sand.u32 $0xFFFE, s10;
	s4 =	smul.u32 $0x147B, s16;
	s16 =	simm.s32 $0x0  }
0x391: {  	[tilespmem:s5], [sflag:$0x2] =	stream.linear.gather [hbm4b:s22+s16], $0x80, $0x38;
	[tilespmem:$0x1D900] =	vst v63  }
0x392: {  	s6 =	sadd.s32 s13, s6;
	s17 =	smul.u32 $0x147B, s17;
	s22 =	rddreg [dreg:$0x3]  }
0x393: {  	s23 =	sshrl.u32 s30, $0x1;
	s30 =	sld [smem:$0x7CA];
	s2 =	sshll.u32 s2, $0x7  }
0x394: {  	s29 =	sadd.s32 s22, s29;
	s5 =	smul.u32 $0x147B, s23;
	s4 =	sshrl.u32 s4, $0x11  }
0x395: {  	s2 =	sand.u32 $0x3F80, s2;
	s17 =	sshrl.u32 s17, $0x11;
	s1 =	smul.u32 $0x32, s4  }
0x396: {  	s22 =	spop (v2sf);
	s4 =	smul.u32 $0x7000, s4;
	s16 =	ssub.s32 s30, s14  }
0x397: {  	s24 =	spop (v2sf);
	s30 =	rddreg [dreg:$0x3];
	s28 =	sand.u32 $0x1FFFFFF0, s22  }
0x398: {  	s13 =	sshrl.u32 s5, $0x11;
	s14 =	sand.u32 $0x1FFFFFF0, s24;
	s25 =	sshll.u32 s16, $0x7  }
0x399: {  	s16 =	sshll.u32 s7, $0x7;
	s22 =	ssub.s32 s19, s1;
	s1 =	smul.u32 $0x32, s0  }
0x39a: {  	s4 =	sshrl.u32 s4, $0x2;
	s24 =	rddreg [dreg:$0x15];
	s0 =	smul.u32 $0x7000, s0  }
0x39b: {  	s23 =	sadd.s32 s30, s14;
	s5 =	sand.u32 $0x3F80, s16;
	s7 =	sshll.u32 s22, $0x7  }
0x39c: {  	s14 =	smul.u32 $0x147B, s24;
	s22 =	sld [smem:$0x7CC];
	s25 =	sand.u32 $0x3F80, s25  }
0x39d: {  	s9 =	sadd.s32 s5, s9;
	s7 =	sand.u32 $0x3F80, s7;
	s5 =	sld [smem:$0x7CB]  }
0x39e: {  	s1 =	ssub.s32 s15, s1;
	s0 =	sshrl.u32 s0, $0x2;
	s19 =	sadd.s32 s7, s4  }
0x39f: {  	s7 =	sadd.s32 $0xF900, s9;
	s9 =	sshrl.u32 s14, $0x11;
	s14 =	smul.u32 $0x7000, s26  }
0x3a0: {  	s4 =	sadd.s32 $0xF900, s6;
	s26 =	rddreg [dreg:$0x3];
	s1 =	sshll.u32 s1, $0x7  }
0x3a1: {  	(v2sf) =	vpush v0, $0xE;
	s16 =	sadd.s32 $0xF900, s22;
	s15 =	smul.u32 $0x32, s9;
	s1 =	sand.u32 $0x3F80, s1  }
0x3a2: {  	s9 =	smul.u32 $0x7000, s9;
	s30 =	sand.u32 $0xFFFE, s5;
	s14 =	sshrl.u32 s14, $0x2  }
0x3a3: {  	s0 =	sadd.s32 s1, s0;
	s24 =	sshrl.u32 s30, $0x1;
	s30 =	sld [smem:$0x7CD]  }
0x3a4: {  	s2 =	sadd.s32 s2, s14;
	s14 =	sadd.s32 s25, s18;
	s18 =	smul.u32 $0x32, s17  }
0x3a5: {  	s25 =	simm.s32 $0x0;
	s22 =	smul.u32 $0x147B, s24;
	s24 =	rddreg [dreg:$0x3]  }
0x3a6: {  	s1 =	sshrl.u32 s9, $0x2;
	s20 =	sadd.s32 s24, s20;
	s24 =	rddreg [dreg:$0x3]  }
0x3a7: {  	s6 =	sshrl.u32 s22, $0x11;
	s22 =	sadd.s32 s26, s30;
	s26 =	rddreg [dreg:$0x3]  }
0x3a8: {  	s12 =	ssub.s32 s12, s18;
	s18 =	smul.u32 $0x7000, s13;
	s30 =	rddreg [dreg:$0x3]  }
0x3a9: {  	s11 =	sadd.s32 s26, s11;
	s26 =	sadd.s32 $0xF900, s31;
	s31 =	smul.u32 $0x32, s13  }
0x3aa: {  	s30 =	sadd.s32 s30, s3;
	s3 =	sadd.s32 $0xF900, s2;
	s2 =	smul.u32 $0x32, s6  }
0x3ab: {  	s0 =	sadd.s32 $0xF900, s0;
	s21 =	sadd.s32 s24, s21;
	s6 =	smul.u32 $0x7000, s6  }
0x3ac: {  	s9 =	sshrl.u32 s18, $0x2;
	s10 =	ssub.s32 s10, s31;
	s31 =	sld [smem:$0x7CE]  }
0x3ad: {  	s18 =	rddreg [dreg:$0x12];
	s2 =	ssub.s32 s5, s2;
	s5 =	smul.u32 $0x7000, s17  }
0x3ae: {  	s17 =	sld [smem:$0x7D0];
	s6 =	sshrl.u32 s6, $0x2;
	s10 =	sshll.u32 s10, $0x7  }
0x3af: {  	[tilespmem:s31], [sflag:$0x2] =	stream.linear.gather [hbm4b:s30+s25], $0x80, $0x38;
	[tilespmem:$0x1D900] =	vst v63  }
0x3b0: {  	s2 =	sshll.u32 s2, $0x7;
	s24 =	spop (v2sf);
	s30 =	sld [smem:$0x7CF]  }
0x3b1: {  	[tilespmem:s8], [sflag:$0x2] =	stream.linear.gather [hbm4b:s22+s25], $0x80, $0x38;
	[tilespmem:$0x1D900] =	vst v63  }
0x3b2: {  	s10 =	sand.u32 $0x3F80, s10;
	s13 =	sand.u32 $0x1FFFFFF0, s24;
	s24 =	rddreg [dreg:$0x18]  }
0x3b3: {  	[tilespmem:s30], [sflag:$0x2] =	stream.linear.gather [hbm4b:s11+s25], $0x80, $0x38;
	[tilespmem:$0x1D900] =	vst v63  }
0x3b4: {  	s2 =	sand.u32 $0x3F80, s2;
	s31 =	sadd.s32 $0xF900, s14;
	s22 =	rddreg [dreg:$0xc]  }
0x3b5: {  	[tilespmem:s26], [sflag:$0x2] =	stream.linear.gather [hbm4b:s20+s25], $0x80, $0x38;
	[tilespmem:$0x1D900] =	vst v63  }
0x3b6: {  	s8 =	sshll.u32 s12, $0x7;
	s12 =	ssub.s32 s22, s15;
	s15 =	rddreg [dreg:$0x5]  }
0x3b7: {  	[tilespmem:s16], [sflag:$0x2] =	stream.linear.gather [hbm4b:s21+s25], $0x80, $0x38;
	[tilespmem:$0x1D900] =	vst v63  }
0x3b8: {  	s9 =	sadd.s32 s10, s9;
	s2 =	sadd.s32 s2, s6;
	s26 =	rddreg [dreg:$0x3]  }
0x3b9: {  	[tilespmem:s7], [sflag:$0x2] =	stream.linear.gather [hbm4b:s17+s25], $0x80, $0x38;
	[tilespmem:$0x1D900] =	vst v63  }
0x3ba: {  	s8 =	sand.u32 $0x3F80, s8;
	s21 =	sld [smem:$0x7D1];
	s7 =	sadd.s32 s26, s18  }
0x3bb: {  	[tilespmem:s4], [sflag:$0x2] =	stream.linear.gather [hbm4b:s7+s25], $0x80, $0x38;
	[tilespmem:$0x1D900] =	vst v63  }
0x3bc: {  	s22 =	sadd.s32 $0xF900, s9;
	s12 =	sshll.u32 s12, $0x7;
	s20 =	sadd.s32 $0xF900, s19  }
0x3bd: {  	[tilespmem:s20], [sflag:$0x2] =	stream.linear.gather [hbm4b:s29+s25], $0x80, $0x38;
	[tilespmem:$0x1D900] =	vst v63  }
0x3be: {  	s10 =	sadd.s32 $0x10, s15;
	s12 =	sand.u32 $0x3F80, s12;
	s4 =	sadd.s32 s26, s21  }
0x3bf: {  	[tilespmem:s31], [sflag:$0x2] =	stream.linear.gather [hbm4b:s4+s25], $0x80, $0x38;
	[tilespmem:$0x1D900] =	vst v63  }
0x3c0: {  	s1 =	sadd.s32 s12, s1;
	s6 =	sadd.s32 s26, s24;
	s29 =	sld [smem:$0x7D2]  }
0x3c1: {  	[tilespmem:s22], [sflag:$0x2] =	stream.linear.gather [hbm4b:s6+s25], $0x80, $0x38;
	[tilespmem:$0x1D900] =	vst v63  }
.Ltmp3:
0x3c2: {  	s30 =	sadd.s32 $0xF900, s1;
	s16 =	sshrl.u32 s5, $0x2;
	(pc) =	sbr.rel @p0 .LBB2_9-.Ltmp3, $4  }
0x3c3: {  	s5 =	sadd.s32 s8, s16;
	s31 =	rddreg [dreg:$0x1b];
	s4 =	sadd.s32 s26, s29  }
0x3c4: {  	[tilespmem:s0], [sflag:$0x2] =	stream.linear.gather [hbm4b:s4+s25], $0x80, $0x38;
	[tilespmem:$0x1D900] =	vst v63  }
0x3c5: {  	s1 =	sadd.s32 s26, s31;
	s4 =	sadd.s32 s26, s13;
	s0 =	rddreg [dreg:$0x9]  }
0x3c6: {  	[tilespmem:s30], [sflag:$0x2] =	stream.linear.gather [hbm4b:s1+s25], $0x80, $0x38;
	[tilespmem:$0x1D900] =	vst v63  }
0x3c7: {  	s16 =	sld [smem:$0x7DC];
	_ =	sdelay $0x1  }
0x3c8: {  	[tilespmem:s3], [sflag:$0x2] =	stream.linear.gather [hbm4b:s23+s25], $0x80, $0x38;
	[tilespmem:$0x1D900] =	vst v63  }
0x3c9: {  	s16 =	sadd.s32 $0x1, s16  }
0x3ca: {  	s31 =	sld [smem:$0x7DF];
	p0 =	sne.s32 s16, $0x7  }
.Ltmp4:
0x3cb: {  	s0 =	sadd.s32 $0xF900, s5;
	s12 =	sld [smem:$0x7DE];
	(pc) =	sbr.rel @p0 .LBB2_6-.Ltmp4, $4  }
0x3cc: {  	[tilespmem:s0], [sflag:$0x2] =	stream.linear.gather [hbm4b:s4+s25], $0x80, $0x38;
	[tilespmem:$0x1D900] =	vst v63  }
0x3cd: {  	s30 =	sadd.s32 $0xF900, s2;
	s1 =	sadd.s32 s26, s28;
	s0 =	sadd.s32 $0x320, s31  }
0x3ce: {  	[tilespmem:s30], [sflag:$0x2] =	stream.linear.gather [hbm4b:s1+s25], $0x80, $0x38;
	[tilespmem:$0x1D900] =	vst v63  }
0x3cf: {  	s12 =	sadd.s32 $0x320, s12;
	[smem:$0x7DF] =	sst s0  }
0x3d0: {  	s0 =	simm.s32 $0x1  }
0x3d1: {  	_ =	swait.ge [sflag:s0], $0xC800  }
0x3d2: {  	s1 =	sld [smem:$0x7FB]  }
0x3d3: {  	[sflag:s0] =	ssyncset.done $0x0  }
0x3d4: {  	s21 =	simm.s32 $0x1900;
	[sflag:s0] =	ssyncadd.s32 $0xFFFF3800  }
0x3d5: {  	[hbm4b:s1+s25] =	stream.linear.scatter [tilespmem:s21], [sflag:$0x3], $0x1900, $0x38;
	[tilespmem:$0x1D900] =	vst v63  }
0x3d6: {  	s2 =	simm.s32 $0x3500;
	s22 =	sadd.s32 $0x380, s1  }
0x3d7: {  	[hbm4b:s22+s25] =	stream.linear.scatter [tilespmem:s2], [sflag:$0x3], $0x1900, $0x38;
	[tilespmem:$0x1D900] =	vst v63  }
0x3d8: {  	s24 =	simm.s32 $0x5100;
	s23 =	sadd.s32 $0x700, s1  }
0x3d9: {  	[hbm4b:s23+s25] =	stream.linear.scatter [tilespmem:s24], [sflag:$0x3], $0x1900, $0x38;
	[tilespmem:$0x1D900] =	vst v63  }
0x3da: {  	s29 =	simm.s32 $0x6D00;
	s28 =	sadd.s32 $0xA80, s1  }
0x3db: {  	[hbm4b:s28+s25] =	stream.linear.scatter [tilespmem:s29], [sflag:$0x3], $0x1900, $0x38;
	[tilespmem:$0x1D900] =	vst v63  }
0x3dc: {  	s31 =	simm.s32 $0x8900;
	s30 =	sadd.s32 $0xE00, s1  }
0x3dd: {  	[hbm4b:s30+s25] =	stream.linear.scatter [tilespmem:s31], [sflag:$0x3], $0x1900, $0x38;
	[tilespmem:$0x1D900] =	vst v63  }
0x3de: {  	s3 =	simm.s32 $0xA500;
	s2 =	sadd.s32 $0x1180, s1  }
0x3df: {  	[hbm4b:s2+s25] =	stream.linear.scatter [tilespmem:s3], [sflag:$0x3], $0x1900, $0x38;
	[tilespmem:$0x1D900] =	vst v63  }
0x3e0: {  	s5 =	simm.s32 $0xC100;
	s4 =	sadd.s32 $0x1500, s1  }
0x3e1: {  	[hbm4b:s4+s25] =	stream.linear.scatter [tilespmem:s5], [sflag:$0x3], $0x1900, $0x38;
	[tilespmem:$0x1D900] =	vst v63  }
0x3e2: {  	s7 =	simm.s32 $0xDD00;
	s8 =	simm.s32 $0x2;
	s6 =	sadd.s32 $0x1880, s1  }
0x3e3: {  	[hbm4b:s6+s25] =	stream.linear.scatter [tilespmem:s7], [sflag:$0x3], $0x1900, $0x38;
	[tilespmem:$0x1D900] =	vst v63  }
0x3e4: {  	_ =	swait.ge [sflag:s8], $0xC800  }
0x3e5: {  	s9 =	sld [smem:$0x7FC]  }
0x3e6: {  	[sflag:s8] =	ssyncset.done $0x0  }
0x3e7: {  	s10 =	simm.s32 $0xF900;
	[sflag:s8] =	ssyncadd.s32 $0xFFFF3800  }
0x3e8: {  	[hbm4b:s9+s25] =	stream.linear.scatter [tilespmem:s10], [sflag:$0x4], $0x1900, $0x38;
	[tilespmem:$0x1D900] =	vst v63  }
0x3e9: {  	s12 =	simm.s32 $0x11500;
	s11 =	sadd.s32 $0x380, s9  }
0x3ea: {  	[hbm4b:s11+s25] =	stream.linear.scatter [tilespmem:s12], [sflag:$0x4], $0x1900, $0x38;
	[tilespmem:$0x1D900] =	vst v63  }
0x3eb: {  	s14 =	simm.s32 $0x13100;
	s13 =	sadd.s32 $0x700, s9  }
0x3ec: {  	[hbm4b:s13+s25] =	stream.linear.scatter [tilespmem:s14], [sflag:$0x4], $0x1900, $0x38;
	[tilespmem:$0x1D900] =	vst v63  }
0x3ed: {  	s16 =	simm.s32 $0x14D00;
	s15 =	sadd.s32 $0xA80, s9  }
0x3ee: {  	[hbm4b:s15+s25] =	stream.linear.scatter [tilespmem:s16], [sflag:$0x4], $0x1900, $0x38;
	[tilespmem:$0x1D900] =	vst v63  }
0x3ef: {  	s18 =	simm.s32 $0x16900;
	s17 =	sadd.s32 $0xE00, s9  }
0x3f0: {  	[hbm4b:s17+s25] =	stream.linear.scatter [tilespmem:s18], [sflag:$0x4], $0x1900, $0x38;
	[tilespmem:$0x1D900] =	vst v63  }
0x3f1: {  	s20 =	simm.s32 $0x18500;
	s19 =	sadd.s32 $0x1180, s9  }
0x3f2: {  	[hbm4b:s19+s25] =	stream.linear.scatter [tilespmem:s20], [sflag:$0x4], $0x1900, $0x38;
	[tilespmem:$0x1D900] =	vst v63  }
0x3f3: {  	s22 =	simm.s32 $0x1A100;
	s21 =	sadd.s32 $0x1500, s9  }
0x3f4: {  	[hbm4b:s21+s25] =	stream.linear.scatter [tilespmem:s22], [sflag:$0x4], $0x1900, $0x38;
	[tilespmem:$0x1D900] =	vst v63  }
0x3f5: {  	s24 =	simm.s32 $0x1BD00;
	s28 =	simm.s32 $0x3;
	s23 =	sadd.s32 $0x1880, s9  }
0x3f6: {  	[hbm4b:s23+s25] =	stream.linear.scatter [tilespmem:s24], [sflag:$0x4], $0x1900, $0x38;
	[tilespmem:$0x1D900] =	vst v63  }
0x3f7: {  	_ =	swait.ge [sflag:s28], $0xC800  }
0x3f8: {  	[sflag:s28] =	ssyncset.done $0x0  }
0x3f9: {  	s29 =	simm.s32 $0x4;
	[sflag:s28] =	ssyncadd.s32 $0xFFFF3800  }
0x3fa: {  	_ =	swait.ge [sflag:s29], $0xC800  }
0x3fb: {  	s30 =	sld [smem:$0x7F7]  }
0x3fc: {  	s31 =	sld [smem:$0x7FD];
	_ =	sdelay $0x1  }
0x3fd: {  	s2 =	sadd.s32 $0x1, s30  }
0x3fe: {  	p0 =	sne.s32 s2, s31  }
.Ltmp5:
0x3ff: {  	_ = 	snop;
	(pc) =	sbr.rel @p0 .LBB2_1-.Ltmp5, $3  }
0x400: {  	_ =	sdelay $0x1  }
0x401: {  	[sflag:s29] =	ssyncset.done $0x0  }
0x402: {  	[sflag:s29] =	ssyncadd.s32 $0xFFFF3800  }
0x403: {  	_ =	sfence.sel $0x180000  }
0x404: {  	[bflag:$0x0] =	sbarrier.arrive $0xFFFF  }
0x405: {  	_ =	strace $0x90000047  }
0x406: {  	s0 =	stileid.u32;
	[bflag:$0x2] =	sbarrier.arrive $0xFFFF  }
0x407: {  	p0 =	sne.s32 s0, $0x0;
	s0 =	rddreg [dreg:$0x2]  }
0x408: {  	s0 =	sadd.s32 @!p0 $0x100000, s0  }
0x409: {  	[sflag:s0] =	ssyncadd.tile.s32 @!p0 $0x1;
	_ =	shalt  }
.Lfunc_end2:
_tile_overlayer_lowered:
.L_overlay_start_2:
0x40a: {  	(tag) =	ssettag $0x2  }
0x40b: {  	s0 =	rddreg [dreg:$0x0];
	s2 =	stileid.u32  }
0x40c: {  	s1 =	rddreg [dreg:$0x1];
	p0 =	sne.s32 s2, $0x0  }
0x40d: {  	s3 =	rddreg [dreg:$0x2];
	[bflag:$0x3] =	sbarrier.arrive $0xFFFF;
	s2 =	simm.s32 @!p0 $0x1C05  }
0x40e: {  	[timem:s3], [sflag:s2] =	dma.local @!p0 [hbm:s0], s1  }
0x40f: {  	s0 =	simm.s32 @!p0 $0x5  }
0x410: {  	_ =	swait.ge @!p0 [sflag:s0], s1  }
0x411: {  	s1 =	ssub.s32 @!p0 $0x0, s1;
	[sflag:s0] =	ssyncset.done @!p0 $0x0  }
0x412: {  	[sflag:s0] =	ssyncadd.s32 @!p0 s1  }
0x413: {  	[bflag:$0x3] =	sbarrier.arrive $0xFFFF  }
0x414: {  	_ =	shalt  }

</sc_bundles>
